<compile_context>
chip_gen: v7x
topology: tpu7x:2x2x1
jax: 0.10.2.dev20260603
libtpu: 0.0.44.dev20260713+nightly
codegen_flags: <defaults>
</compile_context>

<pallas_src>
import functools

import jax
import jax.numpy as jnp
from jax import lax
from jax.experimental import pallas as pl
from jax.experimental.pallas import tpu as pltpu
from jax.experimental.pallas import tpu_sc as plsc

V = 100000
D = 64
B = 16384
NC, NS, L = 2, 16, 16
NW = NC * NS
BQ = B // 4

_MESH = plsc.VectorSubcoreMesh(core_axis_name="c", subcore_axis_name="s")


@functools.partial(
    pl.kernel,
    out_type=(
        jax.ShapeDtypeStruct((D, B), jnp.float32),
        jax.ShapeDtypeStruct((D, B), jnp.float32),
        jax.ShapeDtypeStruct((D, B), jnp.float32),
    ),
    mesh=_MESH,
    compiler_params=pltpu.CompilerParams(
        needs_layout_passes=False, use_tc_tiling_on_sc=True),
    scratch_types=[
        pltpu.VMEM((V,), jnp.float32),
        pltpu.VMEM((B + 8 * L,), jnp.int32),
        pltpu.VMEM((BQ,), jnp.float32),
        pltpu.VMEM((BQ,), jnp.float32),
        pltpu.SemaphoreType.DMA,
        pltpu.SemaphoreType.DMA,
        pltpu.SemaphoreType.DMA,
    ],
)
def _gather_t(env_hbm, wtl_hbm, wm_hbm, wls_hbm,
              otl_hbm, otm_hbm, otls_hbm,
              row_v, idx_v, out0_v, out1_v, sem_row, sem_o0, sem_o1):
    wid = lax.axis_index("s") * NC + lax.axis_index("c")
    outs = ((out0_v, sem_o0), (out1_v, sem_o1))

    pltpu.sync_copy(env_hbm, idx_v.at[pl.ds(0, B)])

    units = []
    for k in range(2):
        units.append((wtl_hbm, otl_hbm, k))
        units.append((wm_hbm, otm_hbm, k))
        units.append((wls_hbm, otls_hbm, k))

    pending = [None, None]
    for u, (w_hbm, ot_hbm, k) in enumerate(units):
        d = wid * 2 + k
        cr = pltpu.async_copy(w_hbm.at[d, :], row_v, sem_row)
        cr.wait()
        for q in range(4):
            out_v, sem_o = outs[q % 2]
            if pending[q % 2] is not None:
                pending[q % 2].wait()

            NSTR = 8
            base0 = q * BQ
            ivs0 = tuple(
                idx_v[pl.ds(base0 + j * L, L)] for j in range(NSTR))

            def vec_body(v, ivs):
                base = base0 + v * L * NSTR
                gs = tuple(plsc.load_gather(row_v, [iv]) for iv in ivs)
                ivs_next = tuple(
                    idx_v[pl.ds(base + (NSTR + j) * L, L)]
                    for j in range(NSTR))
                for j in range(NSTR):
                    out_v[pl.ds(v * L * NSTR + j * L, L)] = gs[j]
                return ivs_next

            lax.fori_loop(0, BQ // (L * NSTR), vec_body, ivs0)

            pending[q % 2] = pltpu.async_copy(
                out_v, ot_hbm.at[d, pl.ds(q * BQ, BQ)], sem_o)
    pending[0].wait()
    pending[1].wait()


BT = 2048


def _postproc_body(env_ref, lt_ref, mt_ref, st_ref,
                   pl_ref, pm_ref, ps_ref):
    e = jnp.exp(lt_ref[...])
    s = jnp.sum(e, axis=0, keepdims=True)
    keep = (env_ref[...] != 0).astype(jnp.float32)
    pl_ref[...] = e * (keep / s)
    pm_ref[...] = mt_ref[...] * keep
    ps_ref[...] = st_ref[...] * keep


_postproc = pl.pallas_call(
    _postproc_body,
    grid=(B // BT,),
    in_specs=[
        pl.BlockSpec((1, BT), lambda i: (0, i)),
        pl.BlockSpec((D, BT), lambda i: (0, i)),
        pl.BlockSpec((D, BT), lambda i: (0, i)),
        pl.BlockSpec((D, BT), lambda i: (0, i)),
    ],
    out_specs=[
        pl.BlockSpec((D, BT), lambda i: (0, i)),
        pl.BlockSpec((D, BT), lambda i: (0, i)),
        pl.BlockSpec((D, BT), lambda i: (0, i)),
    ],
    out_shape=[
        jax.ShapeDtypeStruct((D, B), jnp.float32),
        jax.ShapeDtypeStruct((D, B), jnp.float32),
        jax.ShapeDtypeStruct((D, B), jnp.float32),
    ],
)


def kernel(env_id, W_target_logits, W_means, W_log_scales):
    env32 = env_id.astype(jnp.int32)
    otl, otm, otls = _gather_t(
        env32, W_target_logits.T, W_means.T, W_log_scales.T)
    ptl, ptm, ptls = _postproc(env32.reshape(1, B), otl, otm, otls)
    return ptl.T, ptm.T, ptls.T

# --- scband reference (transcript-rebuilt; emitter-appended) ---
"""Pipeline reference for scband-intervention-encoder-8735963480142 (READ-ONLY COPY).

The authoritative reference and input builder live on the scoring server;
editing this copy changes nothing except your own understanding.
"""

import jax, jax.numpy as jnp
import numpy as np

NUM_ENVS = 100000
LATENT_DIM = 64
BATCH = 16384


def setup_inputs(seed: int = 0) -> dict:
    key = jax.random.key(seed)
    k1, k2, k3, k4 = jax.random.split(key, 4)
    env_id = jax.random.randint(k1, (BATCH,), 0, NUM_ENVS, dtype=jnp.int64 if jax.config.jax_enable_x64 else jnp.int32)
    # Learned embedding tables (zeros in the torch init; use small random values
    # so the computation and gradients are nontrivial).
    W_target_logits = jax.random.normal(k2, (NUM_ENVS, LATENT_DIM), dtype=jnp.float32) * 0.02
    W_means = jax.random.normal(k3, (NUM_ENVS, LATENT_DIM), dtype=jnp.float32) * 0.02
    W_log_scales = jax.random.normal(k4, (NUM_ENVS, LATENT_DIM), dtype=jnp.float32) * 0.02
    return {
        "env_id": env_id,
        "W_target_logits": W_target_logits,
        "W_means": W_means,
        "W_log_scales": W_log_scales,
    }


def reference(env_id, W_target_logits, W_means, W_log_scales):
    # Embedding lookups (gather)
    logits = jnp.take(W_target_logits, env_id, axis=0)          # [B, D]
    target_probs = jax.nn.softmax(logits, axis=1)               # [B, D]
    means = jnp.take(W_means, env_id, axis=0)                   # [B, D]
    log_scales = jnp.take(W_log_scales, env_id, axis=0)         # [B, D]
    # env_id == 0 is the observational environment -> zero out rows
    observational = (env_id == 0)[:, None]
    target_probs = jnp.where(observational, 0.0, target_probs)
    means = jnp.where(observational, 0.0, means)
    log_scales = jnp.where(observational, 0.0, log_scales)
    return (target_probs, means, log_scales)

if __name__ == "__main__":
    import jax
    _d = setup_inputs()
    print(jax.jit(kernel)(*tuple(_d.values())))

</pallas_src>

<mosaic_0001>
#map = affine_map<(d0, d1) -> (0)>
#map1 = affine_map<(d0, d1) -> (0, 0)>
module attributes {stable_mosaic.version = 14 : i64} {
  func.func @_gather_t(%arg0: i32, %arg1: i32, %arg2: memref<16384xi32, #tpu.memory_space<hbm>>, %arg3: memref<64x100000xf32, #tpu.memory_space<hbm>>, %arg4: memref<64x100000xf32, #tpu.memory_space<hbm>>, %arg5: memref<64x100000xf32, #tpu.memory_space<hbm>>, %arg6: memref<64x16384xf32, #tpu.memory_space<hbm>>, %arg7: memref<64x16384xf32, #tpu.memory_space<hbm>>, %arg8: memref<64x16384xf32, #tpu.memory_space<hbm>>, %arg9: memref<100000xf32, #tpu.memory_space<vmem>>, %arg10: memref<16512xi32, #tpu.memory_space<vmem>>, %arg11: memref<4096xf32, #tpu.memory_space<vmem>>, %arg12: memref<4096xf32, #tpu.memory_space<vmem>>, %arg13: memref<!tpu.dma_semaphore, #tpu.memory_space<semaphore_mem>>, %arg14: memref<!tpu.dma_semaphore, #tpu.memory_space<semaphore_mem>>, %arg15: memref<!tpu.dma_semaphore, #tpu.memory_space<semaphore_mem>>) attributes {dimension_semantics = [#tpu.dimension_semantics<core_parallel>, #tpu.dimension_semantics<subcore_parallel>], iteration_bounds = array<i64: 2, 16>, scalar_prefetch = 0 : i64, scratch_operands = 7 : i64, tpu.core_type = #tpu.core_type<sc_vector_subcore>, window_params = [{transform_indices = #map}, {transform_indices = #map1}, {transform_indices = #map1}, {transform_indices = #map1}, {transform_indices = #map1}, {transform_indices = #map1}, {transform_indices = #map1}]} {
    %mul3A = arith.constant 2 : i32
    %mul3A_0 = arith.muli %arg1, %mul3A : i32
    %add3A = arith.addi %mul3A_0, %arg0 : i32
    "tpu.region"() ({
      %run_scoped3A = tpu.sem_alloc : memref<!tpu.dma_semaphore, #tpu.memory_space<semaphore_mem>>
      %dma_start3A_909 = arith.constant 0 : i32
      %dma_start3A_910 = tpu.memref_slice %arg10[%dma_start3A_909] : memref<16512xi32, #tpu.memory_space<vmem>> -> memref<16384xi32, #tpu.memory_space<vmem>>
      %dma_start3A_911 = arith.constant 0 : i32
      %dma_start3A_912 = tpu.memref_slice %arg10[%dma_start3A_911] : memref<16512xi32, #tpu.memory_space<vmem>> -> memref<16384xi32, #tpu.memory_space<vmem>>
      tpu.enqueue_dma source(%arg2 : memref<16384xi32, #tpu.memory_space<hbm>>) target(%dma_start3A_912 : memref<16384xi32, #tpu.memory_space<vmem>>) target_semaphore(%run_scoped3A : memref<!tpu.dma_semaphore, #tpu.memory_space<semaphore_mem>>)
      %dma_wait3A_913 = arith.constant 0 : i32
      %dma_wait3A_914 = tpu.memref_slice %arg10[%dma_wait3A_913] : memref<16512xi32, #tpu.memory_space<vmem>> -> memref<16384xi32, #tpu.memory_space<vmem>>
      %dma_wait3A_915 = arith.constant 0 : i32
      %dma_wait3A_916 = tpu.memref_slice %arg10[%dma_wait3A_915] : memref<16512xi32, #tpu.memory_space<vmem>> -> memref<16384xi32, #tpu.memory_space<vmem>>
      tpu.wait_dma2 semaphore(%run_scoped3A : memref<!tpu.dma_semaphore, #tpu.memory_space<semaphore_mem>>) src(%arg2 : memref<16384xi32, #tpu.memory_space<hbm>>) dst(%dma_wait3A_916 : memref<16384xi32, #tpu.memory_space<vmem>>)
      tpu.yield
    }) : () -> ()
    %mul3A_1 = arith.constant 2 : i32
    %mul3A_2 = arith.muli %add3A, %mul3A_1 : i32
    %add3A_3 = arith.constant 0 : i32
    %add3A_4 = arith.addi %mul3A_2, %add3A_3 : i32
    %dma_start3A = arith.constant 0 : i32
    %dma_start3A_5 = tpu.memref_slice %arg3[%add3A_4, %dma_start3A] : memref<64x100000xf32, #tpu.memory_space<hbm>> -> memref<1x100000xf32, #tpu.memory_space<hbm>>
    %dma_start3A_6 = tpu.memref_squeeze %dma_start3A_5 : memref<1x100000xf32, #tpu.memory_space<hbm>> -> memref<100000xf32, #tpu.memory_space<hbm>>
    %dma_start3A_7 = arith.constant 0 : i32
    %dma_start3A_8 = tpu.memref_slice %arg3[%add3A_4, %dma_start3A_7] : memref<64x100000xf32, #tpu.memory_space<hbm>> -> memref<1x100000xf32, #tpu.memory_space<hbm>>
    %dma_start3A_9 = tpu.memref_squeeze %dma_start3A_8 : memref<1x100000xf32, #tpu.memory_space<hbm>> -> memref<100000xf32, #tpu.memory_space<hbm>>
    tpu.enqueue_dma source(%dma_start3A_9 : memref<100000xf32, #tpu.memory_space<hbm>>) target(%arg9 : memref<100000xf32, #tpu.memory_space<vmem>>) target_semaphore(%arg13 : memref<!tpu.dma_semaphore, #tpu.memory_space<semaphore_mem>>)
    %dma_wait3A = arith.constant 0 : i32
    %dma_wait3A_10 = tpu.memref_slice %arg3[%add3A_4, %dma_wait3A] : memref<64x100000xf32, #tpu.memory_space<hbm>> -> memref<1x100000xf32, #tpu.memory_space<hbm>>
    %dma_wait3A_11 = tpu.memref_squeeze %dma_wait3A_10 : memref<1x100000xf32, #tpu.memory_space<hbm>> -> memref<100000xf32, #tpu.memory_space<hbm>>
    %dma_wait3A_12 = arith.constant 0 : i32
    %dma_wait3A_13 = tpu.memref_slice %arg3[%add3A_4, %dma_wait3A_12] : memref<64x100000xf32, #tpu.memory_space<hbm>> -> memref<1x100000xf32, #tpu.memory_space<hbm>>
    %dma_wait3A_14 = tpu.memref_squeeze %dma_wait3A_13 : memref<1x100000xf32, #tpu.memory_space<hbm>> -> memref<100000xf32, #tpu.memory_space<hbm>>
    tpu.wait_dma2 semaphore(%arg13 : memref<!tpu.dma_semaphore, #tpu.memory_space<semaphore_mem>>) src(%dma_wait3A_14 : memref<100000xf32, #tpu.memory_space<hbm>>) dst(%arg9 : memref<100000xf32, #tpu.memory_space<vmem>>)
    %get3A = arith.constant 0 : index
    %get3A_15 = tpu.vector_load %arg10[%get3A] {strides = array<i32>} : memref<16512xi32, #tpu.memory_space<vmem>>, vector<16xi32>,
    %get3A_16 = arith.constant 16 : index
    %get3A_17 = tpu.vector_load %arg10[%get3A_16] {strides = array<i32>} : memref<16512xi32, #tpu.memory_space<vmem>>, vector<16xi32>,
    %get3A_18 = arith.constant 32 : index
    %get3A_19 = tpu.vector_load %arg10[%get3A_18] {strides = array<i32>} : memref<16512xi32, #tpu.memory_space<vmem>>, vector<16xi32>,
    %get3A_20 = arith.constant 48 : index
    %get3A_21 = tpu.vector_load %arg10[%get3A_20] {strides = array<i32>} : memref<16512xi32, #tpu.memory_space<vmem>>, vector<16xi32>,
    %get3A_22 = arith.constant 64 : index
    %get3A_23 = tpu.vector_load %arg10[%get3A_22] {strides = array<i32>} : memref<16512xi32, #tpu.memory_space<vmem>>, vector<16xi32>,
    %get3A_24 = arith.constant 80 : index
    %get3A_25 = tpu.vector_load %arg10[%get3A_24] {strides = array<i32>} : memref<16512xi32, #tpu.memory_space<vmem>>, vector<16xi32>,
    %get3A_26 = arith.constant 96 : index
    %get3A_27 = tpu.vector_load %arg10[%get3A_26] {strides = array<i32>} : memref<16512xi32, #tpu.memory_space<vmem>>, vector<16xi32>,
    %get3A_28 = arith.constant 112 : index
    %get3A_29 = tpu.vector_load %arg10[%get3A_28] {strides = array<i32>} : memref<16512xi32, #tpu.memory_space<vmem>>, vector<16xi32>,
    %scan3A = arith.constant 0 : i32
    %scan3A_30 = arith.constant 32 : i32
    %scan3A_31 = arith.addi %scan3A, %scan3A_30 : i32
    %scan3A_32 = arith.constant 1 : i32
    %scan3A_33:8 = scf.for %scan3A_909 = %scan3A to %scan3A_31 step %scan3A_32 iter_args(%scan3A_910 = %get3A_15, %scan3A_911 = %get3A_17, %scan3A_912 = %get3A_19, %scan3A_913 = %get3A_21, %scan3A_914 = %get3A_23, %scan3A_915 = %get3A_25, %scan3A_916 = %get3A_27, %scan3A_917 = %get3A_29) -> (vector<16xi32>, vector<16xi32>, vector<16xi32>, vector<16xi32>, vector<16xi32>, vector<16xi32>, vector<16xi32>, vector<16xi32>)  : i32 {
      %mul3A_918 = arith.constant 16 : i32
      %mul3A_919 = arith.muli %scan3A_909, %mul3A_918 : i32
      %mul3A_920 = arith.constant 8 : i32
      %mul3A_921 = arith.muli %mul3A_919, %mul3A_920 : i32
      %add3A_922 = arith.constant 0 : i32
      %add3A_923 = arith.addi %add3A_922, %mul3A_921 : i32
      %gather3A = tpu.vector_load_idx %arg9[%scan3A_910] : memref<100000xf32, #tpu.memory_space<vmem>>[vector<16xi32>], vector<16xf32>,
      %gather3A_924 = tpu.vector_load_idx %arg9[%scan3A_911] : memref<100000xf32, #tpu.memory_space<vmem>>[vector<16xi32>], vector<16xf32>,
      %gather3A_925 = tpu.vector_load_idx %arg9[%scan3A_912] : memref<100000xf32, #tpu.memory_space<vmem>>[vector<16xi32>], vector<16xf32>,
      %gather3A_926 = tpu.vector_load_idx %arg9[%scan3A_913] : memref<100000xf32, #tpu.memory_space<vmem>>[vector<16xi32>], vector<16xf32>,
      %gather3A_927 = tpu.vector_load_idx %arg9[%scan3A_914] : memref<100000xf32, #tpu.memory_space<vmem>>[vector<16xi32>], vector<16xf32>,
      %gather3A_928 = tpu.vector_load_idx %arg9[%scan3A_915] : memref<100000xf32, #tpu.memory_space<vmem>>[vector<16xi32>], vector<16xf32>,
      %gather3A_929 = tpu.vector_load_idx %arg9[%scan3A_916] : memref<100000xf32, #tpu.memory_space<vmem>>[vector<16xi32>], vector<16xf32>,
      %gather3A_930 = tpu.vector_load_idx %arg9[%scan3A_917] : memref<100000xf32, #tpu.memory_space<vmem>>[vector<16xi32>], vector<16xf32>,
      %add3A_931 = arith.constant 128 : i32
      %add3A_932 = arith.addi %add3A_923, %add3A_931 : i32
      %get3A_933 = arith.index_cast %add3A_932 : i32 to index
      %get3A_934 = tpu.vector_load %arg10[%get3A_933] {strides = array<i32>} : memref<16512xi32, #tpu.memory_space<vmem>>, vector<16xi32>,
      %add3A_935 = arith.constant 144 : i32
      %add3A_936 = arith.addi %add3A_923, %add3A_935 : i32
      %get3A_937 = arith.index_cast %add3A_936 : i32 to index
      %get3A_938 = tpu.vector_load %arg10[%get3A_937] {strides = array<i32>} : memref<16512xi32, #tpu.memory_space<vmem>>, vector<16xi32>,
      %add3A_939 = arith.constant 160 : i32
      %add3A_940 = arith.addi %add3A_923, %add3A_939 : i32
      %get3A_941 = arith.index_cast %add3A_940 : i32 to index
      %get3A_942 = tpu.vector_load %arg10[%get3A_941] {strides = array<i32>} : memref<16512xi32, #tpu.memory_space<vmem>>, vector<16xi32>,
      %add3A_943 = arith.constant 176 : i32
      %add3A_944 = arith.addi %add3A_923, %add3A_943 : i32
      %get3A_945 = arith.index_cast %add3A_944 : i32 to index
      %get3A_946 = tpu.vector_load %arg10[%get3A_945] {strides = array<i32>} : memref<16512xi32, #tpu.memory_space<vmem>>, vector<16xi32>,
      %add3A_947 = arith.constant 192 : i32
      %add3A_948 = arith.addi %add3A_923, %add3A_947 : i32
      %get3A_949 = arith.index_cast %add3A_948 : i32 to index
      %get3A_950 = tpu.vector_load %arg10[%get3A_949] {strides = array<i32>} : memref<16512xi32, #tpu.memory_space<vmem>>, vector<16xi32>,
      %add3A_951 = arith.constant 208 : i32
      %add3A_952 = arith.addi %add3A_923, %add3A_951 : i32
      %get3A_953 = arith.index_cast %add3A_952 : i32 to index
      %get3A_954 = tpu.vector_load %arg10[%get3A_953] {strides = array<i32>} : memref<16512xi32, #tpu.memory_space<vmem>>, vector<16xi32>,
      %add3A_955 = arith.constant 224 : i32
      %add3A_956 = arith.addi %add3A_923, %add3A_955 : i32
      %get3A_957 = arith.index_cast %add3A_956 : i32 to index
      %get3A_958 = tpu.vector_load %arg10[%get3A_957] {strides = array<i32>} : memref<16512xi32, #tpu.memory_space<vmem>>, vector<16xi32>,
      %add3A_959 = arith.constant 240 : i32
      %add3A_960 = arith.addi %add3A_923, %add3A_959 : i32
      %get3A_961 = arith.index_cast %add3A_960 : i32 to index
      %get3A_962 = tpu.vector_load %arg10[%get3A_961] {strides = array<i32>} : memref<16512xi32, #tpu.memory_space<vmem>>, vector<16xi32>,
      %mul3A_963 = arith.constant 16 : i32
      %mul3A_964 = arith.muli %scan3A_909, %mul3A_963 : i32
      %mul3A_965 = arith.constant 8 : i32
      %mul3A_966 = arith.muli %mul3A_964, %mul3A_965 : i32
      %add3A_967 = arith.constant 0 : i32
      %add3A_968 = arith.addi %mul3A_966, %add3A_967 : i32
      %swap3A = arith.index_cast %add3A_968 : i32 to index
      %swap3A_969 = tpu.vector_load %arg11[%swap3A] {strides = array<i32>} : memref<4096xf32, #tpu.memory_space<vmem>>, vector<16xf32>,
      tpu.vector_store %arg11[%swap3A], %gather3A {strides = array<i32>} : memref<4096xf32, #tpu.memory_space<vmem>>, vector<16xf32>,
      %mul3A_970 = arith.constant 16 : i32
      %mul3A_971 = arith.muli %scan3A_909, %mul3A_970 : i32
      %mul3A_972 = arith.constant 8 : i32
      %mul3A_973 = arith.muli %mul3A_971, %mul3A_972 : i32
      %add3A_974 = arith.constant 16 : i32
      %add3A_975 = arith.addi %mul3A_973, %add3A_974 : i32
      %swap3A_976 = arith.index_cast %add3A_975 : i32 to index
      %swap3A_977 = tpu.vector_load %arg11[%swap3A_976] {strides = array<i32>} : memref<4096xf32, #tpu.memory_space<vmem>>, vector<16xf32>,
      tpu.vector_store %arg11[%swap3A_976], %gather3A_924 {strides = array<i32>} : memref<4096xf32, #tpu.memory_space<vmem>>, vector<16xf32>,
      %mul3A_978 = arith.constant 16 : i32
      %mul3A_979 = arith.muli %scan3A_909, %mul3A_978 : i32
      %mul3A_980 = arith.constant 8 : i32
      %mul3A_981 = arith.muli %mul3A_979, %mul3A_980 : i32
      %add3A_982 = arith.constant 32 : i32
      %add3A_983 = arith.addi %mul3A_981, %add3A_982 : i32
      %swap3A_984 = arith.index_cast %add3A_983 : i32 to index
      %swap3A_985 = tpu.vector_load %arg11[%swap3A_984] {strides = array<i32>} : memref<4096xf32, #tpu.memory_space<vmem>>, vector<16xf32>,
      tpu.vector_store %arg11[%swap3A_984], %gather3A_925 {strides = array<i32>} : memref<4096xf32, #tpu.memory_space<vmem>>, vector<16xf32>,
      %mul3A_986 = arith.constant 16 : i32
      %mul3A_987 = arith.muli %scan3A_909, %mul3A_986 : i32
      %mul3A_988 = arith.constant 8 : i32
      %mul3A_989 = arith.muli %mul3A_987, %mul3A_988 : i32
      %add3A_990 = arith.constant 48 : i32
      %add3A_991 = arith.addi %mul3A_989, %add3A_990 : i32
      %swap3A_992 = arith.index_cast %add3A_991 : i32 to index
      %swap3A_993 = tpu.vector_load %arg11[%swap3A_992] {strides = array<i32>} : memref<4096xf32, #tpu.memory_space<vmem>>, vector<16xf32>,
      tpu.vector_store %arg11[%swap3A_992], %gather3A_926 {strides = array<i32>} : memref<4096xf32, #tpu.memory_space<vmem>>, vector<16xf32>,
      %mul3A_994 = arith.constant 16 : i32
      %mul3A_995 = arith.muli %scan3A_909, %mul3A_994 : i32
      %mul3A_996 = arith.constant 8 : i32
      %mul3A_997 = arith.muli %mul3A_995, %mul3A_996 : i32
      %add3A_998 = arith.constant 64 : i32
      %add3A_999 = arith.addi %mul3A_997, %add3A_998 : i32
      %swap3A_1000 = arith.index_cast %add3A_999 : i32 to index
      %swap3A_1001 = tpu.vector_load %arg11[%swap3A_1000] {strides = array<i32>} : memref<4096xf32, #tpu.memory_space<vmem>>, vector<16xf32>,
      tpu.vector_store %arg11[%swap3A_1000], %gather3A_927 {strides = array<i32>} : memref<4096xf32, #tpu.memory_space<vmem>>, vector<16xf32>,
      %mul3A_1002 = arith.constant 16 : i32
      %mul3A_1003 = arith.muli %scan3A_909, %mul3A_1002 : i32
      %mul3A_1004 = arith.constant 8 : i32
      %mul3A_1005 = arith.muli %mul3A_1003, %mul3A_1004 : i32
      %add3A_1006 = arith.constant 80 : i32
      %add3A_1007 = arith.addi %mul3A_1005, %add3A_1006 : i32
      %swap3A_1008 = arith.index_cast %add3A_1007 : i32 to index
      %swap3A_1009 = tpu.vector_load %arg11[%swap3A_1008] {strides = array<i32>} : memref<4096xf32, #tpu.memory_space<vmem>>, vector<16xf32>,
      tpu.vector_store %arg11[%swap3A_1008], %gather3A_928 {strides = array<i32>} : memref<4096xf32, #tpu.memory_space<vmem>>, vector<16xf32>,
      %mul3A_1010 = arith.constant 16 : i32
      %mul3A_1011 = arith.muli %scan3A_909, %mul3A_1010 : i32
      %mul3A_1012 = arith.constant 8 : i32
      %mul3A_1013 = arith.muli %mul3A_1011, %mul3A_1012 : i32
      %add3A_1014 = arith.constant 96 : i32
      %add3A_1015 = arith.addi %mul3A_1013, %add3A_1014 : i32
      %swap3A_1016 = arith.index_cast %add3A_1015 : i32 to index
      %swap3A_1017 = tpu.vector_load %arg11[%swap3A_1016] {strides = array<i32>} : memref<4096xf32, #tpu.memory_space<vmem>>, vector<16xf32>,
      tpu.vector_store %arg11[%swap3A_1016], %gather3A_929 {strides = array<i32>} : memref<4096xf32, #tpu.memory_space<vmem>>, vector<16xf32>,
      %mul3A_1018 = arith.constant 16 : i32
      %mul3A_1019 = arith.muli %scan3A_909, %mul3A_1018 : i32
      %mul3A_1020 = arith.constant 8 : i32
      %mul3A_1021 = arith.muli %mul3A_1019, %mul3A_1020 : i32
      %add3A_1022 = arith.constant 112 : i32
      %add3A_1023 = arith.addi %mul3A_1021, %add3A_1022 : i32
      %swap3A_1024 = arith.index_cast %add3A_1023 : i32 to index
      %swap3A_1025 = tpu.vector_load %arg11[%swap3A_1024] {strides = array<i32>} : memref<4096xf32, #tpu.memory_space<vmem>>, vector<16xf32>,
      tpu.vector_store %arg11[%swap3A_1024], %gather3A_930 {strides = array<i32>} : memref<4096xf32, #tpu.memory_space<vmem>>, vector<16xf32>,
      scf.yield %get3A_934, %get3A_938, %get3A_942, %get3A_946, %get3A_950, %get3A_954, %get3A_958, %get3A_962 : vector<16xi32>, vector<16xi32>, vector<16xi32>, vector<16xi32>, vector<16xi32>, vector<16xi32>, vector<16xi32>, vector<16xi32>
    }
    %scan3A_34 = arith.constant 32 : i32
    %dma_start3A_35 = arith.constant 0 : i32
    %dma_start3A_36 = tpu.memref_slice %arg6[%add3A_4, %dma_start3A_35] : memref<64x16384xf32, #tpu.memory_space<hbm>> -> memref<1x4096xf32, #tpu.memory_space<hbm>>
    %dma_start3A_37 = tpu.memref_squeeze %dma_start3A_36 : memref<1x4096xf32, #tpu.memory_space<hbm>> -> memref<4096xf32, #tpu.memory_space<hbm>>
    %dma_start3A_38 = arith.constant 0 : i32
    %dma_start3A_39 = tpu.memref_slice %arg6[%add3A_4, %dma_start3A_38] : memref<64x16384xf32, #tpu.memory_space<hbm>> -> memref<1x4096xf32, #tpu.memory_space<hbm>>
    %dma_start3A_40 = tpu.memref_squeeze %dma_start3A_39 : memref<1x4096xf32, #tpu.memory_space<hbm>> -> memref<4096xf32, #tpu.memory_space<hbm>>
    tpu.enqueue_dma source(%arg11 : memref<4096xf32, #tpu.memory_space<vmem>>) target(%dma_start3A_40 : memref<4096xf32, #tpu.memory_space<hbm>>) target_semaphore(%arg14 : memref<!tpu.dma_semaphore, #tpu.memory_space<semaphore_mem>>)
    %get3A_41 = arith.constant 4096 : index
    %get3A_42 = tpu.vector_load %arg10[%get3A_41] {strides = array<i32>} : memref<16512xi32, #tpu.memory_space<vmem>>, vector<16xi32>,
    %get3A_43 = arith.constant 4112 : index
    %get3A_44 = tpu.vector_load %arg10[%get3A_43] {strides = array<i32>} : memref<16512xi32, #tpu.memory_space<vmem>>, vector<16xi32>,
    %get3A_45 = arith.constant 4128 : index
    %get3A_46 = tpu.vector_load %arg10[%get3A_45] {strides = array<i32>} : memref<16512xi32, #tpu.memory_space<vmem>>, vector<16xi32>,
    %get3A_47 = arith.constant 4144 : index
    %get3A_48 = tpu.vector_load %arg10[%get3A_47] {strides = array<i32>} : memref<16512xi32, #tpu.memory_space<vmem>>, vector<16xi32>,
    %get3A_49 = arith.constant 4160 : index
    %get3A_50 = tpu.vector_load %arg10[%get3A_49] {strides = array<i32>} : memref<16512xi32, #tpu.memory_space<vmem>>, vector<16xi32>,
    %get3A_51 = arith.constant 4176 : index
    %get3A_52 = tpu.vector_load %arg10[%get3A_51] {strides = array<i32>} : memref<16512xi32, #tpu.memory_space<vmem>>, vector<16xi32>,
    %get3A_53 = arith.constant 4192 : index
    %get3A_54 = tpu.vector_load %arg10[%get3A_53] {strides = array<i32>} : memref<16512xi32, #tpu.memory_space<vmem>>, vector<16xi32>,
    %get3A_55 = arith.constant 4208 : index
    %get3A_56 = tpu.vector_load %arg10[%get3A_55] {strides = array<i32>} : memref<16512xi32, #tpu.memory_space<vmem>>, vector<16xi32>,
    %scan3A_57 = arith.constant 0 : i32
    %scan3A_58 = arith.constant 32 : i32
    %scan3A_59 = arith.addi %scan3A_57, %scan3A_58 : i32
    %scan3A_60 = arith.constant 1 : i32
    %scan3A_61:8 = scf.for %scan3A_909 = %scan3A_57 to %scan3A_59 step %scan3A_60 iter_args(%scan3A_910 = %get3A_42, %scan3A_911 = %get3A_44, %scan3A_912 = %get3A_46, %scan3A_913 = %get3A_48, %scan3A_914 = %get3A_50, %scan3A_915 = %get3A_52, %scan3A_916 = %get3A_54, %scan3A_917 = %get3A_56) -> (vector<16xi32>, vector<16xi32>, vector<16xi32>, vector<16xi32>, vector<16xi32>, vector<16xi32>, vector<16xi32>, vector<16xi32>)  : i32 {
      %mul3A_918 = arith.constant 16 : i32
      %mul3A_919 = arith.muli %scan3A_909, %mul3A_918 : i32
      %mul3A_920 = arith.constant 8 : i32
      %mul3A_921 = arith.muli %mul3A_919, %mul3A_920 : i32
      %add3A_922 = arith.constant 4096 : i32
      %add3A_923 = arith.addi %add3A_922, %mul3A_921 : i32
      %gather3A = tpu.vector_load_idx %arg9[%scan3A_910] : memref<100000xf32, #tpu.memory_space<vmem>>[vector<16xi32>], vector<16xf32>,
      %gather3A_924 = tpu.vector_load_idx %arg9[%scan3A_911] : memref<100000xf32, #tpu.memory_space<vmem>>[vector<16xi32>], vector<16xf32>,
      %gather3A_925 = tpu.vector_load_idx %arg9[%scan3A_912] : memref<100000xf32, #tpu.memory_space<vmem>>[vector<16xi32>], vector<16xf32>,
      %gather3A_926 = tpu.vector_load_idx %arg9[%scan3A_913] : memref<100000xf32, #tpu.memory_space<vmem>>[vector<16xi32>], vector<16xf32>,
      %gather3A_927 = tpu.vector_load_idx %arg9[%scan3A_914] : memref<100000xf32, #tpu.memory_space<vmem>>[vector<16xi32>], vector<16xf32>,
      %gather3A_928 = tpu.vector_load_idx %arg9[%scan3A_915] : memref<100000xf32, #tpu.memory_space<vmem>>[vector<16xi32>], vector<16xf32>,
      %gather3A_929 = tpu.vector_load_idx %arg9[%scan3A_916] : memref<100000xf32, #tpu.memory_space<vmem>>[vector<16xi32>], vector<16xf32>,
      %gather3A_930 = tpu.vector_load_idx %arg9[%scan3A_917] : memref<100000xf32, #tpu.memory_space<vmem>>[vector<16xi32>], vector<16xf32>,
      %add3A_931 = arith.constant 128 : i32
      %add3A_932 = arith.addi %add3A_923, %add3A_931 : i32
      %get3A_933 = arith.index_cast %add3A_932 : i32 to index
      %get3A_934 = tpu.vector_load %arg10[%get3A_933] {strides = array<i32>} : memref<16512xi32, #tpu.memory_space<vmem>>, vector<16xi32>,
      %add3A_935 = arith.constant 144 : i32
      %add3A_936 = arith.addi %add3A_923, %add3A_935 : i32
      %get3A_937 = arith.index_cast %add3A_936 : i32 to index
      %get3A_938 = tpu.vector_load %arg10[%get3A_937] {strides = array<i32>} : memref<16512xi32, #tpu.memory_space<vmem>>, vector<16xi32>,
      %add3A_939 = arith.constant 160 : i32
      %add3A_940 = arith.addi %add3A_923, %add3A_939 : i32
      %get3A_941 = arith.index_cast %add3A_940 : i32 to index
      %get3A_942 = tpu.vector_load %arg10[%get3A_941] {strides = array<i32>} : memref<16512xi32, #tpu.memory_space<vmem>>, vector<16xi32>,
      %add3A_943 = arith.constant 176 : i32
      %add3A_944 = arith.addi %add3A_923, %add3A_943 : i32
      %get3A_945 = arith.index_cast %add3A_944 : i32 to index
      %get3A_946 = tpu.vector_load %arg10[%get3A_945] {strides = array<i32>} : memref<16512xi32, #tpu.memory_space<vmem>>, vector<16xi32>,
      %add3A_947 = arith.constant 192 : i32
      %add3A_948 = arith.addi %add3A_923, %add3A_947 : i32
      %get3A_949 = arith.index_cast %add3A_948 : i32 to index
      %get3A_950 = tpu.vector_load %arg10[%get3A_949] {strides = array<i32>} : memref<16512xi32, #tpu.memory_space<vmem>>, vector<16xi32>,
      %add3A_951 = arith.constant 208 : i32
      %add3A_952 = arith.addi %add3A_923, %add3A_951 : i32
      %get3A_953 = arith.index_cast %add3A_952 : i32 to index
      %get3A_954 = tpu.vector_load %arg10[%get3A_953] {strides = array<i32>} : memref<16512xi32, #tpu.memory_space<vmem>>, vector<16xi32>,
      %add3A_955 = arith.constant 224 : i32
      %add3A_956 = arith.addi %add3A_923, %add3A_955 : i32
      %get3A_957 = arith.index_cast %add3A_956 : i32 to index
      %get3A_958 = tpu.vector_load %arg10[%get3A_957] {strides = array<i32>} : memref<16512xi32, #tpu.memory_space<vmem>>, vector<16xi32>,
      %add3A_959 = arith.constant 240 : i32
      %add3A_960 = arith.addi %add3A_923, %add3A_959 : i32
      %get3A_961 = arith.index_cast %add3A_960 : i32 to index
      %get3A_962 = tpu.vector_load %arg10[%get3A_961] {strides = array<i32>} : memref<16512xi32, #tpu.memory_space<vmem>>, vector<16xi32>,
      %mul3A_963 = arith.constant 16 : i32
      %mul3A_964 = arith.muli %scan3A_909, %mul3A_963 : i32
      %mul3A_965 = arith.constant 8 : i32
      %mul3A_966 = arith.muli %mul3A_964, %mul3A_965 : i32
      %add3A_967 = arith.constant 0 : i32
      %add3A_968 = arith.addi %mul3A_966, %add3A_967 : i32
      %swap3A = arith.index_cast %add3A_968 : i32 to index
      %swap3A_969 = tpu.vector_load %arg12[%swap3A] {strides = array<i32>} : memref<4096xf32, #tpu.memory_space<vmem>>, vector<16xf32>,
      tpu.vector_store %arg12[%swap3A], %gather3A {strides = array<i32>} : memref<4096xf32, #tpu.memory_space<vmem>>, vector<16xf32>,
      %mul3A_970 = arith.constant 16 : i32
      %mul3A_971 = arith.muli %scan3A_909, %mul3A_970 : i32
      %mul3A_972 = arith.constant 8 : i32
      %mul3A_973 = arith.muli %mul3A_971, %mul3A_972 : i32
      %add3A_974 = arith.constant 16 : i32
      %add3A_975 = arith.addi %mul3A_973, %add3A_974 : i32
      %swap3A_976 = arith.index_cast %add3A_975 : i32 to index
      %swap3A_977 = tpu.vector_load %arg12[%swap3A_976] {strides = array<i32>} : memref<4096xf32, #tpu.memory_space<vmem>>, vector<16xf32>,
      tpu.vector_store %arg12[%swap3A_976], %gather3A_924 {strides = array<i32>} : memref<4096xf32, #tpu.memory_space<vmem>>, vector<16xf32>,
      %mul3A_978 = arith.constant 16 : i32
      %mul3A_979 = arith.muli %scan3A_909, %mul3A_978 : i32
      %mul3A_980 = arith.constant 8 : i32
      %mul3A_981 = arith.muli %mul3A_979, %mul3A_980 : i32
      %add3A_982 = arith.constant 32 : i32
      %add3A_983 = arith.addi %mul3A_981, %add3A_982 : i32
      %swap3A_984 = arith.index_cast %add3A_983 : i32 to index
      %swap3A_985 = tpu.vector_load %arg12[%swap3A_984] {strides = array<i32>} : memref<4096xf32, #tpu.memory_space<vmem>>, vector<16xf32>,
      tpu.vector_store %arg12[%swap3A_984], %gather3A_925 {strides = array<i32>} : memref<4096xf32, #tpu.memory_space<vmem>>, vector<16xf32>,
      %mul3A_986 = arith.constant 16 : i32
      %mul3A_987 = arith.muli %scan3A_909, %mul3A_986 : i32
      %mul3A_988 = arith.constant 8 : i32
      %mul3A_989 = arith.muli %mul3A_987, %mul3A_988 : i32
      %add3A_990 = arith.constant 48 : i32
      %add3A_991 = arith.addi %mul3A_989, %add3A_990 : i32
      %swap3A_992 = arith.index_cast %add3A_991 : i32 to index
      %swap3A_993 = tpu.vector_load %arg12[%swap3A_992] {strides = array<i32>} : memref<4096xf32, #tpu.memory_space<vmem>>, vector<16xf32>,
      tpu.vector_store %arg12[%swap3A_992], %gather3A_926 {strides = array<i32>} : memref<4096xf32, #tpu.memory_space<vmem>>, vector<16xf32>,
      %mul3A_994 = arith.constant 16 : i32
      %mul3A_995 = arith.muli %scan3A_909, %mul3A_994 : i32
      %mul3A_996 = arith.constant 8 : i32
      %mul3A_997 = arith.muli %mul3A_995, %mul3A_996 : i32
      %add3A_998 = arith.constant 64 : i32
      %add3A_999 = arith.addi %mul3A_997, %add3A_998 : i32
      %swap3A_1000 = arith.index_cast %add3A_999 : i32 to index
      %swap3A_1001 = tpu.vector_load %arg12[%swap3A_1000] {strides = array<i32>} : memref<4096xf32, #tpu.memory_space<vmem>>, vector<16xf32>,
      tpu.vector_store %arg12[%swap3A_1000], %gather3A_927 {strides = array<i32>} : memref<4096xf32, #tpu.memory_space<vmem>>, vector<16xf32>,
      %mul3A_1002 = arith.constant 16 : i32
      %mul3A_1003 = arith.muli %scan3A_909, %mul3A_1002 : i32
      %mul3A_1004 = arith.constant 8 : i32
      %mul3A_1005 = arith.muli %mul3A_1003, %mul3A_1004 : i32
      %add3A_1006 = arith.constant 80 : i32
      %add3A_1007 = arith.addi %mul3A_1005, %add3A_1006 : i32
      %swap3A_1008 = arith.index_cast %add3A_1007 : i32 to index
      %swap3A_1009 = tpu.vector_load %arg12[%swap3A_1008] {strides = array<i32>} : memref<4096xf32, #tpu.memory_space<vmem>>, vector<16xf32>,
      tpu.vector_store %arg12[%swap3A_1008], %gather3A_928 {strides = array<i32>} : memref<4096xf32, #tpu.memory_space<vmem>>, vector<16xf32>,
      %mul3A_1010 = arith.constant 16 : i32
      %mul3A_1011 = arith.muli %scan3A_909, %mul3A_1010 : i32
      %mul3A_1012 = arith.constant 8 : i32
      %mul3A_1013 = arith.muli %mul3A_1011, %mul3A_1012 : i32
      %add3A_1014 = arith.constant 96 : i32
      %add3A_1015 = arith.addi %mul3A_1013, %add3A_1014 : i32
      %swap3A_1016 = arith.index_cast %add3A_1015 : i32 to index
      %swap3A_1017 = tpu.vector_load %arg12[%swap3A_1016] {strides = array<i32>} : memref<4096xf32, #tpu.memory_space<vmem>>, vector<16xf32>,
      tpu.vector_store %arg12[%swap3A_1016], %gather3A_929 {strides = array<i32>} : memref<4096xf32, #tpu.memory_space<vmem>>, vector<16xf32>,
      %mul3A_1018 = arith.constant 16 : i32
      %mul3A_1019 = arith.muli %scan3A_909, %mul3A_1018 : i32
      %mul3A_1020 = arith.constant 8 : i32
      %mul3A_1021 = arith.muli %mul3A_1019, %mul3A_1020 : i32
      %add3A_1022 = arith.constant 112 : i32
      %add3A_1023 = arith.addi %mul3A_1021, %add3A_1022 : i32
      %swap3A_1024 = arith.index_cast %add3A_1023 : i32 to index
      %swap3A_1025 = tpu.vector_load %arg12[%swap3A_1024] {strides = array<i32>} : memref<4096xf32, #tpu.memory_space<vmem>>, vector<16xf32>,
      tpu.vector_store %arg12[%swap3A_1024], %gather3A_930 {strides = array<i32>} : memref<4096xf32, #tpu.memory_space<vmem>>, vector<16xf32>,
      scf.yield %get3A_934, %get3A_938, %get3A_942, %get3A_946, %get3A_950, %get3A_954, %get3A_958, %get3A_962 : vector<16xi32>, vector<16xi32>, vector<16xi32>, vector<16xi32>, vector<16xi32>, vector<16xi32>, vector<16xi32>, vector<16xi32>
    }
    %scan3A_62 = arith.constant 32 : i32
    %dma_start3A_63 = arith.constant 4096 : i32
    %dma_start3A_64 = tpu.memref_slice %arg6[%add3A_4, %dma_start3A_63] : memref<64x16384xf32, #tpu.memory_space<hbm>> -> memref<1x4096xf32, #tpu.memory_space<hbm>>
    %dma_start3A_65 = tpu.memref_squeeze %dma_start3A_64 : memref<1x4096xf32, #tpu.memory_space<hbm>> -> memref<4096xf32, #tpu.memory_space<hbm>>
    %dma_start3A_66 = arith.constant 4096 : i32
    %dma_start3A_67 = tpu.memref_slice %arg6[%add3A_4, %dma_start3A_66] : memref<64x16384xf32, #tpu.memory_space<hbm>> -> memref<1x4096xf32, #tpu.memory_space<hbm>>
    %dma_start3A_68 = tpu.memref_squeeze %dma_start3A_67 : memref<1x4096xf32, #tpu.memory_space<hbm>> -> memref<4096xf32, #tpu.memory_space<hbm>>
    tpu.enqueue_dma source(%arg12 : memref<4096xf32, #tpu.memory_space<vmem>>) target(%dma_start3A_68 : memref<4096xf32, #tpu.memory_space<hbm>>) target_semaphore(%arg15 : memref<!tpu.dma_semaphore, #tpu.memory_space<semaphore_mem>>)
    %dma_wait3A_69 = arith.constant 0 : i32
    %dma_wait3A_70 = tpu.memref_slice %arg6[%add3A_4, %dma_wait3A_69] : memref<64x16384xf32, #tpu.memory_space<hbm>> -> memref<1x4096xf32, #tpu.memory_space<hbm>>
    %dma_wait3A_71 = tpu.memref_squeeze %dma_wait3A_70 : memref<1x4096xf32, #tpu.memory_space<hbm>> -> memref<4096xf32, #tpu.memory_space<hbm>>
    %dma_wait3A_72 = arith.constant 0 : i32
    %dma_wait3A_73 = tpu.memref_slice %arg6[%add3A_4, %dma_wait3A_72] : memref<64x16384xf32, #tpu.memory_space<hbm>> -> memref<1x4096xf32, #tpu.memory_space<hbm>>
    %dma_wait3A_74 = tpu.memref_squeeze %dma_wait3A_73 : memref<1x4096xf32, #tpu.memory_space<hbm>> -> memref<4096xf32, #tpu.memory_space<hbm>>
    tpu.wait_dma2 semaphore(%arg14 : memref<!tpu.dma_semaphore, #tpu.memory_space<semaphore_mem>>) src(%arg11 : memref<4096xf32, #tpu.memory_space<vmem>>) dst(%dma_wait3A_74 : memref<4096xf32, #tpu.memory_space<hbm>>)
    %get3A_75 = arith.constant 8192 : index
    %get3A_76 = tpu.vector_load %arg10[%get3A_75] {strides = array<i32>} : memref<16512xi32, #tpu.memory_space<vmem>>, vector<16xi32>,
    %get3A_77 = arith.constant 8208 : index
    %get3A_78 = tpu.vector_load %arg10[%get3A_77] {strides = array<i32>} : memref<16512xi32, #tpu.memory_space<vmem>>, vector<16xi32>,
    %get3A_79 = arith.constant 8224 : index
    %get3A_80 = tpu.vector_load %arg10[%get3A_79] {strides = array<i32>} : memref<16512xi32, #tpu.memory_space<vmem>>, vector<16xi32>,
    %get3A_81 = arith.constant 8240 : index
    %get3A_82 = tpu.vector_load %arg10[%get3A_81] {strides = array<i32>} : memref<16512xi32, #tpu.memory_space<vmem>>, vector<16xi32>,
    %get3A_83 = arith.constant 8256 : index
    %get3A_84 = tpu.vector_load %arg10[%get3A_83] {strides = array<i32>} : memref<16512xi32, #tpu.memory_space<vmem>>, vector<16xi32>,
    %get3A_85 = arith.constant 8272 : index
    %get3A_86 = tpu.vector_load %arg10[%get3A_85] {strides = array<i32>} : memref<16512xi32, #tpu.memory_space<vmem>>, vector<16xi32>,
    %get3A_87 = arith.constant 8288 : index
    %get3A_88 = tpu.vector_load %arg10[%get3A_87] {strides = array<i32>} : memref<16512xi32, #tpu.memory_space<vmem>>, vector<16xi32>,
    %get3A_89 = arith.constant 8304 : index
    %get3A_90 = tpu.vector_load %arg10[%get3A_89] {strides = array<i32>} : memref<16512xi32, #tpu.memory_space<vmem>>, vector<16xi32>,
    %scan3A_91 = arith.constant 0 : i32
    %scan3A_92 = arith.constant 32 : i32
    %scan3A_93 = arith.addi %scan3A_91, %scan3A_92 : i32
    %scan3A_94 = arith.constant 1 : i32
    %scan3A_95:8 = scf.for %scan3A_909 = %scan3A_91 to %scan3A_93 step %scan3A_94 iter_args(%scan3A_910 = %get3A_76, %scan3A_911 = %get3A_78, %scan3A_912 = %get3A_80, %scan3A_913 = %get3A_82, %scan3A_914 = %get3A_84, %scan3A_915 = %get3A_86, %scan3A_916 = %get3A_88, %scan3A_917 = %get3A_90) -> (vector<16xi32>, vector<16xi32>, vector<16xi32>, vector<16xi32>, vector<16xi32>, vector<16xi32>, vector<16xi32>, vector<16xi32>)  : i32 {
      %mul3A_918 = arith.constant 16 : i32
      %mul3A_919 = arith.muli %scan3A_909, %mul3A_918 : i32
      %mul3A_920 = arith.constant 8 : i32
      %mul3A_921 = arith.muli %mul3A_919, %mul3A_920 : i32
      %add3A_922 = arith.constant 8192 : i32
      %add3A_923 = arith.addi %add3A_922, %mul3A_921 : i32
      %gather3A = tpu.vector_load_idx %arg9[%scan3A_910] : memref<100000xf32, #tpu.memory_space<vmem>>[vector<16xi32>], vector<16xf32>,
      %gather3A_924 = tpu.vector_load_idx %arg9[%scan3A_911] : memref<100000xf32, #tpu.memory_space<vmem>>[vector<16xi32>], vector<16xf32>,
      %gather3A_925 = tpu.vector_load_idx %arg9[%scan3A_912] : memref<100000xf32, #tpu.memory_space<vmem>>[vector<16xi32>], vector<16xf32>,
      %gather3A_926 = tpu.vector_load_idx %arg9[%scan3A_913] : memref<100000xf32, #tpu.memory_space<vmem>>[vector<16xi32>], vector<16xf32>,
      %gather3A_927 = tpu.vector_load_idx %arg9[%scan3A_914] : memref<100000xf32, #tpu.memory_space<vmem>>[vector<16xi32>], vector<16xf32>,
      %gather3A_928 = tpu.vector_load_idx %arg9[%scan3A_915] : memref<100000xf32, #tpu.memory_space<vmem>>[vector<16xi32>], vector<16xf32>,
      %gather3A_929 = tpu.vector_load_idx %arg9[%scan3A_916] : memref<100000xf32, #tpu.memory_space<vmem>>[vector<16xi32>], vector<16xf32>,
      %gather3A_930 = tpu.vector_load_idx %arg9[%scan3A_917] : memref<100000xf32, #tpu.memory_space<vmem>>[vector<16xi32>], vector<16xf32>,
      %add3A_931 = arith.constant 128 : i32
      %add3A_932 = arith.addi %add3A_923, %add3A_931 : i32
      %get3A_933 = arith.index_cast %add3A_932 : i32 to index
      %get3A_934 = tpu.vector_load %arg10[%get3A_933] {strides = array<i32>} : memref<16512xi32, #tpu.memory_space<vmem>>, vector<16xi32>,
      %add3A_935 = arith.constant 144 : i32
      %add3A_936 = arith.addi %add3A_923, %add3A_935 : i32
      %get3A_937 = arith.index_cast %add3A_936 : i32 to index
      %get3A_938 = tpu.vector_load %arg10[%get3A_937] {strides = array<i32>} : memref<16512xi32, #tpu.memory_space<vmem>>, vector<16xi32>,
      %add3A_939 = arith.constant 160 : i32
      %add3A_940 = arith.addi %add3A_923, %add3A_939 : i32
      %get3A_941 = arith.index_cast %add3A_940 : i32 to index
      %get3A_942 = tpu.vector_load %arg10[%get3A_941] {strides = array<i32>} : memref<16512xi32, #tpu.memory_space<vmem>>, vector<16xi32>,
      %add3A_943 = arith.constant 176 : i32
      %add3A_944 = arith.addi %add3A_923, %add3A_943 : i32
      %get3A_945 = arith.index_cast %add3A_944 : i32 to index
      %get3A_946 = tpu.vector_load %arg10[%get3A_945] {strides = array<i32>} : memref<16512xi32, #tpu.memory_space<vmem>>, vector<16xi32>,
      %add3A_947 = arith.constant 192 : i32
      %add3A_948 = arith.addi %add3A_923, %add3A_947 : i32
      %get3A_949 = arith.index_cast %add3A_948 : i32 to index
      %get3A_950 = tpu.vector_load %arg10[%get3A_949] {strides = array<i32>} : memref<16512xi32, #tpu.memory_space<vmem>>, vector<16xi32>,
      %add3A_951 = arith.constant 208 : i32
      %add3A_952 = arith.addi %add3A_923, %add3A_951 : i32
      %get3A_953 = arith.index_cast %add3A_952 : i32 to index
      %get3A_954 = tpu.vector_load %arg10[%get3A_953] {strides = array<i32>} : memref<16512xi32, #tpu.memory_space<vmem>>, vector<16xi32>,
      %add3A_955 = arith.constant 224 : i32
      %add3A_956 = arith.addi %add3A_923, %add3A_955 : i32
      %get3A_957 = arith.index_cast %add3A_956 : i32 to index
      %get3A_958 = tpu.vector_load %arg10[%get3A_957] {strides = array<i32>} : memref<16512xi32, #tpu.memory_space<vmem>>, vector<16xi32>,
      %add3A_959 = arith.constant 240 : i32
      %add3A_960 = arith.addi %add3A_923, %add3A_959 : i32
      %get3A_961 = arith.index_cast %add3A_960 : i32 to index
      %get3A_962 = tpu.vector_load %arg10[%get3A_961] {strides = array<i32>} : memref<16512xi32, #tpu.memory_space<vmem>>, vector<16xi32>,
      %mul3A_963 = arith.constant 16 : i32
      %mul3A_964 = arith.muli %scan3A_909, %mul3A_963 : i32
      %mul3A_965 = arith.constant 8 : i32
      %mul3A_966 = arith.muli %mul3A_964, %mul3A_965 : i32
      %add3A_967 = arith.constant 0 : i32
      %add3A_968 = arith.addi %mul3A_966, %add3A_967 : i32
      %swap3A = arith.index_cast %add3A_968 : i32 to index
      %swap3A_969 = tpu.vector_load %arg11[%swap3A] {strides = array<i32>} : memref<4096xf32, #tpu.memory_space<vmem>>, vector<16xf32>,
      tpu.vector_store %arg11[%swap3A], %gather3A {strides = array<i32>} : memref<4096xf32, #tpu.memory_space<vmem>>, vector<16xf32>,
      %mul3A_970 = arith.constant 16 : i32
      %mul3A_971 = arith.muli %scan3A_909, %mul3A_970 : i32
      %mul3A_972 = arith.constant 8 : i32
      %mul3A_973 = arith.muli %mul3A_971, %mul3A_972 : i32
      %add3A_974 = arith.constant 16 : i32
      %add3A_975 = arith.addi %mul3A_973, %add3A_974 : i32
      %swap3A_976 = arith.index_cast %add3A_975 : i32 to index
      %swap3A_977 = tpu.vector_load %arg11[%swap3A_976] {strides = array<i32>} : memref<4096xf32, #tpu.memory_space<vmem>>, vector<16xf32>,
      tpu.vector_store %arg11[%swap3A_976], %gather3A_924 {strides = array<i32>} : memref<4096xf32, #tpu.memory_space<vmem>>, vector<16xf32>,
      %mul3A_978 = arith.constant 16 : i32
      %mul3A_979 = arith.muli %scan3A_909, %mul3A_978 : i32
      %mul3A_980 = arith.constant 8 : i32
      %mul3A_981 = arith.muli %mul3A_979, %mul3A_980 : i32
      %add3A_982 = arith.constant 32 : i32
      %add3A_983 = arith.addi %mul3A_981, %add3A_982 : i32
      %swap3A_984 = arith.index_cast %add3A_983 : i32 to index
      %swap3A_985 = tpu.vector_load %arg11[%swap3A_984] {strides = array<i32>} : memref<4096xf32, #tpu.memory_space<vmem>>, vector<16xf32>,
      tpu.vector_store %arg11[%swap3A_984], %gather3A_925 {strides = array<i32>} : memref<4096xf32, #tpu.memory_space<vmem>>, vector<16xf32>,
      %mul3A_986 = arith.constant 16 : i32
      %mul3A_987 = arith.muli %scan3A_909, %mul3A_986 : i32
      %mul3A_988 = arith.constant 8 : i32
      %mul3A_989 = arith.muli %mul3A_987, %mul3A_988 : i32
      %add3A_990 = arith.constant 48 : i32
      %add3A_991 = arith.addi %mul3A_989, %add3A_990 : i32
      %swap3A_992 = arith.index_cast %add3A_991 : i32 to index
      %swap3A_993 = tpu.vector_load %arg11[%swap3A_992] {strides = array<i32>} : memref<4096xf32, #tpu.memory_space<vmem>>, vector<16xf32>,
      tpu.vector_store %arg11[%swap3A_992], %gather3A_926 {strides = array<i32>} : memref<4096xf32, #tpu.memory_space<vmem>>, vector<16xf32>,
      %mul3A_994 = arith.constant 16 : i32
      %mul3A_995 = arith.muli %scan3A_909, %mul3A_994 : i32
      %mul3A_996 = arith.constant 8 : i32
      %mul3A_997 = arith.muli %mul3A_995, %mul3A_996 : i32
      %add3A_998 = arith.constant 64 : i32
      %add3A_999 = arith.addi %mul3A_997, %add3A_998 : i32
      %swap3A_1000 = arith.index_cast %add3A_999 : i32 to index
      %swap3A_1001 = tpu.vector_load %arg11[%swap3A_1000] {strides = array<i32>} : memref<4096xf32, #tpu.memory_space<vmem>>, vector<16xf32>,
      tpu.vector_store %arg11[%swap3A_1000], %gather3A_927 {strides = array<i32>} : memref<4096xf32, #tpu.memory_space<vmem>>, vector<16xf32>,
      %mul3A_1002 = arith.constant 16 : i32
      %mul3A_1003 = arith.muli %scan3A_909, %mul3A_1002 : i32
      %mul3A_1004 = arith.constant 8 : i32
      %mul3A_1005 = arith.muli %mul3A_1003, %mul3A_1004 : i32
      %add3A_1006 = arith.constant 80 : i32
      %add3A_1007 = arith.addi %mul3A_1005, %add3A_1006 : i32
      %swap3A_1008 = arith.index_cast %add3A_1007 : i32 to index
      %swap3A_1009 = tpu.vector_load %arg11[%swap3A_1008] {strides = array<i32>} : memref<4096xf32, #tpu.memory_space<vmem>>, vector<16xf32>,
      tpu.vector_store %arg11[%swap3A_1008], %gather3A_928 {strides = array<i32>} : memref<4096xf32, #tpu.memory_space<vmem>>, vector<16xf32>,
      %mul3A_1010 = arith.constant 16 : i32
      %mul3A_1011 = arith.muli %scan3A_909, %mul3A_1010 : i32
      %mul3A_1012 = arith.constant 8 : i32
      %mul3A_1013 = arith.muli %mul3A_1011, %mul3A_1012 : i32
      %add3A_1014 = arith.constant 96 : i32
      %add3A_1015 = arith.addi %mul3A_1013, %add3A_1014 : i32
      %swap3A_1016 = arith.index_cast %add3A_1015 : i32 to index
      %swap3A_1017 = tpu.vector_load %arg11[%swap3A_1016] {strides = array<i32>} : memref<4096xf32, #tpu.memory_space<vmem>>, vector<16xf32>,
      tpu.vector_store %arg11[%swap3A_1016], %gather3A_929 {strides = array<i32>} : memref<4096xf32, #tpu.memory_space<vmem>>, vector<16xf32>,
      %mul3A_1018 = arith.constant 16 : i32
      %mul3A_1019 = arith.muli %scan3A_909, %mul3A_1018 : i32
      %mul3A_1020 = arith.constant 8 : i32
      %mul3A_1021 = arith.muli %mul3A_1019, %mul3A_1020 : i32
      %add3A_1022 = arith.constant 112 : i32
      %add3A_1023 = arith.addi %mul3A_1021, %add3A_1022 : i32
      %swap3A_1024 = arith.index_cast %add3A_1023 : i32 to index
      %swap3A_1025 = tpu.vector_load %arg11[%swap3A_1024] {strides = array<i32>} : memref<4096xf32, #tpu.memory_space<vmem>>, vector<16xf32>,
      tpu.vector_store %arg11[%swap3A_1024], %gather3A_930 {strides = array<i32>} : memref<4096xf32, #tpu.memory_space<vmem>>, vector<16xf32>,
      scf.yield %get3A_934, %get3A_938, %get3A_942, %get3A_946, %get3A_950, %get3A_954, %get3A_958, %get3A_962 : vector<16xi32>, vector<16xi32>, vector<16xi32>, vector<16xi32>, vector<16xi32>, vector<16xi32>, vector<16xi32>, vector<16xi32>
    }
    %scan3A_96 = arith.constant 32 : i32
    %dma_start3A_97 = arith.constant 8192 : i32
    %dma_start3A_98 = tpu.memref_slice %arg6[%add3A_4, %dma_start3A_97] : memref<64x16384xf32, #tpu.memory_space<hbm>> -> memref<1x4096xf32, #tpu.memory_space<hbm>>
    %dma_start3A_99 = tpu.memref_squeeze %dma_start3A_98 : memref<1x4096xf32, #tpu.memory_space<hbm>> -> memref<4096xf32, #tpu.memory_space<hbm>>
    %dma_start3A_100 = arith.constant 8192 : i32
    %dma_start3A_101 = tpu.memref_slice %arg6[%add3A_4, %dma_start3A_100] : memref<64x16384xf32, #tpu.memory_space<hbm>> -> memref<1x4096xf32, #tpu.memory_space<hbm>>
    %dma_start3A_102 = tpu.memref_squeeze %dma_start3A_101 : memref<1x4096xf32, #tpu.memory_space<hbm>> -> memref<4096xf32, #tpu.memory_space<hbm>>
    tpu.enqueue_dma source(%arg11 : memref<4096xf32, #tpu.memory_space<vmem>>) target(%dma_start3A_102 : memref<4096xf32, #tpu.memory_space<hbm>>) target_semaphore(%arg14 : memref<!tpu.dma_semaphore, #tpu.memory_space<semaphore_mem>>)
    %dma_wait3A_103 = arith.constant 4096 : i32
    %dma_wait3A_104 = tpu.memref_slice %arg6[%add3A_4, %dma_wait3A_103] : memref<64x16384xf32, #tpu.memory_space<hbm>> -> memref<1x4096xf32, #tpu.memory_space<hbm>>
    %dma_wait3A_105 = tpu.memref_squeeze %dma_wait3A_104 : memref<1x4096xf32, #tpu.memory_space<hbm>> -> memref<4096xf32, #tpu.memory_space<hbm>>
    %dma_wait3A_106 = arith.constant 4096 : i32
    %dma_wait3A_107 = tpu.memref_slice %arg6[%add3A_4, %dma_wait3A_106] : memref<64x16384xf32, #tpu.memory_space<hbm>> -> memref<1x4096xf32, #tpu.memory_space<hbm>>
    %dma_wait3A_108 = tpu.memref_squeeze %dma_wait3A_107 : memref<1x4096xf32, #tpu.memory_space<hbm>> -> memref<4096xf32, #tpu.memory_space<hbm>>
    tpu.wait_dma2 semaphore(%arg15 : memref<!tpu.dma_semaphore, #tpu.memory_space<semaphore_mem>>) src(%arg12 : memref<4096xf32, #tpu.memory_space<vmem>>) dst(%dma_wait3A_108 : memref<4096xf32, #tpu.memory_space<hbm>>)
    %get3A_109 = arith.constant 12288 : index
    %get3A_110 = tpu.vector_load %arg10[%get3A_109] {strides = array<i32>} : memref<16512xi32, #tpu.memory_space<vmem>>, vector<16xi32>,
    %get3A_111 = arith.constant 12304 : index
    %get3A_112 = tpu.vector_load %arg10[%get3A_111] {strides = array<i32>} : memref<16512xi32, #tpu.memory_space<vmem>>, vector<16xi32>,
    %get3A_113 = arith.constant 12320 : index
    %get3A_114 = tpu.vector_load %arg10[%get3A_113] {strides = array<i32>} : memref<16512xi32, #tpu.memory_space<vmem>>, vector<16xi32>,
    %get3A_115 = arith.constant 12336 : index
    %get3A_116 = tpu.vector_load %arg10[%get3A_115] {strides = array<i32>} : memref<16512xi32, #tpu.memory_space<vmem>>, vector<16xi32>,
    %get3A_117 = arith.constant 12352 : index
    %get3A_118 = tpu.vector_load %arg10[%get3A_117] {strides = array<i32>} : memref<16512xi32, #tpu.memory_space<vmem>>, vector<16xi32>,
    %get3A_119 = arith.constant 12368 : index
    %get3A_120 = tpu.vector_load %arg10[%get3A_119] {strides = array<i32>} : memref<16512xi32, #tpu.memory_space<vmem>>, vector<16xi32>,
    %get3A_121 = arith.constant 12384 : index
    %get3A_122 = tpu.vector_load %arg10[%get3A_121] {strides = array<i32>} : memref<16512xi32, #tpu.memory_space<vmem>>, vector<16xi32>,
    %get3A_123 = arith.constant 12400 : index
    %get3A_124 = tpu.vector_load %arg10[%get3A_123] {strides = array<i32>} : memref<16512xi32, #tpu.memory_space<vmem>>, vector<16xi32>,
    %scan3A_125 = arith.constant 0 : i32
    %scan3A_126 = arith.constant 32 : i32
    %scan3A_127 = arith.addi %scan3A_125, %scan3A_126 : i32
    %scan3A_128 = arith.constant 1 : i32
    %scan3A_129:8 = scf.for %scan3A_909 = %scan3A_125 to %scan3A_127 step %scan3A_128 iter_args(%scan3A_910 = %get3A_110, %scan3A_911 = %get3A_112, %scan3A_912 = %get3A_114, %scan3A_913 = %get3A_116, %scan3A_914 = %get3A_118, %scan3A_915 = %get3A_120, %scan3A_916 = %get3A_122, %scan3A_917 = %get3A_124) -> (vector<16xi32>, vector<16xi32>, vector<16xi32>, vector<16xi32>, vector<16xi32>, vector<16xi32>, vector<16xi32>, vector<16xi32>)  : i32 {
      %mul3A_918 = arith.constant 16 : i32
      %mul3A_919 = arith.muli %scan3A_909, %mul3A_918 : i32
      %mul3A_920 = arith.constant 8 : i32
      %mul3A_921 = arith.muli %mul3A_919, %mul3A_920 : i32
      %add3A_922 = arith.constant 12288 : i32
      %add3A_923 = arith.addi %add3A_922, %mul3A_921 : i32
      %gather3A = tpu.vector_load_idx %arg9[%scan3A_910] : memref<100000xf32, #tpu.memory_space<vmem>>[vector<16xi32>], vector<16xf32>,
      %gather3A_924 = tpu.vector_load_idx %arg9[%scan3A_911] : memref<100000xf32, #tpu.memory_space<vmem>>[vector<16xi32>], vector<16xf32>,
      %gather3A_925 = tpu.vector_load_idx %arg9[%scan3A_912] : memref<100000xf32, #tpu.memory_space<vmem>>[vector<16xi32>], vector<16xf32>,
      %gather3A_926 = tpu.vector_load_idx %arg9[%scan3A_913] : memref<100000xf32, #tpu.memory_space<vmem>>[vector<16xi32>], vector<16xf32>,
      %gather3A_927 = tpu.vector_load_idx %arg9[%scan3A_914] : memref<100000xf32, #tpu.memory_space<vmem>>[vector<16xi32>], vector<16xf32>,
      %gather3A_928 = tpu.vector_load_idx %arg9[%scan3A_915] : memref<100000xf32, #tpu.memory_space<vmem>>[vector<16xi32>], vector<16xf32>,
      %gather3A_929 = tpu.vector_load_idx %arg9[%scan3A_916] : memref<100000xf32, #tpu.memory_space<vmem>>[vector<16xi32>], vector<16xf32>,
      %gather3A_930 = tpu.vector_load_idx %arg9[%scan3A_917] : memref<100000xf32, #tpu.memory_space<vmem>>[vector<16xi32>], vector<16xf32>,
      %add3A_931 = arith.constant 128 : i32
      %add3A_932 = arith.addi %add3A_923, %add3A_931 : i32
      %get3A_933 = arith.index_cast %add3A_932 : i32 to index
      %get3A_934 = tpu.vector_load %arg10[%get3A_933] {strides = array<i32>} : memref<16512xi32, #tpu.memory_space<vmem>>, vector<16xi32>,
      %add3A_935 = arith.constant 144 : i32
      %add3A_936 = arith.addi %add3A_923, %add3A_935 : i32
      %get3A_937 = arith.index_cast %add3A_936 : i32 to index
      %get3A_938 = tpu.vector_load %arg10[%get3A_937] {strides = array<i32>} : memref<16512xi32, #tpu.memory_space<vmem>>, vector<16xi32>,
      %add3A_939 = arith.constant 160 : i32
      %add3A_940 = arith.addi %add3A_923, %add3A_939 : i32
      %get3A_941 = arith.index_cast %add3A_940 : i32 to index
      %get3A_942 = tpu.vector_load %arg10[%get3A_941] {strides = array<i32>} : memref<16512xi32, #tpu.memory_space<vmem>>, vector<16xi32>,
      %add3A_943 = arith.constant 176 : i32
      %add3A_944 = arith.addi %add3A_923, %add3A_943 : i32
      %get3A_945 = arith.index_cast %add3A_944 : i32 to index
      %get3A_946 = tpu.vector_load %arg10[%get3A_945] {strides = array<i32>} : memref<16512xi32, #tpu.memory_space<vmem>>, vector<16xi32>,
      %add3A_947 = arith.constant 192 : i32
      %add3A_948 = arith.addi %add3A_923, %add3A_947 : i32
      %get3A_949 = arith.index_cast %add3A_948 : i32 to index
      %get3A_950 = tpu.vector_load %arg10[%get3A_949] {strides = array<i32>} : memref<16512xi32, #tpu.memory_space<vmem>>, vector<16xi32>,
      %add3A_951 = arith.constant 208 : i32
      %add3A_952 = arith.addi %add3A_923, %add3A_951 : i32
      %get3A_953 = arith.index_cast %add3A_952 : i32 to index
      %get3A_954 = tpu.vector_load %arg10[%get3A_953] {strides = array<i32>} : memref<16512xi32, #tpu.memory_space<vmem>>, vector<16xi32>,
      %add3A_955 = arith.constant 224 : i32
      %add3A_956 = arith.addi %add3A_923, %add3A_955 : i32
      %get3A_957 = arith.index_cast %add3A_956 : i32 to index
      %get3A_958 = tpu.vector_load %arg10[%get3A_957] {strides = array<i32>} : memref<16512xi32, #tpu.memory_space<vmem>>, vector<16xi32>,
      %add3A_959 = arith.constant 240 : i32
      %add3A_960 = arith.addi %add3A_923, %add3A_959 : i32
      %get3A_961 = arith.index_cast %add3A_960 : i32 to index
      %get3A_962 = tpu.vector_load %arg10[%get3A_961] {strides = array<i32>} : memref<16512xi32, #tpu.memory_space<vmem>>, vector<16xi32>,
      %mul3A_963 = arith.constant 16 : i32
      %mul3A_964 = arith.muli %scan3A_909, %mul3A_963 : i32
      %mul3A_965 = arith.constant 8 : i32
      %mul3A_966 = arith.muli %mul3A_964, %mul3A_965 : i32
      %add3A_967 = arith.constant 0 : i32
      %add3A_968 = arith.addi %mul3A_966, %add3A_967 : i32
      %swap3A = arith.index_cast %add3A_968 : i32 to index
      %swap3A_969 = tpu.vector_load %arg12[%swap3A] {strides = array<i32>} : memref<4096xf32, #tpu.memory_space<vmem>>, vector<16xf32>,
      tpu.vector_store %arg12[%swap3A], %gather3A {strides = array<i32>} : memref<4096xf32, #tpu.memory_space<vmem>>, vector<16xf32>,
      %mul3A_970 = arith.constant 16 : i32
      %mul3A_971 = arith.muli %scan3A_909, %mul3A_970 : i32
      %mul3A_972 = arith.constant 8 : i32
      %mul3A_973 = arith.muli %mul3A_971, %mul3A_972 : i32
      %add3A_974 = arith.constant 16 : i32
      %add3A_975 = arith.addi %mul3A_973, %add3A_974 : i32
      %swap3A_976 = arith.index_cast %add3A_975 : i32 to index
      %swap3A_977 = tpu.vector_load %arg12[%swap3A_976] {strides = array<i32>} : memref<4096xf32, #tpu.memory_space<vmem>>, vector<16xf32>,
      tpu.vector_store %arg12[%swap3A_976], %gather3A_924 {strides = array<i32>} : memref<4096xf32, #tpu.memory_space<vmem>>, vector<16xf32>,
      %mul3A_978 = arith.constant 16 : i32
      %mul3A_979 = arith.muli %scan3A_909, %mul3A_978 : i32
      %mul3A_980 = arith.constant 8 : i32
      %mul3A_981 = arith.muli %mul3A_979, %mul3A_980 : i32
      %add3A_982 = arith.constant 32 : i32
      %add3A_983 = arith.addi %mul3A_981, %add3A_982 : i32
      %swap3A_984 = arith.index_cast %add3A_983 : i32 to index
      %swap3A_985 = tpu.vector_load %arg12[%swap3A_984] {strides = array<i32>} : memref<4096xf32, #tpu.memory_space<vmem>>, vector<16xf32>,
      tpu.vector_store %arg12[%swap3A_984], %gather3A_925 {strides = array<i32>} : memref<4096xf32, #tpu.memory_space<vmem>>, vector<16xf32>,
      %mul3A_986 = arith.constant 16 : i32
      %mul3A_987 = arith.muli %scan3A_909, %mul3A_986 : i32
      %mul3A_988 = arith.constant 8 : i32
      %mul3A_989 = arith.muli %mul3A_987, %mul3A_988 : i32
      %add3A_990 = arith.constant 48 : i32
      %add3A_991 = arith.addi %mul3A_989, %add3A_990 : i32
      %swap3A_992 = arith.index_cast %add3A_991 : i32 to index
      %swap3A_993 = tpu.vector_load %arg12[%swap3A_992] {strides = array<i32>} : memref<4096xf32, #tpu.memory_space<vmem>>, vector<16xf32>,
      tpu.vector_store %arg12[%swap3A_992], %gather3A_926 {strides = array<i32>} : memref<4096xf32, #tpu.memory_space<vmem>>, vector<16xf32>,
      %mul3A_994 = arith.constant 16 : i32
      %mul3A_995 = arith.muli %scan3A_909, %mul3A_994 : i32
      %mul3A_996 = arith.constant 8 : i32
      %mul3A_997 = arith.muli %mul3A_995, %mul3A_996 : i32
      %add3A_998 = arith.constant 64 : i32
      %add3A_999 = arith.addi %mul3A_997, %add3A_998 : i32
      %swap3A_1000 = arith.index_cast %add3A_999 : i32 to index
      %swap3A_1001 = tpu.vector_load %arg12[%swap3A_1000] {strides = array<i32>} : memref<4096xf32, #tpu.memory_space<vmem>>, vector<16xf32>,
      tpu.vector_store %arg12[%swap3A_1000], %gather3A_927 {strides = array<i32>} : memref<4096xf32, #tpu.memory_space<vmem>>, vector<16xf32>,
      %mul3A_1002 = arith.constant 16 : i32
      %mul3A_1003 = arith.muli %scan3A_909, %mul3A_1002 : i32
      %mul3A_1004 = arith.constant 8 : i32
      %mul3A_1005 = arith.muli %mul3A_1003, %mul3A_1004 : i32
      %add3A_1006 = arith.constant 80 : i32
      %add3A_1007 = arith.addi %mul3A_1005, %add3A_1006 : i32
      %swap3A_1008 = arith.index_cast %add3A_1007 : i32 to index
      %swap3A_1009 = tpu.vector_load %arg12[%swap3A_1008] {strides = array<i32>} : memref<4096xf32, #tpu.memory_space<vmem>>, vector<16xf32>,
      tpu.vector_store %arg12[%swap3A_1008], %gather3A_928 {strides = array<i32>} : memref<4096xf32, #tpu.memory_space<vmem>>, vector<16xf32>,
      %mul3A_1010 = arith.constant 16 : i32
      %mul3A_1011 = arith.muli %scan3A_909, %mul3A_1010 : i32
      %mul3A_1012 = arith.constant 8 : i32
      %mul3A_1013 = arith.muli %mul3A_1011, %mul3A_1012 : i32
      %add3A_1014 = arith.constant 96 : i32
      %add3A_1015 = arith.addi %mul3A_1013, %add3A_1014 : i32
      %swap3A_1016 = arith.index_cast %add3A_1015 : i32 to index
      %swap3A_1017 = tpu.vector_load %arg12[%swap3A_1016] {strides = array<i32>} : memref<4096xf32, #tpu.memory_space<vmem>>, vector<16xf32>,
      tpu.vector_store %arg12[%swap3A_1016], %gather3A_929 {strides = array<i32>} : memref<4096xf32, #tpu.memory_space<vmem>>, vector<16xf32>,
      %mul3A_1018 = arith.constant 16 : i32
      %mul3A_1019 = arith.muli %scan3A_909, %mul3A_1018 : i32
      %mul3A_1020 = arith.constant 8 : i32
      %mul3A_1021 = arith.muli %mul3A_1019, %mul3A_1020 : i32
      %add3A_1022 = arith.constant 112 : i32
      %add3A_1023 = arith.addi %mul3A_1021, %add3A_1022 : i32
      %swap3A_1024 = arith.index_cast %add3A_1023 : i32 to index
      %swap3A_1025 = tpu.vector_load %arg12[%swap3A_1024] {strides = array<i32>} : memref<4096xf32, #tpu.memory_space<vmem>>, vector<16xf32>,
      tpu.vector_store %arg12[%swap3A_1024], %gather3A_930 {strides = array<i32>} : memref<4096xf32, #tpu.memory_space<vmem>>, vector<16xf32>,
      scf.yield %get3A_934, %get3A_938, %get3A_942, %get3A_946, %get3A_950, %get3A_954, %get3A_958, %get3A_962 : vector<16xi32>, vector<16xi32>, vector<16xi32>, vector<16xi32>, vector<16xi32>, vector<16xi32>, vector<16xi32>, vector<16xi32>
    }
    %scan3A_130 = arith.constant 32 : i32
    %dma_start3A_131 = arith.constant 12288 : i32
    %dma_start3A_132 = tpu.memref_slice %arg6[%add3A_4, %dma_start3A_131] : memref<64x16384xf32, #tpu.memory_space<hbm>> -> memref<1x4096xf32, #tpu.memory_space<hbm>>
    %dma_start3A_133 = tpu.memref_squeeze %dma_start3A_132 : memref<1x4096xf32, #tpu.memory_space<hbm>> -> memref<4096xf32, #tpu.memory_space<hbm>>
    %dma_start3A_134 = arith.constant 12288 : i32
    %dma_start3A_135 = tpu.memref_slice %arg6[%add3A_4, %dma_start3A_134] : memref<64x16384xf32, #tpu.memory_space<hbm>> -> memref<1x4096xf32, #tpu.memory_space<hbm>>
    %dma_start3A_136 = tpu.memref_squeeze %dma_start3A_135 : memref<1x4096xf32, #tpu.memory_space<hbm>> -> memref<4096xf32, #tpu.memory_space<hbm>>
    tpu.enqueue_dma source(%arg12 : memref<4096xf32, #tpu.memory_space<vmem>>) target(%dma_start3A_136 : memref<4096xf32, #tpu.memory_space<hbm>>) target_semaphore(%arg15 : memref<!tpu.dma_semaphore, #tpu.memory_space<semaphore_mem>>)
    %mul3A_137 = arith.constant 2 : i32
    %mul3A_138 = arith.muli %add3A, %mul3A_137 : i32
    %add3A_139 = arith.constant 0 : i32
    %add3A_140 = arith.addi %mul3A_138, %add3A_139 : i32
    %dma_start3A_141 = arith.constant 0 : i32
    %dma_start3A_142 = tpu.memref_slice %arg4[%add3A_140, %dma_start3A_141] : memref<64x100000xf32, #tpu.memory_space<hbm>> -> memref<1x100000xf32, #tpu.memory_space<hbm>>
    %dma_start3A_143 = tpu.memref_squeeze %dma_start3A_142 : memref<1x100000xf32, #tpu.memory_space<hbm>> -> memref<100000xf32, #tpu.memory_space<hbm>>
    %dma_start3A_144 = arith.constant 0 : i32
    %dma_start3A_145 = tpu.memref_slice %arg4[%add3A_140, %dma_start3A_144] : memref<64x100000xf32, #tpu.memory_space<hbm>> -> memref<1x100000xf32, #tpu.memory_space<hbm>>
    %dma_start3A_146 = tpu.memref_squeeze %dma_start3A_145 : memref<1x100000xf32, #tpu.memory_space<hbm>> -> memref<100000xf32, #tpu.memory_space<hbm>>
    tpu.enqueue_dma source(%dma_start3A_146 : memref<100000xf32, #tpu.memory_space<hbm>>) target(%arg9 : memref<100000xf32, #tpu.memory_space<vmem>>) target_semaphore(%arg13 : memref<!tpu.dma_semaphore, #tpu.memory_space<semaphore_mem>>)
    %dma_wait3A_147 = arith.constant 0 : i32
    %dma_wait3A_148 = tpu.memref_slice %arg4[%add3A_140, %dma_wait3A_147] : memref<64x100000xf32, #tpu.memory_space<hbm>> -> memref<1x100000xf32, #tpu.memory_space<hbm>>
    %dma_wait3A_149 = tpu.memref_squeeze %dma_wait3A_148 : memref<1x100000xf32, #tpu.memory_space<hbm>> -> memref<100000xf32, #tpu.memory_space<hbm>>
    %dma_wait3A_150 = arith.constant 0 : i32
    %dma_wait3A_151 = tpu.memref_slice %arg4[%add3A_140, %dma_wait3A_150] : memref<64x100000xf32, #tpu.memory_space<hbm>> -> memref<1x100000xf32, #tpu.memory_space<hbm>>
    %dma_wait3A_152 = tpu.memref_squeeze %dma_wait3A_151 : memref<1x100000xf32, #tpu.memory_space<hbm>> -> memref<100000xf32, #tpu.memory_space<hbm>>
    tpu.wait_dma2 semaphore(%arg13 : memref<!tpu.dma_semaphore, #tpu.memory_space<semaphore_mem>>) src(%dma_wait3A_152 : memref<100000xf32, #tpu.memory_space<hbm>>) dst(%arg9 : memref<100000xf32, #tpu.memory_space<vmem>>)
    %dma_wait3A_153 = arith.constant 8192 : i32
    %dma_wait3A_154 = tpu.memref_slice %arg6[%add3A_4, %dma_wait3A_153] : memref<64x16384xf32, #tpu.memory_space<hbm>> -> memref<1x4096xf32, #tpu.memory_space<hbm>>
    %dma_wait3A_155 = tpu.memref_squeeze %dma_wait3A_154 : memref<1x4096xf32, #tpu.memory_space<hbm>> -> memref<4096xf32, #tpu.memory_space<hbm>>
    %dma_wait3A_156 = arith.constant 8192 : i32
    %dma_wait3A_157 = tpu.memref_slice %arg6[%add3A_4, %dma_wait3A_156] : memref<64x16384xf32, #tpu.memory_space<hbm>> -> memref<1x4096xf32, #tpu.memory_space<hbm>>
    %dma_wait3A_158 = tpu.memref_squeeze %dma_wait3A_157 : memref<1x4096xf32, #tpu.memory_space<hbm>> -> memref<4096xf32, #tpu.memory_space<hbm>>
    tpu.wait_dma2 semaphore(%arg14 : memref<!tpu.dma_semaphore, #tpu.memory_space<semaphore_mem>>) src(%arg11 : memref<4096xf32, #tpu.memory_space<vmem>>) dst(%dma_wait3A_158 : memref<4096xf32, #tpu.memory_space<hbm>>)
    %get3A_159 = arith.constant 0 : index
    %get3A_160 = tpu.vector_load %arg10[%get3A_159] {strides = array<i32>} : memref<16512xi32, #tpu.memory_space<vmem>>, vector<16xi32>,
    %get3A_161 = arith.constant 16 : index
    %get3A_162 = tpu.vector_load %arg10[%get3A_161] {strides = array<i32>} : memref<16512xi32, #tpu.memory_space<vmem>>, vector<16xi32>,
    %get3A_163 = arith.constant 32 : index
    %get3A_164 = tpu.vector_load %arg10[%get3A_163] {strides = array<i32>} : memref<16512xi32, #tpu.memory_space<vmem>>, vector<16xi32>,
    %get3A_165 = arith.constant 48 : index
    %get3A_166 = tpu.vector_load %arg10[%get3A_165] {strides = array<i32>} : memref<16512xi32, #tpu.memory_space<vmem>>, vector<16xi32>,
    %get3A_167 = arith.constant 64 : index
    %get3A_168 = tpu.vector_load %arg10[%get3A_167] {strides = array<i32>} : memref<16512xi32, #tpu.memory_space<vmem>>, vector<16xi32>,
    %get3A_169 = arith.constant 80 : index
    %get3A_170 = tpu.vector_load %arg10[%get3A_169] {strides = array<i32>} : memref<16512xi32, #tpu.memory_space<vmem>>, vector<16xi32>,
    %get3A_171 = arith.constant 96 : index
    %get3A_172 = tpu.vector_load %arg10[%get3A_171] {strides = array<i32>} : memref<16512xi32, #tpu.memory_space<vmem>>, vector<16xi32>,
    %get3A_173 = arith.constant 112 : index
    %get3A_174 = tpu.vector_load %arg10[%get3A_173] {strides = array<i32>} : memref<16512xi32, #tpu.memory_space<vmem>>, vector<16xi32>,
    %scan3A_175 = arith.constant 0 : i32
    %scan3A_176 = arith.constant 32 : i32
    %scan3A_177 = arith.addi %scan3A_175, %scan3A_176 : i32
    %scan3A_178 = arith.constant 1 : i32
    %scan3A_179:8 = scf.for %scan3A_909 = %scan3A_175 to %scan3A_177 step %scan3A_178 iter_args(%scan3A_910 = %get3A_160, %scan3A_911 = %get3A_162, %scan3A_912 = %get3A_164, %scan3A_913 = %get3A_166, %scan3A_914 = %get3A_168, %scan3A_915 = %get3A_170, %scan3A_916 = %get3A_172, %scan3A_917 = %get3A_174) -> (vector<16xi32>, vector<16xi32>, vector<16xi32>, vector<16xi32>, vector<16xi32>, vector<16xi32>, vector<16xi32>, vector<16xi32>)  : i32 {
      %mul3A_918 = arith.constant 16 : i32
      %mul3A_919 = arith.muli %scan3A_909, %mul3A_918 : i32
      %mul3A_920 = arith.constant 8 : i32
      %mul3A_921 = arith.muli %mul3A_919, %mul3A_920 : i32
      %add3A_922 = arith.constant 0 : i32
      %add3A_923 = arith.addi %add3A_922, %mul3A_921 : i32
      %gather3A = tpu.vector_load_idx %arg9[%scan3A_910] : memref<100000xf32, #tpu.memory_space<vmem>>[vector<16xi32>], vector<16xf32>,
      %gather3A_924 = tpu.vector_load_idx %arg9[%scan3A_911] : memref<100000xf32, #tpu.memory_space<vmem>>[vector<16xi32>], vector<16xf32>,
      %gather3A_925 = tpu.vector_load_idx %arg9[%scan3A_912] : memref<100000xf32, #tpu.memory_space<vmem>>[vector<16xi32>], vector<16xf32>,
      %gather3A_926 = tpu.vector_load_idx %arg9[%scan3A_913] : memref<100000xf32, #tpu.memory_space<vmem>>[vector<16xi32>], vector<16xf32>,
      %gather3A_927 = tpu.vector_load_idx %arg9[%scan3A_914] : memref<100000xf32, #tpu.memory_space<vmem>>[vector<16xi32>], vector<16xf32>,
      %gather3A_928 = tpu.vector_load_idx %arg9[%scan3A_915] : memref<100000xf32, #tpu.memory_space<vmem>>[vector<16xi32>], vector<16xf32>,
      %gather3A_929 = tpu.vector_load_idx %arg9[%scan3A_916] : memref<100000xf32, #tpu.memory_space<vmem>>[vector<16xi32>], vector<16xf32>,
      %gather3A_930 = tpu.vector_load_idx %arg9[%scan3A_917] : memref<100000xf32, #tpu.memory_space<vmem>>[vector<16xi32>], vector<16xf32>,
      %add3A_931 = arith.constant 128 : i32
      %add3A_932 = arith.addi %add3A_923, %add3A_931 : i32
      %get3A_933 = arith.index_cast %add3A_932 : i32 to index
      %get3A_934 = tpu.vector_load %arg10[%get3A_933] {strides = array<i32>} : memref<16512xi32, #tpu.memory_space<vmem>>, vector<16xi32>,
      %add3A_935 = arith.constant 144 : i32
      %add3A_936 = arith.addi %add3A_923, %add3A_935 : i32
      %get3A_937 = arith.index_cast %add3A_936 : i32 to index
      %get3A_938 = tpu.vector_load %arg10[%get3A_937] {strides = array<i32>} : memref<16512xi32, #tpu.memory_space<vmem>>, vector<16xi32>,
      %add3A_939 = arith.constant 160 : i32
      %add3A_940 = arith.addi %add3A_923, %add3A_939 : i32
      %get3A_941 = arith.index_cast %add3A_940 : i32 to index
      %get3A_942 = tpu.vector_load %arg10[%get3A_941] {strides = array<i32>} : memref<16512xi32, #tpu.memory_space<vmem>>, vector<16xi32>,
      %add3A_943 = arith.constant 176 : i32
      %add3A_944 = arith.addi %add3A_923, %add3A_943 : i32
      %get3A_945 = arith.index_cast %add3A_944 : i32 to index
      %get3A_946 = tpu.vector_load %arg10[%get3A_945] {strides = array<i32>} : memref<16512xi32, #tpu.memory_space<vmem>>, vector<16xi32>,
      %add3A_947 = arith.constant 192 : i32
      %add3A_948 = arith.addi %add3A_923, %add3A_947 : i32
      %get3A_949 = arith.index_cast %add3A_948 : i32 to index
      %get3A_950 = tpu.vector_load %arg10[%get3A_949] {strides = array<i32>} : memref<16512xi32, #tpu.memory_space<vmem>>, vector<16xi32>,
      %add3A_951 = arith.constant 208 : i32
      %add3A_952 = arith.addi %add3A_923, %add3A_951 : i32
      %get3A_953 = arith.index_cast %add3A_952 : i32 to index
      %get3A_954 = tpu.vector_load %arg10[%get3A_953] {strides = array<i32>} : memref<16512xi32, #tpu.memory_space<vmem>>, vector<16xi32>,
      %add3A_955 = arith.constant 224 : i32
      %add3A_956 = arith.addi %add3A_923, %add3A_955 : i32
      %get3A_957 = arith.index_cast %add3A_956 : i32 to index
      %get3A_958 = tpu.vector_load %arg10[%get3A_957] {strides = array<i32>} : memref<16512xi32, #tpu.memory_space<vmem>>, vector<16xi32>,
      %add3A_959 = arith.constant 240 : i32
      %add3A_960 = arith.addi %add3A_923, %add3A_959 : i32
      %get3A_961 = arith.index_cast %add3A_960 : i32 to index
      %get3A_962 = tpu.vector_load %arg10[%get3A_961] {strides = array<i32>} : memref<16512xi32, #tpu.memory_space<vmem>>, vector<16xi32>,
      %mul3A_963 = arith.constant 16 : i32
      %mul3A_964 = arith.muli %scan3A_909, %mul3A_963 : i32
      %mul3A_965 = arith.constant 8 : i32
      %mul3A_966 = arith.muli %mul3A_964, %mul3A_965 : i32
      %add3A_967 = arith.constant 0 : i32
      %add3A_968 = arith.addi %mul3A_966, %add3A_967 : i32
      %swap3A = arith.index_cast %add3A_968 : i32 to index
      %swap3A_969 = tpu.vector_load %arg11[%swap3A] {strides = array<i32>} : memref<4096xf32, #tpu.memory_space<vmem>>, vector<16xf32>,
      tpu.vector_store %arg11[%swap3A], %gather3A {strides = array<i32>} : memref<4096xf32, #tpu.memory_space<vmem>>, vector<16xf32>,
      %mul3A_970 = arith.constant 16 : i32
      %mul3A_971 = arith.muli %scan3A_909, %mul3A_970 : i32
      %mul3A_972 = arith.constant 8 : i32
      %mul3A_973 = arith.muli %mul3A_971, %mul3A_972 : i32
      %add3A_974 = arith.constant 16 : i32
      %add3A_975 = arith.addi %mul3A_973, %add3A_974 : i32
      %swap3A_976 = arith.index_cast %add3A_975 : i32 to index
      %swap3A_977 = tpu.vector_load %arg11[%swap3A_976] {strides = array<i32>} : memref<4096xf32, #tpu.memory_space<vmem>>, vector<16xf32>,
      tpu.vector_store %arg11[%swap3A_976], %gather3A_924 {strides = array<i32>} : memref<4096xf32, #tpu.memory_space<vmem>>, vector<16xf32>,
      %mul3A_978 = arith.constant 16 : i32
      %mul3A_979 = arith.muli %scan3A_909, %mul3A_978 : i32
      %mul3A_980 = arith.constant 8 : i32
      %mul3A_981 = arith.muli %mul3A_979, %mul3A_980 : i32
      %add3A_982 = arith.constant 32 : i32
      %add3A_983 = arith.addi %mul3A_981, %add3A_982 : i32
      %swap3A_984 = arith.index_cast %add3A_983 : i32 to index
      %swap3A_985 = tpu.vector_load %arg11[%swap3A_984] {strides = array<i32>} : memref<4096xf32, #tpu.memory_space<vmem>>, vector<16xf32>,
      tpu.vector_store %arg11[%swap3A_984], %gather3A_925 {strides = array<i32>} : memref<4096xf32, #tpu.memory_space<vmem>>, vector<16xf32>,
      %mul3A_986 = arith.constant 16 : i32
      %mul3A_987 = arith.muli %scan3A_909, %mul3A_986 : i32
      %mul3A_988 = arith.constant 8 : i32
      %mul3A_989 = arith.muli %mul3A_987, %mul3A_988 : i32
      %add3A_990 = arith.constant 48 : i32
      %add3A_991 = arith.addi %mul3A_989, %add3A_990 : i32
      %swap3A_992 = arith.index_cast %add3A_991 : i32 to index
      %swap3A_993 = tpu.vector_load %arg11[%swap3A_992] {strides = array<i32>} : memref<4096xf32, #tpu.memory_space<vmem>>, vector<16xf32>,
      tpu.vector_store %arg11[%swap3A_992], %gather3A_926 {strides = array<i32>} : memref<4096xf32, #tpu.memory_space<vmem>>, vector<16xf32>,
      %mul3A_994 = arith.constant 16 : i32
      %mul3A_995 = arith.muli %scan3A_909, %mul3A_994 : i32
      %mul3A_996 = arith.constant 8 : i32
      %mul3A_997 = arith.muli %mul3A_995, %mul3A_996 : i32
      %add3A_998 = arith.constant 64 : i32
      %add3A_999 = arith.addi %mul3A_997, %add3A_998 : i32
      %swap3A_1000 = arith.index_cast %add3A_999 : i32 to index
      %swap3A_1001 = tpu.vector_load %arg11[%swap3A_1000] {strides = array<i32>} : memref<4096xf32, #tpu.memory_space<vmem>>, vector<16xf32>,
      tpu.vector_store %arg11[%swap3A_1000], %gather3A_927 {strides = array<i32>} : memref<4096xf32, #tpu.memory_space<vmem>>, vector<16xf32>,
      %mul3A_1002 = arith.constant 16 : i32
      %mul3A_1003 = arith.muli %scan3A_909, %mul3A_1002 : i32
      %mul3A_1004 = arith.constant 8 : i32
      %mul3A_1005 = arith.muli %mul3A_1003, %mul3A_1004 : i32
      %add3A_1006 = arith.constant 80 : i32
      %add3A_1007 = arith.addi %mul3A_1005, %add3A_1006 : i32
      %swap3A_1008 = arith.index_cast %add3A_1007 : i32 to index
      %swap3A_1009 = tpu.vector_load %arg11[%swap3A_1008] {strides = array<i32>} : memref<4096xf32, #tpu.memory_space<vmem>>, vector<16xf32>,
      tpu.vector_store %arg11[%swap3A_1008], %gather3A_928 {strides = array<i32>} : memref<4096xf32, #tpu.memory_space<vmem>>, vector<16xf32>,
      %mul3A_1010 = arith.constant 16 : i32
      %mul3A_1011 = arith.muli %scan3A_909, %mul3A_1010 : i32
      %mul3A_1012 = arith.constant 8 : i32
      %mul3A_1013 = arith.muli %mul3A_1011, %mul3A_1012 : i32
      %add3A_1014 = arith.constant 96 : i32
      %add3A_1015 = arith.addi %mul3A_1013, %add3A_1014 : i32
      %swap3A_1016 = arith.index_cast %add3A_1015 : i32 to index
      %swap3A_1017 = tpu.vector_load %arg11[%swap3A_1016] {strides = array<i32>} : memref<4096xf32, #tpu.memory_space<vmem>>, vector<16xf32>,
      tpu.vector_store %arg11[%swap3A_1016], %gather3A_929 {strides = array<i32>} : memref<4096xf32, #tpu.memory_space<vmem>>, vector<16xf32>,
      %mul3A_1018 = arith.constant 16 : i32
      %mul3A_1019 = arith.muli %scan3A_909, %mul3A_1018 : i32
      %mul3A_1020 = arith.constant 8 : i32
      %mul3A_1021 = arith.muli %mul3A_1019, %mul3A_1020 : i32
      %add3A_1022 = arith.constant 112 : i32
      %add3A_1023 = arith.addi %mul3A_1021, %add3A_1022 : i32
      %swap3A_1024 = arith.index_cast %add3A_1023 : i32 to index
      %swap3A_1025 = tpu.vector_load %arg11[%swap3A_1024] {strides = array<i32>} : memref<4096xf32, #tpu.memory_space<vmem>>, vector<16xf32>,
      tpu.vector_store %arg11[%swap3A_1024], %gather3A_930 {strides = array<i32>} : memref<4096xf32, #tpu.memory_space<vmem>>, vector<16xf32>,
      scf.yield %get3A_934, %get3A_938, %get3A_942, %get3A_946, %get3A_950, %get3A_954, %get3A_958, %get3A_962 : vector<16xi32>, vector<16xi32>, vector<16xi32>, vector<16xi32>, vector<16xi32>, vector<16xi32>, vector<16xi32>, vector<16xi32>
    }
    %scan3A_180 = arith.constant 32 : i32
    %dma_start3A_181 = arith.constant 0 : i32
    %dma_start3A_182 = tpu.memref_slice %arg7[%add3A_140, %dma_start3A_181] : memref<64x16384xf32, #tpu.memory_space<hbm>> -> memref<1x4096xf32, #tpu.memory_space<hbm>>
    %dma_start3A_183 = tpu.memref_squeeze %dma_start3A_182 : memref<1x4096xf32, #tpu.memory_space<hbm>> -> memref<4096xf32, #tpu.memory_space<hbm>>
    %dma_start3A_184 = arith.constant 0 : i32
    %dma_start3A_185 = tpu.memref_slice %arg7[%add3A_140, %dma_start3A_184] : memref<64x16384xf32, #tpu.memory_space<hbm>> -> memref<1x4096xf32, #tpu.memory_space<hbm>>
    %dma_start3A_186 = tpu.memref_squeeze %dma_start3A_185 : memref<1x4096xf32, #tpu.memory_space<hbm>> -> memref<4096xf32, #tpu.memory_space<hbm>>
    tpu.enqueue_dma source(%arg11 : memref<4096xf32, #tpu.memory_space<vmem>>) target(%dma_start3A_186 : memref<4096xf32, #tpu.memory_space<hbm>>) target_semaphore(%arg14 : memref<!tpu.dma_semaphore, #tpu.memory_space<semaphore_mem>>)
    %dma_wait3A_187 = arith.constant 12288 : i32
    %dma_wait3A_188 = tpu.memref_slice %arg6[%add3A_4, %dma_wait3A_187] : memref<64x16384xf32, #tpu.memory_space<hbm>> -> memref<1x4096xf32, #tpu.memory_space<hbm>>
    %dma_wait3A_189 = tpu.memref_squeeze %dma_wait3A_188 : memref<1x4096xf32, #tpu.memory_space<hbm>> -> memref<4096xf32, #tpu.memory_space<hbm>>
    %dma_wait3A_190 = arith.constant 12288 : i32
    %dma_wait3A_191 = tpu.memref_slice %arg6[%add3A_4, %dma_wait3A_190] : memref<64x16384xf32, #tpu.memory_space<hbm>> -> memref<1x4096xf32, #tpu.memory_space<hbm>>
    %dma_wait3A_192 = tpu.memref_squeeze %dma_wait3A_191 : memref<1x4096xf32, #tpu.memory_space<hbm>> -> memref<4096xf32, #tpu.memory_space<hbm>>
    tpu.wait_dma2 semaphore(%arg15 : memref<!tpu.dma_semaphore, #tpu.memory_space<semaphore_mem>>) src(%arg12 : memref<4096xf32, #tpu.memory_space<vmem>>) dst(%dma_wait3A_192 : memref<4096xf32, #tpu.memory_space<hbm>>)
    %get3A_193 = arith.constant 4096 : index
    %get3A_194 = tpu.vector_load %arg10[%get3A_193] {strides = array<i32>} : memref<16512xi32, #tpu.memory_space<vmem>>, vector<16xi32>,
    %get3A_195 = arith.constant 4112 : index
    %get3A_196 = tpu.vector_load %arg10[%get3A_195] {strides = array<i32>} : memref<16512xi32, #tpu.memory_space<vmem>>, vector<16xi32>,
    %get3A_197 = arith.constant 4128 : index
    %get3A_198 = tpu.vector_load %arg10[%get3A_197] {strides = array<i32>} : memref<16512xi32, #tpu.memory_space<vmem>>, vector<16xi32>,
    %get3A_199 = arith.constant 4144 : index
    %get3A_200 = tpu.vector_load %arg10[%get3A_199] {strides = array<i32>} : memref<16512xi32, #tpu.memory_space<vmem>>, vector<16xi32>,
    %get3A_201 = arith.constant 4160 : index
    %get3A_202 = tpu.vector_load %arg10[%get3A_201] {strides = array<i32>} : memref<16512xi32, #tpu.memory_space<vmem>>, vector<16xi32>,
    %get3A_203 = arith.constant 4176 : index
    %get3A_204 = tpu.vector_load %arg10[%get3A_203] {strides = array<i32>} : memref<16512xi32, #tpu.memory_space<vmem>>, vector<16xi32>,
    %get3A_205 = arith.constant 4192 : index
    %get3A_206 = tpu.vector_load %arg10[%get3A_205] {strides = array<i32>} : memref<16512xi32, #tpu.memory_space<vmem>>, vector<16xi32>,
    %get3A_207 = arith.constant 4208 : index
    %get3A_208 = tpu.vector_load %arg10[%get3A_207] {strides = array<i32>} : memref<16512xi32, #tpu.memory_space<vmem>>, vector<16xi32>,
    %scan3A_209 = arith.constant 0 : i32
    %scan3A_210 = arith.constant 32 : i32
    %scan3A_211 = arith.addi %scan3A_209, %scan3A_210 : i32
    %scan3A_212 = arith.constant 1 : i32
    %scan3A_213:8 = scf.for %scan3A_909 = %scan3A_209 to %scan3A_211 step %scan3A_212 iter_args(%scan3A_910 = %get3A_194, %scan3A_911 = %get3A_196, %scan3A_912 = %get3A_198, %scan3A_913 = %get3A_200, %scan3A_914 = %get3A_202, %scan3A_915 = %get3A_204, %scan3A_916 = %get3A_206, %scan3A_917 = %get3A_208) -> (vector<16xi32>, vector<16xi32>, vector<16xi32>, vector<16xi32>, vector<16xi32>, vector<16xi32>, vector<16xi32>, vector<16xi32>)  : i32 {
      %mul3A_918 = arith.constant 16 : i32
      %mul3A_919 = arith.muli %scan3A_909, %mul3A_918 : i32
      %mul3A_920 = arith.constant 8 : i32
      %mul3A_921 = arith.muli %mul3A_919, %mul3A_920 : i32
      %add3A_922 = arith.constant 4096 : i32
      %add3A_923 = arith.addi %add3A_922, %mul3A_921 : i32
      %gather3A = tpu.vector_load_idx %arg9[%scan3A_910] : memref<100000xf32, #tpu.memory_space<vmem>>[vector<16xi32>], vector<16xf32>,
      %gather3A_924 = tpu.vector_load_idx %arg9[%scan3A_911] : memref<100000xf32, #tpu.memory_space<vmem>>[vector<16xi32>], vector<16xf32>,
      %gather3A_925 = tpu.vector_load_idx %arg9[%scan3A_912] : memref<100000xf32, #tpu.memory_space<vmem>>[vector<16xi32>], vector<16xf32>,
      %gather3A_926 = tpu.vector_load_idx %arg9[%scan3A_913] : memref<100000xf32, #tpu.memory_space<vmem>>[vector<16xi32>], vector<16xf32>,
      %gather3A_927 = tpu.vector_load_idx %arg9[%scan3A_914] : memref<100000xf32, #tpu.memory_space<vmem>>[vector<16xi32>], vector<16xf32>,
      %gather3A_928 = tpu.vector_load_idx %arg9[%scan3A_915] : memref<100000xf32, #tpu.memory_space<vmem>>[vector<16xi32>], vector<16xf32>,
      %gather3A_929 = tpu.vector_load_idx %arg9[%scan3A_916] : memref<100000xf32, #tpu.memory_space<vmem>>[vector<16xi32>], vector<16xf32>,
      %gather3A_930 = tpu.vector_load_idx %arg9[%scan3A_917] : memref<100000xf32, #tpu.memory_space<vmem>>[vector<16xi32>], vector<16xf32>,
      %add3A_931 = arith.constant 128 : i32
      %add3A_932 = arith.addi %add3A_923, %add3A_931 : i32
      %get3A_933 = arith.index_cast %add3A_932 : i32 to index
      %get3A_934 = tpu.vector_load %arg10[%get3A_933] {strides = array<i32>} : memref<16512xi32, #tpu.memory_space<vmem>>, vector<16xi32>,
      %add3A_935 = arith.constant 144 : i32
      %add3A_936 = arith.addi %add3A_923, %add3A_935 : i32
      %get3A_937 = arith.index_cast %add3A_936 : i32 to index
      %get3A_938 = tpu.vector_load %arg10[%get3A_937] {strides = array<i32>} : memref<16512xi32, #tpu.memory_space<vmem>>, vector<16xi32>,
      %add3A_939 = arith.constant 160 : i32
      %add3A_940 = arith.addi %add3A_923, %add3A_939 : i32
      %get3A_941 = arith.index_cast %add3A_940 : i32 to index
      %get3A_942 = tpu.vector_load %arg10[%get3A_941] {strides = array<i32>} : memref<16512xi32, #tpu.memory_space<vmem>>, vector<16xi32>,
      %add3A_943 = arith.constant 176 : i32
      %add3A_944 = arith.addi %add3A_923, %add3A_943 : i32
      %get3A_945 = arith.index_cast %add3A_944 : i32 to index
      %get3A_946 = tpu.vector_load %arg10[%get3A_945] {strides = array<i32>} : memref<16512xi32, #tpu.memory_space<vmem>>, vector<16xi32>,
      %add3A_947 = arith.constant 192 : i32
      %add3A_948 = arith.addi %add3A_923, %add3A_947 : i32
      %get3A_949 = arith.index_cast %add3A_948 : i32 to index
      %get3A_950 = tpu.vector_load %arg10[%get3A_949] {strides = array<i32>} : memref<16512xi32, #tpu.memory_space<vmem>>, vector<16xi32>,
      %add3A_951 = arith.constant 208 : i32
      %add3A_952 = arith.addi %add3A_923, %add3A_951 : i32
      %get3A_953 = arith.index_cast %add3A_952 : i32 to index
      %get3A_954 = tpu.vector_load %arg10[%get3A_953] {strides = array<i32>} : memref<16512xi32, #tpu.memory_space<vmem>>, vector<16xi32>,
      %add3A_955 = arith.constant 224 : i32
      %add3A_956 = arith.addi %add3A_923, %add3A_955 : i32
      %get3A_957 = arith.index_cast %add3A_956 : i32 to index
      %get3A_958 = tpu.vector_load %arg10[%get3A_957] {strides = array<i32>} : memref<16512xi32, #tpu.memory_space<vmem>>, vector<16xi32>,
      %add3A_959 = arith.constant 240 : i32
      %add3A_960 = arith.addi %add3A_923, %add3A_959 : i32
      %get3A_961 = arith.index_cast %add3A_960 : i32 to index
      %get3A_962 = tpu.vector_load %arg10[%get3A_961] {strides = array<i32>} : memref<16512xi32, #tpu.memory_space<vmem>>, vector<16xi32>,
      %mul3A_963 = arith.constant 16 : i32
      %mul3A_964 = arith.muli %scan3A_909, %mul3A_963 : i32
      %mul3A_965 = arith.constant 8 : i32
      %mul3A_966 = arith.muli %mul3A_964, %mul3A_965 : i32
      %add3A_967 = arith.constant 0 : i32
      %add3A_968 = arith.addi %mul3A_966, %add3A_967 : i32
      %swap3A = arith.index_cast %add3A_968 : i32 to index
      %swap3A_969 = tpu.vector_load %arg12[%swap3A] {strides = array<i32>} : memref<4096xf32, #tpu.memory_space<vmem>>, vector<16xf32>,
      tpu.vector_store %arg12[%swap3A], %gather3A {strides = array<i32>} : memref<4096xf32, #tpu.memory_space<vmem>>, vector<16xf32>,
      %mul3A_970 = arith.constant 16 : i32
      %mul3A_971 = arith.muli %scan3A_909, %mul3A_970 : i32
      %mul3A_972 = arith.constant 8 : i32
      %mul3A_973 = arith.muli %mul3A_971, %mul3A_972 : i32
      %add3A_974 = arith.constant 16 : i32
      %add3A_975 = arith.addi %mul3A_973, %add3A_974 : i32
      %swap3A_976 = arith.index_cast %add3A_975 : i32 to index
      %swap3A_977 = tpu.vector_load %arg12[%swap3A_976] {strides = array<i32>} : memref<4096xf32, #tpu.memory_space<vmem>>, vector<16xf32>,
      tpu.vector_store %arg12[%swap3A_976], %gather3A_924 {strides = array<i32>} : memref<4096xf32, #tpu.memory_space<vmem>>, vector<16xf32>,
      %mul3A_978 = arith.constant 16 : i32
      %mul3A_979 = arith.muli %scan3A_909, %mul3A_978 : i32
      %mul3A_980 = arith.constant 8 : i32
      %mul3A_981 = arith.muli %mul3A_979, %mul3A_980 : i32
      %add3A_982 = arith.constant 32 : i32
      %add3A_983 = arith.addi %mul3A_981, %add3A_982 : i32
      %swap3A_984 = arith.index_cast %add3A_983 : i32 to index
      %swap3A_985 = tpu.vector_load %arg12[%swap3A_984] {strides = array<i32>} : memref<4096xf32, #tpu.memory_space<vmem>>, vector<16xf32>,
      tpu.vector_store %arg12[%swap3A_984], %gather3A_925 {strides = array<i32>} : memref<4096xf32, #tpu.memory_space<vmem>>, vector<16xf32>,
      %mul3A_986 = arith.constant 16 : i32
      %mul3A_987 = arith.muli %scan3A_909, %mul3A_986 : i32
      %mul3A_988 = arith.constant 8 : i32
      %mul3A_989 = arith.muli %mul3A_987, %mul3A_988 : i32
      %add3A_990 = arith.constant 48 : i32
      %add3A_991 = arith.addi %mul3A_989, %add3A_990 : i32
      %swap3A_992 = arith.index_cast %add3A_991 : i32 to index
      %swap3A_993 = tpu.vector_load %arg12[%swap3A_992] {strides = array<i32>} : memref<4096xf32, #tpu.memory_space<vmem>>, vector<16xf32>,
      tpu.vector_store %arg12[%swap3A_992], %gather3A_926 {strides = array<i32>} : memref<4096xf32, #tpu.memory_space<vmem>>, vector<16xf32>,
      %mul3A_994 = arith.constant 16 : i32
      %mul3A_995 = arith.muli %scan3A_909, %mul3A_994 : i32
      %mul3A_996 = arith.constant 8 : i32
      %mul3A_997 = arith.muli %mul3A_995, %mul3A_996 : i32
      %add3A_998 = arith.constant 64 : i32
      %add3A_999 = arith.addi %mul3A_997, %add3A_998 : i32
      %swap3A_1000 = arith.index_cast %add3A_999 : i32 to index
      %swap3A_1001 = tpu.vector_load %arg12[%swap3A_1000] {strides = array<i32>} : memref<4096xf32, #tpu.memory_space<vmem>>, vector<16xf32>,
      tpu.vector_store %arg12[%swap3A_1000], %gather3A_927 {strides = array<i32>} : memref<4096xf32, #tpu.memory_space<vmem>>, vector<16xf32>,
      %mul3A_1002 = arith.constant 16 : i32
      %mul3A_1003 = arith.muli %scan3A_909, %mul3A_1002 : i32
      %mul3A_1004 = arith.constant 8 : i32
      %mul3A_1005 = arith.muli %mul3A_1003, %mul3A_1004 : i32
      %add3A_1006 = arith.constant 80 : i32
      %add3A_1007 = arith.addi %mul3A_1005, %add3A_1006 : i32
      %swap3A_1008 = arith.index_cast %add3A_1007 : i32 to index
      %swap3A_1009 = tpu.vector_load %arg12[%swap3A_1008] {strides = array<i32>} : memref<4096xf32, #tpu.memory_space<vmem>>, vector<16xf32>,
      tpu.vector_store %arg12[%swap3A_1008], %gather3A_928 {strides = array<i32>} : memref<4096xf32, #tpu.memory_space<vmem>>, vector<16xf32>,
      %mul3A_1010 = arith.constant 16 : i32
      %mul3A_1011 = arith.muli %scan3A_909, %mul3A_1010 : i32
      %mul3A_1012 = arith.constant 8 : i32
      %mul3A_1013 = arith.muli %mul3A_1011, %mul3A_1012 : i32
      %add3A_1014 = arith.constant 96 : i32
      %add3A_1015 = arith.addi %mul3A_1013, %add3A_1014 : i32
      %swap3A_1016 = arith.index_cast %add3A_1015 : i32 to index
      %swap3A_1017 = tpu.vector_load %arg12[%swap3A_1016] {strides = array<i32>} : memref<4096xf32, #tpu.memory_space<vmem>>, vector<16xf32>,
      tpu.vector_store %arg12[%swap3A_1016], %gather3A_929 {strides = array<i32>} : memref<4096xf32, #tpu.memory_space<vmem>>, vector<16xf32>,
      %mul3A_1018 = arith.constant 16 : i32
      %mul3A_1019 = arith.muli %scan3A_909, %mul3A_1018 : i32
      %mul3A_1020 = arith.constant 8 : i32
      %mul3A_1021 = arith.muli %mul3A_1019, %mul3A_1020 : i32
      %add3A_1022 = arith.constant 112 : i32
      %add3A_1023 = arith.addi %mul3A_1021, %add3A_1022 : i32
      %swap3A_1024 = arith.index_cast %add3A_1023 : i32 to index
      %swap3A_1025 = tpu.vector_load %arg12[%swap3A_1024] {strides = array<i32>} : memref<4096xf32, #tpu.memory_space<vmem>>, vector<16xf32>,
      tpu.vector_store %arg12[%swap3A_1024], %gather3A_930 {strides = array<i32>} : memref<4096xf32, #tpu.memory_space<vmem>>, vector<16xf32>,
      scf.yield %get3A_934, %get3A_938, %get3A_942, %get3A_946, %get3A_950, %get3A_954, %get3A_958, %get3A_962 : vector<16xi32>, vector<16xi32>, vector<16xi32>, vector<16xi32>, vector<16xi32>, vector<16xi32>, vector<16xi32>, vector<16xi32>
    }
    %scan3A_214 = arith.constant 32 : i32
    %dma_start3A_215 = arith.constant 4096 : i32
    %dma_start3A_216 = tpu.memref_slice %arg7[%add3A_140, %dma_start3A_215] : memref<64x16384xf32, #tpu.memory_space<hbm>> -> memref<1x4096xf32, #tpu.memory_space<hbm>>
    %dma_start3A_217 = tpu.memref_squeeze %dma_start3A_216 : memref<1x4096xf32, #tpu.memory_space<hbm>> -> memref<4096xf32, #tpu.memory_space<hbm>>
    %dma_start3A_218 = arith.constant 4096 : i32
    %dma_start3A_219 = tpu.memref_slice %arg7[%add3A_140, %dma_start3A_218] : memref<64x16384xf32, #tpu.memory_space<hbm>> -> memref<1x4096xf32, #tpu.memory_space<hbm>>
    %dma_start3A_220 = tpu.memref_squeeze %dma_start3A_219 : memref<1x4096xf32, #tpu.memory_space<hbm>> -> memref<4096xf32, #tpu.memory_space<hbm>>
    tpu.enqueue_dma source(%arg12 : memref<4096xf32, #tpu.memory_space<vmem>>) target(%dma_start3A_220 : memref<4096xf32, #tpu.memory_space<hbm>>) target_semaphore(%arg15 : memref<!tpu.dma_semaphore, #tpu.memory_space<semaphore_mem>>)
    %dma_wait3A_221 = arith.constant 0 : i32
    %dma_wait3A_222 = tpu.memref_slice %arg7[%add3A_140, %dma_wait3A_221] : memref<64x16384xf32, #tpu.memory_space<hbm>> -> memref<1x4096xf32, #tpu.memory_space<hbm>>
    %dma_wait3A_223 = tpu.memref_squeeze %dma_wait3A_222 : memref<1x4096xf32, #tpu.memory_space<hbm>> -> memref<4096xf32, #tpu.memory_space<hbm>>
    %dma_wait3A_224 = arith.constant 0 : i32
    %dma_wait3A_225 = tpu.memref_slice %arg7[%add3A_140, %dma_wait3A_224] : memref<64x16384xf32, #tpu.memory_space<hbm>> -> memref<1x4096xf32, #tpu.memory_space<hbm>>
    %dma_wait3A_226 = tpu.memref_squeeze %dma_wait3A_225 : memref<1x4096xf32, #tpu.memory_space<hbm>> -> memref<4096xf32, #tpu.memory_space<hbm>>
    tpu.wait_dma2 semaphore(%arg14 : memref<!tpu.dma_semaphore, #tpu.memory_space<semaphore_mem>>) src(%arg11 : memref<4096xf32, #tpu.memory_space<vmem>>) dst(%dma_wait3A_226 : memref<4096xf32, #tpu.memory_space<hbm>>)
    %get3A_227 = arith.constant 8192 : index
    %get3A_228 = tpu.vector_load %arg10[%get3A_227] {strides = array<i32>} : memref<16512xi32, #tpu.memory_space<vmem>>, vector<16xi32>,
    %get3A_229 = arith.constant 8208 : index
    %get3A_230 = tpu.vector_load %arg10[%get3A_229] {strides = array<i32>} : memref<16512xi32, #tpu.memory_space<vmem>>, vector<16xi32>,
    %get3A_231 = arith.constant 8224 : index
    %get3A_232 = tpu.vector_load %arg10[%get3A_231] {strides = array<i32>} : memref<16512xi32, #tpu.memory_space<vmem>>, vector<16xi32>,
    %get3A_233 = arith.constant 8240 : index
    %get3A_234 = tpu.vector_load %arg10[%get3A_233] {strides = array<i32>} : memref<16512xi32, #tpu.memory_space<vmem>>, vector<16xi32>,
    %get3A_235 = arith.constant 8256 : index
    %get3A_236 = tpu.vector_load %arg10[%get3A_235] {strides = array<i32>} : memref<16512xi32, #tpu.memory_space<vmem>>, vector<16xi32>,
    %get3A_237 = arith.constant 8272 : index
    %get3A_238 = tpu.vector_load %arg10[%get3A_237] {strides = array<i32>} : memref<16512xi32, #tpu.memory_space<vmem>>, vector<16xi32>,
    %get3A_239 = arith.constant 8288 : index
    %get3A_240 = tpu.vector_load %arg10[%get3A_239] {strides = array<i32>} : memref<16512xi32, #tpu.memory_space<vmem>>, vector<16xi32>,
    %get3A_241 = arith.constant 8304 : index
    %get3A_242 = tpu.vector_load %arg10[%get3A_241] {strides = array<i32>} : memref<16512xi32, #tpu.memory_space<vmem>>, vector<16xi32>,
    %scan3A_243 = arith.constant 0 : i32
    %scan3A_244 = arith.constant 32 : i32
    %scan3A_245 = arith.addi %scan3A_243, %scan3A_244 : i32
    %scan3A_246 = arith.constant 1 : i32
    %scan3A_247:8 = scf.for %scan3A_909 = %scan3A_243 to %scan3A_245 step %scan3A_246 iter_args(%scan3A_910 = %get3A_228, %scan3A_911 = %get3A_230, %scan3A_912 = %get3A_232, %scan3A_913 = %get3A_234, %scan3A_914 = %get3A_236, %scan3A_915 = %get3A_238, %scan3A_916 = %get3A_240, %scan3A_917 = %get3A_242) -> (vector<16xi32>, vector<16xi32>, vector<16xi32>, vector<16xi32>, vector<16xi32>, vector<16xi32>, vector<16xi32>, vector<16xi32>)  : i32 {
      %mul3A_918 = arith.constant 16 : i32
      %mul3A_919 = arith.muli %scan3A_909, %mul3A_918 : i32
      %mul3A_920 = arith.constant 8 : i32
      %mul3A_921 = arith.muli %mul3A_919, %mul3A_920 : i32
      %add3A_922 = arith.constant 8192 : i32
      %add3A_923 = arith.addi %add3A_922, %mul3A_921 : i32
      %gather3A = tpu.vector_load_idx %arg9[%scan3A_910] : memref<100000xf32, #tpu.memory_space<vmem>>[vector<16xi32>], vector<16xf32>,
      %gather3A_924 = tpu.vector_load_idx %arg9[%scan3A_911] : memref<100000xf32, #tpu.memory_space<vmem>>[vector<16xi32>], vector<16xf32>,
      %gather3A_925 = tpu.vector_load_idx %arg9[%scan3A_912] : memref<100000xf32, #tpu.memory_space<vmem>>[vector<16xi32>], vector<16xf32>,
      %gather3A_926 = tpu.vector_load_idx %arg9[%scan3A_913] : memref<100000xf32, #tpu.memory_space<vmem>>[vector<16xi32>], vector<16xf32>,
      %gather3A_927 = tpu.vector_load_idx %arg9[%scan3A_914] : memref<100000xf32, #tpu.memory_space<vmem>>[vector<16xi32>], vector<16xf32>,
      %gather3A_928 = tpu.vector_load_idx %arg9[%scan3A_915] : memref<100000xf32, #tpu.memory_space<vmem>>[vector<16xi32>], vector<16xf32>,
      %gather3A_929 = tpu.vector_load_idx %arg9[%scan3A_916] : memref<100000xf32, #tpu.memory_space<vmem>>[vector<16xi32>], vector<16xf32>,
      %gather3A_930 = tpu.vector_load_idx %arg9[%scan3A_917] : memref<100000xf32, #tpu.memory_space<vmem>>[vector<16xi32>], vector<16xf32>,
      %add3A_931 = arith.constant 128 : i32
      %add3A_932 = arith.addi %add3A_923, %add3A_931 : i32
      %get3A_933 = arith.index_cast %add3A_932 : i32 to index
      %get3A_934 = tpu.vector_load %arg10[%get3A_933] {strides = array<i32>} : memref<16512xi32, #tpu.memory_space<vmem>>, vector<16xi32>,
      %add3A_935 = arith.constant 144 : i32
      %add3A_936 = arith.addi %add3A_923, %add3A_935 : i32
      %get3A_937 = arith.index_cast %add3A_936 : i32 to index
      %get3A_938 = tpu.vector_load %arg10[%get3A_937] {strides = array<i32>} : memref<16512xi32, #tpu.memory_space<vmem>>, vector<16xi32>,
      %add3A_939 = arith.constant 160 : i32
      %add3A_940 = arith.addi %add3A_923, %add3A_939 : i32
      %get3A_941 = arith.index_cast %add3A_940 : i32 to index
      %get3A_942 = tpu.vector_load %arg10[%get3A_941] {strides = array<i32>} : memref<16512xi32, #tpu.memory_space<vmem>>, vector<16xi32>,
      %add3A_943 = arith.constant 176 : i32
      %add3A_944 = arith.addi %add3A_923, %add3A_943 : i32
      %get3A_945 = arith.index_cast %add3A_944 : i32 to index
      %get3A_946 = tpu.vector_load %arg10[%get3A_945] {strides = array<i32>} : memref<16512xi32, #tpu.memory_space<vmem>>, vector<16xi32>,
      %add3A_947 = arith.constant 192 : i32
      %add3A_948 = arith.addi %add3A_923, %add3A_947 : i32
      %get3A_949 = arith.index_cast %add3A_948 : i32 to index
      %get3A_950 = tpu.vector_load %arg10[%get3A_949] {strides = array<i32>} : memref<16512xi32, #tpu.memory_space<vmem>>, vector<16xi32>,
      %add3A_951 = arith.constant 208 : i32
      %add3A_952 = arith.addi %add3A_923, %add3A_951 : i32
      %get3A_953 = arith.index_cast %add3A_952 : i32 to index
      %get3A_954 = tpu.vector_load %arg10[%get3A_953] {strides = array<i32>} : memref<16512xi32, #tpu.memory_space<vmem>>, vector<16xi32>,
      %add3A_955 = arith.constant 224 : i32
      %add3A_956 = arith.addi %add3A_923, %add3A_955 : i32
      %get3A_957 = arith.index_cast %add3A_956 : i32 to index
      %get3A_958 = tpu.vector_load %arg10[%get3A_957] {strides = array<i32>} : memref<16512xi32, #tpu.memory_space<vmem>>, vector<16xi32>,
      %add3A_959 = arith.constant 240 : i32
      %add3A_960 = arith.addi %add3A_923, %add3A_959 : i32
      %get3A_961 = arith.index_cast %add3A_960 : i32 to index
      %get3A_962 = tpu.vector_load %arg10[%get3A_961] {strides = array<i32>} : memref<16512xi32, #tpu.memory_space<vmem>>, vector<16xi32>,
      %mul3A_963 = arith.constant 16 : i32
      %mul3A_964 = arith.muli %scan3A_909, %mul3A_963 : i32
      %mul3A_965 = arith.constant 8 : i32
      %mul3A_966 = arith.muli %mul3A_964, %mul3A_965 : i32
      %add3A_967 = arith.constant 0 : i32
      %add3A_968 = arith.addi %mul3A_966, %add3A_967 : i32
      %swap3A = arith.index_cast %add3A_968 : i32 to index
      %swap3A_969 = tpu.vector_load %arg11[%swap3A] {strides = array<i32>} : memref<4096xf32, #tpu.memory_space<vmem>>, vector<16xf32>,
      tpu.vector_store %arg11[%swap3A], %gather3A {strides = array<i32>} : memref<4096xf32, #tpu.memory_space<vmem>>, vector<16xf32>,
      %mul3A_970 = arith.constant 16 : i32
      %mul3A_971 = arith.muli %scan3A_909, %mul3A_970 : i32
      %mul3A_972 = arith.constant 8 : i32
      %mul3A_973 = arith.muli %mul3A_971, %mul3A_972 : i32
      %add3A_974 = arith.constant 16 : i32
      %add3A_975 = arith.addi %mul3A_973, %add3A_974 : i32
      %swap3A_976 = arith.index_cast %add3A_975 : i32 to index
      %swap3A_977 = tpu.vector_load %arg11[%swap3A_976] {strides = array<i32>} : memref<4096xf32, #tpu.memory_space<vmem>>, vector<16xf32>,
      tpu.vector_store %arg11[%swap3A_976], %gather3A_924 {strides = array<i32>} : memref<4096xf32, #tpu.memory_space<vmem>>, vector<16xf32>,
      %mul3A_978 = arith.constant 16 : i32
      %mul3A_979 = arith.muli %scan3A_909, %mul3A_978 : i32
      %mul3A_980 = arith.constant 8 : i32
      %mul3A_981 = arith.muli %mul3A_979, %mul3A_980 : i32
      %add3A_982 = arith.constant 32 : i32
      %add3A_983 = arith.addi %mul3A_981, %add3A_982 : i32
      %swap3A_984 = arith.index_cast %add3A_983 : i32 to index
      %swap3A_985 = tpu.vector_load %arg11[%swap3A_984] {strides = array<i32>} : memref<4096xf32, #tpu.memory_space<vmem>>, vector<16xf32>,
      tpu.vector_store %arg11[%swap3A_984], %gather3A_925 {strides = array<i32>} : memref<4096xf32, #tpu.memory_space<vmem>>, vector<16xf32>,
      %mul3A_986 = arith.constant 16 : i32
      %mul3A_987 = arith.muli %scan3A_909, %mul3A_986 : i32
      %mul3A_988 = arith.constant 8 : i32
      %mul3A_989 = arith.muli %mul3A_987, %mul3A_988 : i32
      %add3A_990 = arith.constant 48 : i32
      %add3A_991 = arith.addi %mul3A_989, %add3A_990 : i32
      %swap3A_992 = arith.index_cast %add3A_991 : i32 to index
      %swap3A_993 = tpu.vector_load %arg11[%swap3A_992] {strides = array<i32>} : memref<4096xf32, #tpu.memory_space<vmem>>, vector<16xf32>,
      tpu.vector_store %arg11[%swap3A_992], %gather3A_926 {strides = array<i32>} : memref<4096xf32, #tpu.memory_space<vmem>>, vector<16xf32>,
      %mul3A_994 = arith.constant 16 : i32
      %mul3A_995 = arith.muli %scan3A_909, %mul3A_994 : i32
      %mul3A_996 = arith.constant 8 : i32
      %mul3A_997 = arith.muli %mul3A_995, %mul3A_996 : i32
      %add3A_998 = arith.constant 64 : i32
      %add3A_999 = arith.addi %mul3A_997, %add3A_998 : i32
      %swap3A_1000 = arith.index_cast %add3A_999 : i32 to index
      %swap3A_1001 = tpu.vector_load %arg11[%swap3A_1000] {strides = array<i32>} : memref<4096xf32, #tpu.memory_space<vmem>>, vector<16xf32>,
      tpu.vector_store %arg11[%swap3A_1000], %gather3A_927 {strides = array<i32>} : memref<4096xf32, #tpu.memory_space<vmem>>, vector<16xf32>,
      %mul3A_1002 = arith.constant 16 : i32
      %mul3A_1003 = arith.muli %scan3A_909, %mul3A_1002 : i32
      %mul3A_1004 = arith.constant 8 : i32
      %mul3A_1005 = arith.muli %mul3A_1003, %mul3A_1004 : i32
      %add3A_1006 = arith.constant 80 : i32
      %add3A_1007 = arith.addi %mul3A_1005, %add3A_1006 : i32
      %swap3A_1008 = arith.index_cast %add3A_1007 : i32 to index
      %swap3A_1009 = tpu.vector_load %arg11[%swap3A_1008] {strides = array<i32>} : memref<4096xf32, #tpu.memory_space<vmem>>, vector<16xf32>,
      tpu.vector_store %arg11[%swap3A_1008], %gather3A_928 {strides = array<i32>} : memref<4096xf32, #tpu.memory_space<vmem>>, vector<16xf32>,
      %mul3A_1010 = arith.constant 16 : i32
      %mul3A_1011 = arith.muli %scan3A_909, %mul3A_1010 : i32
      %mul3A_1012 = arith.constant 8 : i32
      %mul3A_1013 = arith.muli %mul3A_1011, %mul3A_1012 : i32
      %add3A_1014 = arith.constant 96 : i32
      %add3A_1015 = arith.addi %mul3A_1013, %add3A_1014 : i32
      %swap3A_1016 = arith.index_cast %add3A_1015 : i32 to index
      %swap3A_1017 = tpu.vector_load %arg11[%swap3A_1016] {strides = array<i32>} : memref<4096xf32, #tpu.memory_space<vmem>>, vector<16xf32>,
      tpu.vector_store %arg11[%swap3A_1016], %gather3A_929 {strides = array<i32>} : memref<4096xf32, #tpu.memory_space<vmem>>, vector<16xf32>,
      %mul3A_1018 = arith.constant 16 : i32
      %mul3A_1019 = arith.muli %scan3A_909, %mul3A_1018 : i32
      %mul3A_1020 = arith.constant 8 : i32
      %mul3A_1021 = arith.muli %mul3A_1019, %mul3A_1020 : i32
      %add3A_1022 = arith.constant 112 : i32
      %add3A_1023 = arith.addi %mul3A_1021, %add3A_1022 : i32
      %swap3A_1024 = arith.index_cast %add3A_1023 : i32 to index
      %swap3A_1025 = tpu.vector_load %arg11[%swap3A_1024] {strides = array<i32>} : memref<4096xf32, #tpu.memory_space<vmem>>, vector<16xf32>,
      tpu.vector_store %arg11[%swap3A_1024], %gather3A_930 {strides = array<i32>} : memref<4096xf32, #tpu.memory_space<vmem>>, vector<16xf32>,
      scf.yield %get3A_934, %get3A_938, %get3A_942, %get3A_946, %get3A_950, %get3A_954, %get3A_958, %get3A_962 : vector<16xi32>, vector<16xi32>, vector<16xi32>, vector<16xi32>, vector<16xi32>, vector<16xi32>, vector<16xi32>, vector<16xi32>
    }
    %scan3A_248 = arith.constant 32 : i32
    %dma_start3A_249 = arith.constant 8192 : i32
    %dma_start3A_250 = tpu.memref_slice %arg7[%add3A_140, %dma_start3A_249] : memref<64x16384xf32, #tpu.memory_space<hbm>> -> memref<1x4096xf32, #tpu.memory_space<hbm>>
    %dma_start3A_251 = tpu.memref_squeeze %dma_start3A_250 : memref<1x4096xf32, #tpu.memory_space<hbm>> -> memref<4096xf32, #tpu.memory_space<hbm>>
    %dma_start3A_252 = arith.constant 8192 : i32
    %dma_start3A_253 = tpu.memref_slice %arg7[%add3A_140, %dma_start3A_252] : memref<64x16384xf32, #tpu.memory_space<hbm>> -> memref<1x4096xf32, #tpu.memory_space<hbm>>
    %dma_start3A_254 = tpu.memref_squeeze %dma_start3A_253 : memref<1x4096xf32, #tpu.memory_space<hbm>> -> memref<4096xf32, #tpu.memory_space<hbm>>
    tpu.enqueue_dma source(%arg11 : memref<4096xf32, #tpu.memory_space<vmem>>) target(%dma_start3A_254 : memref<4096xf32, #tpu.memory_space<hbm>>) target_semaphore(%arg14 : memref<!tpu.dma_semaphore, #tpu.memory_space<semaphore_mem>>)
    %dma_wait3A_255 = arith.constant 4096 : i32
    %dma_wait3A_256 = tpu.memref_slice %arg7[%add3A_140, %dma_wait3A_255] : memref<64x16384xf32, #tpu.memory_space<hbm>> -> memref<1x4096xf32, #tpu.memory_space<hbm>>
    %dma_wait3A_257 = tpu.memref_squeeze %dma_wait3A_256 : memref<1x4096xf32, #tpu.memory_space<hbm>> -> memref<4096xf32, #tpu.memory_space<hbm>>
    %dma_wait3A_258 = arith.constant 4096 : i32
    %dma_wait3A_259 = tpu.memref_slice %arg7[%add3A_140, %dma_wait3A_258] : memref<64x16384xf32, #tpu.memory_space<hbm>> -> memref<1x4096xf32, #tpu.memory_space<hbm>>
    %dma_wait3A_260 = tpu.memref_squeeze %dma_wait3A_259 : memref<1x4096xf32, #tpu.memory_space<hbm>> -> memref<4096xf32, #tpu.memory_space<hbm>>
    tpu.wait_dma2 semaphore(%arg15 : memref<!tpu.dma_semaphore, #tpu.memory_space<semaphore_mem>>) src(%arg12 : memref<4096xf32, #tpu.memory_space<vmem>>) dst(%dma_wait3A_260 : memref<4096xf32, #tpu.memory_space<hbm>>)
    %get3A_261 = arith.constant 12288 : index
    %get3A_262 = tpu.vector_load %arg10[%get3A_261] {strides = array<i32>} : memref<16512xi32, #tpu.memory_space<vmem>>, vector<16xi32>,
    %get3A_263 = arith.constant 12304 : index
    %get3A_264 = tpu.vector_load %arg10[%get3A_263] {strides = array<i32>} : memref<16512xi32, #tpu.memory_space<vmem>>, vector<16xi32>,
    %get3A_265 = arith.constant 12320 : index
    %get3A_266 = tpu.vector_load %arg10[%get3A_265] {strides = array<i32>} : memref<16512xi32, #tpu.memory_space<vmem>>, vector<16xi32>,
    %get3A_267 = arith.constant 12336 : index
    %get3A_268 = tpu.vector_load %arg10[%get3A_267] {strides = array<i32>} : memref<16512xi32, #tpu.memory_space<vmem>>, vector<16xi32>,
    %get3A_269 = arith.constant 12352 : index
    %get3A_270 = tpu.vector_load %arg10[%get3A_269] {strides = array<i32>} : memref<16512xi32, #tpu.memory_space<vmem>>, vector<16xi32>,
    %get3A_271 = arith.constant 12368 : index
    %get3A_272 = tpu.vector_load %arg10[%get3A_271] {strides = array<i32>} : memref<16512xi32, #tpu.memory_space<vmem>>, vector<16xi32>,
    %get3A_273 = arith.constant 12384 : index
    %get3A_274 = tpu.vector_load %arg10[%get3A_273] {strides = array<i32>} : memref<16512xi32, #tpu.memory_space<vmem>>, vector<16xi32>,
    %get3A_275 = arith.constant 12400 : index
    %get3A_276 = tpu.vector_load %arg10[%get3A_275] {strides = array<i32>} : memref<16512xi32, #tpu.memory_space<vmem>>, vector<16xi32>,
    %scan3A_277 = arith.constant 0 : i32
    %scan3A_278 = arith.constant 32 : i32
    %scan3A_279 = arith.addi %scan3A_277, %scan3A_278 : i32
    %scan3A_280 = arith.constant 1 : i32
    %scan3A_281:8 = scf.for %scan3A_909 = %scan3A_277 to %scan3A_279 step %scan3A_280 iter_args(%scan3A_910 = %get3A_262, %scan3A_911 = %get3A_264, %scan3A_912 = %get3A_266, %scan3A_913 = %get3A_268, %scan3A_914 = %get3A_270, %scan3A_915 = %get3A_272, %scan3A_916 = %get3A_274, %scan3A_917 = %get3A_276) -> (vector<16xi32>, vector<16xi32>, vector<16xi32>, vector<16xi32>, vector<16xi32>, vector<16xi32>, vector<16xi32>, vector<16xi32>)  : i32 {
      %mul3A_918 = arith.constant 16 : i32
      %mul3A_919 = arith.muli %scan3A_909, %mul3A_918 : i32
      %mul3A_920 = arith.constant 8 : i32
      %mul3A_921 = arith.muli %mul3A_919, %mul3A_920 : i32
      %add3A_922 = arith.constant 12288 : i32
      %add3A_923 = arith.addi %add3A_922, %mul3A_921 : i32
      %gather3A = tpu.vector_load_idx %arg9[%scan3A_910] : memref<100000xf32, #tpu.memory_space<vmem>>[vector<16xi32>], vector<16xf32>,
      %gather3A_924 = tpu.vector_load_idx %arg9[%scan3A_911] : memref<100000xf32, #tpu.memory_space<vmem>>[vector<16xi32>], vector<16xf32>,
      %gather3A_925 = tpu.vector_load_idx %arg9[%scan3A_912] : memref<100000xf32, #tpu.memory_space<vmem>>[vector<16xi32>], vector<16xf32>,
      %gather3A_926 = tpu.vector_load_idx %arg9[%scan3A_913] : memref<100000xf32, #tpu.memory_space<vmem>>[vector<16xi32>], vector<16xf32>,
      %gather3A_927 = tpu.vector_load_idx %arg9[%scan3A_914] : memref<100000xf32, #tpu.memory_space<vmem>>[vector<16xi32>], vector<16xf32>,
      %gather3A_928 = tpu.vector_load_idx %arg9[%scan3A_915] : memref<100000xf32, #tpu.memory_space<vmem>>[vector<16xi32>], vector<16xf32>,
      %gather3A_929 = tpu.vector_load_idx %arg9[%scan3A_916] : memref<100000xf32, #tpu.memory_space<vmem>>[vector<16xi32>], vector<16xf32>,
      %gather3A_930 = tpu.vector_load_idx %arg9[%scan3A_917] : memref<100000xf32, #tpu.memory_space<vmem>>[vector<16xi32>], vector<16xf32>,
      %add3A_931 = arith.constant 128 : i32
      %add3A_932 = arith.addi %add3A_923, %add3A_931 : i32
      %get3A_933 = arith.index_cast %add3A_932 : i32 to index
      %get3A_934 = tpu.vector_load %arg10[%get3A_933] {strides = array<i32>} : memref<16512xi32, #tpu.memory_space<vmem>>, vector<16xi32>,
      %add3A_935 = arith.constant 144 : i32
      %add3A_936 = arith.addi %add3A_923, %add3A_935 : i32
      %get3A_937 = arith.index_cast %add3A_936 : i32 to index
      %get3A_938 = tpu.vector_load %arg10[%get3A_937] {strides = array<i32>} : memref<16512xi32, #tpu.memory_space<vmem>>, vector<16xi32>,
      %add3A_939 = arith.constant 160 : i32
      %add3A_940 = arith.addi %add3A_923, %add3A_939 : i32
      %get3A_941 = arith.index_cast %add3A_940 : i32 to index
      %get3A_942 = tpu.vector_load %arg10[%get3A_941] {strides = array<i32>} : memref<16512xi32, #tpu.memory_space<vmem>>, vector<16xi32>,
      %add3A_943 = arith.constant 176 : i32
      %add3A_944 = arith.addi %add3A_923, %add3A_943 : i32
      %get3A_945 = arith.index_cast %add3A_944 : i32 to index
      %get3A_946 = tpu.vector_load %arg10[%get3A_945] {strides = array<i32>} : memref<16512xi32, #tpu.memory_space<vmem>>, vector<16xi32>,
      %add3A_947 = arith.constant 192 : i32
      %add3A_948 = arith.addi %add3A_923, %add3A_947 : i32
      %get3A_949 = arith.index_cast %add3A_948 : i32 to index
      %get3A_950 = tpu.vector_load %arg10[%get3A_949] {strides = array<i32>} : memref<16512xi32, #tpu.memory_space<vmem>>, vector<16xi32>,
      %add3A_951 = arith.constant 208 : i32
      %add3A_952 = arith.addi %add3A_923, %add3A_951 : i32
      %get3A_953 = arith.index_cast %add3A_952 : i32 to index
      %get3A_954 = tpu.vector_load %arg10[%get3A_953] {strides = array<i32>} : memref<16512xi32, #tpu.memory_space<vmem>>, vector<16xi32>,
      %add3A_955 = arith.constant 224 : i32
      %add3A_956 = arith.addi %add3A_923, %add3A_955 : i32
      %get3A_957 = arith.index_cast %add3A_956 : i32 to index
      %get3A_958 = tpu.vector_load %arg10[%get3A_957] {strides = array<i32>} : memref<16512xi32, #tpu.memory_space<vmem>>, vector<16xi32>,
      %add3A_959 = arith.constant 240 : i32
      %add3A_960 = arith.addi %add3A_923, %add3A_959 : i32
      %get3A_961 = arith.index_cast %add3A_960 : i32 to index
      %get3A_962 = tpu.vector_load %arg10[%get3A_961] {strides = array<i32>} : memref<16512xi32, #tpu.memory_space<vmem>>, vector<16xi32>,
      %mul3A_963 = arith.constant 16 : i32
      %mul3A_964 = arith.muli %scan3A_909, %mul3A_963 : i32
      %mul3A_965 = arith.constant 8 : i32
      %mul3A_966 = arith.muli %mul3A_964, %mul3A_965 : i32
      %add3A_967 = arith.constant 0 : i32
      %add3A_968 = arith.addi %mul3A_966, %add3A_967 : i32
      %swap3A = arith.index_cast %add3A_968 : i32 to index
      %swap3A_969 = tpu.vector_load %arg12[%swap3A] {strides = array<i32>} : memref<4096xf32, #tpu.memory_space<vmem>>, vector<16xf32>,
      tpu.vector_store %arg12[%swap3A], %gather3A {strides = array<i32>} : memref<4096xf32, #tpu.memory_space<vmem>>, vector<16xf32>,
      %mul3A_970 = arith.constant 16 : i32
      %mul3A_971 = arith.muli %scan3A_909, %mul3A_970 : i32
      %mul3A_972 = arith.constant 8 : i32
      %mul3A_973 = arith.muli %mul3A_971, %mul3A_972 : i32
      %add3A_974 = arith.constant 16 : i32
      %add3A_975 = arith.addi %mul3A_973, %add3A_974 : i32
      %swap3A_976 = arith.index_cast %add3A_975 : i32 to index
      %swap3A_977 = tpu.vector_load %arg12[%swap3A_976] {strides = array<i32>} : memref<4096xf32, #tpu.memory_space<vmem>>, vector<16xf32>,
      tpu.vector_store %arg12[%swap3A_976], %gather3A_924 {strides = array<i32>} : memref<4096xf32, #tpu.memory_space<vmem>>, vector<16xf32>,
      %mul3A_978 = arith.constant 16 : i32
      %mul3A_979 = arith.muli %scan3A_909, %mul3A_978 : i32
      %mul3A_980 = arith.constant 8 : i32
      %mul3A_981 = arith.muli %mul3A_979, %mul3A_980 : i32
      %add3A_982 = arith.constant 32 : i32
      %add3A_983 = arith.addi %mul3A_981, %add3A_982 : i32
      %swap3A_984 = arith.index_cast %add3A_983 : i32 to index
      %swap3A_985 = tpu.vector_load %arg12[%swap3A_984] {strides = array<i32>} : memref<4096xf32, #tpu.memory_space<vmem>>, vector<16xf32>,
      tpu.vector_store %arg12[%swap3A_984], %gather3A_925 {strides = array<i32>} : memref<4096xf32, #tpu.memory_space<vmem>>, vector<16xf32>,
      %mul3A_986 = arith.constant 16 : i32
      %mul3A_987 = arith.muli %scan3A_909, %mul3A_986 : i32
      %mul3A_988 = arith.constant 8 : i32
      %mul3A_989 = arith.muli %mul3A_987, %mul3A_988 : i32
      %add3A_990 = arith.constant 48 : i32
      %add3A_991 = arith.addi %mul3A_989, %add3A_990 : i32
      %swap3A_992 = arith.index_cast %add3A_991 : i32 to index
      %swap3A_993 = tpu.vector_load %arg12[%swap3A_992] {strides = array<i32>} : memref<4096xf32, #tpu.memory_space<vmem>>, vector<16xf32>,
      tpu.vector_store %arg12[%swap3A_992], %gather3A_926 {strides = array<i32>} : memref<4096xf32, #tpu.memory_space<vmem>>, vector<16xf32>,
      %mul3A_994 = arith.constant 16 : i32
      %mul3A_995 = arith.muli %scan3A_909, %mul3A_994 : i32
      %mul3A_996 = arith.constant 8 : i32
      %mul3A_997 = arith.muli %mul3A_995, %mul3A_996 : i32
      %add3A_998 = arith.constant 64 : i32
      %add3A_999 = arith.addi %mul3A_997, %add3A_998 : i32
      %swap3A_1000 = arith.index_cast %add3A_999 : i32 to index
      %swap3A_1001 = tpu.vector_load %arg12[%swap3A_1000] {strides = array<i32>} : memref<4096xf32, #tpu.memory_space<vmem>>, vector<16xf32>,
      tpu.vector_store %arg12[%swap3A_1000], %gather3A_927 {strides = array<i32>} : memref<4096xf32, #tpu.memory_space<vmem>>, vector<16xf32>,
      %mul3A_1002 = arith.constant 16 : i32
      %mul3A_1003 = arith.muli %scan3A_909, %mul3A_1002 : i32
      %mul3A_1004 = arith.constant 8 : i32
      %mul3A_1005 = arith.muli %mul3A_1003, %mul3A_1004 : i32
      %add3A_1006 = arith.constant 80 : i32
      %add3A_1007 = arith.addi %mul3A_1005, %add3A_1006 : i32
      %swap3A_1008 = arith.index_cast %add3A_1007 : i32 to index
      %swap3A_1009 = tpu.vector_load %arg12[%swap3A_1008] {strides = array<i32>} : memref<4096xf32, #tpu.memory_space<vmem>>, vector<16xf32>,
      tpu.vector_store %arg12[%swap3A_1008], %gather3A_928 {strides = array<i32>} : memref<4096xf32, #tpu.memory_space<vmem>>, vector<16xf32>,
      %mul3A_1010 = arith.constant 16 : i32
      %mul3A_1011 = arith.muli %scan3A_909, %mul3A_1010 : i32
      %mul3A_1012 = arith.constant 8 : i32
      %mul3A_1013 = arith.muli %mul3A_1011, %mul3A_1012 : i32
      %add3A_1014 = arith.constant 96 : i32
      %add3A_1015 = arith.addi %mul3A_1013, %add3A_1014 : i32
      %swap3A_1016 = arith.index_cast %add3A_1015 : i32 to index
      %swap3A_1017 = tpu.vector_load %arg12[%swap3A_1016] {strides = array<i32>} : memref<4096xf32, #tpu.memory_space<vmem>>, vector<16xf32>,
      tpu.vector_store %arg12[%swap3A_1016], %gather3A_929 {strides = array<i32>} : memref<4096xf32, #tpu.memory_space<vmem>>, vector<16xf32>,
      %mul3A_1018 = arith.constant 16 : i32
      %mul3A_1019 = arith.muli %scan3A_909, %mul3A_1018 : i32
      %mul3A_1020 = arith.constant 8 : i32
      %mul3A_1021 = arith.muli %mul3A_1019, %mul3A_1020 : i32
      %add3A_1022 = arith.constant 112 : i32
      %add3A_1023 = arith.addi %mul3A_1021, %add3A_1022 : i32
      %swap3A_1024 = arith.index_cast %add3A_1023 : i32 to index
      %swap3A_1025 = tpu.vector_load %arg12[%swap3A_1024] {strides = array<i32>} : memref<4096xf32, #tpu.memory_space<vmem>>, vector<16xf32>,
      tpu.vector_store %arg12[%swap3A_1024], %gather3A_930 {strides = array<i32>} : memref<4096xf32, #tpu.memory_space<vmem>>, vector<16xf32>,
      scf.yield %get3A_934, %get3A_938, %get3A_942, %get3A_946, %get3A_950, %get3A_954, %get3A_958, %get3A_962 : vector<16xi32>, vector<16xi32>, vector<16xi32>, vector<16xi32>, vector<16xi32>, vector<16xi32>, vector<16xi32>, vector<16xi32>
    }
    %scan3A_282 = arith.constant 32 : i32
    %dma_start3A_283 = arith.constant 12288 : i32
    %dma_start3A_284 = tpu.memref_slice %arg7[%add3A_140, %dma_start3A_283] : memref<64x16384xf32, #tpu.memory_space<hbm>> -> memref<1x4096xf32, #tpu.memory_space<hbm>>
    %dma_start3A_285 = tpu.memref_squeeze %dma_start3A_284 : memref<1x4096xf32, #tpu.memory_space<hbm>> -> memref<4096xf32, #tpu.memory_space<hbm>>
    %dma_start3A_286 = arith.constant 12288 : i32
    %dma_start3A_287 = tpu.memref_slice %arg7[%add3A_140, %dma_start3A_286] : memref<64x16384xf32, #tpu.memory_space<hbm>> -> memref<1x4096xf32, #tpu.memory_space<hbm>>
    %dma_start3A_288 = tpu.memref_squeeze %dma_start3A_287 : memref<1x4096xf32, #tpu.memory_space<hbm>> -> memref<4096xf32, #tpu.memory_space<hbm>>
    tpu.enqueue_dma source(%arg12 : memref<4096xf32, #tpu.memory_space<vmem>>) target(%dma_start3A_288 : memref<4096xf32, #tpu.memory_space<hbm>>) target_semaphore(%arg15 : memref<!tpu.dma_semaphore, #tpu.memory_space<semaphore_mem>>)
    %mul3A_289 = arith.constant 2 : i32
    %mul3A_290 = arith.muli %add3A, %mul3A_289 : i32
    %add3A_291 = arith.constant 0 : i32
    %add3A_292 = arith.addi %mul3A_290, %add3A_291 : i32
    %dma_start3A_293 = arith.constant 0 : i32
    %dma_start3A_294 = tpu.memref_slice %arg5[%add3A_292, %dma_start3A_293] : memref<64x100000xf32, #tpu.memory_space<hbm>> -> memref<1x100000xf32, #tpu.memory_space<hbm>>
    %dma_start3A_295 = tpu.memref_squeeze %dma_start3A_294 : memref<1x100000xf32, #tpu.memory_space<hbm>> -> memref<100000xf32, #tpu.memory_space<hbm>>
    %dma_start3A_296 = arith.constant 0 : i32
    %dma_start3A_297 = tpu.memref_slice %arg5[%add3A_292, %dma_start3A_296] : memref<64x100000xf32, #tpu.memory_space<hbm>> -> memref<1x100000xf32, #tpu.memory_space<hbm>>
    %dma_start3A_298 = tpu.memref_squeeze %dma_start3A_297 : memref<1x100000xf32, #tpu.memory_space<hbm>> -> memref<100000xf32, #tpu.memory_space<hbm>>
    tpu.enqueue_dma source(%dma_start3A_298 : memref<100000xf32, #tpu.memory_space<hbm>>) target(%arg9 : memref<100000xf32, #tpu.memory_space<vmem>>) target_semaphore(%arg13 : memref<!tpu.dma_semaphore, #tpu.memory_space<semaphore_mem>>)
    %dma_wait3A_299 = arith.constant 0 : i32
    %dma_wait3A_300 = tpu.memref_slice %arg5[%add3A_292, %dma_wait3A_299] : memref<64x100000xf32, #tpu.memory_space<hbm>> -> memref<1x100000xf32, #tpu.memory_space<hbm>>
    %dma_wait3A_301 = tpu.memref_squeeze %dma_wait3A_300 : memref<1x100000xf32, #tpu.memory_space<hbm>> -> memref<100000xf32, #tpu.memory_space<hbm>>
    %dma_wait3A_302 = arith.constant 0 : i32
    %dma_wait3A_303 = tpu.memref_slice %arg5[%add3A_292, %dma_wait3A_302] : memref<64x100000xf32, #tpu.memory_space<hbm>> -> memref<1x100000xf32, #tpu.memory_space<hbm>>
    %dma_wait3A_304 = tpu.memref_squeeze %dma_wait3A_303 : memref<1x100000xf32, #tpu.memory_space<hbm>> -> memref<100000xf32, #tpu.memory_space<hbm>>
    tpu.wait_dma2 semaphore(%arg13 : memref<!tpu.dma_semaphore, #tpu.memory_space<semaphore_mem>>) src(%dma_wait3A_304 : memref<100000xf32, #tpu.memory_space<hbm>>) dst(%arg9 : memref<100000xf32, #tpu.memory_space<vmem>>)
    %dma_wait3A_305 = arith.constant 8192 : i32
    %dma_wait3A_306 = tpu.memref_slice %arg7[%add3A_140, %dma_wait3A_305] : memref<64x16384xf32, #tpu.memory_space<hbm>> -> memref<1x4096xf32, #tpu.memory_space<hbm>>
    %dma_wait3A_307 = tpu.memref_squeeze %dma_wait3A_306 : memref<1x4096xf32, #tpu.memory_space<hbm>> -> memref<4096xf32, #tpu.memory_space<hbm>>
    %dma_wait3A_308 = arith.constant 8192 : i32
    %dma_wait3A_309 = tpu.memref_slice %arg7[%add3A_140, %dma_wait3A_308] : memref<64x16384xf32, #tpu.memory_space<hbm>> -> memref<1x4096xf32, #tpu.memory_space<hbm>>
    %dma_wait3A_310 = tpu.memref_squeeze %dma_wait3A_309 : memref<1x4096xf32, #tpu.memory_space<hbm>> -> memref<4096xf32, #tpu.memory_space<hbm>>
    tpu.wait_dma2 semaphore(%arg14 : memref<!tpu.dma_semaphore, #tpu.memory_space<semaphore_mem>>) src(%arg11 : memref<4096xf32, #tpu.memory_space<vmem>>) dst(%dma_wait3A_310 : memref<4096xf32, #tpu.memory_space<hbm>>)
    %get3A_311 = arith.constant 0 : index
    %get3A_312 = tpu.vector_load %arg10[%get3A_311] {strides = array<i32>} : memref<16512xi32, #tpu.memory_space<vmem>>, vector<16xi32>,
    %get3A_313 = arith.constant 16 : index
    %get3A_314 = tpu.vector_load %arg10[%get3A_313] {strides = array<i32>} : memref<16512xi32, #tpu.memory_space<vmem>>, vector<16xi32>,
    %get3A_315 = arith.constant 32 : index
    %get3A_316 = tpu.vector_load %arg10[%get3A_315] {strides = array<i32>} : memref<16512xi32, #tpu.memory_space<vmem>>, vector<16xi32>,
    %get3A_317 = arith.constant 48 : index
    %get3A_318 = tpu.vector_load %arg10[%get3A_317] {strides = array<i32>} : memref<16512xi32, #tpu.memory_space<vmem>>, vector<16xi32>,
    %get3A_319 = arith.constant 64 : index
    %get3A_320 = tpu.vector_load %arg10[%get3A_319] {strides = array<i32>} : memref<16512xi32, #tpu.memory_space<vmem>>, vector<16xi32>,
    %get3A_321 = arith.constant 80 : index
    %get3A_322 = tpu.vector_load %arg10[%get3A_321] {strides = array<i32>} : memref<16512xi32, #tpu.memory_space<vmem>>, vector<16xi32>,
    %get3A_323 = arith.constant 96 : index
    %get3A_324 = tpu.vector_load %arg10[%get3A_323] {strides = array<i32>} : memref<16512xi32, #tpu.memory_space<vmem>>, vector<16xi32>,
    %get3A_325 = arith.constant 112 : index
    %get3A_326 = tpu.vector_load %arg10[%get3A_325] {strides = array<i32>} : memref<16512xi32, #tpu.memory_space<vmem>>, vector<16xi32>,
    %scan3A_327 = arith.constant 0 : i32
    %scan3A_328 = arith.constant 32 : i32
    %scan3A_329 = arith.addi %scan3A_327, %scan3A_328 : i32
    %scan3A_330 = arith.constant 1 : i32
    %scan3A_331:8 = scf.for %scan3A_909 = %scan3A_327 to %scan3A_329 step %scan3A_330 iter_args(%scan3A_910 = %get3A_312, %scan3A_911 = %get3A_314, %scan3A_912 = %get3A_316, %scan3A_913 = %get3A_318, %scan3A_914 = %get3A_320, %scan3A_915 = %get3A_322, %scan3A_916 = %get3A_324, %scan3A_917 = %get3A_326) -> (vector<16xi32>, vector<16xi32>, vector<16xi32>, vector<16xi32>, vector<16xi32>, vector<16xi32>, vector<16xi32>, vector<16xi32>)  : i32 {
      %mul3A_918 = arith.constant 16 : i32
      %mul3A_919 = arith.muli %scan3A_909, %mul3A_918 : i32
      %mul3A_920 = arith.constant 8 : i32
      %mul3A_921 = arith.muli %mul3A_919, %mul3A_920 : i32
      %add3A_922 = arith.constant 0 : i32
      %add3A_923 = arith.addi %add3A_922, %mul3A_921 : i32
      %gather3A = tpu.vector_load_idx %arg9[%scan3A_910] : memref<100000xf32, #tpu.memory_space<vmem>>[vector<16xi32>], vector<16xf32>,
      %gather3A_924 = tpu.vector_load_idx %arg9[%scan3A_911] : memref<100000xf32, #tpu.memory_space<vmem>>[vector<16xi32>], vector<16xf32>,
      %gather3A_925 = tpu.vector_load_idx %arg9[%scan3A_912] : memref<100000xf32, #tpu.memory_space<vmem>>[vector<16xi32>], vector<16xf32>,
      %gather3A_926 = tpu.vector_load_idx %arg9[%scan3A_913] : memref<100000xf32, #tpu.memory_space<vmem>>[vector<16xi32>], vector<16xf32>,
      %gather3A_927 = tpu.vector_load_idx %arg9[%scan3A_914] : memref<100000xf32, #tpu.memory_space<vmem>>[vector<16xi32>], vector<16xf32>,
      %gather3A_928 = tpu.vector_load_idx %arg9[%scan3A_915] : memref<100000xf32, #tpu.memory_space<vmem>>[vector<16xi32>], vector<16xf32>,
      %gather3A_929 = tpu.vector_load_idx %arg9[%scan3A_916] : memref<100000xf32, #tpu.memory_space<vmem>>[vector<16xi32>], vector<16xf32>,
      %gather3A_930 = tpu.vector_load_idx %arg9[%scan3A_917] : memref<100000xf32, #tpu.memory_space<vmem>>[vector<16xi32>], vector<16xf32>,
      %add3A_931 = arith.constant 128 : i32
      %add3A_932 = arith.addi %add3A_923, %add3A_931 : i32
      %get3A_933 = arith.index_cast %add3A_932 : i32 to index
      %get3A_934 = tpu.vector_load %arg10[%get3A_933] {strides = array<i32>} : memref<16512xi32, #tpu.memory_space<vmem>>, vector<16xi32>,
      %add3A_935 = arith.constant 144 : i32
      %add3A_936 = arith.addi %add3A_923, %add3A_935 : i32
      %get3A_937 = arith.index_cast %add3A_936 : i32 to index
      %get3A_938 = tpu.vector_load %arg10[%get3A_937] {strides = array<i32>} : memref<16512xi32, #tpu.memory_space<vmem>>, vector<16xi32>,
      %add3A_939 = arith.constant 160 : i32
      %add3A_940 = arith.addi %add3A_923, %add3A_939 : i32
      %get3A_941 = arith.index_cast %add3A_940 : i32 to index
      %get3A_942 = tpu.vector_load %arg10[%get3A_941] {strides = array<i32>} : memref<16512xi32, #tpu.memory_space<vmem>>, vector<16xi32>,
      %add3A_943 = arith.constant 176 : i32
      %add3A_944 = arith.addi %add3A_923, %add3A_943 : i32
      %get3A_945 = arith.index_cast %add3A_944 : i32 to index
      %get3A_946 = tpu.vector_load %arg10[%get3A_945] {strides = array<i32>} : memref<16512xi32, #tpu.memory_space<vmem>>, vector<16xi32>,
      %add3A_947 = arith.constant 192 : i32
      %add3A_948 = arith.addi %add3A_923, %add3A_947 : i32
      %get3A_949 = arith.index_cast %add3A_948 : i32 to index
      %get3A_950 = tpu.vector_load %arg10[%get3A_949] {strides = array<i32>} : memref<16512xi32, #tpu.memory_space<vmem>>, vector<16xi32>,
      %add3A_951 = arith.constant 208 : i32
      %add3A_952 = arith.addi %add3A_923, %add3A_951 : i32
      %get3A_953 = arith.index_cast %add3A_952 : i32 to index
      %get3A_954 = tpu.vector_load %arg10[%get3A_953] {strides = array<i32>} : memref<16512xi32, #tpu.memory_space<vmem>>, vector<16xi32>,
      %add3A_955 = arith.constant 224 : i32
      %add3A_956 = arith.addi %add3A_923, %add3A_955 : i32
      %get3A_957 = arith.index_cast %add3A_956 : i32 to index
      %get3A_958 = tpu.vector_load %arg10[%get3A_957] {strides = array<i32>} : memref<16512xi32, #tpu.memory_space<vmem>>, vector<16xi32>,
      %add3A_959 = arith.constant 240 : i32
      %add3A_960 = arith.addi %add3A_923, %add3A_959 : i32
      %get3A_961 = arith.index_cast %add3A_960 : i32 to index
      %get3A_962 = tpu.vector_load %arg10[%get3A_961] {strides = array<i32>} : memref<16512xi32, #tpu.memory_space<vmem>>, vector<16xi32>,
      %mul3A_963 = arith.constant 16 : i32
      %mul3A_964 = arith.muli %scan3A_909, %mul3A_963 : i32
      %mul3A_965 = arith.constant 8 : i32
      %mul3A_966 = arith.muli %mul3A_964, %mul3A_965 : i32
      %add3A_967 = arith.constant 0 : i32
      %add3A_968 = arith.addi %mul3A_966, %add3A_967 : i32
      %swap3A = arith.index_cast %add3A_968 : i32 to index
      %swap3A_969 = tpu.vector_load %arg11[%swap3A] {strides = array<i32>} : memref<4096xf32, #tpu.memory_space<vmem>>, vector<16xf32>,
      tpu.vector_store %arg11[%swap3A], %gather3A {strides = array<i32>} : memref<4096xf32, #tpu.memory_space<vmem>>, vector<16xf32>,
      %mul3A_970 = arith.constant 16 : i32
      %mul3A_971 = arith.muli %scan3A_909, %mul3A_970 : i32
      %mul3A_972 = arith.constant 8 : i32
      %mul3A_973 = arith.muli %mul3A_971, %mul3A_972 : i32
      %add3A_974 = arith.constant 16 : i32
      %add3A_975 = arith.addi %mul3A_973, %add3A_974 : i32
      %swap3A_976 = arith.index_cast %add3A_975 : i32 to index
      %swap3A_977 = tpu.vector_load %arg11[%swap3A_976] {strides = array<i32>} : memref<4096xf32, #tpu.memory_space<vmem>>, vector<16xf32>,
      tpu.vector_store %arg11[%swap3A_976], %gather3A_924 {strides = array<i32>} : memref<4096xf32, #tpu.memory_space<vmem>>, vector<16xf32>,
      %mul3A_978 = arith.constant 16 : i32
      %mul3A_979 = arith.muli %scan3A_909, %mul3A_978 : i32
      %mul3A_980 = arith.constant 8 : i32
      %mul3A_981 = arith.muli %mul3A_979, %mul3A_980 : i32
      %add3A_982 = arith.constant 32 : i32
      %add3A_983 = arith.addi %mul3A_981, %add3A_982 : i32
      %swap3A_984 = arith.index_cast %add3A_983 : i32 to index
      %swap3A_985 = tpu.vector_load %arg11[%swap3A_984] {strides = array<i32>} : memref<4096xf32, #tpu.memory_space<vmem>>, vector<16xf32>,
      tpu.vector_store %arg11[%swap3A_984], %gather3A_925 {strides = array<i32>} : memref<4096xf32, #tpu.memory_space<vmem>>, vector<16xf32>,
      %mul3A_986 = arith.constant 16 : i32
      %mul3A_987 = arith.muli %scan3A_909, %mul3A_986 : i32
      %mul3A_988 = arith.constant 8 : i32
      %mul3A_989 = arith.muli %mul3A_987, %mul3A_988 : i32
      %add3A_990 = arith.constant 48 : i32
      %add3A_991 = arith.addi %mul3A_989, %add3A_990 : i32
      %swap3A_992 = arith.index_cast %add3A_991 : i32 to index
      %swap3A_993 = tpu.vector_load %arg11[%swap3A_992] {strides = array<i32>} : memref<4096xf32, #tpu.memory_space<vmem>>, vector<16xf32>,
      tpu.vector_store %arg11[%swap3A_992], %gather3A_926 {strides = array<i32>} : memref<4096xf32, #tpu.memory_space<vmem>>, vector<16xf32>,
      %mul3A_994 = arith.constant 16 : i32
      %mul3A_995 = arith.muli %scan3A_909, %mul3A_994 : i32
      %mul3A_996 = arith.constant 8 : i32
      %mul3A_997 = arith.muli %mul3A_995, %mul3A_996 : i32
      %add3A_998 = arith.constant 64 : i32
      %add3A_999 = arith.addi %mul3A_997, %add3A_998 : i32
      %swap3A_1000 = arith.index_cast %add3A_999 : i32 to index
      %swap3A_1001 = tpu.vector_load %arg11[%swap3A_1000] {strides = array<i32>} : memref<4096xf32, #tpu.memory_space<vmem>>, vector<16xf32>,
      tpu.vector_store %arg11[%swap3A_1000], %gather3A_927 {strides = array<i32>} : memref<4096xf32, #tpu.memory_space<vmem>>, vector<16xf32>,
      %mul3A_1002 = arith.constant 16 : i32
      %mul3A_1003 = arith.muli %scan3A_909, %mul3A_1002 : i32
      %mul3A_1004 = arith.constant 8 : i32
      %mul3A_1005 = arith.muli %mul3A_1003, %mul3A_1004 : i32
      %add3A_1006 = arith.constant 80 : i32
      %add3A_1007 = arith.addi %mul3A_1005, %add3A_1006 : i32
      %swap3A_1008 = arith.index_cast %add3A_1007 : i32 to index
      %swap3A_1009 = tpu.vector_load %arg11[%swap3A_1008] {strides = array<i32>} : memref<4096xf32, #tpu.memory_space<vmem>>, vector<16xf32>,
      tpu.vector_store %arg11[%swap3A_1008], %gather3A_928 {strides = array<i32>} : memref<4096xf32, #tpu.memory_space<vmem>>, vector<16xf32>,
      %mul3A_1010 = arith.constant 16 : i32
      %mul3A_1011 = arith.muli %scan3A_909, %mul3A_1010 : i32
      %mul3A_1012 = arith.constant 8 : i32
      %mul3A_1013 = arith.muli %mul3A_1011, %mul3A_1012 : i32
      %add3A_1014 = arith.constant 96 : i32
      %add3A_1015 = arith.addi %mul3A_1013, %add3A_1014 : i32
      %swap3A_1016 = arith.index_cast %add3A_1015 : i32 to index
      %swap3A_1017 = tpu.vector_load %arg11[%swap3A_1016] {strides = array<i32>} : memref<4096xf32, #tpu.memory_space<vmem>>, vector<16xf32>,
      tpu.vector_store %arg11[%swap3A_1016], %gather3A_929 {strides = array<i32>} : memref<4096xf32, #tpu.memory_space<vmem>>, vector<16xf32>,
      %mul3A_1018 = arith.constant 16 : i32
      %mul3A_1019 = arith.muli %scan3A_909, %mul3A_1018 : i32
      %mul3A_1020 = arith.constant 8 : i32
      %mul3A_1021 = arith.muli %mul3A_1019, %mul3A_1020 : i32
      %add3A_1022 = arith.constant 112 : i32
      %add3A_1023 = arith.addi %mul3A_1021, %add3A_1022 : i32
      %swap3A_1024 = arith.index_cast %add3A_1023 : i32 to index
      %swap3A_1025 = tpu.vector_load %arg11[%swap3A_1024] {strides = array<i32>} : memref<4096xf32, #tpu.memory_space<vmem>>, vector<16xf32>,
      tpu.vector_store %arg11[%swap3A_1024], %gather3A_930 {strides = array<i32>} : memref<4096xf32, #tpu.memory_space<vmem>>, vector<16xf32>,
      scf.yield %get3A_934, %get3A_938, %get3A_942, %get3A_946, %get3A_950, %get3A_954, %get3A_958, %get3A_962 : vector<16xi32>, vector<16xi32>, vector<16xi32>, vector<16xi32>, vector<16xi32>, vector<16xi32>, vector<16xi32>, vector<16xi32>
    }
    %scan3A_332 = arith.constant 32 : i32
    %dma_start3A_333 = arith.constant 0 : i32
    %dma_start3A_334 = tpu.memref_slice %arg8[%add3A_292, %dma_start3A_333] : memref<64x16384xf32, #tpu.memory_space<hbm>> -> memref<1x4096xf32, #tpu.memory_space<hbm>>
    %dma_start3A_335 = tpu.memref_squeeze %dma_start3A_334 : memref<1x4096xf32, #tpu.memory_space<hbm>> -> memref<4096xf32, #tpu.memory_space<hbm>>
    %dma_start3A_336 = arith.constant 0 : i32
    %dma_start3A_337 = tpu.memref_slice %arg8[%add3A_292, %dma_start3A_336] : memref<64x16384xf32, #tpu.memory_space<hbm>> -> memref<1x4096xf32, #tpu.memory_space<hbm>>
    %dma_start3A_338 = tpu.memref_squeeze %dma_start3A_337 : memref<1x4096xf32, #tpu.memory_space<hbm>> -> memref<4096xf32, #tpu.memory_space<hbm>>
    tpu.enqueue_dma source(%arg11 : memref<4096xf32, #tpu.memory_space<vmem>>) target(%dma_start3A_338 : memref<4096xf32, #tpu.memory_space<hbm>>) target_semaphore(%arg14 : memref<!tpu.dma_semaphore, #tpu.memory_space<semaphore_mem>>)
    %dma_wait3A_339 = arith.constant 12288 : i32
    %dma_wait3A_340 = tpu.memref_slice %arg7[%add3A_140, %dma_wait3A_339] : memref<64x16384xf32, #tpu.memory_space<hbm>> -> memref<1x4096xf32, #tpu.memory_space<hbm>>
    %dma_wait3A_341 = tpu.memref_squeeze %dma_wait3A_340 : memref<1x4096xf32, #tpu.memory_space<hbm>> -> memref<4096xf32, #tpu.memory_space<hbm>>
    %dma_wait3A_342 = arith.constant 12288 : i32
    %dma_wait3A_343 = tpu.memref_slice %arg7[%add3A_140, %dma_wait3A_342] : memref<64x16384xf32, #tpu.memory_space<hbm>> -> memref<1x4096xf32, #tpu.memory_space<hbm>>
    %dma_wait3A_344 = tpu.memref_squeeze %dma_wait3A_343 : memref<1x4096xf32, #tpu.memory_space<hbm>> -> memref<4096xf32, #tpu.memory_space<hbm>>
    tpu.wait_dma2 semaphore(%arg15 : memref<!tpu.dma_semaphore, #tpu.memory_space<semaphore_mem>>) src(%arg12 : memref<4096xf32, #tpu.memory_space<vmem>>) dst(%dma_wait3A_344 : memref<4096xf32, #tpu.memory_space<hbm>>)
    %get3A_345 = arith.constant 4096 : index
    %get3A_346 = tpu.vector_load %arg10[%get3A_345] {strides = array<i32>} : memref<16512xi32, #tpu.memory_space<vmem>>, vector<16xi32>,
    %get3A_347 = arith.constant 4112 : index
    %get3A_348 = tpu.vector_load %arg10[%get3A_347] {strides = array<i32>} : memref<16512xi32, #tpu.memory_space<vmem>>, vector<16xi32>,
    %get3A_349 = arith.constant 4128 : index
    %get3A_350 = tpu.vector_load %arg10[%get3A_349] {strides = array<i32>} : memref<16512xi32, #tpu.memory_space<vmem>>, vector<16xi32>,
    %get3A_351 = arith.constant 4144 : index
    %get3A_352 = tpu.vector_load %arg10[%get3A_351] {strides = array<i32>} : memref<16512xi32, #tpu.memory_space<vmem>>, vector<16xi32>,
    %get3A_353 = arith.constant 4160 : index
    %get3A_354 = tpu.vector_load %arg10[%get3A_353] {strides = array<i32>} : memref<16512xi32, #tpu.memory_space<vmem>>, vector<16xi32>,
    %get3A_355 = arith.constant 4176 : index
    %get3A_356 = tpu.vector_load %arg10[%get3A_355] {strides = array<i32>} : memref<16512xi32, #tpu.memory_space<vmem>>, vector<16xi32>,
    %get3A_357 = arith.constant 4192 : index
    %get3A_358 = tpu.vector_load %arg10[%get3A_357] {strides = array<i32>} : memref<16512xi32, #tpu.memory_space<vmem>>, vector<16xi32>,
    %get3A_359 = arith.constant 4208 : index
    %get3A_360 = tpu.vector_load %arg10[%get3A_359] {strides = array<i32>} : memref<16512xi32, #tpu.memory_space<vmem>>, vector<16xi32>,
    %scan3A_361 = arith.constant 0 : i32
    %scan3A_362 = arith.constant 32 : i32
    %scan3A_363 = arith.addi %scan3A_361, %scan3A_362 : i32
    %scan3A_364 = arith.constant 1 : i32
    %scan3A_365:8 = scf.for %scan3A_909 = %scan3A_361 to %scan3A_363 step %scan3A_364 iter_args(%scan3A_910 = %get3A_346, %scan3A_911 = %get3A_348, %scan3A_912 = %get3A_350, %scan3A_913 = %get3A_352, %scan3A_914 = %get3A_354, %scan3A_915 = %get3A_356, %scan3A_916 = %get3A_358, %scan3A_917 = %get3A_360) -> (vector<16xi32>, vector<16xi32>, vector<16xi32>, vector<16xi32>, vector<16xi32>, vector<16xi32>, vector<16xi32>, vector<16xi32>)  : i32 {
      %mul3A_918 = arith.constant 16 : i32
      %mul3A_919 = arith.muli %scan3A_909, %mul3A_918 : i32
      %mul3A_920 = arith.constant 8 : i32
      %mul3A_921 = arith.muli %mul3A_919, %mul3A_920 : i32
      %add3A_922 = arith.constant 4096 : i32
      %add3A_923 = arith.addi %add3A_922, %mul3A_921 : i32
      %gather3A = tpu.vector_load_idx %arg9[%scan3A_910] : memref<100000xf32, #tpu.memory_space<vmem>>[vector<16xi32>], vector<16xf32>,
      %gather3A_924 = tpu.vector_load_idx %arg9[%scan3A_911] : memref<100000xf32, #tpu.memory_space<vmem>>[vector<16xi32>], vector<16xf32>,
      %gather3A_925 = tpu.vector_load_idx %arg9[%scan3A_912] : memref<100000xf32, #tpu.memory_space<vmem>>[vector<16xi32>], vector<16xf32>,
      %gather3A_926 = tpu.vector_load_idx %arg9[%scan3A_913] : memref<100000xf32, #tpu.memory_space<vmem>>[vector<16xi32>], vector<16xf32>,
      %gather3A_927 = tpu.vector_load_idx %arg9[%scan3A_914] : memref<100000xf32, #tpu.memory_space<vmem>>[vector<16xi32>], vector<16xf32>,
      %gather3A_928 = tpu.vector_load_idx %arg9[%scan3A_915] : memref<100000xf32, #tpu.memory_space<vmem>>[vector<16xi32>], vector<16xf32>,
      %gather3A_929 = tpu.vector_load_idx %arg9[%scan3A_916] : memref<100000xf32, #tpu.memory_space<vmem>>[vector<16xi32>], vector<16xf32>,
      %gather3A_930 = tpu.vector_load_idx %arg9[%scan3A_917] : memref<100000xf32, #tpu.memory_space<vmem>>[vector<16xi32>], vector<16xf32>,
      %add3A_931 = arith.constant 128 : i32
      %add3A_932 = arith.addi %add3A_923, %add3A_931 : i32
      %get3A_933 = arith.index_cast %add3A_932 : i32 to index
      %get3A_934 = tpu.vector_load %arg10[%get3A_933] {strides = array<i32>} : memref<16512xi32, #tpu.memory_space<vmem>>, vector<16xi32>,
      %add3A_935 = arith.constant 144 : i32
      %add3A_936 = arith.addi %add3A_923, %add3A_935 : i32
      %get3A_937 = arith.index_cast %add3A_936 : i32 to index
      %get3A_938 = tpu.vector_load %arg10[%get3A_937] {strides = array<i32>} : memref<16512xi32, #tpu.memory_space<vmem>>, vector<16xi32>,
      %add3A_939 = arith.constant 160 : i32
      %add3A_940 = arith.addi %add3A_923, %add3A_939 : i32
      %get3A_941 = arith.index_cast %add3A_940 : i32 to index
      %get3A_942 = tpu.vector_load %arg10[%get3A_941] {strides = array<i32>} : memref<16512xi32, #tpu.memory_space<vmem>>, vector<16xi32>,
      %add3A_943 = arith.constant 176 : i32
      %add3A_944 = arith.addi %add3A_923, %add3A_943 : i32
      %get3A_945 = arith.index_cast %add3A_944 : i32 to index
      %get3A_946 = tpu.vector_load %arg10[%get3A_945] {strides = array<i32>} : memref<16512xi32, #tpu.memory_space<vmem>>, vector<16xi32>,
      %add3A_947 = arith.constant 192 : i32
      %add3A_948 = arith.addi %add3A_923, %add3A_947 : i32
      %get3A_949 = arith.index_cast %add3A_948 : i32 to index
      %get3A_950 = tpu.vector_load %arg10[%get3A_949] {strides = array<i32>} : memref<16512xi32, #tpu.memory_space<vmem>>, vector<16xi32>,
      %add3A_951 = arith.constant 208 : i32
      %add3A_952 = arith.addi %add3A_923, %add3A_951 : i32
      %get3A_953 = arith.index_cast %add3A_952 : i32 to index
      %get3A_954 = tpu.vector_load %arg10[%get3A_953] {strides = array<i32>} : memref<16512xi32, #tpu.memory_space<vmem>>, vector<16xi32>,
      %add3A_955 = arith.constant 224 : i32
      %add3A_956 = arith.addi %add3A_923, %add3A_955 : i32
      %get3A_957 = arith.index_cast %add3A_956 : i32 to index
      %get3A_958 = tpu.vector_load %arg10[%get3A_957] {strides = array<i32>} : memref<16512xi32, #tpu.memory_space<vmem>>, vector<16xi32>,
      %add3A_959 = arith.constant 240 : i32
      %add3A_960 = arith.addi %add3A_923, %add3A_959 : i32
      %get3A_961 = arith.index_cast %add3A_960 : i32 to index
      %get3A_962 = tpu.vector_load %arg10[%get3A_961] {strides = array<i32>} : memref<16512xi32, #tpu.memory_space<vmem>>, vector<16xi32>,
      %mul3A_963 = arith.constant 16 : i32
      %mul3A_964 = arith.muli %scan3A_909, %mul3A_963 : i32
      %mul3A_965 = arith.constant 8 : i32
      %mul3A_966 = arith.muli %mul3A_964, %mul3A_965 : i32
      %add3A_967 = arith.constant 0 : i32
      %add3A_968 = arith.addi %mul3A_966, %add3A_967 : i32
      %swap3A = arith.index_cast %add3A_968 : i32 to index
      %swap3A_969 = tpu.vector_load %arg12[%swap3A] {strides = array<i32>} : memref<4096xf32, #tpu.memory_space<vmem>>, vector<16xf32>,
      tpu.vector_store %arg12[%swap3A], %gather3A {strides = array<i32>} : memref<4096xf32, #tpu.memory_space<vmem>>, vector<16xf32>,
      %mul3A_970 = arith.constant 16 : i32
      %mul3A_971 = arith.muli %scan3A_909, %mul3A_970 : i32
      %mul3A_972 = arith.constant 8 : i32
      %mul3A_973 = arith.muli %mul3A_971, %mul3A_972 : i32
      %add3A_974 = arith.constant 16 : i32
      %add3A_975 = arith.addi %mul3A_973, %add3A_974 : i32
      %swap3A_976 = arith.index_cast %add3A_975 : i32 to index
      %swap3A_977 = tpu.vector_load %arg12[%swap3A_976] {strides = array<i32>} : memref<4096xf32, #tpu.memory_space<vmem>>, vector<16xf32>,
      tpu.vector_store %arg12[%swap3A_976], %gather3A_924 {strides = array<i32>} : memref<4096xf32, #tpu.memory_space<vmem>>, vector<16xf32>,
      %mul3A_978 = arith.constant 16 : i32
      %mul3A_979 = arith.muli %scan3A_909, %mul3A_978 : i32
      %mul3A_980 = arith.constant 8 : i32
      %mul3A_981 = arith.muli %mul3A_979, %mul3A_980 : i32
      %add3A_982 = arith.constant 32 : i32
      %add3A_983 = arith.addi %mul3A_981, %add3A_982 : i32
      %swap3A_984 = arith.index_cast %add3A_983 : i32 to index
      %swap3A_985 = tpu.vector_load %arg12[%swap3A_984] {strides = array<i32>} : memref<4096xf32, #tpu.memory_space<vmem>>, vector<16xf32>,
      tpu.vector_store %arg12[%swap3A_984], %gather3A_925 {strides = array<i32>} : memref<4096xf32, #tpu.memory_space<vmem>>, vector<16xf32>,
      %mul3A_986 = arith.constant 16 : i32
      %mul3A_987 = arith.muli %scan3A_909, %mul3A_986 : i32
      %mul3A_988 = arith.constant 8 : i32
      %mul3A_989 = arith.muli %mul3A_987, %mul3A_988 : i32
      %add3A_990 = arith.constant 48 : i32
      %add3A_991 = arith.addi %mul3A_989, %add3A_990 : i32
      %swap3A_992 = arith.index_cast %add3A_991 : i32 to index
      %swap3A_993 = tpu.vector_load %arg12[%swap3A_992] {strides = array<i32>} : memref<4096xf32, #tpu.memory_space<vmem>>, vector<16xf32>,
      tpu.vector_store %arg12[%swap3A_992], %gather3A_926 {strides = array<i32>} : memref<4096xf32, #tpu.memory_space<vmem>>, vector<16xf32>,
      %mul3A_994 = arith.constant 16 : i32
      %mul3A_995 = arith.muli %scan3A_909, %mul3A_994 : i32
      %mul3A_996 = arith.constant 8 : i32
      %mul3A_997 = arith.muli %mul3A_995, %mul3A_996 : i32
      %add3A_998 = arith.constant 64 : i32
      %add3A_999 = arith.addi %mul3A_997, %add3A_998 : i32
      %swap3A_1000 = arith.index_cast %add3A_999 : i32 to index
      %swap3A_1001 = tpu.vector_load %arg12[%swap3A_1000] {strides = array<i32>} : memref<4096xf32, #tpu.memory_space<vmem>>, vector<16xf32>,
      tpu.vector_store %arg12[%swap3A_1000], %gather3A_927 {strides = array<i32>} : memref<4096xf32, #tpu.memory_space<vmem>>, vector<16xf32>,
      %mul3A_1002 = arith.constant 16 : i32
      %mul3A_1003 = arith.muli %scan3A_909, %mul3A_1002 : i32
      %mul3A_1004 = arith.constant 8 : i32
      %mul3A_1005 = arith.muli %mul3A_1003, %mul3A_1004 : i32
      %add3A_1006 = arith.constant 80 : i32
      %add3A_1007 = arith.addi %mul3A_1005, %add3A_1006 : i32
      %swap3A_1008 = arith.index_cast %add3A_1007 : i32 to index
      %swap3A_1009 = tpu.vector_load %arg12[%swap3A_1008] {strides = array<i32>} : memref<4096xf32, #tpu.memory_space<vmem>>, vector<16xf32>,
      tpu.vector_store %arg12[%swap3A_1008], %gather3A_928 {strides = array<i32>} : memref<4096xf32, #tpu.memory_space<vmem>>, vector<16xf32>,
      %mul3A_1010 = arith.constant 16 : i32
      %mul3A_1011 = arith.muli %scan3A_909, %mul3A_1010 : i32
      %mul3A_1012 = arith.constant 8 : i32
      %mul3A_1013 = arith.muli %mul3A_1011, %mul3A_1012 : i32
      %add3A_1014 = arith.constant 96 : i32
      %add3A_1015 = arith.addi %mul3A_1013, %add3A_1014 : i32
      %swap3A_1016 = arith.index_cast %add3A_1015 : i32 to index
      %swap3A_1017 = tpu.vector_load %arg12[%swap3A_1016] {strides = array<i32>} : memref<4096xf32, #tpu.memory_space<vmem>>, vector<16xf32>,
      tpu.vector_store %arg12[%swap3A_1016], %gather3A_929 {strides = array<i32>} : memref<4096xf32, #tpu.memory_space<vmem>>, vector<16xf32>,
      %mul3A_1018 = arith.constant 16 : i32
      %mul3A_1019 = arith.muli %scan3A_909, %mul3A_1018 : i32
      %mul3A_1020 = arith.constant 8 : i32
      %mul3A_1021 = arith.muli %mul3A_1019, %mul3A_1020 : i32
      %add3A_1022 = arith.constant 112 : i32
      %add3A_1023 = arith.addi %mul3A_1021, %add3A_1022 : i32
      %swap3A_1024 = arith.index_cast %add3A_1023 : i32 to index
      %swap3A_1025 = tpu.vector_load %arg12[%swap3A_1024] {strides = array<i32>} : memref<4096xf32, #tpu.memory_space<vmem>>, vector<16xf32>,
      tpu.vector_store %arg12[%swap3A_1024], %gather3A_930 {strides = array<i32>} : memref<4096xf32, #tpu.memory_space<vmem>>, vector<16xf32>,
      scf.yield %get3A_934, %get3A_938, %get3A_942, %get3A_946, %get3A_950, %get3A_954, %get3A_958, %get3A_962 : vector<16xi32>, vector<16xi32>, vector<16xi32>, vector<16xi32>, vector<16xi32>, vector<16xi32>, vector<16xi32>, vector<16xi32>
    }
    %scan3A_366 = arith.constant 32 : i32
    %dma_start3A_367 = arith.constant 4096 : i32
    %dma_start3A_368 = tpu.memref_slice %arg8[%add3A_292, %dma_start3A_367] : memref<64x16384xf32, #tpu.memory_space<hbm>> -> memref<1x4096xf32, #tpu.memory_space<hbm>>
    %dma_start3A_369 = tpu.memref_squeeze %dma_start3A_368 : memref<1x4096xf32, #tpu.memory_space<hbm>> -> memref<4096xf32, #tpu.memory_space<hbm>>
    %dma_start3A_370 = arith.constant 4096 : i32
    %dma_start3A_371 = tpu.memref_slice %arg8[%add3A_292, %dma_start3A_370] : memref<64x16384xf32, #tpu.memory_space<hbm>> -> memref<1x4096xf32, #tpu.memory_space<hbm>>
    %dma_start3A_372 = tpu.memref_squeeze %dma_start3A_371 : memref<1x4096xf32, #tpu.memory_space<hbm>> -> memref<4096xf32, #tpu.memory_space<hbm>>
    tpu.enqueue_dma source(%arg12 : memref<4096xf32, #tpu.memory_space<vmem>>) target(%dma_start3A_372 : memref<4096xf32, #tpu.memory_space<hbm>>) target_semaphore(%arg15 : memref<!tpu.dma_semaphore, #tpu.memory_space<semaphore_mem>>)
    %dma_wait3A_373 = arith.constant 0 : i32
    %dma_wait3A_374 = tpu.memref_slice %arg8[%add3A_292, %dma_wait3A_373] : memref<64x16384xf32, #tpu.memory_space<hbm>> -> memref<1x4096xf32, #tpu.memory_space<hbm>>
    %dma_wait3A_375 = tpu.memref_squeeze %dma_wait3A_374 : memref<1x4096xf32, #tpu.memory_space<hbm>> -> memref<4096xf32, #tpu.memory_space<hbm>>
    %dma_wait3A_376 = arith.constant 0 : i32
    %dma_wait3A_377 = tpu.memref_slice %arg8[%add3A_292, %dma_wait3A_376] : memref<64x16384xf32, #tpu.memory_space<hbm>> -> memref<1x4096xf32, #tpu.memory_space<hbm>>
    %dma_wait3A_378 = tpu.memref_squeeze %dma_wait3A_377 : memref<1x4096xf32, #tpu.memory_space<hbm>> -> memref<4096xf32, #tpu.memory_space<hbm>>
    tpu.wait_dma2 semaphore(%arg14 : memref<!tpu.dma_semaphore, #tpu.memory_space<semaphore_mem>>) src(%arg11 : memref<4096xf32, #tpu.memory_space<vmem>>) dst(%dma_wait3A_378 : memref<4096xf32, #tpu.memory_space<hbm>>)
    %get3A_379 = arith.constant 8192 : index
    %get3A_380 = tpu.vector_load %arg10[%get3A_379] {strides = array<i32>} : memref<16512xi32, #tpu.memory_space<vmem>>, vector<16xi32>,
    %get3A_381 = arith.constant 8208 : index
    %get3A_382 = tpu.vector_load %arg10[%get3A_381] {strides = array<i32>} : memref<16512xi32, #tpu.memory_space<vmem>>, vector<16xi32>,
    %get3A_383 = arith.constant 8224 : index
    %get3A_384 = tpu.vector_load %arg10[%get3A_383] {strides = array<i32>} : memref<16512xi32, #tpu.memory_space<vmem>>, vector<16xi32>,
    %get3A_385 = arith.constant 8240 : index
    %get3A_386 = tpu.vector_load %arg10[%get3A_385] {strides = array<i32>} : memref<16512xi32, #tpu.memory_space<vmem>>, vector<16xi32>,
    %get3A_387 = arith.constant 8256 : index
    %get3A_388 = tpu.vector_load %arg10[%get3A_387] {strides = array<i32>} : memref<16512xi32, #tpu.memory_space<vmem>>, vector<16xi32>,
    %get3A_389 = arith.constant 8272 : index
    %get3A_390 = tpu.vector_load %arg10[%get3A_389] {strides = array<i32>} : memref<16512xi32, #tpu.memory_space<vmem>>, vector<16xi32>,
    %get3A_391 = arith.constant 8288 : index
    %get3A_392 = tpu.vector_load %arg10[%get3A_391] {strides = array<i32>} : memref<16512xi32, #tpu.memory_space<vmem>>, vector<16xi32>,
    %get3A_393 = arith.constant 8304 : index
    %get3A_394 = tpu.vector_load %arg10[%get3A_393] {strides = array<i32>} : memref<16512xi32, #tpu.memory_space<vmem>>, vector<16xi32>,
    %scan3A_395 = arith.constant 0 : i32
    %scan3A_396 = arith.constant 32 : i32
    %scan3A_397 = arith.addi %scan3A_395, %scan3A_396 : i32
    %scan3A_398 = arith.constant 1 : i32
    %scan3A_399:8 = scf.for %scan3A_909 = %scan3A_395 to %scan3A_397 step %scan3A_398 iter_args(%scan3A_910 = %get3A_380, %scan3A_911 = %get3A_382, %scan3A_912 = %get3A_384, %scan3A_913 = %get3A_386, %scan3A_914 = %get3A_388, %scan3A_915 = %get3A_390, %scan3A_916 = %get3A_392, %scan3A_917 = %get3A_394) -> (vector<16xi32>, vector<16xi32>, vector<16xi32>, vector<16xi32>, vector<16xi32>, vector<16xi32>, vector<16xi32>, vector<16xi32>)  : i32 {
      %mul3A_918 = arith.constant 16 : i32
      %mul3A_919 = arith.muli %scan3A_909, %mul3A_918 : i32
      %mul3A_920 = arith.constant 8 : i32
      %mul3A_921 = arith.muli %mul3A_919, %mul3A_920 : i32
      %add3A_922 = arith.constant 8192 : i32
      %add3A_923 = arith.addi %add3A_922, %mul3A_921 : i32
      %gather3A = tpu.vector_load_idx %arg9[%scan3A_910] : memref<100000xf32, #tpu.memory_space<vmem>>[vector<16xi32>], vector<16xf32>,
      %gather3A_924 = tpu.vector_load_idx %arg9[%scan3A_911] : memref<100000xf32, #tpu.memory_space<vmem>>[vector<16xi32>], vector<16xf32>,
      %gather3A_925 = tpu.vector_load_idx %arg9[%scan3A_912] : memref<100000xf32, #tpu.memory_space<vmem>>[vector<16xi32>], vector<16xf32>,
      %gather3A_926 = tpu.vector_load_idx %arg9[%scan3A_913] : memref<100000xf32, #tpu.memory_space<vmem>>[vector<16xi32>], vector<16xf32>,
      %gather3A_927 = tpu.vector_load_idx %arg9[%scan3A_914] : memref<100000xf32, #tpu.memory_space<vmem>>[vector<16xi32>], vector<16xf32>,
      %gather3A_928 = tpu.vector_load_idx %arg9[%scan3A_915] : memref<100000xf32, #tpu.memory_space<vmem>>[vector<16xi32>], vector<16xf32>,
      %gather3A_929 = tpu.vector_load_idx %arg9[%scan3A_916] : memref<100000xf32, #tpu.memory_space<vmem>>[vector<16xi32>], vector<16xf32>,
      %gather3A_930 = tpu.vector_load_idx %arg9[%scan3A_917] : memref<100000xf32, #tpu.memory_space<vmem>>[vector<16xi32>], vector<16xf32>,
      %add3A_931 = arith.constant 128 : i32
      %add3A_932 = arith.addi %add3A_923, %add3A_931 : i32
      %get3A_933 = arith.index_cast %add3A_932 : i32 to index
      %get3A_934 = tpu.vector_load %arg10[%get3A_933] {strides = array<i32>} : memref<16512xi32, #tpu.memory_space<vmem>>, vector<16xi32>,
      %add3A_935 = arith.constant 144 : i32
      %add3A_936 = arith.addi %add3A_923, %add3A_935 : i32
      %get3A_937 = arith.index_cast %add3A_936 : i32 to index
      %get3A_938 = tpu.vector_load %arg10[%get3A_937] {strides = array<i32>} : memref<16512xi32, #tpu.memory_space<vmem>>, vector<16xi32>,
      %add3A_939 = arith.constant 160 : i32
      %add3A_940 = arith.addi %add3A_923, %add3A_939 : i32
      %get3A_941 = arith.index_cast %add3A_940 : i32 to index
      %get3A_942 = tpu.vector_load %arg10[%get3A_941] {strides = array<i32>} : memref<16512xi32, #tpu.memory_space<vmem>>, vector<16xi32>,
      %add3A_943 = arith.constant 176 : i32
      %add3A_944 = arith.addi %add3A_923, %add3A_943 : i32
      %get3A_945 = arith.index_cast %add3A_944 : i32 to index
      %get3A_946 = tpu.vector_load %arg10[%get3A_945] {strides = array<i32>} : memref<16512xi32, #tpu.memory_space<vmem>>, vector<16xi32>,
      %add3A_947 = arith.constant 192 : i32
      %add3A_948 = arith.addi %add3A_923, %add3A_947 : i32
      %get3A_949 = arith.index_cast %add3A_948 : i32 to index
      %get3A_950 = tpu.vector_load %arg10[%get3A_949] {strides = array<i32>} : memref<16512xi32, #tpu.memory_space<vmem>>, vector<16xi32>,
      %add3A_951 = arith.constant 208 : i32
      %add3A_952 = arith.addi %add3A_923, %add3A_951 : i32
      %get3A_953 = arith.index_cast %add3A_952 : i32 to index
      %get3A_954 = tpu.vector_load %arg10[%get3A_953] {strides = array<i32>} : memref<16512xi32, #tpu.memory_space<vmem>>, vector<16xi32>,
      %add3A_955 = arith.constant 224 : i32
      %add3A_956 = arith.addi %add3A_923, %add3A_955 : i32
      %get3A_957 = arith.index_cast %add3A_956 : i32 to index
      %get3A_958 = tpu.vector_load %arg10[%get3A_957] {strides = array<i32>} : memref<16512xi32, #tpu.memory_space<vmem>>, vector<16xi32>,
      %add3A_959 = arith.constant 240 : i32
      %add3A_960 = arith.addi %add3A_923, %add3A_959 : i32
      %get3A_961 = arith.index_cast %add3A_960 : i32 to index
      %get3A_962 = tpu.vector_load %arg10[%get3A_961] {strides = array<i32>} : memref<16512xi32, #tpu.memory_space<vmem>>, vector<16xi32>,
      %mul3A_963 = arith.constant 16 : i32
      %mul3A_964 = arith.muli %scan3A_909, %mul3A_963 : i32
      %mul3A_965 = arith.constant 8 : i32
      %mul3A_966 = arith.muli %mul3A_964, %mul3A_965 : i32
      %add3A_967 = arith.constant 0 : i32
      %add3A_968 = arith.addi %mul3A_966, %add3A_967 : i32
      %swap3A = arith.index_cast %add3A_968 : i32 to index
      %swap3A_969 = tpu.vector_load %arg11[%swap3A] {strides = array<i32>} : memref<4096xf32, #tpu.memory_space<vmem>>, vector<16xf32>,
      tpu.vector_store %arg11[%swap3A], %gather3A {strides = array<i32>} : memref<4096xf32, #tpu.memory_space<vmem>>, vector<16xf32>,
      %mul3A_970 = arith.constant 16 : i32
      %mul3A_971 = arith.muli %scan3A_909, %mul3A_970 : i32
      %mul3A_972 = arith.constant 8 : i32
      %mul3A_973 = arith.muli %mul3A_971, %mul3A_972 : i32
      %add3A_974 = arith.constant 16 : i32
      %add3A_975 = arith.addi %mul3A_973, %add3A_974 : i32
      %swap3A_976 = arith.index_cast %add3A_975 : i32 to index
      %swap3A_977 = tpu.vector_load %arg11[%swap3A_976] {strides = array<i32>} : memref<4096xf32, #tpu.memory_space<vmem>>, vector<16xf32>,
      tpu.vector_store %arg11[%swap3A_976], %gather3A_924 {strides = array<i32>} : memref<4096xf32, #tpu.memory_space<vmem>>, vector<16xf32>,
      %mul3A_978 = arith.constant 16 : i32
      %mul3A_979 = arith.muli %scan3A_909, %mul3A_978 : i32
      %mul3A_980 = arith.constant 8 : i32
      %mul3A_981 = arith.muli %mul3A_979, %mul3A_980 : i32
      %add3A_982 = arith.constant 32 : i32
      %add3A_983 = arith.addi %mul3A_981, %add3A_982 : i32
      %swap3A_984 = arith.index_cast %add3A_983 : i32 to index
      %swap3A_985 = tpu.vector_load %arg11[%swap3A_984] {strides = array<i32>} : memref<4096xf32, #tpu.memory_space<vmem>>, vector<16xf32>,
      tpu.vector_store %arg11[%swap3A_984], %gather3A_925 {strides = array<i32>} : memref<4096xf32, #tpu.memory_space<vmem>>, vector<16xf32>,
      %mul3A_986 = arith.constant 16 : i32
      %mul3A_987 = arith.muli %scan3A_909, %mul3A_986 : i32
      %mul3A_988 = arith.constant 8 : i32
      %mul3A_989 = arith.muli %mul3A_987, %mul3A_988 : i32
      %add3A_990 = arith.constant 48 : i32
      %add3A_991 = arith.addi %mul3A_989, %add3A_990 : i32
      %swap3A_992 = arith.index_cast %add3A_991 : i32 to index
      %swap3A_993 = tpu.vector_load %arg11[%swap3A_992] {strides = array<i32>} : memref<4096xf32, #tpu.memory_space<vmem>>, vector<16xf32>,
      tpu.vector_store %arg11[%swap3A_992], %gather3A_926 {strides = array<i32>} : memref<4096xf32, #tpu.memory_space<vmem>>, vector<16xf32>,
      %mul3A_994 = arith.constant 16 : i32
      %mul3A_995 = arith.muli %scan3A_909, %mul3A_994 : i32
      %mul3A_996 = arith.constant 8 : i32
      %mul3A_997 = arith.muli %mul3A_995, %mul3A_996 : i32
      %add3A_998 = arith.constant 64 : i32
      %add3A_999 = arith.addi %mul3A_997, %add3A_998 : i32
      %swap3A_1000 = arith.index_cast %add3A_999 : i32 to index
      %swap3A_1001 = tpu.vector_load %arg11[%swap3A_1000] {strides = array<i32>} : memref<4096xf32, #tpu.memory_space<vmem>>, vector<16xf32>,
      tpu.vector_store %arg11[%swap3A_1000], %gather3A_927 {strides = array<i32>} : memref<4096xf32, #tpu.memory_space<vmem>>, vector<16xf32>,
      %mul3A_1002 = arith.constant 16 : i32
      %mul3A_1003 = arith.muli %scan3A_909, %mul3A_1002 : i32
      %mul3A_1004 = arith.constant 8 : i32
      %mul3A_1005 = arith.muli %mul3A_1003, %mul3A_1004 : i32
      %add3A_1006 = arith.constant 80 : i32
      %add3A_1007 = arith.addi %mul3A_1005, %add3A_1006 : i32
      %swap3A_1008 = arith.index_cast %add3A_1007 : i32 to index
      %swap3A_1009 = tpu.vector_load %arg11[%swap3A_1008] {strides = array<i32>} : memref<4096xf32, #tpu.memory_space<vmem>>, vector<16xf32>,
      tpu.vector_store %arg11[%swap3A_1008], %gather3A_928 {strides = array<i32>} : memref<4096xf32, #tpu.memory_space<vmem>>, vector<16xf32>,
      %mul3A_1010 = arith.constant 16 : i32
      %mul3A_1011 = arith.muli %scan3A_909, %mul3A_1010 : i32
      %mul3A_1012 = arith.constant 8 : i32
      %mul3A_1013 = arith.muli %mul3A_1011, %mul3A_1012 : i32
      %add3A_1014 = arith.constant 96 : i32
      %add3A_1015 = arith.addi %mul3A_1013, %add3A_1014 : i32
      %swap3A_1016 = arith.index_cast %add3A_1015 : i32 to index
      %swap3A_1017 = tpu.vector_load %arg11[%swap3A_1016] {strides = array<i32>} : memref<4096xf32, #tpu.memory_space<vmem>>, vector<16xf32>,
      tpu.vector_store %arg11[%swap3A_1016], %gather3A_929 {strides = array<i32>} : memref<4096xf32, #tpu.memory_space<vmem>>, vector<16xf32>,
      %mul3A_1018 = arith.constant 16 : i32
      %mul3A_1019 = arith.muli %scan3A_909, %mul3A_1018 : i32
      %mul3A_1020 = arith.constant 8 : i32
      %mul3A_1021 = arith.muli %mul3A_1019, %mul3A_1020 : i32
      %add3A_1022 = arith.constant 112 : i32
      %add3A_1023 = arith.addi %mul3A_1021, %add3A_1022 : i32
      %swap3A_1024 = arith.index_cast %add3A_1023 : i32 to index
      %swap3A_1025 = tpu.vector_load %arg11[%swap3A_1024] {strides = array<i32>} : memref<4096xf32, #tpu.memory_space<vmem>>, vector<16xf32>,
      tpu.vector_store %arg11[%swap3A_1024], %gather3A_930 {strides = array<i32>} : memref<4096xf32, #tpu.memory_space<vmem>>, vector<16xf32>,
      scf.yield %get3A_934, %get3A_938, %get3A_942, %get3A_946, %get3A_950, %get3A_954, %get3A_958, %get3A_962 : vector<16xi32>, vector<16xi32>, vector<16xi32>, vector<16xi32>, vector<16xi32>, vector<16xi32>, vector<16xi32>, vector<16xi32>
    }
    %scan3A_400 = arith.constant 32 : i32
    %dma_start3A_401 = arith.constant 8192 : i32
    %dma_start3A_402 = tpu.memref_slice %arg8[%add3A_292, %dma_start3A_401] : memref<64x16384xf32, #tpu.memory_space<hbm>> -> memref<1x4096xf32, #tpu.memory_space<hbm>>
    %dma_start3A_403 = tpu.memref_squeeze %dma_start3A_402 : memref<1x4096xf32, #tpu.memory_space<hbm>> -> memref<4096xf32, #tpu.memory_space<hbm>>
    %dma_start3A_404 = arith.constant 8192 : i32
    %dma_start3A_405 = tpu.memref_slice %arg8[%add3A_292, %dma_start3A_404] : memref<64x16384xf32, #tpu.memory_space<hbm>> -> memref<1x4096xf32, #tpu.memory_space<hbm>>
    %dma_start3A_406 = tpu.memref_squeeze %dma_start3A_405 : memref<1x4096xf32, #tpu.memory_space<hbm>> -> memref<4096xf32, #tpu.memory_space<hbm>>
    tpu.enqueue_dma source(%arg11 : memref<4096xf32, #tpu.memory_space<vmem>>) target(%dma_start3A_406 : memref<4096xf32, #tpu.memory_space<hbm>>) target_semaphore(%arg14 : memref<!tpu.dma_semaphore, #tpu.memory_space<semaphore_mem>>)
    %dma_wait3A_407 = arith.constant 4096 : i32
    %dma_wait3A_408 = tpu.memref_slice %arg8[%add3A_292, %dma_wait3A_407] : memref<64x16384xf32, #tpu.memory_space<hbm>> -> memref<1x4096xf32, #tpu.memory_space<hbm>>
    %dma_wait3A_409 = tpu.memref_squeeze %dma_wait3A_408 : memref<1x4096xf32, #tpu.memory_space<hbm>> -> memref<4096xf32, #tpu.memory_space<hbm>>
    %dma_wait3A_410 = arith.constant 4096 : i32
    %dma_wait3A_411 = tpu.memref_slice %arg8[%add3A_292, %dma_wait3A_410] : memref<64x16384xf32, #tpu.memory_space<hbm>> -> memref<1x4096xf32, #tpu.memory_space<hbm>>
    %dma_wait3A_412 = tpu.memref_squeeze %dma_wait3A_411 : memref<1x4096xf32, #tpu.memory_space<hbm>> -> memref<4096xf32, #tpu.memory_space<hbm>>
    tpu.wait_dma2 semaphore(%arg15 : memref<!tpu.dma_semaphore, #tpu.memory_space<semaphore_mem>>) src(%arg12 : memref<4096xf32, #tpu.memory_space<vmem>>) dst(%dma_wait3A_412 : memref<4096xf32, #tpu.memory_space<hbm>>)
    %get3A_413 = arith.constant 12288 : index
    %get3A_414 = tpu.vector_load %arg10[%get3A_413] {strides = array<i32>} : memref<16512xi32, #tpu.memory_space<vmem>>, vector<16xi32>,
    %get3A_415 = arith.constant 12304 : index
    %get3A_416 = tpu.vector_load %arg10[%get3A_415] {strides = array<i32>} : memref<16512xi32, #tpu.memory_space<vmem>>, vector<16xi32>,
    %get3A_417 = arith.constant 12320 : index
    %get3A_418 = tpu.vector_load %arg10[%get3A_417] {strides = array<i32>} : memref<16512xi32, #tpu.memory_space<vmem>>, vector<16xi32>,
    %get3A_419 = arith.constant 12336 : index
    %get3A_420 = tpu.vector_load %arg10[%get3A_419] {strides = array<i32>} : memref<16512xi32, #tpu.memory_space<vmem>>, vector<16xi32>,
    %get3A_421 = arith.constant 12352 : index
    %get3A_422 = tpu.vector_load %arg10[%get3A_421] {strides = array<i32>} : memref<16512xi32, #tpu.memory_space<vmem>>, vector<16xi32>,
    %get3A_423 = arith.constant 12368 : index
    %get3A_424 = tpu.vector_load %arg10[%get3A_423] {strides = array<i32>} : memref<16512xi32, #tpu.memory_space<vmem>>, vector<16xi32>,
    %get3A_425 = arith.constant 12384 : index
    %get3A_426 = tpu.vector_load %arg10[%get3A_425] {strides = array<i32>} : memref<16512xi32, #tpu.memory_space<vmem>>, vector<16xi32>,
    %get3A_427 = arith.constant 12400 : index
    %get3A_428 = tpu.vector_load %arg10[%get3A_427] {strides = array<i32>} : memref<16512xi32, #tpu.memory_space<vmem>>, vector<16xi32>,
    %scan3A_429 = arith.constant 0 : i32
    %scan3A_430 = arith.constant 32 : i32
    %scan3A_431 = arith.addi %scan3A_429, %scan3A_430 : i32
    %scan3A_432 = arith.constant 1 : i32
    %scan3A_433:8 = scf.for %scan3A_909 = %scan3A_429 to %scan3A_431 step %scan3A_432 iter_args(%scan3A_910 = %get3A_414, %scan3A_911 = %get3A_416, %scan3A_912 = %get3A_418, %scan3A_913 = %get3A_420, %scan3A_914 = %get3A_422, %scan3A_915 = %get3A_424, %scan3A_916 = %get3A_426, %scan3A_917 = %get3A_428) -> (vector<16xi32>, vector<16xi32>, vector<16xi32>, vector<16xi32>, vector<16xi32>, vector<16xi32>, vector<16xi32>, vector<16xi32>)  : i32 {
      %mul3A_918 = arith.constant 16 : i32
      %mul3A_919 = arith.muli %scan3A_909, %mul3A_918 : i32
      %mul3A_920 = arith.constant 8 : i32
      %mul3A_921 = arith.muli %mul3A_919, %mul3A_920 : i32
      %add3A_922 = arith.constant 12288 : i32
      %add3A_923 = arith.addi %add3A_922, %mul3A_921 : i32
      %gather3A = tpu.vector_load_idx %arg9[%scan3A_910] : memref<100000xf32, #tpu.memory_space<vmem>>[vector<16xi32>], vector<16xf32>,
      %gather3A_924 = tpu.vector_load_idx %arg9[%scan3A_911] : memref<100000xf32, #tpu.memory_space<vmem>>[vector<16xi32>], vector<16xf32>,
      %gather3A_925 = tpu.vector_load_idx %arg9[%scan3A_912] : memref<100000xf32, #tpu.memory_space<vmem>>[vector<16xi32>], vector<16xf32>,
      %gather3A_926 = tpu.vector_load_idx %arg9[%scan3A_913] : memref<100000xf32, #tpu.memory_space<vmem>>[vector<16xi32>], vector<16xf32>,
      %gather3A_927 = tpu.vector_load_idx %arg9[%scan3A_914] : memref<100000xf32, #tpu.memory_space<vmem>>[vector<16xi32>], vector<16xf32>,
      %gather3A_928 = tpu.vector_load_idx %arg9[%scan3A_915] : memref<100000xf32, #tpu.memory_space<vmem>>[vector<16xi32>], vector<16xf32>,
      %gather3A_929 = tpu.vector_load_idx %arg9[%scan3A_916] : memref<100000xf32, #tpu.memory_space<vmem>>[vector<16xi32>], vector<16xf32>,
      %gather3A_930 = tpu.vector_load_idx %arg9[%scan3A_917] : memref<100000xf32, #tpu.memory_space<vmem>>[vector<16xi32>], vector<16xf32>,
      %add3A_931 = arith.constant 128 : i32
      %add3A_932 = arith.addi %add3A_923, %add3A_931 : i32
      %get3A_933 = arith.index_cast %add3A_932 : i32 to index
      %get3A_934 = tpu.vector_load %arg10[%get3A_933] {strides = array<i32>} : memref<16512xi32, #tpu.memory_space<vmem>>, vector<16xi32>,
      %add3A_935 = arith.constant 144 : i32
      %add3A_936 = arith.addi %add3A_923, %add3A_935 : i32
      %get3A_937 = arith.index_cast %add3A_936 : i32 to index
      %get3A_938 = tpu.vector_load %arg10[%get3A_937] {strides = array<i32>} : memref<16512xi32, #tpu.memory_space<vmem>>, vector<16xi32>,
      %add3A_939 = arith.constant 160 : i32
      %add3A_940 = arith.addi %add3A_923, %add3A_939 : i32
      %get3A_941 = arith.index_cast %add3A_940 : i32 to index
      %get3A_942 = tpu.vector_load %arg10[%get3A_941] {strides = array<i32>} : memref<16512xi32, #tpu.memory_space<vmem>>, vector<16xi32>,
      %add3A_943 = arith.constant 176 : i32
      %add3A_944 = arith.addi %add3A_923, %add3A_943 : i32
      %get3A_945 = arith.index_cast %add3A_944 : i32 to index
      %get3A_946 = tpu.vector_load %arg10[%get3A_945] {strides = array<i32>} : memref<16512xi32, #tpu.memory_space<vmem>>, vector<16xi32>,
      %add3A_947 = arith.constant 192 : i32
      %add3A_948 = arith.addi %add3A_923, %add3A_947 : i32
      %get3A_949 = arith.index_cast %add3A_948 : i32 to index
      %get3A_950 = tpu.vector_load %arg10[%get3A_949] {strides = array<i32>} : memref<16512xi32, #tpu.memory_space<vmem>>, vector<16xi32>,
      %add3A_951 = arith.constant 208 : i32
      %add3A_952 = arith.addi %add3A_923, %add3A_951 : i32
      %get3A_953 = arith.index_cast %add3A_952 : i32 to index
      %get3A_954 = tpu.vector_load %arg10[%get3A_953] {strides = array<i32>} : memref<16512xi32, #tpu.memory_space<vmem>>, vector<16xi32>,
      %add3A_955 = arith.constant 224 : i32
      %add3A_956 = arith.addi %add3A_923, %add3A_955 : i32
      %get3A_957 = arith.index_cast %add3A_956 : i32 to index
      %get3A_958 = tpu.vector_load %arg10[%get3A_957] {strides = array<i32>} : memref<16512xi32, #tpu.memory_space<vmem>>, vector<16xi32>,
      %add3A_959 = arith.constant 240 : i32
      %add3A_960 = arith.addi %add3A_923, %add3A_959 : i32
      %get3A_961 = arith.index_cast %add3A_960 : i32 to index
      %get3A_962 = tpu.vector_load %arg10[%get3A_961] {strides = array<i32>} : memref<16512xi32, #tpu.memory_space<vmem>>, vector<16xi32>,
      %mul3A_963 = arith.constant 16 : i32
      %mul3A_964 = arith.muli %scan3A_909, %mul3A_963 : i32
      %mul3A_965 = arith.constant 8 : i32
      %mul3A_966 = arith.muli %mul3A_964, %mul3A_965 : i32
      %add3A_967 = arith.constant 0 : i32
      %add3A_968 = arith.addi %mul3A_966, %add3A_967 : i32
      %swap3A = arith.index_cast %add3A_968 : i32 to index
      %swap3A_969 = tpu.vector_load %arg12[%swap3A] {strides = array<i32>} : memref<4096xf32, #tpu.memory_space<vmem>>, vector<16xf32>,
      tpu.vector_store %arg12[%swap3A], %gather3A {strides = array<i32>} : memref<4096xf32, #tpu.memory_space<vmem>>, vector<16xf32>,
      %mul3A_970 = arith.constant 16 : i32
      %mul3A_971 = arith.muli %scan3A_909, %mul3A_970 : i32
      %mul3A_972 = arith.constant 8 : i32
      %mul3A_973 = arith.muli %mul3A_971, %mul3A_972 : i32
      %add3A_974 = arith.constant 16 : i32
      %add3A_975 = arith.addi %mul3A_973, %add3A_974 : i32
      %swap3A_976 = arith.index_cast %add3A_975 : i32 to index
      %swap3A_977 = tpu.vector_load %arg12[%swap3A_976] {strides = array<i32>} : memref<4096xf32, #tpu.memory_space<vmem>>, vector<16xf32>,
      tpu.vector_store %arg12[%swap3A_976], %gather3A_924 {strides = array<i32>} : memref<4096xf32, #tpu.memory_space<vmem>>, vector<16xf32>,
      %mul3A_978 = arith.constant 16 : i32
      %mul3A_979 = arith.muli %scan3A_909, %mul3A_978 : i32
      %mul3A_980 = arith.constant 8 : i32
      %mul3A_981 = arith.muli %mul3A_979, %mul3A_980 : i32
      %add3A_982 = arith.constant 32 : i32
      %add3A_983 = arith.addi %mul3A_981, %add3A_982 : i32
      %swap3A_984 = arith.index_cast %add3A_983 : i32 to index
      %swap3A_985 = tpu.vector_load %arg12[%swap3A_984] {strides = array<i32>} : memref<4096xf32, #tpu.memory_space<vmem>>, vector<16xf32>,
      tpu.vector_store %arg12[%swap3A_984], %gather3A_925 {strides = array<i32>} : memref<4096xf32, #tpu.memory_space<vmem>>, vector<16xf32>,
      %mul3A_986 = arith.constant 16 : i32
      %mul3A_987 = arith.muli %scan3A_909, %mul3A_986 : i32
      %mul3A_988 = arith.constant 8 : i32
      %mul3A_989 = arith.muli %mul3A_987, %mul3A_988 : i32
      %add3A_990 = arith.constant 48 : i32
      %add3A_991 = arith.addi %mul3A_989, %add3A_990 : i32
      %swap3A_992 = arith.index_cast %add3A_991 : i32 to index
      %swap3A_993 = tpu.vector_load %arg12[%swap3A_992] {strides = array<i32>} : memref<4096xf32, #tpu.memory_space<vmem>>, vector<16xf32>,
      tpu.vector_store %arg12[%swap3A_992], %gather3A_926 {strides = array<i32>} : memref<4096xf32, #tpu.memory_space<vmem>>, vector<16xf32>,
      %mul3A_994 = arith.constant 16 : i32
      %mul3A_995 = arith.muli %scan3A_909, %mul3A_994 : i32
      %mul3A_996 = arith.constant 8 : i32
      %mul3A_997 = arith.muli %mul3A_995, %mul3A_996 : i32
      %add3A_998 = arith.constant 64 : i32
      %add3A_999 = arith.addi %mul3A_997, %add3A_998 : i32
      %swap3A_1000 = arith.index_cast %add3A_999 : i32 to index
      %swap3A_1001 = tpu.vector_load %arg12[%swap3A_1000] {strides = array<i32>} : memref<4096xf32, #tpu.memory_space<vmem>>, vector<16xf32>,
      tpu.vector_store %arg12[%swap3A_1000], %gather3A_927 {strides = array<i32>} : memref<4096xf32, #tpu.memory_space<vmem>>, vector<16xf32>,
      %mul3A_1002 = arith.constant 16 : i32
      %mul3A_1003 = arith.muli %scan3A_909, %mul3A_1002 : i32
      %mul3A_1004 = arith.constant 8 : i32
      %mul3A_1005 = arith.muli %mul3A_1003, %mul3A_1004 : i32
      %add3A_1006 = arith.constant 80 : i32
      %add3A_1007 = arith.addi %mul3A_1005, %add3A_1006 : i32
      %swap3A_1008 = arith.index_cast %add3A_1007 : i32 to index
      %swap3A_1009 = tpu.vector_load %arg12[%swap3A_1008] {strides = array<i32>} : memref<4096xf32, #tpu.memory_space<vmem>>, vector<16xf32>,
      tpu.vector_store %arg12[%swap3A_1008], %gather3A_928 {strides = array<i32>} : memref<4096xf32, #tpu.memory_space<vmem>>, vector<16xf32>,
      %mul3A_1010 = arith.constant 16 : i32
      %mul3A_1011 = arith.muli %scan3A_909, %mul3A_1010 : i32
      %mul3A_1012 = arith.constant 8 : i32
      %mul3A_1013 = arith.muli %mul3A_1011, %mul3A_1012 : i32
      %add3A_1014 = arith.constant 96 : i32
      %add3A_1015 = arith.addi %mul3A_1013, %add3A_1014 : i32
      %swap3A_1016 = arith.index_cast %add3A_1015 : i32 to index
      %swap3A_1017 = tpu.vector_load %arg12[%swap3A_1016] {strides = array<i32>} : memref<4096xf32, #tpu.memory_space<vmem>>, vector<16xf32>,
      tpu.vector_store %arg12[%swap3A_1016], %gather3A_929 {strides = array<i32>} : memref<4096xf32, #tpu.memory_space<vmem>>, vector<16xf32>,
      %mul3A_1018 = arith.constant 16 : i32
      %mul3A_1019 = arith.muli %scan3A_909, %mul3A_1018 : i32
      %mul3A_1020 = arith.constant 8 : i32
      %mul3A_1021 = arith.muli %mul3A_1019, %mul3A_1020 : i32
      %add3A_1022 = arith.constant 112 : i32
      %add3A_1023 = arith.addi %mul3A_1021, %add3A_1022 : i32
      %swap3A_1024 = arith.index_cast %add3A_1023 : i32 to index
      %swap3A_1025 = tpu.vector_load %arg12[%swap3A_1024] {strides = array<i32>} : memref<4096xf32, #tpu.memory_space<vmem>>, vector<16xf32>,
      tpu.vector_store %arg12[%swap3A_1024], %gather3A_930 {strides = array<i32>} : memref<4096xf32, #tpu.memory_space<vmem>>, vector<16xf32>,
      scf.yield %get3A_934, %get3A_938, %get3A_942, %get3A_946, %get3A_950, %get3A_954, %get3A_958, %get3A_962 : vector<16xi32>, vector<16xi32>, vector<16xi32>, vector<16xi32>, vector<16xi32>, vector<16xi32>, vector<16xi32>, vector<16xi32>
    }
    %scan3A_434 = arith.constant 32 : i32
    %dma_start3A_435 = arith.constant 12288 : i32
    %dma_start3A_436 = tpu.memref_slice %arg8[%add3A_292, %dma_start3A_435] : memref<64x16384xf32, #tpu.memory_space<hbm>> -> memref<1x4096xf32, #tpu.memory_space<hbm>>
    %dma_start3A_437 = tpu.memref_squeeze %dma_start3A_436 : memref<1x4096xf32, #tpu.memory_space<hbm>> -> memref<4096xf32, #tpu.memory_space<hbm>>
    %dma_start3A_438 = arith.constant 12288 : i32
    %dma_start3A_439 = tpu.memref_slice %arg8[%add3A_292, %dma_start3A_438] : memref<64x16384xf32, #tpu.memory_space<hbm>> -> memref<1x4096xf32, #tpu.memory_space<hbm>>
    %dma_start3A_440 = tpu.memref_squeeze %dma_start3A_439 : memref<1x4096xf32, #tpu.memory_space<hbm>> -> memref<4096xf32, #tpu.memory_space<hbm>>
    tpu.enqueue_dma source(%arg12 : memref<4096xf32, #tpu.memory_space<vmem>>) target(%dma_start3A_440 : memref<4096xf32, #tpu.memory_space<hbm>>) target_semaphore(%arg15 : memref<!tpu.dma_semaphore, #tpu.memory_space<semaphore_mem>>)
    %mul3A_441 = arith.constant 2 : i32
    %mul3A_442 = arith.muli %add3A, %mul3A_441 : i32
    %add3A_443 = arith.constant 1 : i32
    %add3A_444 = arith.addi %mul3A_442, %add3A_443 : i32
    %dma_start3A_445 = arith.constant 0 : i32
    %dma_start3A_446 = tpu.memref_slice %arg3[%add3A_444, %dma_start3A_445] : memref<64x100000xf32, #tpu.memory_space<hbm>> -> memref<1x100000xf32, #tpu.memory_space<hbm>>
    %dma_start3A_447 = tpu.memref_squeeze %dma_start3A_446 : memref<1x100000xf32, #tpu.memory_space<hbm>> -> memref<100000xf32, #tpu.memory_space<hbm>>
    %dma_start3A_448 = arith.constant 0 : i32
    %dma_start3A_449 = tpu.memref_slice %arg3[%add3A_444, %dma_start3A_448] : memref<64x100000xf32, #tpu.memory_space<hbm>> -> memref<1x100000xf32, #tpu.memory_space<hbm>>
    %dma_start3A_450 = tpu.memref_squeeze %dma_start3A_449 : memref<1x100000xf32, #tpu.memory_space<hbm>> -> memref<100000xf32, #tpu.memory_space<hbm>>
    tpu.enqueue_dma source(%dma_start3A_450 : memref<100000xf32, #tpu.memory_space<hbm>>) target(%arg9 : memref<100000xf32, #tpu.memory_space<vmem>>) target_semaphore(%arg13 : memref<!tpu.dma_semaphore, #tpu.memory_space<semaphore_mem>>)
    %dma_wait3A_451 = arith.constant 0 : i32
    %dma_wait3A_452 = tpu.memref_slice %arg3[%add3A_444, %dma_wait3A_451] : memref<64x100000xf32, #tpu.memory_space<hbm>> -> memref<1x100000xf32, #tpu.memory_space<hbm>>
    %dma_wait3A_453 = tpu.memref_squeeze %dma_wait3A_452 : memref<1x100000xf32, #tpu.memory_space<hbm>> -> memref<100000xf32, #tpu.memory_space<hbm>>
    %dma_wait3A_454 = arith.constant 0 : i32
    %dma_wait3A_455 = tpu.memref_slice %arg3[%add3A_444, %dma_wait3A_454] : memref<64x100000xf32, #tpu.memory_space<hbm>> -> memref<1x100000xf32, #tpu.memory_space<hbm>>
    %dma_wait3A_456 = tpu.memref_squeeze %dma_wait3A_455 : memref<1x100000xf32, #tpu.memory_space<hbm>> -> memref<100000xf32, #tpu.memory_space<hbm>>
    tpu.wait_dma2 semaphore(%arg13 : memref<!tpu.dma_semaphore, #tpu.memory_space<semaphore_mem>>) src(%dma_wait3A_456 : memref<100000xf32, #tpu.memory_space<hbm>>) dst(%arg9 : memref<100000xf32, #tpu.memory_space<vmem>>)
    %dma_wait3A_457 = arith.constant 8192 : i32
    %dma_wait3A_458 = tpu.memref_slice %arg8[%add3A_292, %dma_wait3A_457] : memref<64x16384xf32, #tpu.memory_space<hbm>> -> memref<1x4096xf32, #tpu.memory_space<hbm>>
    %dma_wait3A_459 = tpu.memref_squeeze %dma_wait3A_458 : memref<1x4096xf32, #tpu.memory_space<hbm>> -> memref<4096xf32, #tpu.memory_space<hbm>>
    %dma_wait3A_460 = arith.constant 8192 : i32
    %dma_wait3A_461 = tpu.memref_slice %arg8[%add3A_292, %dma_wait3A_460] : memref<64x16384xf32, #tpu.memory_space<hbm>> -> memref<1x4096xf32, #tpu.memory_space<hbm>>
    %dma_wait3A_462 = tpu.memref_squeeze %dma_wait3A_461 : memref<1x4096xf32, #tpu.memory_space<hbm>> -> memref<4096xf32, #tpu.memory_space<hbm>>
    tpu.wait_dma2 semaphore(%arg14 : memref<!tpu.dma_semaphore, #tpu.memory_space<semaphore_mem>>) src(%arg11 : memref<4096xf32, #tpu.memory_space<vmem>>) dst(%dma_wait3A_462 : memref<4096xf32, #tpu.memory_space<hbm>>)
    %get3A_463 = arith.constant 0 : index
    %get3A_464 = tpu.vector_load %arg10[%get3A_463] {strides = array<i32>} : memref<16512xi32, #tpu.memory_space<vmem>>, vector<16xi32>,
    %get3A_465 = arith.constant 16 : index
    %get3A_466 = tpu.vector_load %arg10[%get3A_465] {strides = array<i32>} : memref<16512xi32, #tpu.memory_space<vmem>>, vector<16xi32>,
    %get3A_467 = arith.constant 32 : index
    %get3A_468 = tpu.vector_load %arg10[%get3A_467] {strides = array<i32>} : memref<16512xi32, #tpu.memory_space<vmem>>, vector<16xi32>,
    %get3A_469 = arith.constant 48 : index
    %get3A_470 = tpu.vector_load %arg10[%get3A_469] {strides = array<i32>} : memref<16512xi32, #tpu.memory_space<vmem>>, vector<16xi32>,
    %get3A_471 = arith.constant 64 : index
    %get3A_472 = tpu.vector_load %arg10[%get3A_471] {strides = array<i32>} : memref<16512xi32, #tpu.memory_space<vmem>>, vector<16xi32>,
    %get3A_473 = arith.constant 80 : index
    %get3A_474 = tpu.vector_load %arg10[%get3A_473] {strides = array<i32>} : memref<16512xi32, #tpu.memory_space<vmem>>, vector<16xi32>,
    %get3A_475 = arith.constant 96 : index
    %get3A_476 = tpu.vector_load %arg10[%get3A_475] {strides = array<i32>} : memref<16512xi32, #tpu.memory_space<vmem>>, vector<16xi32>,
    %get3A_477 = arith.constant 112 : index
    %get3A_478 = tpu.vector_load %arg10[%get3A_477] {strides = array<i32>} : memref<16512xi32, #tpu.memory_space<vmem>>, vector<16xi32>,
    %scan3A_479 = arith.constant 0 : i32
    %scan3A_480 = arith.constant 32 : i32
    %scan3A_481 = arith.addi %scan3A_479, %scan3A_480 : i32
    %scan3A_482 = arith.constant 1 : i32
    %scan3A_483:8 = scf.for %scan3A_909 = %scan3A_479 to %scan3A_481 step %scan3A_482 iter_args(%scan3A_910 = %get3A_464, %scan3A_911 = %get3A_466, %scan3A_912 = %get3A_468, %scan3A_913 = %get3A_470, %scan3A_914 = %get3A_472, %scan3A_915 = %get3A_474, %scan3A_916 = %get3A_476, %scan3A_917 = %get3A_478) -> (vector<16xi32>, vector<16xi32>, vector<16xi32>, vector<16xi32>, vector<16xi32>, vector<16xi32>, vector<16xi32>, vector<16xi32>)  : i32 {
      %mul3A_918 = arith.constant 16 : i32
      %mul3A_919 = arith.muli %scan3A_909, %mul3A_918 : i32
      %mul3A_920 = arith.constant 8 : i32
      %mul3A_921 = arith.muli %mul3A_919, %mul3A_920 : i32
      %add3A_922 = arith.constant 0 : i32
      %add3A_923 = arith.addi %add3A_922, %mul3A_921 : i32
      %gather3A = tpu.vector_load_idx %arg9[%scan3A_910] : memref<100000xf32, #tpu.memory_space<vmem>>[vector<16xi32>], vector<16xf32>,
      %gather3A_924 = tpu.vector_load_idx %arg9[%scan3A_911] : memref<100000xf32, #tpu.memory_space<vmem>>[vector<16xi32>], vector<16xf32>,
      %gather3A_925 = tpu.vector_load_idx %arg9[%scan3A_912] : memref<100000xf32, #tpu.memory_space<vmem>>[vector<16xi32>], vector<16xf32>,
      %gather3A_926 = tpu.vector_load_idx %arg9[%scan3A_913] : memref<100000xf32, #tpu.memory_space<vmem>>[vector<16xi32>], vector<16xf32>,
      %gather3A_927 = tpu.vector_load_idx %arg9[%scan3A_914] : memref<100000xf32, #tpu.memory_space<vmem>>[vector<16xi32>], vector<16xf32>,
      %gather3A_928 = tpu.vector_load_idx %arg9[%scan3A_915] : memref<100000xf32, #tpu.memory_space<vmem>>[vector<16xi32>], vector<16xf32>,
      %gather3A_929 = tpu.vector_load_idx %arg9[%scan3A_916] : memref<100000xf32, #tpu.memory_space<vmem>>[vector<16xi32>], vector<16xf32>,
      %gather3A_930 = tpu.vector_load_idx %arg9[%scan3A_917] : memref<100000xf32, #tpu.memory_space<vmem>>[vector<16xi32>], vector<16xf32>,
      %add3A_931 = arith.constant 128 : i32
      %add3A_932 = arith.addi %add3A_923, %add3A_931 : i32
      %get3A_933 = arith.index_cast %add3A_932 : i32 to index
      %get3A_934 = tpu.vector_load %arg10[%get3A_933] {strides = array<i32>} : memref<16512xi32, #tpu.memory_space<vmem>>, vector<16xi32>,
      %add3A_935 = arith.constant 144 : i32
      %add3A_936 = arith.addi %add3A_923, %add3A_935 : i32
      %get3A_937 = arith.index_cast %add3A_936 : i32 to index
      %get3A_938 = tpu.vector_load %arg10[%get3A_937] {strides = array<i32>} : memref<16512xi32, #tpu.memory_space<vmem>>, vector<16xi32>,
      %add3A_939 = arith.constant 160 : i32
      %add3A_940 = arith.addi %add3A_923, %add3A_939 : i32
      %get3A_941 = arith.index_cast %add3A_940 : i32 to index
      %get3A_942 = tpu.vector_load %arg10[%get3A_941] {strides = array<i32>} : memref<16512xi32, #tpu.memory_space<vmem>>, vector<16xi32>,
      %add3A_943 = arith.constant 176 : i32
      %add3A_944 = arith.addi %add3A_923, %add3A_943 : i32
      %get3A_945 = arith.index_cast %add3A_944 : i32 to index
      %get3A_946 = tpu.vector_load %arg10[%get3A_945] {strides = array<i32>} : memref<16512xi32, #tpu.memory_space<vmem>>, vector<16xi32>,
      %add3A_947 = arith.constant 192 : i32
      %add3A_948 = arith.addi %add3A_923, %add3A_947 : i32
      %get3A_949 = arith.index_cast %add3A_948 : i32 to index
      %get3A_950 = tpu.vector_load %arg10[%get3A_949] {strides = array<i32>} : memref<16512xi32, #tpu.memory_space<vmem>>, vector<16xi32>,
      %add3A_951 = arith.constant 208 : i32
      %add3A_952 = arith.addi %add3A_923, %add3A_951 : i32
      %get3A_953 = arith.index_cast %add3A_952 : i32 to index
      %get3A_954 = tpu.vector_load %arg10[%get3A_953] {strides = array<i32>} : memref<16512xi32, #tpu.memory_space<vmem>>, vector<16xi32>,
      %add3A_955 = arith.constant 224 : i32
      %add3A_956 = arith.addi %add3A_923, %add3A_955 : i32
      %get3A_957 = arith.index_cast %add3A_956 : i32 to index
      %get3A_958 = tpu.vector_load %arg10[%get3A_957] {strides = array<i32>} : memref<16512xi32, #tpu.memory_space<vmem>>, vector<16xi32>,
      %add3A_959 = arith.constant 240 : i32
      %add3A_960 = arith.addi %add3A_923, %add3A_959 : i32
      %get3A_961 = arith.index_cast %add3A_960 : i32 to index
      %get3A_962 = tpu.vector_load %arg10[%get3A_961] {strides = array<i32>} : memref<16512xi32, #tpu.memory_space<vmem>>, vector<16xi32>,
      %mul3A_963 = arith.constant 16 : i32
      %mul3A_964 = arith.muli %scan3A_909, %mul3A_963 : i32
      %mul3A_965 = arith.constant 8 : i32
      %mul3A_966 = arith.muli %mul3A_964, %mul3A_965 : i32
      %add3A_967 = arith.constant 0 : i32
      %add3A_968 = arith.addi %mul3A_966, %add3A_967 : i32
      %swap3A = arith.index_cast %add3A_968 : i32 to index
      %swap3A_969 = tpu.vector_load %arg11[%swap3A] {strides = array<i32>} : memref<4096xf32, #tpu.memory_space<vmem>>, vector<16xf32>,
      tpu.vector_store %arg11[%swap3A], %gather3A {strides = array<i32>} : memref<4096xf32, #tpu.memory_space<vmem>>, vector<16xf32>,
      %mul3A_970 = arith.constant 16 : i32
      %mul3A_971 = arith.muli %scan3A_909, %mul3A_970 : i32
      %mul3A_972 = arith.constant 8 : i32
      %mul3A_973 = arith.muli %mul3A_971, %mul3A_972 : i32
      %add3A_974 = arith.constant 16 : i32
      %add3A_975 = arith.addi %mul3A_973, %add3A_974 : i32
      %swap3A_976 = arith.index_cast %add3A_975 : i32 to index
      %swap3A_977 = tpu.vector_load %arg11[%swap3A_976] {strides = array<i32>} : memref<4096xf32, #tpu.memory_space<vmem>>, vector<16xf32>,
      tpu.vector_store %arg11[%swap3A_976], %gather3A_924 {strides = array<i32>} : memref<4096xf32, #tpu.memory_space<vmem>>, vector<16xf32>,
      %mul3A_978 = arith.constant 16 : i32
      %mul3A_979 = arith.muli %scan3A_909, %mul3A_978 : i32
      %mul3A_980 = arith.constant 8 : i32
      %mul3A_981 = arith.muli %mul3A_979, %mul3A_980 : i32
      %add3A_982 = arith.constant 32 : i32
      %add3A_983 = arith.addi %mul3A_981, %add3A_982 : i32
      %swap3A_984 = arith.index_cast %add3A_983 : i32 to index
      %swap3A_985 = tpu.vector_load %arg11[%swap3A_984] {strides = array<i32>} : memref<4096xf32, #tpu.memory_space<vmem>>, vector<16xf32>,
      tpu.vector_store %arg11[%swap3A_984], %gather3A_925 {strides = array<i32>} : memref<4096xf32, #tpu.memory_space<vmem>>, vector<16xf32>,
      %mul3A_986 = arith.constant 16 : i32
      %mul3A_987 = arith.muli %scan3A_909, %mul3A_986 : i32
      %mul3A_988 = arith.constant 8 : i32
      %mul3A_989 = arith.muli %mul3A_987, %mul3A_988 : i32
      %add3A_990 = arith.constant 48 : i32
      %add3A_991 = arith.addi %mul3A_989, %add3A_990 : i32
      %swap3A_992 = arith.index_cast %add3A_991 : i32 to index
      %swap3A_993 = tpu.vector_load %arg11[%swap3A_992] {strides = array<i32>} : memref<4096xf32, #tpu.memory_space<vmem>>, vector<16xf32>,
      tpu.vector_store %arg11[%swap3A_992], %gather3A_926 {strides = array<i32>} : memref<4096xf32, #tpu.memory_space<vmem>>, vector<16xf32>,
      %mul3A_994 = arith.constant 16 : i32
      %mul3A_995 = arith.muli %scan3A_909, %mul3A_994 : i32
      %mul3A_996 = arith.constant 8 : i32
      %mul3A_997 = arith.muli %mul3A_995, %mul3A_996 : i32
      %add3A_998 = arith.constant 64 : i32
      %add3A_999 = arith.addi %mul3A_997, %add3A_998 : i32
      %swap3A_1000 = arith.index_cast %add3A_999 : i32 to index
      %swap3A_1001 = tpu.vector_load %arg11[%swap3A_1000] {strides = array<i32>} : memref<4096xf32, #tpu.memory_space<vmem>>, vector<16xf32>,
      tpu.vector_store %arg11[%swap3A_1000], %gather3A_927 {strides = array<i32>} : memref<4096xf32, #tpu.memory_space<vmem>>, vector<16xf32>,
      %mul3A_1002 = arith.constant 16 : i32
      %mul3A_1003 = arith.muli %scan3A_909, %mul3A_1002 : i32
      %mul3A_1004 = arith.constant 8 : i32
      %mul3A_1005 = arith.muli %mul3A_1003, %mul3A_1004 : i32
      %add3A_1006 = arith.constant 80 : i32
      %add3A_1007 = arith.addi %mul3A_1005, %add3A_1006 : i32
      %swap3A_1008 = arith.index_cast %add3A_1007 : i32 to index
      %swap3A_1009 = tpu.vector_load %arg11[%swap3A_1008] {strides = array<i32>} : memref<4096xf32, #tpu.memory_space<vmem>>, vector<16xf32>,
      tpu.vector_store %arg11[%swap3A_1008], %gather3A_928 {strides = array<i32>} : memref<4096xf32, #tpu.memory_space<vmem>>, vector<16xf32>,
      %mul3A_1010 = arith.constant 16 : i32
      %mul3A_1011 = arith.muli %scan3A_909, %mul3A_1010 : i32
      %mul3A_1012 = arith.constant 8 : i32
      %mul3A_1013 = arith.muli %mul3A_1011, %mul3A_1012 : i32
      %add3A_1014 = arith.constant 96 : i32
      %add3A_1015 = arith.addi %mul3A_1013, %add3A_1014 : i32
      %swap3A_1016 = arith.index_cast %add3A_1015 : i32 to index
      %swap3A_1017 = tpu.vector_load %arg11[%swap3A_1016] {strides = array<i32>} : memref<4096xf32, #tpu.memory_space<vmem>>, vector<16xf32>,
      tpu.vector_store %arg11[%swap3A_1016], %gather3A_929 {strides = array<i32>} : memref<4096xf32, #tpu.memory_space<vmem>>, vector<16xf32>,
      %mul3A_1018 = arith.constant 16 : i32
      %mul3A_1019 = arith.muli %scan3A_909, %mul3A_1018 : i32
      %mul3A_1020 = arith.constant 8 : i32
      %mul3A_1021 = arith.muli %mul3A_1019, %mul3A_1020 : i32
      %add3A_1022 = arith.constant 112 : i32
      %add3A_1023 = arith.addi %mul3A_1021, %add3A_1022 : i32
      %swap3A_1024 = arith.index_cast %add3A_1023 : i32 to index
      %swap3A_1025 = tpu.vector_load %arg11[%swap3A_1024] {strides = array<i32>} : memref<4096xf32, #tpu.memory_space<vmem>>, vector<16xf32>,
      tpu.vector_store %arg11[%swap3A_1024], %gather3A_930 {strides = array<i32>} : memref<4096xf32, #tpu.memory_space<vmem>>, vector<16xf32>,
      scf.yield %get3A_934, %get3A_938, %get3A_942, %get3A_946, %get3A_950, %get3A_954, %get3A_958, %get3A_962 : vector<16xi32>, vector<16xi32>, vector<16xi32>, vector<16xi32>, vector<16xi32>, vector<16xi32>, vector<16xi32>, vector<16xi32>
    }
    %scan3A_484 = arith.constant 32 : i32
    %dma_start3A_485 = arith.constant 0 : i32
    %dma_start3A_486 = tpu.memref_slice %arg6[%add3A_444, %dma_start3A_485] : memref<64x16384xf32, #tpu.memory_space<hbm>> -> memref<1x4096xf32, #tpu.memory_space<hbm>>
    %dma_start3A_487 = tpu.memref_squeeze %dma_start3A_486 : memref<1x4096xf32, #tpu.memory_space<hbm>> -> memref<4096xf32, #tpu.memory_space<hbm>>
    %dma_start3A_488 = arith.constant 0 : i32
    %dma_start3A_489 = tpu.memref_slice %arg6[%add3A_444, %dma_start3A_488] : memref<64x16384xf32, #tpu.memory_space<hbm>> -> memref<1x4096xf32, #tpu.memory_space<hbm>>
    %dma_start3A_490 = tpu.memref_squeeze %dma_start3A_489 : memref<1x4096xf32, #tpu.memory_space<hbm>> -> memref<4096xf32, #tpu.memory_space<hbm>>
    tpu.enqueue_dma source(%arg11 : memref<4096xf32, #tpu.memory_space<vmem>>) target(%dma_start3A_490 : memref<4096xf32, #tpu.memory_space<hbm>>) target_semaphore(%arg14 : memref<!tpu.dma_semaphore, #tpu.memory_space<semaphore_mem>>)
    %dma_wait3A_491 = arith.constant 12288 : i32
    %dma_wait3A_492 = tpu.memref_slice %arg8[%add3A_292, %dma_wait3A_491] : memref<64x16384xf32, #tpu.memory_space<hbm>> -> memref<1x4096xf32, #tpu.memory_space<hbm>>
    %dma_wait3A_493 = tpu.memref_squeeze %dma_wait3A_492 : memref<1x4096xf32, #tpu.memory_space<hbm>> -> memref<4096xf32, #tpu.memory_space<hbm>>
    %dma_wait3A_494 = arith.constant 12288 : i32
    %dma_wait3A_495 = tpu.memref_slice %arg8[%add3A_292, %dma_wait3A_494] : memref<64x16384xf32, #tpu.memory_space<hbm>> -> memref<1x4096xf32, #tpu.memory_space<hbm>>
    %dma_wait3A_496 = tpu.memref_squeeze %dma_wait3A_495 : memref<1x4096xf32, #tpu.memory_space<hbm>> -> memref<4096xf32, #tpu.memory_space<hbm>>
    tpu.wait_dma2 semaphore(%arg15 : memref<!tpu.dma_semaphore, #tpu.memory_space<semaphore_mem>>) src(%arg12 : memref<4096xf32, #tpu.memory_space<vmem>>) dst(%dma_wait3A_496 : memref<4096xf32, #tpu.memory_space<hbm>>)
    %get3A_497 = arith.constant 4096 : index
    %get3A_498 = tpu.vector_load %arg10[%get3A_497] {strides = array<i32>} : memref<16512xi32, #tpu.memory_space<vmem>>, vector<16xi32>,
    %get3A_499 = arith.constant 4112 : index
    %get3A_500 = tpu.vector_load %arg10[%get3A_499] {strides = array<i32>} : memref<16512xi32, #tpu.memory_space<vmem>>, vector<16xi32>,
    %get3A_501 = arith.constant 4128 : index
    %get3A_502 = tpu.vector_load %arg10[%get3A_501] {strides = array<i32>} : memref<16512xi32, #tpu.memory_space<vmem>>, vector<16xi32>,
    %get3A_503 = arith.constant 4144 : index
    %get3A_504 = tpu.vector_load %arg10[%get3A_503] {strides = array<i32>} : memref<16512xi32, #tpu.memory_space<vmem>>, vector<16xi32>,
    %get3A_505 = arith.constant 4160 : index
    %get3A_506 = tpu.vector_load %arg10[%get3A_505] {strides = array<i32>} : memref<16512xi32, #tpu.memory_space<vmem>>, vector<16xi32>,
    %get3A_507 = arith.constant 4176 : index
    %get3A_508 = tpu.vector_load %arg10[%get3A_507] {strides = array<i32>} : memref<16512xi32, #tpu.memory_space<vmem>>, vector<16xi32>,
    %get3A_509 = arith.constant 4192 : index
    %get3A_510 = tpu.vector_load %arg10[%get3A_509] {strides = array<i32>} : memref<16512xi32, #tpu.memory_space<vmem>>, vector<16xi32>,
    %get3A_511 = arith.constant 4208 : index
    %get3A_512 = tpu.vector_load %arg10[%get3A_511] {strides = array<i32>} : memref<16512xi32, #tpu.memory_space<vmem>>, vector<16xi32>,
    %scan3A_513 = arith.constant 0 : i32
    %scan3A_514 = arith.constant 32 : i32
    %scan3A_515 = arith.addi %scan3A_513, %scan3A_514 : i32
    %scan3A_516 = arith.constant 1 : i32
    %scan3A_517:8 = scf.for %scan3A_909 = %scan3A_513 to %scan3A_515 step %scan3A_516 iter_args(%scan3A_910 = %get3A_498, %scan3A_911 = %get3A_500, %scan3A_912 = %get3A_502, %scan3A_913 = %get3A_504, %scan3A_914 = %get3A_506, %scan3A_915 = %get3A_508, %scan3A_916 = %get3A_510, %scan3A_917 = %get3A_512) -> (vector<16xi32>, vector<16xi32>, vector<16xi32>, vector<16xi32>, vector<16xi32>, vector<16xi32>, vector<16xi32>, vector<16xi32>)  : i32 {
      %mul3A_918 = arith.constant 16 : i32
      %mul3A_919 = arith.muli %scan3A_909, %mul3A_918 : i32
      %mul3A_920 = arith.constant 8 : i32
      %mul3A_921 = arith.muli %mul3A_919, %mul3A_920 : i32
      %add3A_922 = arith.constant 4096 : i32
      %add3A_923 = arith.addi %add3A_922, %mul3A_921 : i32
      %gather3A = tpu.vector_load_idx %arg9[%scan3A_910] : memref<100000xf32, #tpu.memory_space<vmem>>[vector<16xi32>], vector<16xf32>,
      %gather3A_924 = tpu.vector_load_idx %arg9[%scan3A_911] : memref<100000xf32, #tpu.memory_space<vmem>>[vector<16xi32>], vector<16xf32>,
      %gather3A_925 = tpu.vector_load_idx %arg9[%scan3A_912] : memref<100000xf32, #tpu.memory_space<vmem>>[vector<16xi32>], vector<16xf32>,
      %gather3A_926 = tpu.vector_load_idx %arg9[%scan3A_913] : memref<100000xf32, #tpu.memory_space<vmem>>[vector<16xi32>], vector<16xf32>,
      %gather3A_927 = tpu.vector_load_idx %arg9[%scan3A_914] : memref<100000xf32, #tpu.memory_space<vmem>>[vector<16xi32>], vector<16xf32>,
      %gather3A_928 = tpu.vector_load_idx %arg9[%scan3A_915] : memref<100000xf32, #tpu.memory_space<vmem>>[vector<16xi32>], vector<16xf32>,
      %gather3A_929 = tpu.vector_load_idx %arg9[%scan3A_916] : memref<100000xf32, #tpu.memory_space<vmem>>[vector<16xi32>], vector<16xf32>,
      %gather3A_930 = tpu.vector_load_idx %arg9[%scan3A_917] : memref<100000xf32, #tpu.memory_space<vmem>>[vector<16xi32>], vector<16xf32>,
      %add3A_931 = arith.constant 128 : i32
      %add3A_932 = arith.addi %add3A_923, %add3A_931 : i32
      %get3A_933 = arith.index_cast %add3A_932 : i32 to index
      %get3A_934 = tpu.vector_load %arg10[%get3A_933] {strides = array<i32>} : memref<16512xi32, #tpu.memory_space<vmem>>, vector<16xi32>,
      %add3A_935 = arith.constant 144 : i32
      %add3A_936 = arith.addi %add3A_923, %add3A_935 : i32
      %get3A_937 = arith.index_cast %add3A_936 : i32 to index
      %get3A_938 = tpu.vector_load %arg10[%get3A_937] {strides = array<i32>} : memref<16512xi32, #tpu.memory_space<vmem>>, vector<16xi32>,
      %add3A_939 = arith.constant 160 : i32
      %add3A_940 = arith.addi %add3A_923, %add3A_939 : i32
      %get3A_941 = arith.index_cast %add3A_940 : i32 to index
      %get3A_942 = tpu.vector_load %arg10[%get3A_941] {strides = array<i32>} : memref<16512xi32, #tpu.memory_space<vmem>>, vector<16xi32>,
      %add3A_943 = arith.constant 176 : i32
      %add3A_944 = arith.addi %add3A_923, %add3A_943 : i32
      %get3A_945 = arith.index_cast %add3A_944 : i32 to index
      %get3A_946 = tpu.vector_load %arg10[%get3A_945] {strides = array<i32>} : memref<16512xi32, #tpu.memory_space<vmem>>, vector<16xi32>,
      %add3A_947 = arith.constant 192 : i32
      %add3A_948 = arith.addi %add3A_923, %add3A_947 : i32
      %get3A_949 = arith.index_cast %add3A_948 : i32 to index
      %get3A_950 = tpu.vector_load %arg10[%get3A_949] {strides = array<i32>} : memref<16512xi32, #tpu.memory_space<vmem>>, vector<16xi32>,
      %add3A_951 = arith.constant 208 : i32
      %add3A_952 = arith.addi %add3A_923, %add3A_951 : i32
      %get3A_953 = arith.index_cast %add3A_952 : i32 to index
      %get3A_954 = tpu.vector_load %arg10[%get3A_953] {strides = array<i32>} : memref<16512xi32, #tpu.memory_space<vmem>>, vector<16xi32>,
      %add3A_955 = arith.constant 224 : i32
      %add3A_956 = arith.addi %add3A_923, %add3A_955 : i32
      %get3A_957 = arith.index_cast %add3A_956 : i32 to index
      %get3A_958 = tpu.vector_load %arg10[%get3A_957] {strides = array<i32>} : memref<16512xi32, #tpu.memory_space<vmem>>, vector<16xi32>,
      %add3A_959 = arith.constant 240 : i32
      %add3A_960 = arith.addi %add3A_923, %add3A_959 : i32
      %get3A_961 = arith.index_cast %add3A_960 : i32 to index
      %get3A_962 = tpu.vector_load %arg10[%get3A_961] {strides = array<i32>} : memref<16512xi32, #tpu.memory_space<vmem>>, vector<16xi32>,
      %mul3A_963 = arith.constant 16 : i32
      %mul3A_964 = arith.muli %scan3A_909, %mul3A_963 : i32
      %mul3A_965 = arith.constant 8 : i32
      %mul3A_966 = arith.muli %mul3A_964, %mul3A_965 : i32
      %add3A_967 = arith.constant 0 : i32
      %add3A_968 = arith.addi %mul3A_966, %add3A_967 : i32
      %swap3A = arith.index_cast %add3A_968 : i32 to index
      %swap3A_969 = tpu.vector_load %arg12[%swap3A] {strides = array<i32>} : memref<4096xf32, #tpu.memory_space<vmem>>, vector<16xf32>,
      tpu.vector_store %arg12[%swap3A], %gather3A {strides = array<i32>} : memref<4096xf32, #tpu.memory_space<vmem>>, vector<16xf32>,
      %mul3A_970 = arith.constant 16 : i32
      %mul3A_971 = arith.muli %scan3A_909, %mul3A_970 : i32
      %mul3A_972 = arith.constant 8 : i32
      %mul3A_973 = arith.muli %mul3A_971, %mul3A_972 : i32
      %add3A_974 = arith.constant 16 : i32
      %add3A_975 = arith.addi %mul3A_973, %add3A_974 : i32
      %swap3A_976 = arith.index_cast %add3A_975 : i32 to index
      %swap3A_977 = tpu.vector_load %arg12[%swap3A_976] {strides = array<i32>} : memref<4096xf32, #tpu.memory_space<vmem>>, vector<16xf32>,
      tpu.vector_store %arg12[%swap3A_976], %gather3A_924 {strides = array<i32>} : memref<4096xf32, #tpu.memory_space<vmem>>, vector<16xf32>,
      %mul3A_978 = arith.constant 16 : i32
      %mul3A_979 = arith.muli %scan3A_909, %mul3A_978 : i32
      %mul3A_980 = arith.constant 8 : i32
      %mul3A_981 = arith.muli %mul3A_979, %mul3A_980 : i32
      %add3A_982 = arith.constant 32 : i32
      %add3A_983 = arith.addi %mul3A_981, %add3A_982 : i32
      %swap3A_984 = arith.index_cast %add3A_983 : i32 to index
      %swap3A_985 = tpu.vector_load %arg12[%swap3A_984] {strides = array<i32>} : memref<4096xf32, #tpu.memory_space<vmem>>, vector<16xf32>,
      tpu.vector_store %arg12[%swap3A_984], %gather3A_925 {strides = array<i32>} : memref<4096xf32, #tpu.memory_space<vmem>>, vector<16xf32>,
      %mul3A_986 = arith.constant 16 : i32
      %mul3A_987 = arith.muli %scan3A_909, %mul3A_986 : i32
      %mul3A_988 = arith.constant 8 : i32
      %mul3A_989 = arith.muli %mul3A_987, %mul3A_988 : i32
      %add3A_990 = arith.constant 48 : i32
      %add3A_991 = arith.addi %mul3A_989, %add3A_990 : i32
      %swap3A_992 = arith.index_cast %add3A_991 : i32 to index
      %swap3A_993 = tpu.vector_load %arg12[%swap3A_992] {strides = array<i32>} : memref<4096xf32, #tpu.memory_space<vmem>>, vector<16xf32>,
      tpu.vector_store %arg12[%swap3A_992], %gather3A_926 {strides = array<i32>} : memref<4096xf32, #tpu.memory_space<vmem>>, vector<16xf32>,
      %mul3A_994 = arith.constant 16 : i32
      %mul3A_995 = arith.muli %scan3A_909, %mul3A_994 : i32
      %mul3A_996 = arith.constant 8 : i32
      %mul3A_997 = arith.muli %mul3A_995, %mul3A_996 : i32
      %add3A_998 = arith.constant 64 : i32
      %add3A_999 = arith.addi %mul3A_997, %add3A_998 : i32
      %swap3A_1000 = arith.index_cast %add3A_999 : i32 to index
      %swap3A_1001 = tpu.vector_load %arg12[%swap3A_1000] {strides = array<i32>} : memref<4096xf32, #tpu.memory_space<vmem>>, vector<16xf32>,
      tpu.vector_store %arg12[%swap3A_1000], %gather3A_927 {strides = array<i32>} : memref<4096xf32, #tpu.memory_space<vmem>>, vector<16xf32>,
      %mul3A_1002 = arith.constant 16 : i32
      %mul3A_1003 = arith.muli %scan3A_909, %mul3A_1002 : i32
      %mul3A_1004 = arith.constant 8 : i32
      %mul3A_1005 = arith.muli %mul3A_1003, %mul3A_1004 : i32
      %add3A_1006 = arith.constant 80 : i32
      %add3A_1007 = arith.addi %mul3A_1005, %add3A_1006 : i32
      %swap3A_1008 = arith.index_cast %add3A_1007 : i32 to index
      %swap3A_1009 = tpu.vector_load %arg12[%swap3A_1008] {strides = array<i32>} : memref<4096xf32, #tpu.memory_space<vmem>>, vector<16xf32>,
      tpu.vector_store %arg12[%swap3A_1008], %gather3A_928 {strides = array<i32>} : memref<4096xf32, #tpu.memory_space<vmem>>, vector<16xf32>,
      %mul3A_1010 = arith.constant 16 : i32
      %mul3A_1011 = arith.muli %scan3A_909, %mul3A_1010 : i32
      %mul3A_1012 = arith.constant 8 : i32
      %mul3A_1013 = arith.muli %mul3A_1011, %mul3A_1012 : i32
      %add3A_1014 = arith.constant 96 : i32
      %add3A_1015 = arith.addi %mul3A_1013, %add3A_1014 : i32
      %swap3A_1016 = arith.index_cast %add3A_1015 : i32 to index
      %swap3A_1017 = tpu.vector_load %arg12[%swap3A_1016] {strides = array<i32>} : memref<4096xf32, #tpu.memory_space<vmem>>, vector<16xf32>,
      tpu.vector_store %arg12[%swap3A_1016], %gather3A_929 {strides = array<i32>} : memref<4096xf32, #tpu.memory_space<vmem>>, vector<16xf32>,
      %mul3A_1018 = arith.constant 16 : i32
      %mul3A_1019 = arith.muli %scan3A_909, %mul3A_1018 : i32
      %mul3A_1020 = arith.constant 8 : i32
      %mul3A_1021 = arith.muli %mul3A_1019, %mul3A_1020 : i32
      %add3A_1022 = arith.constant 112 : i32
      %add3A_1023 = arith.addi %mul3A_1021, %add3A_1022 : i32
      %swap3A_1024 = arith.index_cast %add3A_1023 : i32 to index
      %swap3A_1025 = tpu.vector_load %arg12[%swap3A_1024] {strides = array<i32>} : memref<4096xf32, #tpu.memory_space<vmem>>, vector<16xf32>,
      tpu.vector_store %arg12[%swap3A_1024], %gather3A_930 {strides = array<i32>} : memref<4096xf32, #tpu.memory_space<vmem>>, vector<16xf32>,
      scf.yield %get3A_934, %get3A_938, %get3A_942, %get3A_946, %get3A_950, %get3A_954, %get3A_958, %get3A_962 : vector<16xi32>, vector<16xi32>, vector<16xi32>, vector<16xi32>, vector<16xi32>, vector<16xi32>, vector<16xi32>, vector<16xi32>
    }
    %scan3A_518 = arith.constant 32 : i32
    %dma_start3A_519 = arith.constant 4096 : i32
    %dma_start3A_520 = tpu.memref_slice %arg6[%add3A_444, %dma_start3A_519] : memref<64x16384xf32, #tpu.memory_space<hbm>> -> memref<1x4096xf32, #tpu.memory_space<hbm>>
    %dma_start3A_521 = tpu.memref_squeeze %dma_start3A_520 : memref<1x4096xf32, #tpu.memory_space<hbm>> -> memref<4096xf32, #tpu.memory_space<hbm>>
    %dma_start3A_522 = arith.constant 4096 : i32
    %dma_start3A_523 = tpu.memref_slice %arg6[%add3A_444, %dma_start3A_522] : memref<64x16384xf32, #tpu.memory_space<hbm>> -> memref<1x4096xf32, #tpu.memory_space<hbm>>
    %dma_start3A_524 = tpu.memref_squeeze %dma_start3A_523 : memref<1x4096xf32, #tpu.memory_space<hbm>> -> memref<4096xf32, #tpu.memory_space<hbm>>
    tpu.enqueue_dma source(%arg12 : memref<4096xf32, #tpu.memory_space<vmem>>) target(%dma_start3A_524 : memref<4096xf32, #tpu.memory_space<hbm>>) target_semaphore(%arg15 : memref<!tpu.dma_semaphore, #tpu.memory_space<semaphore_mem>>)
    %dma_wait3A_525 = arith.constant 0 : i32
    %dma_wait3A_526 = tpu.memref_slice %arg6[%add3A_444, %dma_wait3A_525] : memref<64x16384xf32, #tpu.memory_space<hbm>> -> memref<1x4096xf32, #tpu.memory_space<hbm>>
    %dma_wait3A_527 = tpu.memref_squeeze %dma_wait3A_526 : memref<1x4096xf32, #tpu.memory_space<hbm>> -> memref<4096xf32, #tpu.memory_space<hbm>>
    %dma_wait3A_528 = arith.constant 0 : i32
    %dma_wait3A_529 = tpu.memref_slice %arg6[%add3A_444, %dma_wait3A_528] : memref<64x16384xf32, #tpu.memory_space<hbm>> -> memref<1x4096xf32, #tpu.memory_space<hbm>>
    %dma_wait3A_530 = tpu.memref_squeeze %dma_wait3A_529 : memref<1x4096xf32, #tpu.memory_space<hbm>> -> memref<4096xf32, #tpu.memory_space<hbm>>
    tpu.wait_dma2 semaphore(%arg14 : memref<!tpu.dma_semaphore, #tpu.memory_space<semaphore_mem>>) src(%arg11 : memref<4096xf32, #tpu.memory_space<vmem>>) dst(%dma_wait3A_530 : memref<4096xf32, #tpu.memory_space<hbm>>)
    %get3A_531 = arith.constant 8192 : index
    %get3A_532 = tpu.vector_load %arg10[%get3A_531] {strides = array<i32>} : memref<16512xi32, #tpu.memory_space<vmem>>, vector<16xi32>,
    %get3A_533 = arith.constant 8208 : index
    %get3A_534 = tpu.vector_load %arg10[%get3A_533] {strides = array<i32>} : memref<16512xi32, #tpu.memory_space<vmem>>, vector<16xi32>,
    %get3A_535 = arith.constant 8224 : index
    %get3A_536 = tpu.vector_load %arg10[%get3A_535] {strides = array<i32>} : memref<16512xi32, #tpu.memory_space<vmem>>, vector<16xi32>,
    %get3A_537 = arith.constant 8240 : index
    %get3A_538 = tpu.vector_load %arg10[%get3A_537] {strides = array<i32>} : memref<16512xi32, #tpu.memory_space<vmem>>, vector<16xi32>,
    %get3A_539 = arith.constant 8256 : index
    %get3A_540 = tpu.vector_load %arg10[%get3A_539] {strides = array<i32>} : memref<16512xi32, #tpu.memory_space<vmem>>, vector<16xi32>,
    %get3A_541 = arith.constant 8272 : index
    %get3A_542 = tpu.vector_load %arg10[%get3A_541] {strides = array<i32>} : memref<16512xi32, #tpu.memory_space<vmem>>, vector<16xi32>,
    %get3A_543 = arith.constant 8288 : index
    %get3A_544 = tpu.vector_load %arg10[%get3A_543] {strides = array<i32>} : memref<16512xi32, #tpu.memory_space<vmem>>, vector<16xi32>,
    %get3A_545 = arith.constant 8304 : index
    %get3A_546 = tpu.vector_load %arg10[%get3A_545] {strides = array<i32>} : memref<16512xi32, #tpu.memory_space<vmem>>, vector<16xi32>,
    %scan3A_547 = arith.constant 0 : i32
    %scan3A_548 = arith.constant 32 : i32
    %scan3A_549 = arith.addi %scan3A_547, %scan3A_548 : i32
    %scan3A_550 = arith.constant 1 : i32
    %scan3A_551:8 = scf.for %scan3A_909 = %scan3A_547 to %scan3A_549 step %scan3A_550 iter_args(%scan3A_910 = %get3A_532, %scan3A_911 = %get3A_534, %scan3A_912 = %get3A_536, %scan3A_913 = %get3A_538, %scan3A_914 = %get3A_540, %scan3A_915 = %get3A_542, %scan3A_916 = %get3A_544, %scan3A_917 = %get3A_546) -> (vector<16xi32>, vector<16xi32>, vector<16xi32>, vector<16xi32>, vector<16xi32>, vector<16xi32>, vector<16xi32>, vector<16xi32>)  : i32 {
      %mul3A_918 = arith.constant 16 : i32
      %mul3A_919 = arith.muli %scan3A_909, %mul3A_918 : i32
      %mul3A_920 = arith.constant 8 : i32
      %mul3A_921 = arith.muli %mul3A_919, %mul3A_920 : i32
      %add3A_922 = arith.constant 8192 : i32
      %add3A_923 = arith.addi %add3A_922, %mul3A_921 : i32
      %gather3A = tpu.vector_load_idx %arg9[%scan3A_910] : memref<100000xf32, #tpu.memory_space<vmem>>[vector<16xi32>], vector<16xf32>,
      %gather3A_924 = tpu.vector_load_idx %arg9[%scan3A_911] : memref<100000xf32, #tpu.memory_space<vmem>>[vector<16xi32>], vector<16xf32>,
      %gather3A_925 = tpu.vector_load_idx %arg9[%scan3A_912] : memref<100000xf32, #tpu.memory_space<vmem>>[vector<16xi32>], vector<16xf32>,
      %gather3A_926 = tpu.vector_load_idx %arg9[%scan3A_913] : memref<100000xf32, #tpu.memory_space<vmem>>[vector<16xi32>], vector<16xf32>,
      %gather3A_927 = tpu.vector_load_idx %arg9[%scan3A_914] : memref<100000xf32, #tpu.memory_space<vmem>>[vector<16xi32>], vector<16xf32>,
      %gather3A_928 = tpu.vector_load_idx %arg9[%scan3A_915] : memref<100000xf32, #tpu.memory_space<vmem>>[vector<16xi32>], vector<16xf32>,
      %gather3A_929 = tpu.vector_load_idx %arg9[%scan3A_916] : memref<100000xf32, #tpu.memory_space<vmem>>[vector<16xi32>], vector<16xf32>,
      %gather3A_930 = tpu.vector_load_idx %arg9[%scan3A_917] : memref<100000xf32, #tpu.memory_space<vmem>>[vector<16xi32>], vector<16xf32>,
      %add3A_931 = arith.constant 128 : i32
      %add3A_932 = arith.addi %add3A_923, %add3A_931 : i32
      %get3A_933 = arith.index_cast %add3A_932 : i32 to index
      %get3A_934 = tpu.vector_load %arg10[%get3A_933] {strides = array<i32>} : memref<16512xi32, #tpu.memory_space<vmem>>, vector<16xi32>,
      %add3A_935 = arith.constant 144 : i32
      %add3A_936 = arith.addi %add3A_923, %add3A_935 : i32
      %get3A_937 = arith.index_cast %add3A_936 : i32 to index
      %get3A_938 = tpu.vector_load %arg10[%get3A_937] {strides = array<i32>} : memref<16512xi32, #tpu.memory_space<vmem>>, vector<16xi32>,
      %add3A_939 = arith.constant 160 : i32
      %add3A_940 = arith.addi %add3A_923, %add3A_939 : i32
      %get3A_941 = arith.index_cast %add3A_940 : i32 to index
      %get3A_942 = tpu.vector_load %arg10[%get3A_941] {strides = array<i32>} : memref<16512xi32, #tpu.memory_space<vmem>>, vector<16xi32>,
      %add3A_943 = arith.constant 176 : i32
      %add3A_944 = arith.addi %add3A_923, %add3A_943 : i32
      %get3A_945 = arith.index_cast %add3A_944 : i32 to index
      %get3A_946 = tpu.vector_load %arg10[%get3A_945] {strides = array<i32>} : memref<16512xi32, #tpu.memory_space<vmem>>, vector<16xi32>,
      %add3A_947 = arith.constant 192 : i32
      %add3A_948 = arith.addi %add3A_923, %add3A_947 : i32
      %get3A_949 = arith.index_cast %add3A_948 : i32 to index
      %get3A_950 = tpu.vector_load %arg10[%get3A_949] {strides = array<i32>} : memref<16512xi32, #tpu.memory_space<vmem>>, vector<16xi32>,
      %add3A_951 = arith.constant 208 : i32
      %add3A_952 = arith.addi %add3A_923, %add3A_951 : i32
      %get3A_953 = arith.index_cast %add3A_952 : i32 to index
      %get3A_954 = tpu.vector_load %arg10[%get3A_953] {strides = array<i32>} : memref<16512xi32, #tpu.memory_space<vmem>>, vector<16xi32>,
      %add3A_955 = arith.constant 224 : i32
      %add3A_956 = arith.addi %add3A_923, %add3A_955 : i32
      %get3A_957 = arith.index_cast %add3A_956 : i32 to index
      %get3A_958 = tpu.vector_load %arg10[%get3A_957] {strides = array<i32>} : memref<16512xi32, #tpu.memory_space<vmem>>, vector<16xi32>,
      %add3A_959 = arith.constant 240 : i32
      %add3A_960 = arith.addi %add3A_923, %add3A_959 : i32
      %get3A_961 = arith.index_cast %add3A_960 : i32 to index
      %get3A_962 = tpu.vector_load %arg10[%get3A_961] {strides = array<i32>} : memref<16512xi32, #tpu.memory_space<vmem>>, vector<16xi32>,
      %mul3A_963 = arith.constant 16 : i32
      %mul3A_964 = arith.muli %scan3A_909, %mul3A_963 : i32
      %mul3A_965 = arith.constant 8 : i32
      %mul3A_966 = arith.muli %mul3A_964, %mul3A_965 : i32
      %add3A_967 = arith.constant 0 : i32
      %add3A_968 = arith.addi %mul3A_966, %add3A_967 : i32
      %swap3A = arith.index_cast %add3A_968 : i32 to index
      %swap3A_969 = tpu.vector_load %arg11[%swap3A] {strides = array<i32>} : memref<4096xf32, #tpu.memory_space<vmem>>, vector<16xf32>,
      tpu.vector_store %arg11[%swap3A], %gather3A {strides = array<i32>} : memref<4096xf32, #tpu.memory_space<vmem>>, vector<16xf32>,
      %mul3A_970 = arith.constant 16 : i32
      %mul3A_971 = arith.muli %scan3A_909, %mul3A_970 : i32
      %mul3A_972 = arith.constant 8 : i32
      %mul3A_973 = arith.muli %mul3A_971, %mul3A_972 : i32
      %add3A_974 = arith.constant 16 : i32
      %add3A_975 = arith.addi %mul3A_973, %add3A_974 : i32
      %swap3A_976 = arith.index_cast %add3A_975 : i32 to index
      %swap3A_977 = tpu.vector_load %arg11[%swap3A_976] {strides = array<i32>} : memref<4096xf32, #tpu.memory_space<vmem>>, vector<16xf32>,
      tpu.vector_store %arg11[%swap3A_976], %gather3A_924 {strides = array<i32>} : memref<4096xf32, #tpu.memory_space<vmem>>, vector<16xf32>,
      %mul3A_978 = arith.constant 16 : i32
      %mul3A_979 = arith.muli %scan3A_909, %mul3A_978 : i32
      %mul3A_980 = arith.constant 8 : i32
      %mul3A_981 = arith.muli %mul3A_979, %mul3A_980 : i32
      %add3A_982 = arith.constant 32 : i32
      %add3A_983 = arith.addi %mul3A_981, %add3A_982 : i32
      %swap3A_984 = arith.index_cast %add3A_983 : i32 to index
      %swap3A_985 = tpu.vector_load %arg11[%swap3A_984] {strides = array<i32>} : memref<4096xf32, #tpu.memory_space<vmem>>, vector<16xf32>,
      tpu.vector_store %arg11[%swap3A_984], %gather3A_925 {strides = array<i32>} : memref<4096xf32, #tpu.memory_space<vmem>>, vector<16xf32>,
      %mul3A_986 = arith.constant 16 : i32
      %mul3A_987 = arith.muli %scan3A_909, %mul3A_986 : i32
      %mul3A_988 = arith.constant 8 : i32
      %mul3A_989 = arith.muli %mul3A_987, %mul3A_988 : i32
      %add3A_990 = arith.constant 48 : i32
      %add3A_991 = arith.addi %mul3A_989, %add3A_990 : i32
      %swap3A_992 = arith.index_cast %add3A_991 : i32 to index
      %swap3A_993 = tpu.vector_load %arg11[%swap3A_992] {strides = array<i32>} : memref<4096xf32, #tpu.memory_space<vmem>>, vector<16xf32>,
      tpu.vector_store %arg11[%swap3A_992], %gather3A_926 {strides = array<i32>} : memref<4096xf32, #tpu.memory_space<vmem>>, vector<16xf32>,
      %mul3A_994 = arith.constant 16 : i32
      %mul3A_995 = arith.muli %scan3A_909, %mul3A_994 : i32
      %mul3A_996 = arith.constant 8 : i32
      %mul3A_997 = arith.muli %mul3A_995, %mul3A_996 : i32
      %add3A_998 = arith.constant 64 : i32
      %add3A_999 = arith.addi %mul3A_997, %add3A_998 : i32
      %swap3A_1000 = arith.index_cast %add3A_999 : i32 to index
      %swap3A_1001 = tpu.vector_load %arg11[%swap3A_1000] {strides = array<i32>} : memref<4096xf32, #tpu.memory_space<vmem>>, vector<16xf32>,
      tpu.vector_store %arg11[%swap3A_1000], %gather3A_927 {strides = array<i32>} : memref<4096xf32, #tpu.memory_space<vmem>>, vector<16xf32>,
      %mul3A_1002 = arith.constant 16 : i32
      %mul3A_1003 = arith.muli %scan3A_909, %mul3A_1002 : i32
      %mul3A_1004 = arith.constant 8 : i32
      %mul3A_1005 = arith.muli %mul3A_1003, %mul3A_1004 : i32
      %add3A_1006 = arith.constant 80 : i32
      %add3A_1007 = arith.addi %mul3A_1005, %add3A_1006 : i32
      %swap3A_1008 = arith.index_cast %add3A_1007 : i32 to index
      %swap3A_1009 = tpu.vector_load %arg11[%swap3A_1008] {strides = array<i32>} : memref<4096xf32, #tpu.memory_space<vmem>>, vector<16xf32>,
      tpu.vector_store %arg11[%swap3A_1008], %gather3A_928 {strides = array<i32>} : memref<4096xf32, #tpu.memory_space<vmem>>, vector<16xf32>,
      %mul3A_1010 = arith.constant 16 : i32
      %mul3A_1011 = arith.muli %scan3A_909, %mul3A_1010 : i32
      %mul3A_1012 = arith.constant 8 : i32
      %mul3A_1013 = arith.muli %mul3A_1011, %mul3A_1012 : i32
      %add3A_1014 = arith.constant 96 : i32
      %add3A_1015 = arith.addi %mul3A_1013, %add3A_1014 : i32
      %swap3A_1016 = arith.index_cast %add3A_1015 : i32 to index
      %swap3A_1017 = tpu.vector_load %arg11[%swap3A_1016] {strides = array<i32>} : memref<4096xf32, #tpu.memory_space<vmem>>, vector<16xf32>,
      tpu.vector_store %arg11[%swap3A_1016], %gather3A_929 {strides = array<i32>} : memref<4096xf32, #tpu.memory_space<vmem>>, vector<16xf32>,
      %mul3A_1018 = arith.constant 16 : i32
      %mul3A_1019 = arith.muli %scan3A_909, %mul3A_1018 : i32
      %mul3A_1020 = arith.constant 8 : i32
      %mul3A_1021 = arith.muli %mul3A_1019, %mul3A_1020 : i32
      %add3A_1022 = arith.constant 112 : i32
      %add3A_1023 = arith.addi %mul3A_1021, %add3A_1022 : i32
      %swap3A_1024 = arith.index_cast %add3A_1023 : i32 to index
      %swap3A_1025 = tpu.vector_load %arg11[%swap3A_1024] {strides = array<i32>} : memref<4096xf32, #tpu.memory_space<vmem>>, vector<16xf32>,
      tpu.vector_store %arg11[%swap3A_1024], %gather3A_930 {strides = array<i32>} : memref<4096xf32, #tpu.memory_space<vmem>>, vector<16xf32>,
      scf.yield %get3A_934, %get3A_938, %get3A_942, %get3A_946, %get3A_950, %get3A_954, %get3A_958, %get3A_962 : vector<16xi32>, vector<16xi32>, vector<16xi32>, vector<16xi32>, vector<16xi32>, vector<16xi32>, vector<16xi32>, vector<16xi32>
    }
    %scan3A_552 = arith.constant 32 : i32
    %dma_start3A_553 = arith.constant 8192 : i32
    %dma_start3A_554 = tpu.memref_slice %arg6[%add3A_444, %dma_start3A_553] : memref<64x16384xf32, #tpu.memory_space<hbm>> -> memref<1x4096xf32, #tpu.memory_space<hbm>>
    %dma_start3A_555 = tpu.memref_squeeze %dma_start3A_554 : memref<1x4096xf32, #tpu.memory_space<hbm>> -> memref<4096xf32, #tpu.memory_space<hbm>>
    %dma_start3A_556 = arith.constant 8192 : i32
    %dma_start3A_557 = tpu.memref_slice %arg6[%add3A_444, %dma_start3A_556] : memref<64x16384xf32, #tpu.memory_space<hbm>> -> memref<1x4096xf32, #tpu.memory_space<hbm>>
    %dma_start3A_558 = tpu.memref_squeeze %dma_start3A_557 : memref<1x4096xf32, #tpu.memory_space<hbm>> -> memref<4096xf32, #tpu.memory_space<hbm>>
    tpu.enqueue_dma source(%arg11 : memref<4096xf32, #tpu.memory_space<vmem>>) target(%dma_start3A_558 : memref<4096xf32, #tpu.memory_space<hbm>>) target_semaphore(%arg14 : memref<!tpu.dma_semaphore, #tpu.memory_space<semaphore_mem>>)
    %dma_wait3A_559 = arith.constant 4096 : i32
    %dma_wait3A_560 = tpu.memref_slice %arg6[%add3A_444, %dma_wait3A_559] : memref<64x16384xf32, #tpu.memory_space<hbm>> -> memref<1x4096xf32, #tpu.memory_space<hbm>>
    %dma_wait3A_561 = tpu.memref_squeeze %dma_wait3A_560 : memref<1x4096xf32, #tpu.memory_space<hbm>> -> memref<4096xf32, #tpu.memory_space<hbm>>
    %dma_wait3A_562 = arith.constant 4096 : i32
    %dma_wait3A_563 = tpu.memref_slice %arg6[%add3A_444, %dma_wait3A_562] : memref<64x16384xf32, #tpu.memory_space<hbm>> -> memref<1x4096xf32, #tpu.memory_space<hbm>>
    %dma_wait3A_564 = tpu.memref_squeeze %dma_wait3A_563 : memref<1x4096xf32, #tpu.memory_space<hbm>> -> memref<4096xf32, #tpu.memory_space<hbm>>
    tpu.wait_dma2 semaphore(%arg15 : memref<!tpu.dma_semaphore, #tpu.memory_space<semaphore_mem>>) src(%arg12 : memref<4096xf32, #tpu.memory_space<vmem>>) dst(%dma_wait3A_564 : memref<4096xf32, #tpu.memory_space<hbm>>)
    %get3A_565 = arith.constant 12288 : index
    %get3A_566 = tpu.vector_load %arg10[%get3A_565] {strides = array<i32>} : memref<16512xi32, #tpu.memory_space<vmem>>, vector<16xi32>,
    %get3A_567 = arith.constant 12304 : index
    %get3A_568 = tpu.vector_load %arg10[%get3A_567] {strides = array<i32>} : memref<16512xi32, #tpu.memory_space<vmem>>, vector<16xi32>,
    %get3A_569 = arith.constant 12320 : index
    %get3A_570 = tpu.vector_load %arg10[%get3A_569] {strides = array<i32>} : memref<16512xi32, #tpu.memory_space<vmem>>, vector<16xi32>,
    %get3A_571 = arith.constant 12336 : index
    %get3A_572 = tpu.vector_load %arg10[%get3A_571] {strides = array<i32>} : memref<16512xi32, #tpu.memory_space<vmem>>, vector<16xi32>,
    %get3A_573 = arith.constant 12352 : index
    %get3A_574 = tpu.vector_load %arg10[%get3A_573] {strides = array<i32>} : memref<16512xi32, #tpu.memory_space<vmem>>, vector<16xi32>,
    %get3A_575 = arith.constant 12368 : index
    %get3A_576 = tpu.vector_load %arg10[%get3A_575] {strides = array<i32>} : memref<16512xi32, #tpu.memory_space<vmem>>, vector<16xi32>,
    %get3A_577 = arith.constant 12384 : index
    %get3A_578 = tpu.vector_load %arg10[%get3A_577] {strides = array<i32>} : memref<16512xi32, #tpu.memory_space<vmem>>, vector<16xi32>,
    %get3A_579 = arith.constant 12400 : index
    %get3A_580 = tpu.vector_load %arg10[%get3A_579] {strides = array<i32>} : memref<16512xi32, #tpu.memory_space<vmem>>, vector<16xi32>,
    %scan3A_581 = arith.constant 0 : i32
    %scan3A_582 = arith.constant 32 : i32
    %scan3A_583 = arith.addi %scan3A_581, %scan3A_582 : i32
    %scan3A_584 = arith.constant 1 : i32
    %scan3A_585:8 = scf.for %scan3A_909 = %scan3A_581 to %scan3A_583 step %scan3A_584 iter_args(%scan3A_910 = %get3A_566, %scan3A_911 = %get3A_568, %scan3A_912 = %get3A_570, %scan3A_913 = %get3A_572, %scan3A_914 = %get3A_574, %scan3A_915 = %get3A_576, %scan3A_916 = %get3A_578, %scan3A_917 = %get3A_580) -> (vector<16xi32>, vector<16xi32>, vector<16xi32>, vector<16xi32>, vector<16xi32>, vector<16xi32>, vector<16xi32>, vector<16xi32>)  : i32 {
      %mul3A_918 = arith.constant 16 : i32
      %mul3A_919 = arith.muli %scan3A_909, %mul3A_918 : i32
      %mul3A_920 = arith.constant 8 : i32
      %mul3A_921 = arith.muli %mul3A_919, %mul3A_920 : i32
      %add3A_922 = arith.constant 12288 : i32
      %add3A_923 = arith.addi %add3A_922, %mul3A_921 : i32
      %gather3A = tpu.vector_load_idx %arg9[%scan3A_910] : memref<100000xf32, #tpu.memory_space<vmem>>[vector<16xi32>], vector<16xf32>,
      %gather3A_924 = tpu.vector_load_idx %arg9[%scan3A_911] : memref<100000xf32, #tpu.memory_space<vmem>>[vector<16xi32>], vector<16xf32>,
      %gather3A_925 = tpu.vector_load_idx %arg9[%scan3A_912] : memref<100000xf32, #tpu.memory_space<vmem>>[vector<16xi32>], vector<16xf32>,
      %gather3A_926 = tpu.vector_load_idx %arg9[%scan3A_913] : memref<100000xf32, #tpu.memory_space<vmem>>[vector<16xi32>], vector<16xf32>,
      %gather3A_927 = tpu.vector_load_idx %arg9[%scan3A_914] : memref<100000xf32, #tpu.memory_space<vmem>>[vector<16xi32>], vector<16xf32>,
      %gather3A_928 = tpu.vector_load_idx %arg9[%scan3A_915] : memref<100000xf32, #tpu.memory_space<vmem>>[vector<16xi32>], vector<16xf32>,
      %gather3A_929 = tpu.vector_load_idx %arg9[%scan3A_916] : memref<100000xf32, #tpu.memory_space<vmem>>[vector<16xi32>], vector<16xf32>,
      %gather3A_930 = tpu.vector_load_idx %arg9[%scan3A_917] : memref<100000xf32, #tpu.memory_space<vmem>>[vector<16xi32>], vector<16xf32>,
      %add3A_931 = arith.constant 128 : i32
      %add3A_932 = arith.addi %add3A_923, %add3A_931 : i32
      %get3A_933 = arith.index_cast %add3A_932 : i32 to index
      %get3A_934 = tpu.vector_load %arg10[%get3A_933] {strides = array<i32>} : memref<16512xi32, #tpu.memory_space<vmem>>, vector<16xi32>,
      %add3A_935 = arith.constant 144 : i32
      %add3A_936 = arith.addi %add3A_923, %add3A_935 : i32
      %get3A_937 = arith.index_cast %add3A_936 : i32 to index
      %get3A_938 = tpu.vector_load %arg10[%get3A_937] {strides = array<i32>} : memref<16512xi32, #tpu.memory_space<vmem>>, vector<16xi32>,
      %add3A_939 = arith.constant 160 : i32
      %add3A_940 = arith.addi %add3A_923, %add3A_939 : i32
      %get3A_941 = arith.index_cast %add3A_940 : i32 to index
      %get3A_942 = tpu.vector_load %arg10[%get3A_941] {strides = array<i32>} : memref<16512xi32, #tpu.memory_space<vmem>>, vector<16xi32>,
      %add3A_943 = arith.constant 176 : i32
      %add3A_944 = arith.addi %add3A_923, %add3A_943 : i32
      %get3A_945 = arith.index_cast %add3A_944 : i32 to index
      %get3A_946 = tpu.vector_load %arg10[%get3A_945] {strides = array<i32>} : memref<16512xi32, #tpu.memory_space<vmem>>, vector<16xi32>,
      %add3A_947 = arith.constant 192 : i32
      %add3A_948 = arith.addi %add3A_923, %add3A_947 : i32
      %get3A_949 = arith.index_cast %add3A_948 : i32 to index
      %get3A_950 = tpu.vector_load %arg10[%get3A_949] {strides = array<i32>} : memref<16512xi32, #tpu.memory_space<vmem>>, vector<16xi32>,
      %add3A_951 = arith.constant 208 : i32
      %add3A_952 = arith.addi %add3A_923, %add3A_951 : i32
      %get3A_953 = arith.index_cast %add3A_952 : i32 to index
      %get3A_954 = tpu.vector_load %arg10[%get3A_953] {strides = array<i32>} : memref<16512xi32, #tpu.memory_space<vmem>>, vector<16xi32>,
      %add3A_955 = arith.constant 224 : i32
      %add3A_956 = arith.addi %add3A_923, %add3A_955 : i32
      %get3A_957 = arith.index_cast %add3A_956 : i32 to index
      %get3A_958 = tpu.vector_load %arg10[%get3A_957] {strides = array<i32>} : memref<16512xi32, #tpu.memory_space<vmem>>, vector<16xi32>,
      %add3A_959 = arith.constant 240 : i32
      %add3A_960 = arith.addi %add3A_923, %add3A_959 : i32
      %get3A_961 = arith.index_cast %add3A_960 : i32 to index
      %get3A_962 = tpu.vector_load %arg10[%get3A_961] {strides = array<i32>} : memref<16512xi32, #tpu.memory_space<vmem>>, vector<16xi32>,
      %mul3A_963 = arith.constant 16 : i32
      %mul3A_964 = arith.muli %scan3A_909, %mul3A_963 : i32
      %mul3A_965 = arith.constant 8 : i32
      %mul3A_966 = arith.muli %mul3A_964, %mul3A_965 : i32
      %add3A_967 = arith.constant 0 : i32
      %add3A_968 = arith.addi %mul3A_966, %add3A_967 : i32
      %swap3A = arith.index_cast %add3A_968 : i32 to index
      %swap3A_969 = tpu.vector_load %arg12[%swap3A] {strides = array<i32>} : memref<4096xf32, #tpu.memory_space<vmem>>, vector<16xf32>,
      tpu.vector_store %arg12[%swap3A], %gather3A {strides = array<i32>} : memref<4096xf32, #tpu.memory_space<vmem>>, vector<16xf32>,
      %mul3A_970 = arith.constant 16 : i32
      %mul3A_971 = arith.muli %scan3A_909, %mul3A_970 : i32
      %mul3A_972 = arith.constant 8 : i32
      %mul3A_973 = arith.muli %mul3A_971, %mul3A_972 : i32
      %add3A_974 = arith.constant 16 : i32
      %add3A_975 = arith.addi %mul3A_973, %add3A_974 : i32
      %swap3A_976 = arith.index_cast %add3A_975 : i32 to index
      %swap3A_977 = tpu.vector_load %arg12[%swap3A_976] {strides = array<i32>} : memref<4096xf32, #tpu.memory_space<vmem>>, vector<16xf32>,
      tpu.vector_store %arg12[%swap3A_976], %gather3A_924 {strides = array<i32>} : memref<4096xf32, #tpu.memory_space<vmem>>, vector<16xf32>,
      %mul3A_978 = arith.constant 16 : i32
      %mul3A_979 = arith.muli %scan3A_909, %mul3A_978 : i32
      %mul3A_980 = arith.constant 8 : i32
      %mul3A_981 = arith.muli %mul3A_979, %mul3A_980 : i32
      %add3A_982 = arith.constant 32 : i32
      %add3A_983 = arith.addi %mul3A_981, %add3A_982 : i32
      %swap3A_984 = arith.index_cast %add3A_983 : i32 to index
      %swap3A_985 = tpu.vector_load %arg12[%swap3A_984] {strides = array<i32>} : memref<4096xf32, #tpu.memory_space<vmem>>, vector<16xf32>,
      tpu.vector_store %arg12[%swap3A_984], %gather3A_925 {strides = array<i32>} : memref<4096xf32, #tpu.memory_space<vmem>>, vector<16xf32>,
      %mul3A_986 = arith.constant 16 : i32
      %mul3A_987 = arith.muli %scan3A_909, %mul3A_986 : i32
      %mul3A_988 = arith.constant 8 : i32
      %mul3A_989 = arith.muli %mul3A_987, %mul3A_988 : i32
      %add3A_990 = arith.constant 48 : i32
      %add3A_991 = arith.addi %mul3A_989, %add3A_990 : i32
      %swap3A_992 = arith.index_cast %add3A_991 : i32 to index
      %swap3A_993 = tpu.vector_load %arg12[%swap3A_992] {strides = array<i32>} : memref<4096xf32, #tpu.memory_space<vmem>>, vector<16xf32>,
      tpu.vector_store %arg12[%swap3A_992], %gather3A_926 {strides = array<i32>} : memref<4096xf32, #tpu.memory_space<vmem>>, vector<16xf32>,
      %mul3A_994 = arith.constant 16 : i32
      %mul3A_995 = arith.muli %scan3A_909, %mul3A_994 : i32
      %mul3A_996 = arith.constant 8 : i32
      %mul3A_997 = arith.muli %mul3A_995, %mul3A_996 : i32
      %add3A_998 = arith.constant 64 : i32
      %add3A_999 = arith.addi %mul3A_997, %add3A_998 : i32
      %swap3A_1000 = arith.index_cast %add3A_999 : i32 to index
      %swap3A_1001 = tpu.vector_load %arg12[%swap3A_1000] {strides = array<i32>} : memref<4096xf32, #tpu.memory_space<vmem>>, vector<16xf32>,
      tpu.vector_store %arg12[%swap3A_1000], %gather3A_927 {strides = array<i32>} : memref<4096xf32, #tpu.memory_space<vmem>>, vector<16xf32>,
      %mul3A_1002 = arith.constant 16 : i32
      %mul3A_1003 = arith.muli %scan3A_909, %mul3A_1002 : i32
      %mul3A_1004 = arith.constant 8 : i32
      %mul3A_1005 = arith.muli %mul3A_1003, %mul3A_1004 : i32
      %add3A_1006 = arith.constant 80 : i32
      %add3A_1007 = arith.addi %mul3A_1005, %add3A_1006 : i32
      %swap3A_1008 = arith.index_cast %add3A_1007 : i32 to index
      %swap3A_1009 = tpu.vector_load %arg12[%swap3A_1008] {strides = array<i32>} : memref<4096xf32, #tpu.memory_space<vmem>>, vector<16xf32>,
      tpu.vector_store %arg12[%swap3A_1008], %gather3A_928 {strides = array<i32>} : memref<4096xf32, #tpu.memory_space<vmem>>, vector<16xf32>,
      %mul3A_1010 = arith.constant 16 : i32
      %mul3A_1011 = arith.muli %scan3A_909, %mul3A_1010 : i32
      %mul3A_1012 = arith.constant 8 : i32
      %mul3A_1013 = arith.muli %mul3A_1011, %mul3A_1012 : i32
      %add3A_1014 = arith.constant 96 : i32
      %add3A_1015 = arith.addi %mul3A_1013, %add3A_1014 : i32
      %swap3A_1016 = arith.index_cast %add3A_1015 : i32 to index
      %swap3A_1017 = tpu.vector_load %arg12[%swap3A_1016] {strides = array<i32>} : memref<4096xf32, #tpu.memory_space<vmem>>, vector<16xf32>,
      tpu.vector_store %arg12[%swap3A_1016], %gather3A_929 {strides = array<i32>} : memref<4096xf32, #tpu.memory_space<vmem>>, vector<16xf32>,
      %mul3A_1018 = arith.constant 16 : i32
      %mul3A_1019 = arith.muli %scan3A_909, %mul3A_1018 : i32
      %mul3A_1020 = arith.constant 8 : i32
      %mul3A_1021 = arith.muli %mul3A_1019, %mul3A_1020 : i32
      %add3A_1022 = arith.constant 112 : i32
      %add3A_1023 = arith.addi %mul3A_1021, %add3A_1022 : i32
      %swap3A_1024 = arith.index_cast %add3A_1023 : i32 to index
      %swap3A_1025 = tpu.vector_load %arg12[%swap3A_1024] {strides = array<i32>} : memref<4096xf32, #tpu.memory_space<vmem>>, vector<16xf32>,
      tpu.vector_store %arg12[%swap3A_1024], %gather3A_930 {strides = array<i32>} : memref<4096xf32, #tpu.memory_space<vmem>>, vector<16xf32>,
      scf.yield %get3A_934, %get3A_938, %get3A_942, %get3A_946, %get3A_950, %get3A_954, %get3A_958, %get3A_962 : vector<16xi32>, vector<16xi32>, vector<16xi32>, vector<16xi32>, vector<16xi32>, vector<16xi32>, vector<16xi32>, vector<16xi32>
    }
    %scan3A_586 = arith.constant 32 : i32
    %dma_start3A_587 = arith.constant 12288 : i32
    %dma_start3A_588 = tpu.memref_slice %arg6[%add3A_444, %dma_start3A_587] : memref<64x16384xf32, #tpu.memory_space<hbm>> -> memref<1x4096xf32, #tpu.memory_space<hbm>>
    %dma_start3A_589 = tpu.memref_squeeze %dma_start3A_588 : memref<1x4096xf32, #tpu.memory_space<hbm>> -> memref<4096xf32, #tpu.memory_space<hbm>>
    %dma_start3A_590 = arith.constant 12288 : i32
    %dma_start3A_591 = tpu.memref_slice %arg6[%add3A_444, %dma_start3A_590] : memref<64x16384xf32, #tpu.memory_space<hbm>> -> memref<1x4096xf32, #tpu.memory_space<hbm>>
    %dma_start3A_592 = tpu.memref_squeeze %dma_start3A_591 : memref<1x4096xf32, #tpu.memory_space<hbm>> -> memref<4096xf32, #tpu.memory_space<hbm>>
    tpu.enqueue_dma source(%arg12 : memref<4096xf32, #tpu.memory_space<vmem>>) target(%dma_start3A_592 : memref<4096xf32, #tpu.memory_space<hbm>>) target_semaphore(%arg15 : memref<!tpu.dma_semaphore, #tpu.memory_space<semaphore_mem>>)
    %mul3A_593 = arith.constant 2 : i32
    %mul3A_594 = arith.muli %add3A, %mul3A_593 : i32
    %add3A_595 = arith.constant 1 : i32
    %add3A_596 = arith.addi %mul3A_594, %add3A_595 : i32
    %dma_start3A_597 = arith.constant 0 : i32
    %dma_start3A_598 = tpu.memref_slice %arg4[%add3A_596, %dma_start3A_597] : memref<64x100000xf32, #tpu.memory_space<hbm>> -> memref<1x100000xf32, #tpu.memory_space<hbm>>
    %dma_start3A_599 = tpu.memref_squeeze %dma_start3A_598 : memref<1x100000xf32, #tpu.memory_space<hbm>> -> memref<100000xf32, #tpu.memory_space<hbm>>
    %dma_start3A_600 = arith.constant 0 : i32
    %dma_start3A_601 = tpu.memref_slice %arg4[%add3A_596, %dma_start3A_600] : memref<64x100000xf32, #tpu.memory_space<hbm>> -> memref<1x100000xf32, #tpu.memory_space<hbm>>
    %dma_start3A_602 = tpu.memref_squeeze %dma_start3A_601 : memref<1x100000xf32, #tpu.memory_space<hbm>> -> memref<100000xf32, #tpu.memory_space<hbm>>
    tpu.enqueue_dma source(%dma_start3A_602 : memref<100000xf32, #tpu.memory_space<hbm>>) target(%arg9 : memref<100000xf32, #tpu.memory_space<vmem>>) target_semaphore(%arg13 : memref<!tpu.dma_semaphore, #tpu.memory_space<semaphore_mem>>)
    %dma_wait3A_603 = arith.constant 0 : i32
    %dma_wait3A_604 = tpu.memref_slice %arg4[%add3A_596, %dma_wait3A_603] : memref<64x100000xf32, #tpu.memory_space<hbm>> -> memref<1x100000xf32, #tpu.memory_space<hbm>>
    %dma_wait3A_605 = tpu.memref_squeeze %dma_wait3A_604 : memref<1x100000xf32, #tpu.memory_space<hbm>> -> memref<100000xf32, #tpu.memory_space<hbm>>
    %dma_wait3A_606 = arith.constant 0 : i32
    %dma_wait3A_607 = tpu.memref_slice %arg4[%add3A_596, %dma_wait3A_606] : memref<64x100000xf32, #tpu.memory_space<hbm>> -> memref<1x100000xf32, #tpu.memory_space<hbm>>
    %dma_wait3A_608 = tpu.memref_squeeze %dma_wait3A_607 : memref<1x100000xf32, #tpu.memory_space<hbm>> -> memref<100000xf32, #tpu.memory_space<hbm>>
    tpu.wait_dma2 semaphore(%arg13 : memref<!tpu.dma_semaphore, #tpu.memory_space<semaphore_mem>>) src(%dma_wait3A_608 : memref<100000xf32, #tpu.memory_space<hbm>>) dst(%arg9 : memref<100000xf32, #tpu.memory_space<vmem>>)
    %dma_wait3A_609 = arith.constant 8192 : i32
    %dma_wait3A_610 = tpu.memref_slice %arg6[%add3A_444, %dma_wait3A_609] : memref<64x16384xf32, #tpu.memory_space<hbm>> -> memref<1x4096xf32, #tpu.memory_space<hbm>>
    %dma_wait3A_611 = tpu.memref_squeeze %dma_wait3A_610 : memref<1x4096xf32, #tpu.memory_space<hbm>> -> memref<4096xf32, #tpu.memory_space<hbm>>
    %dma_wait3A_612 = arith.constant 8192 : i32
    %dma_wait3A_613 = tpu.memref_slice %arg6[%add3A_444, %dma_wait3A_612] : memref<64x16384xf32, #tpu.memory_space<hbm>> -> memref<1x4096xf32, #tpu.memory_space<hbm>>
    %dma_wait3A_614 = tpu.memref_squeeze %dma_wait3A_613 : memref<1x4096xf32, #tpu.memory_space<hbm>> -> memref<4096xf32, #tpu.memory_space<hbm>>
    tpu.wait_dma2 semaphore(%arg14 : memref<!tpu.dma_semaphore, #tpu.memory_space<semaphore_mem>>) src(%arg11 : memref<4096xf32, #tpu.memory_space<vmem>>) dst(%dma_wait3A_614 : memref<4096xf32, #tpu.memory_space<hbm>>)
    %get3A_615 = arith.constant 0 : index
    %get3A_616 = tpu.vector_load %arg10[%get3A_615] {strides = array<i32>} : memref<16512xi32, #tpu.memory_space<vmem>>, vector<16xi32>,
    %get3A_617 = arith.constant 16 : index
    %get3A_618 = tpu.vector_load %arg10[%get3A_617] {strides = array<i32>} : memref<16512xi32, #tpu.memory_space<vmem>>, vector<16xi32>,
    %get3A_619 = arith.constant 32 : index
    %get3A_620 = tpu.vector_load %arg10[%get3A_619] {strides = array<i32>} : memref<16512xi32, #tpu.memory_space<vmem>>, vector<16xi32>,
    %get3A_621 = arith.constant 48 : index
    %get3A_622 = tpu.vector_load %arg10[%get3A_621] {strides = array<i32>} : memref<16512xi32, #tpu.memory_space<vmem>>, vector<16xi32>,
    %get3A_623 = arith.constant 64 : index
    %get3A_624 = tpu.vector_load %arg10[%get3A_623] {strides = array<i32>} : memref<16512xi32, #tpu.memory_space<vmem>>, vector<16xi32>,
    %get3A_625 = arith.constant 80 : index
    %get3A_626 = tpu.vector_load %arg10[%get3A_625] {strides = array<i32>} : memref<16512xi32, #tpu.memory_space<vmem>>, vector<16xi32>,
    %get3A_627 = arith.constant 96 : index
    %get3A_628 = tpu.vector_load %arg10[%get3A_627] {strides = array<i32>} : memref<16512xi32, #tpu.memory_space<vmem>>, vector<16xi32>,
    %get3A_629 = arith.constant 112 : index
    %get3A_630 = tpu.vector_load %arg10[%get3A_629] {strides = array<i32>} : memref<16512xi32, #tpu.memory_space<vmem>>, vector<16xi32>,
    %scan3A_631 = arith.constant 0 : i32
    %scan3A_632 = arith.constant 32 : i32
    %scan3A_633 = arith.addi %scan3A_631, %scan3A_632 : i32
    %scan3A_634 = arith.constant 1 : i32
    %scan3A_635:8 = scf.for %scan3A_909 = %scan3A_631 to %scan3A_633 step %scan3A_634 iter_args(%scan3A_910 = %get3A_616, %scan3A_911 = %get3A_618, %scan3A_912 = %get3A_620, %scan3A_913 = %get3A_622, %scan3A_914 = %get3A_624, %scan3A_915 = %get3A_626, %scan3A_916 = %get3A_628, %scan3A_917 = %get3A_630) -> (vector<16xi32>, vector<16xi32>, vector<16xi32>, vector<16xi32>, vector<16xi32>, vector<16xi32>, vector<16xi32>, vector<16xi32>)  : i32 {
      %mul3A_918 = arith.constant 16 : i32
      %mul3A_919 = arith.muli %scan3A_909, %mul3A_918 : i32
      %mul3A_920 = arith.constant 8 : i32
      %mul3A_921 = arith.muli %mul3A_919, %mul3A_920 : i32
      %add3A_922 = arith.constant 0 : i32
      %add3A_923 = arith.addi %add3A_922, %mul3A_921 : i32
      %gather3A = tpu.vector_load_idx %arg9[%scan3A_910] : memref<100000xf32, #tpu.memory_space<vmem>>[vector<16xi32>], vector<16xf32>,
      %gather3A_924 = tpu.vector_load_idx %arg9[%scan3A_911] : memref<100000xf32, #tpu.memory_space<vmem>>[vector<16xi32>], vector<16xf32>,
      %gather3A_925 = tpu.vector_load_idx %arg9[%scan3A_912] : memref<100000xf32, #tpu.memory_space<vmem>>[vector<16xi32>], vector<16xf32>,
      %gather3A_926 = tpu.vector_load_idx %arg9[%scan3A_913] : memref<100000xf32, #tpu.memory_space<vmem>>[vector<16xi32>], vector<16xf32>,
      %gather3A_927 = tpu.vector_load_idx %arg9[%scan3A_914] : memref<100000xf32, #tpu.memory_space<vmem>>[vector<16xi32>], vector<16xf32>,
      %gather3A_928 = tpu.vector_load_idx %arg9[%scan3A_915] : memref<100000xf32, #tpu.memory_space<vmem>>[vector<16xi32>], vector<16xf32>,
      %gather3A_929 = tpu.vector_load_idx %arg9[%scan3A_916] : memref<100000xf32, #tpu.memory_space<vmem>>[vector<16xi32>], vector<16xf32>,
      %gather3A_930 = tpu.vector_load_idx %arg9[%scan3A_917] : memref<100000xf32, #tpu.memory_space<vmem>>[vector<16xi32>], vector<16xf32>,
      %add3A_931 = arith.constant 128 : i32
      %add3A_932 = arith.addi %add3A_923, %add3A_931 : i32
      %get3A_933 = arith.index_cast %add3A_932 : i32 to index
      %get3A_934 = tpu.vector_load %arg10[%get3A_933] {strides = array<i32>} : memref<16512xi32, #tpu.memory_space<vmem>>, vector<16xi32>,
      %add3A_935 = arith.constant 144 : i32
      %add3A_936 = arith.addi %add3A_923, %add3A_935 : i32
      %get3A_937 = arith.index_cast %add3A_936 : i32 to index
      %get3A_938 = tpu.vector_load %arg10[%get3A_937] {strides = array<i32>} : memref<16512xi32, #tpu.memory_space<vmem>>, vector<16xi32>,
      %add3A_939 = arith.constant 160 : i32
      %add3A_940 = arith.addi %add3A_923, %add3A_939 : i32
      %get3A_941 = arith.index_cast %add3A_940 : i32 to index
      %get3A_942 = tpu.vector_load %arg10[%get3A_941] {strides = array<i32>} : memref<16512xi32, #tpu.memory_space<vmem>>, vector<16xi32>,
      %add3A_943 = arith.constant 176 : i32
      %add3A_944 = arith.addi %add3A_923, %add3A_943 : i32
      %get3A_945 = arith.index_cast %add3A_944 : i32 to index
      %get3A_946 = tpu.vector_load %arg10[%get3A_945] {strides = array<i32>} : memref<16512xi32, #tpu.memory_space<vmem>>, vector<16xi32>,
      %add3A_947 = arith.constant 192 : i32
      %add3A_948 = arith.addi %add3A_923, %add3A_947 : i32
      %get3A_949 = arith.index_cast %add3A_948 : i32 to index
      %get3A_950 = tpu.vector_load %arg10[%get3A_949] {strides = array<i32>} : memref<16512xi32, #tpu.memory_space<vmem>>, vector<16xi32>,
      %add3A_951 = arith.constant 208 : i32
      %add3A_952 = arith.addi %add3A_923, %add3A_951 : i32
      %get3A_953 = arith.index_cast %add3A_952 : i32 to index
      %get3A_954 = tpu.vector_load %arg10[%get3A_953] {strides = array<i32>} : memref<16512xi32, #tpu.memory_space<vmem>>, vector<16xi32>,
      %add3A_955 = arith.constant 224 : i32
      %add3A_956 = arith.addi %add3A_923, %add3A_955 : i32
      %get3A_957 = arith.index_cast %add3A_956 : i32 to index
      %get3A_958 = tpu.vector_load %arg10[%get3A_957] {strides = array<i32>} : memref<16512xi32, #tpu.memory_space<vmem>>, vector<16xi32>,
      %add3A_959 = arith.constant 240 : i32
      %add3A_960 = arith.addi %add3A_923, %add3A_959 : i32
      %get3A_961 = arith.index_cast %add3A_960 : i32 to index
      %get3A_962 = tpu.vector_load %arg10[%get3A_961] {strides = array<i32>} : memref<16512xi32, #tpu.memory_space<vmem>>, vector<16xi32>,
      %mul3A_963 = arith.constant 16 : i32
      %mul3A_964 = arith.muli %scan3A_909, %mul3A_963 : i32
      %mul3A_965 = arith.constant 8 : i32
      %mul3A_966 = arith.muli %mul3A_964, %mul3A_965 : i32
      %add3A_967 = arith.constant 0 : i32
      %add3A_968 = arith.addi %mul3A_966, %add3A_967 : i32
      %swap3A = arith.index_cast %add3A_968 : i32 to index
      %swap3A_969 = tpu.vector_load %arg11[%swap3A] {strides = array<i32>} : memref<4096xf32, #tpu.memory_space<vmem>>, vector<16xf32>,
      tpu.vector_store %arg11[%swap3A], %gather3A {strides = array<i32>} : memref<4096xf32, #tpu.memory_space<vmem>>, vector<16xf32>,
      %mul3A_970 = arith.constant 16 : i32
      %mul3A_971 = arith.muli %scan3A_909, %mul3A_970 : i32
      %mul3A_972 = arith.constant 8 : i32
      %mul3A_973 = arith.muli %mul3A_971, %mul3A_972 : i32
      %add3A_974 = arith.constant 16 : i32
      %add3A_975 = arith.addi %mul3A_973, %add3A_974 : i32
      %swap3A_976 = arith.index_cast %add3A_975 : i32 to index
      %swap3A_977 = tpu.vector_load %arg11[%swap3A_976] {strides = array<i32>} : memref<4096xf32, #tpu.memory_space<vmem>>, vector<16xf32>,
      tpu.vector_store %arg11[%swap3A_976], %gather3A_924 {strides = array<i32>} : memref<4096xf32, #tpu.memory_space<vmem>>, vector<16xf32>,
      %mul3A_978 = arith.constant 16 : i32
      %mul3A_979 = arith.muli %scan3A_909, %mul3A_978 : i32
      %mul3A_980 = arith.constant 8 : i32
      %mul3A_981 = arith.muli %mul3A_979, %mul3A_980 : i32
      %add3A_982 = arith.constant 32 : i32
      %add3A_983 = arith.addi %mul3A_981, %add3A_982 : i32
      %swap3A_984 = arith.index_cast %add3A_983 : i32 to index
      %swap3A_985 = tpu.vector_load %arg11[%swap3A_984] {strides = array<i32>} : memref<4096xf32, #tpu.memory_space<vmem>>, vector<16xf32>,
      tpu.vector_store %arg11[%swap3A_984], %gather3A_925 {strides = array<i32>} : memref<4096xf32, #tpu.memory_space<vmem>>, vector<16xf32>,
      %mul3A_986 = arith.constant 16 : i32
      %mul3A_987 = arith.muli %scan3A_909, %mul3A_986 : i32
      %mul3A_988 = arith.constant 8 : i32
      %mul3A_989 = arith.muli %mul3A_987, %mul3A_988 : i32
      %add3A_990 = arith.constant 48 : i32
      %add3A_991 = arith.addi %mul3A_989, %add3A_990 : i32
      %swap3A_992 = arith.index_cast %add3A_991 : i32 to index
      %swap3A_993 = tpu.vector_load %arg11[%swap3A_992] {strides = array<i32>} : memref<4096xf32, #tpu.memory_space<vmem>>, vector<16xf32>,
      tpu.vector_store %arg11[%swap3A_992], %gather3A_926 {strides = array<i32>} : memref<4096xf32, #tpu.memory_space<vmem>>, vector<16xf32>,
      %mul3A_994 = arith.constant 16 : i32
      %mul3A_995 = arith.muli %scan3A_909, %mul3A_994 : i32
      %mul3A_996 = arith.constant 8 : i32
      %mul3A_997 = arith.muli %mul3A_995, %mul3A_996 : i32
      %add3A_998 = arith.constant 64 : i32
      %add3A_999 = arith.addi %mul3A_997, %add3A_998 : i32
      %swap3A_1000 = arith.index_cast %add3A_999 : i32 to index
      %swap3A_1001 = tpu.vector_load %arg11[%swap3A_1000] {strides = array<i32>} : memref<4096xf32, #tpu.memory_space<vmem>>, vector<16xf32>,
      tpu.vector_store %arg11[%swap3A_1000], %gather3A_927 {strides = array<i32>} : memref<4096xf32, #tpu.memory_space<vmem>>, vector<16xf32>,
      %mul3A_1002 = arith.constant 16 : i32
      %mul3A_1003 = arith.muli %scan3A_909, %mul3A_1002 : i32
      %mul3A_1004 = arith.constant 8 : i32
      %mul3A_1005 = arith.muli %mul3A_1003, %mul3A_1004 : i32
      %add3A_1006 = arith.constant 80 : i32
      %add3A_1007 = arith.addi %mul3A_1005, %add3A_1006 : i32
      %swap3A_1008 = arith.index_cast %add3A_1007 : i32 to index
      %swap3A_1009 = tpu.vector_load %arg11[%swap3A_1008] {strides = array<i32>} : memref<4096xf32, #tpu.memory_space<vmem>>, vector<16xf32>,
      tpu.vector_store %arg11[%swap3A_1008], %gather3A_928 {strides = array<i32>} : memref<4096xf32, #tpu.memory_space<vmem>>, vector<16xf32>,
      %mul3A_1010 = arith.constant 16 : i32
      %mul3A_1011 = arith.muli %scan3A_909, %mul3A_1010 : i32
      %mul3A_1012 = arith.constant 8 : i32
      %mul3A_1013 = arith.muli %mul3A_1011, %mul3A_1012 : i32
      %add3A_1014 = arith.constant 96 : i32
      %add3A_1015 = arith.addi %mul3A_1013, %add3A_1014 : i32
      %swap3A_1016 = arith.index_cast %add3A_1015 : i32 to index
      %swap3A_1017 = tpu.vector_load %arg11[%swap3A_1016] {strides = array<i32>} : memref<4096xf32, #tpu.memory_space<vmem>>, vector<16xf32>,
      tpu.vector_store %arg11[%swap3A_1016], %gather3A_929 {strides = array<i32>} : memref<4096xf32, #tpu.memory_space<vmem>>, vector<16xf32>,
      %mul3A_1018 = arith.constant 16 : i32
      %mul3A_1019 = arith.muli %scan3A_909, %mul3A_1018 : i32
      %mul3A_1020 = arith.constant 8 : i32
      %mul3A_1021 = arith.muli %mul3A_1019, %mul3A_1020 : i32
      %add3A_1022 = arith.constant 112 : i32
      %add3A_1023 = arith.addi %mul3A_1021, %add3A_1022 : i32
      %swap3A_1024 = arith.index_cast %add3A_1023 : i32 to index
      %swap3A_1025 = tpu.vector_load %arg11[%swap3A_1024] {strides = array<i32>} : memref<4096xf32, #tpu.memory_space<vmem>>, vector<16xf32>,
      tpu.vector_store %arg11[%swap3A_1024], %gather3A_930 {strides = array<i32>} : memref<4096xf32, #tpu.memory_space<vmem>>, vector<16xf32>,
      scf.yield %get3A_934, %get3A_938, %get3A_942, %get3A_946, %get3A_950, %get3A_954, %get3A_958, %get3A_962 : vector<16xi32>, vector<16xi32>, vector<16xi32>, vector<16xi32>, vector<16xi32>, vector<16xi32>, vector<16xi32>, vector<16xi32>
    }
    %scan3A_636 = arith.constant 32 : i32
    %dma_start3A_637 = arith.constant 0 : i32
    %dma_start3A_638 = tpu.memref_slice %arg7[%add3A_596, %dma_start3A_637] : memref<64x16384xf32, #tpu.memory_space<hbm>> -> memref<1x4096xf32, #tpu.memory_space<hbm>>
    %dma_start3A_639 = tpu.memref_squeeze %dma_start3A_638 : memref<1x4096xf32, #tpu.memory_space<hbm>> -> memref<4096xf32, #tpu.memory_space<hbm>>
    %dma_start3A_640 = arith.constant 0 : i32
    %dma_start3A_641 = tpu.memref_slice %arg7[%add3A_596, %dma_start3A_640] : memref<64x16384xf32, #tpu.memory_space<hbm>> -> memref<1x4096xf32, #tpu.memory_space<hbm>>
    %dma_start3A_642 = tpu.memref_squeeze %dma_start3A_641 : memref<1x4096xf32, #tpu.memory_space<hbm>> -> memref<4096xf32, #tpu.memory_space<hbm>>
    tpu.enqueue_dma source(%arg11 : memref<4096xf32, #tpu.memory_space<vmem>>) target(%dma_start3A_642 : memref<4096xf32, #tpu.memory_space<hbm>>) target_semaphore(%arg14 : memref<!tpu.dma_semaphore, #tpu.memory_space<semaphore_mem>>)
    %dma_wait3A_643 = arith.constant 12288 : i32
    %dma_wait3A_644 = tpu.memref_slice %arg6[%add3A_444, %dma_wait3A_643] : memref<64x16384xf32, #tpu.memory_space<hbm>> -> memref<1x4096xf32, #tpu.memory_space<hbm>>
    %dma_wait3A_645 = tpu.memref_squeeze %dma_wait3A_644 : memref<1x4096xf32, #tpu.memory_space<hbm>> -> memref<4096xf32, #tpu.memory_space<hbm>>
    %dma_wait3A_646 = arith.constant 12288 : i32
    %dma_wait3A_647 = tpu.memref_slice %arg6[%add3A_444, %dma_wait3A_646] : memref<64x16384xf32, #tpu.memory_space<hbm>> -> memref<1x4096xf32, #tpu.memory_space<hbm>>
    %dma_wait3A_648 = tpu.memref_squeeze %dma_wait3A_647 : memref<1x4096xf32, #tpu.memory_space<hbm>> -> memref<4096xf32, #tpu.memory_space<hbm>>
    tpu.wait_dma2 semaphore(%arg15 : memref<!tpu.dma_semaphore, #tpu.memory_space<semaphore_mem>>) src(%arg12 : memref<4096xf32, #tpu.memory_space<vmem>>) dst(%dma_wait3A_648 : memref<4096xf32, #tpu.memory_space<hbm>>)
    %get3A_649 = arith.constant 4096 : index
    %get3A_650 = tpu.vector_load %arg10[%get3A_649] {strides = array<i32>} : memref<16512xi32, #tpu.memory_space<vmem>>, vector<16xi32>,
    %get3A_651 = arith.constant 4112 : index
    %get3A_652 = tpu.vector_load %arg10[%get3A_651] {strides = array<i32>} : memref<16512xi32, #tpu.memory_space<vmem>>, vector<16xi32>,
    %get3A_653 = arith.constant 4128 : index
    %get3A_654 = tpu.vector_load %arg10[%get3A_653] {strides = array<i32>} : memref<16512xi32, #tpu.memory_space<vmem>>, vector<16xi32>,
    %get3A_655 = arith.constant 4144 : index
    %get3A_656 = tpu.vector_load %arg10[%get3A_655] {strides = array<i32>} : memref<16512xi32, #tpu.memory_space<vmem>>, vector<16xi32>,
    %get3A_657 = arith.constant 4160 : index
    %get3A_658 = tpu.vector_load %arg10[%get3A_657] {strides = array<i32>} : memref<16512xi32, #tpu.memory_space<vmem>>, vector<16xi32>,
    %get3A_659 = arith.constant 4176 : index
    %get3A_660 = tpu.vector_load %arg10[%get3A_659] {strides = array<i32>} : memref<16512xi32, #tpu.memory_space<vmem>>, vector<16xi32>,
    %get3A_661 = arith.constant 4192 : index
    %get3A_662 = tpu.vector_load %arg10[%get3A_661] {strides = array<i32>} : memref<16512xi32, #tpu.memory_space<vmem>>, vector<16xi32>,
    %get3A_663 = arith.constant 4208 : index
    %get3A_664 = tpu.vector_load %arg10[%get3A_663] {strides = array<i32>} : memref<16512xi32, #tpu.memory_space<vmem>>, vector<16xi32>,
    %scan3A_665 = arith.constant 0 : i32
    %scan3A_666 = arith.constant 32 : i32
    %scan3A_667 = arith.addi %scan3A_665, %scan3A_666 : i32
    %scan3A_668 = arith.constant 1 : i32
    %scan3A_669:8 = scf.for %scan3A_909 = %scan3A_665 to %scan3A_667 step %scan3A_668 iter_args(%scan3A_910 = %get3A_650, %scan3A_911 = %get3A_652, %scan3A_912 = %get3A_654, %scan3A_913 = %get3A_656, %scan3A_914 = %get3A_658, %scan3A_915 = %get3A_660, %scan3A_916 = %get3A_662, %scan3A_917 = %get3A_664) -> (vector<16xi32>, vector<16xi32>, vector<16xi32>, vector<16xi32>, vector<16xi32>, vector<16xi32>, vector<16xi32>, vector<16xi32>)  : i32 {
      %mul3A_918 = arith.constant 16 : i32
      %mul3A_919 = arith.muli %scan3A_909, %mul3A_918 : i32
      %mul3A_920 = arith.constant 8 : i32
      %mul3A_921 = arith.muli %mul3A_919, %mul3A_920 : i32
      %add3A_922 = arith.constant 4096 : i32
      %add3A_923 = arith.addi %add3A_922, %mul3A_921 : i32
      %gather3A = tpu.vector_load_idx %arg9[%scan3A_910] : memref<100000xf32, #tpu.memory_space<vmem>>[vector<16xi32>], vector<16xf32>,
      %gather3A_924 = tpu.vector_load_idx %arg9[%scan3A_911] : memref<100000xf32, #tpu.memory_space<vmem>>[vector<16xi32>], vector<16xf32>,
      %gather3A_925 = tpu.vector_load_idx %arg9[%scan3A_912] : memref<100000xf32, #tpu.memory_space<vmem>>[vector<16xi32>], vector<16xf32>,
      %gather3A_926 = tpu.vector_load_idx %arg9[%scan3A_913] : memref<100000xf32, #tpu.memory_space<vmem>>[vector<16xi32>], vector<16xf32>,
      %gather3A_927 = tpu.vector_load_idx %arg9[%scan3A_914] : memref<100000xf32, #tpu.memory_space<vmem>>[vector<16xi32>], vector<16xf32>,
      %gather3A_928 = tpu.vector_load_idx %arg9[%scan3A_915] : memref<100000xf32, #tpu.memory_space<vmem>>[vector<16xi32>], vector<16xf32>,
      %gather3A_929 = tpu.vector_load_idx %arg9[%scan3A_916] : memref<100000xf32, #tpu.memory_space<vmem>>[vector<16xi32>], vector<16xf32>,
      %gather3A_930 = tpu.vector_load_idx %arg9[%scan3A_917] : memref<100000xf32, #tpu.memory_space<vmem>>[vector<16xi32>], vector<16xf32>,
      %add3A_931 = arith.constant 128 : i32
      %add3A_932 = arith.addi %add3A_923, %add3A_931 : i32
      %get3A_933 = arith.index_cast %add3A_932 : i32 to index
      %get3A_934 = tpu.vector_load %arg10[%get3A_933] {strides = array<i32>} : memref<16512xi32, #tpu.memory_space<vmem>>, vector<16xi32>,
      %add3A_935 = arith.constant 144 : i32
      %add3A_936 = arith.addi %add3A_923, %add3A_935 : i32
      %get3A_937 = arith.index_cast %add3A_936 : i32 to index
      %get3A_938 = tpu.vector_load %arg10[%get3A_937] {strides = array<i32>} : memref<16512xi32, #tpu.memory_space<vmem>>, vector<16xi32>,
      %add3A_939 = arith.constant 160 : i32
      %add3A_940 = arith.addi %add3A_923, %add3A_939 : i32
      %get3A_941 = arith.index_cast %add3A_940 : i32 to index
      %get3A_942 = tpu.vector_load %arg10[%get3A_941] {strides = array<i32>} : memref<16512xi32, #tpu.memory_space<vmem>>, vector<16xi32>,
      %add3A_943 = arith.constant 176 : i32
      %add3A_944 = arith.addi %add3A_923, %add3A_943 : i32
      %get3A_945 = arith.index_cast %add3A_944 : i32 to index
      %get3A_946 = tpu.vector_load %arg10[%get3A_945] {strides = array<i32>} : memref<16512xi32, #tpu.memory_space<vmem>>, vector<16xi32>,
      %add3A_947 = arith.constant 192 : i32
      %add3A_948 = arith.addi %add3A_923, %add3A_947 : i32
      %get3A_949 = arith.index_cast %add3A_948 : i32 to index
      %get3A_950 = tpu.vector_load %arg10[%get3A_949] {strides = array<i32>} : memref<16512xi32, #tpu.memory_space<vmem>>, vector<16xi32>,
      %add3A_951 = arith.constant 208 : i32
      %add3A_952 = arith.addi %add3A_923, %add3A_951 : i32
      %get3A_953 = arith.index_cast %add3A_952 : i32 to index
      %get3A_954 = tpu.vector_load %arg10[%get3A_953] {strides = array<i32>} : memref<16512xi32, #tpu.memory_space<vmem>>, vector<16xi32>,
      %add3A_955 = arith.constant 224 : i32
      %add3A_956 = arith.addi %add3A_923, %add3A_955 : i32
      %get3A_957 = arith.index_cast %add3A_956 : i32 to index
      %get3A_958 = tpu.vector_load %arg10[%get3A_957] {strides = array<i32>} : memref<16512xi32, #tpu.memory_space<vmem>>, vector<16xi32>,
      %add3A_959 = arith.constant 240 : i32
      %add3A_960 = arith.addi %add3A_923, %add3A_959 : i32
      %get3A_961 = arith.index_cast %add3A_960 : i32 to index
      %get3A_962 = tpu.vector_load %arg10[%get3A_961] {strides = array<i32>} : memref<16512xi32, #tpu.memory_space<vmem>>, vector<16xi32>,
      %mul3A_963 = arith.constant 16 : i32
      %mul3A_964 = arith.muli %scan3A_909, %mul3A_963 : i32
      %mul3A_965 = arith.constant 8 : i32
      %mul3A_966 = arith.muli %mul3A_964, %mul3A_965 : i32
      %add3A_967 = arith.constant 0 : i32
      %add3A_968 = arith.addi %mul3A_966, %add3A_967 : i32
      %swap3A = arith.index_cast %add3A_968 : i32 to index
      %swap3A_969 = tpu.vector_load %arg12[%swap3A] {strides = array<i32>} : memref<4096xf32, #tpu.memory_space<vmem>>, vector<16xf32>,
      tpu.vector_store %arg12[%swap3A], %gather3A {strides = array<i32>} : memref<4096xf32, #tpu.memory_space<vmem>>, vector<16xf32>,
      %mul3A_970 = arith.constant 16 : i32
      %mul3A_971 = arith.muli %scan3A_909, %mul3A_970 : i32
      %mul3A_972 = arith.constant 8 : i32
      %mul3A_973 = arith.muli %mul3A_971, %mul3A_972 : i32
      %add3A_974 = arith.constant 16 : i32
      %add3A_975 = arith.addi %mul3A_973, %add3A_974 : i32
      %swap3A_976 = arith.index_cast %add3A_975 : i32 to index
      %swap3A_977 = tpu.vector_load %arg12[%swap3A_976] {strides = array<i32>} : memref<4096xf32, #tpu.memory_space<vmem>>, vector<16xf32>,
      tpu.vector_store %arg12[%swap3A_976], %gather3A_924 {strides = array<i32>} : memref<4096xf32, #tpu.memory_space<vmem>>, vector<16xf32>,
      %mul3A_978 = arith.constant 16 : i32
      %mul3A_979 = arith.muli %scan3A_909, %mul3A_978 : i32
      %mul3A_980 = arith.constant 8 : i32
      %mul3A_981 = arith.muli %mul3A_979, %mul3A_980 : i32
      %add3A_982 = arith.constant 32 : i32
      %add3A_983 = arith.addi %mul3A_981, %add3A_982 : i32
      %swap3A_984 = arith.index_cast %add3A_983 : i32 to index
      %swap3A_985 = tpu.vector_load %arg12[%swap3A_984] {strides = array<i32>} : memref<4096xf32, #tpu.memory_space<vmem>>, vector<16xf32>,
      tpu.vector_store %arg12[%swap3A_984], %gather3A_925 {strides = array<i32>} : memref<4096xf32, #tpu.memory_space<vmem>>, vector<16xf32>,
      %mul3A_986 = arith.constant 16 : i32
      %mul3A_987 = arith.muli %scan3A_909, %mul3A_986 : i32
      %mul3A_988 = arith.constant 8 : i32
      %mul3A_989 = arith.muli %mul3A_987, %mul3A_988 : i32
      %add3A_990 = arith.constant 48 : i32
      %add3A_991 = arith.addi %mul3A_989, %add3A_990 : i32
      %swap3A_992 = arith.index_cast %add3A_991 : i32 to index
      %swap3A_993 = tpu.vector_load %arg12[%swap3A_992] {strides = array<i32>} : memref<4096xf32, #tpu.memory_space<vmem>>, vector<16xf32>,
      tpu.vector_store %arg12[%swap3A_992], %gather3A_926 {strides = array<i32>} : memref<4096xf32, #tpu.memory_space<vmem>>, vector<16xf32>,
      %mul3A_994 = arith.constant 16 : i32
      %mul3A_995 = arith.muli %scan3A_909, %mul3A_994 : i32
      %mul3A_996 = arith.constant 8 : i32
      %mul3A_997 = arith.muli %mul3A_995, %mul3A_996 : i32
      %add3A_998 = arith.constant 64 : i32
      %add3A_999 = arith.addi %mul3A_997, %add3A_998 : i32
      %swap3A_1000 = arith.index_cast %add3A_999 : i32 to index
      %swap3A_1001 = tpu.vector_load %arg12[%swap3A_1000] {strides = array<i32>} : memref<4096xf32, #tpu.memory_space<vmem>>, vector<16xf32>,
      tpu.vector_store %arg12[%swap3A_1000], %gather3A_927 {strides = array<i32>} : memref<4096xf32, #tpu.memory_space<vmem>>, vector<16xf32>,
      %mul3A_1002 = arith.constant 16 : i32
      %mul3A_1003 = arith.muli %scan3A_909, %mul3A_1002 : i32
      %mul3A_1004 = arith.constant 8 : i32
      %mul3A_1005 = arith.muli %mul3A_1003, %mul3A_1004 : i32
      %add3A_1006 = arith.constant 80 : i32
      %add3A_1007 = arith.addi %mul3A_1005, %add3A_1006 : i32
      %swap3A_1008 = arith.index_cast %add3A_1007 : i32 to index
      %swap3A_1009 = tpu.vector_load %arg12[%swap3A_1008] {strides = array<i32>} : memref<4096xf32, #tpu.memory_space<vmem>>, vector<16xf32>,
      tpu.vector_store %arg12[%swap3A_1008], %gather3A_928 {strides = array<i32>} : memref<4096xf32, #tpu.memory_space<vmem>>, vector<16xf32>,
      %mul3A_1010 = arith.constant 16 : i32
      %mul3A_1011 = arith.muli %scan3A_909, %mul3A_1010 : i32
      %mul3A_1012 = arith.constant 8 : i32
      %mul3A_1013 = arith.muli %mul3A_1011, %mul3A_1012 : i32
      %add3A_1014 = arith.constant 96 : i32
      %add3A_1015 = arith.addi %mul3A_1013, %add3A_1014 : i32
      %swap3A_1016 = arith.index_cast %add3A_1015 : i32 to index
      %swap3A_1017 = tpu.vector_load %arg12[%swap3A_1016] {strides = array<i32>} : memref<4096xf32, #tpu.memory_space<vmem>>, vector<16xf32>,
      tpu.vector_store %arg12[%swap3A_1016], %gather3A_929 {strides = array<i32>} : memref<4096xf32, #tpu.memory_space<vmem>>, vector<16xf32>,
      %mul3A_1018 = arith.constant 16 : i32
      %mul3A_1019 = arith.muli %scan3A_909, %mul3A_1018 : i32
      %mul3A_1020 = arith.constant 8 : i32
      %mul3A_1021 = arith.muli %mul3A_1019, %mul3A_1020 : i32
      %add3A_1022 = arith.constant 112 : i32
      %add3A_1023 = arith.addi %mul3A_1021, %add3A_1022 : i32
      %swap3A_1024 = arith.index_cast %add3A_1023 : i32 to index
      %swap3A_1025 = tpu.vector_load %arg12[%swap3A_1024] {strides = array<i32>} : memref<4096xf32, #tpu.memory_space<vmem>>, vector<16xf32>,
      tpu.vector_store %arg12[%swap3A_1024], %gather3A_930 {strides = array<i32>} : memref<4096xf32, #tpu.memory_space<vmem>>, vector<16xf32>,
      scf.yield %get3A_934, %get3A_938, %get3A_942, %get3A_946, %get3A_950, %get3A_954, %get3A_958, %get3A_962 : vector<16xi32>, vector<16xi32>, vector<16xi32>, vector<16xi32>, vector<16xi32>, vector<16xi32>, vector<16xi32>, vector<16xi32>
    }
    %scan3A_670 = arith.constant 32 : i32
    %dma_start3A_671 = arith.constant 4096 : i32
    %dma_start3A_672 = tpu.memref_slice %arg7[%add3A_596, %dma_start3A_671] : memref<64x16384xf32, #tpu.memory_space<hbm>> -> memref<1x4096xf32, #tpu.memory_space<hbm>>
    %dma_start3A_673 = tpu.memref_squeeze %dma_start3A_672 : memref<1x4096xf32, #tpu.memory_space<hbm>> -> memref<4096xf32, #tpu.memory_space<hbm>>
    %dma_start3A_674 = arith.constant 4096 : i32
    %dma_start3A_675 = tpu.memref_slice %arg7[%add3A_596, %dma_start3A_674] : memref<64x16384xf32, #tpu.memory_space<hbm>> -> memref<1x4096xf32, #tpu.memory_space<hbm>>
    %dma_start3A_676 = tpu.memref_squeeze %dma_start3A_675 : memref<1x4096xf32, #tpu.memory_space<hbm>> -> memref<4096xf32, #tpu.memory_space<hbm>>
    tpu.enqueue_dma source(%arg12 : memref<4096xf32, #tpu.memory_space<vmem>>) target(%dma_start3A_676 : memref<4096xf32, #tpu.memory_space<hbm>>) target_semaphore(%arg15 : memref<!tpu.dma_semaphore, #tpu.memory_space<semaphore_mem>>)
    %dma_wait3A_677 = arith.constant 0 : i32
    %dma_wait3A_678 = tpu.memref_slice %arg7[%add3A_596, %dma_wait3A_677] : memref<64x16384xf32, #tpu.memory_space<hbm>> -> memref<1x4096xf32, #tpu.memory_space<hbm>>
    %dma_wait3A_679 = tpu.memref_squeeze %dma_wait3A_678 : memref<1x4096xf32, #tpu.memory_space<hbm>> -> memref<4096xf32, #tpu.memory_space<hbm>>
    %dma_wait3A_680 = arith.constant 0 : i32
    %dma_wait3A_681 = tpu.memref_slice %arg7[%add3A_596, %dma_wait3A_680] : memref<64x16384xf32, #tpu.memory_space<hbm>> -> memref<1x4096xf32, #tpu.memory_space<hbm>>
    %dma_wait3A_682 = tpu.memref_squeeze %dma_wait3A_681 : memref<1x4096xf32, #tpu.memory_space<hbm>> -> memref<4096xf32, #tpu.memory_space<hbm>>
    tpu.wait_dma2 semaphore(%arg14 : memref<!tpu.dma_semaphore, #tpu.memory_space<semaphore_mem>>) src(%arg11 : memref<4096xf32, #tpu.memory_space<vmem>>) dst(%dma_wait3A_682 : memref<4096xf32, #tpu.memory_space<hbm>>)
    %get3A_683 = arith.constant 8192 : index
    %get3A_684 = tpu.vector_load %arg10[%get3A_683] {strides = array<i32>} : memref<16512xi32, #tpu.memory_space<vmem>>, vector<16xi32>,
    %get3A_685 = arith.constant 8208 : index
    %get3A_686 = tpu.vector_load %arg10[%get3A_685] {strides = array<i32>} : memref<16512xi32, #tpu.memory_space<vmem>>, vector<16xi32>,
    %get3A_687 = arith.constant 8224 : index
    %get3A_688 = tpu.vector_load %arg10[%get3A_687] {strides = array<i32>} : memref<16512xi32, #tpu.memory_space<vmem>>, vector<16xi32>,
    %get3A_689 = arith.constant 8240 : index
    %get3A_690 = tpu.vector_load %arg10[%get3A_689] {strides = array<i32>} : memref<16512xi32, #tpu.memory_space<vmem>>, vector<16xi32>,
    %get3A_691 = arith.constant 8256 : index
    %get3A_692 = tpu.vector_load %arg10[%get3A_691] {strides = array<i32>} : memref<16512xi32, #tpu.memory_space<vmem>>, vector<16xi32>,
    %get3A_693 = arith.constant 8272 : index
    %get3A_694 = tpu.vector_load %arg10[%get3A_693] {strides = array<i32>} : memref<16512xi32, #tpu.memory_space<vmem>>, vector<16xi32>,
    %get3A_695 = arith.constant 8288 : index
    %get3A_696 = tpu.vector_load %arg10[%get3A_695] {strides = array<i32>} : memref<16512xi32, #tpu.memory_space<vmem>>, vector<16xi32>,
    %get3A_697 = arith.constant 8304 : index
    %get3A_698 = tpu.vector_load %arg10[%get3A_697] {strides = array<i32>} : memref<16512xi32, #tpu.memory_space<vmem>>, vector<16xi32>,
    %scan3A_699 = arith.constant 0 : i32
    %scan3A_700 = arith.constant 32 : i32
    %scan3A_701 = arith.addi %scan3A_699, %scan3A_700 : i32
    %scan3A_702 = arith.constant 1 : i32
    %scan3A_703:8 = scf.for %scan3A_909 = %scan3A_699 to %scan3A_701 step %scan3A_702 iter_args(%scan3A_910 = %get3A_684, %scan3A_911 = %get3A_686, %scan3A_912 = %get3A_688, %scan3A_913 = %get3A_690, %scan3A_914 = %get3A_692, %scan3A_915 = %get3A_694, %scan3A_916 = %get3A_696, %scan3A_917 = %get3A_698) -> (vector<16xi32>, vector<16xi32>, vector<16xi32>, vector<16xi32>, vector<16xi32>, vector<16xi32>, vector<16xi32>, vector<16xi32>)  : i32 {
      %mul3A_918 = arith.constant 16 : i32
      %mul3A_919 = arith.muli %scan3A_909, %mul3A_918 : i32
      %mul3A_920 = arith.constant 8 : i32
      %mul3A_921 = arith.muli %mul3A_919, %mul3A_920 : i32
      %add3A_922 = arith.constant 8192 : i32
      %add3A_923 = arith.addi %add3A_922, %mul3A_921 : i32
      %gather3A = tpu.vector_load_idx %arg9[%scan3A_910] : memref<100000xf32, #tpu.memory_space<vmem>>[vector<16xi32>], vector<16xf32>,
      %gather3A_924 = tpu.vector_load_idx %arg9[%scan3A_911] : memref<100000xf32, #tpu.memory_space<vmem>>[vector<16xi32>], vector<16xf32>,
      %gather3A_925 = tpu.vector_load_idx %arg9[%scan3A_912] : memref<100000xf32, #tpu.memory_space<vmem>>[vector<16xi32>], vector<16xf32>,
      %gather3A_926 = tpu.vector_load_idx %arg9[%scan3A_913] : memref<100000xf32, #tpu.memory_space<vmem>>[vector<16xi32>], vector<16xf32>,
      %gather3A_927 = tpu.vector_load_idx %arg9[%scan3A_914] : memref<100000xf32, #tpu.memory_space<vmem>>[vector<16xi32>], vector<16xf32>,
      %gather3A_928 = tpu.vector_load_idx %arg9[%scan3A_915] : memref<100000xf32, #tpu.memory_space<vmem>>[vector<16xi32>], vector<16xf32>,
      %gather3A_929 = tpu.vector_load_idx %arg9[%scan3A_916] : memref<100000xf32, #tpu.memory_space<vmem>>[vector<16xi32>], vector<16xf32>,
      %gather3A_930 = tpu.vector_load_idx %arg9[%scan3A_917] : memref<100000xf32, #tpu.memory_space<vmem>>[vector<16xi32>], vector<16xf32>,
      %add3A_931 = arith.constant 128 : i32
      %add3A_932 = arith.addi %add3A_923, %add3A_931 : i32
      %get3A_933 = arith.index_cast %add3A_932 : i32 to index
      %get3A_934 = tpu.vector_load %arg10[%get3A_933] {strides = array<i32>} : memref<16512xi32, #tpu.memory_space<vmem>>, vector<16xi32>,
      %add3A_935 = arith.constant 144 : i32
      %add3A_936 = arith.addi %add3A_923, %add3A_935 : i32
      %get3A_937 = arith.index_cast %add3A_936 : i32 to index
      %get3A_938 = tpu.vector_load %arg10[%get3A_937] {strides = array<i32>} : memref<16512xi32, #tpu.memory_space<vmem>>, vector<16xi32>,
      %add3A_939 = arith.constant 160 : i32
      %add3A_940 = arith.addi %add3A_923, %add3A_939 : i32
      %get3A_941 = arith.index_cast %add3A_940 : i32 to index
      %get3A_942 = tpu.vector_load %arg10[%get3A_941] {strides = array<i32>} : memref<16512xi32, #tpu.memory_space<vmem>>, vector<16xi32>,
      %add3A_943 = arith.constant 176 : i32
      %add3A_944 = arith.addi %add3A_923, %add3A_943 : i32
      %get3A_945 = arith.index_cast %add3A_944 : i32 to index
      %get3A_946 = tpu.vector_load %arg10[%get3A_945] {strides = array<i32>} : memref<16512xi32, #tpu.memory_space<vmem>>, vector<16xi32>,
      %add3A_947 = arith.constant 192 : i32
      %add3A_948 = arith.addi %add3A_923, %add3A_947 : i32
      %get3A_949 = arith.index_cast %add3A_948 : i32 to index
      %get3A_950 = tpu.vector_load %arg10[%get3A_949] {strides = array<i32>} : memref<16512xi32, #tpu.memory_space<vmem>>, vector<16xi32>,
      %add3A_951 = arith.constant 208 : i32
      %add3A_952 = arith.addi %add3A_923, %add3A_951 : i32
      %get3A_953 = arith.index_cast %add3A_952 : i32 to index
      %get3A_954 = tpu.vector_load %arg10[%get3A_953] {strides = array<i32>} : memref<16512xi32, #tpu.memory_space<vmem>>, vector<16xi32>,
      %add3A_955 = arith.constant 224 : i32
      %add3A_956 = arith.addi %add3A_923, %add3A_955 : i32
      %get3A_957 = arith.index_cast %add3A_956 : i32 to index
      %get3A_958 = tpu.vector_load %arg10[%get3A_957] {strides = array<i32>} : memref<16512xi32, #tpu.memory_space<vmem>>, vector<16xi32>,
      %add3A_959 = arith.constant 240 : i32
      %add3A_960 = arith.addi %add3A_923, %add3A_959 : i32
      %get3A_961 = arith.index_cast %add3A_960 : i32 to index
      %get3A_962 = tpu.vector_load %arg10[%get3A_961] {strides = array<i32>} : memref<16512xi32, #tpu.memory_space<vmem>>, vector<16xi32>,
      %mul3A_963 = arith.constant 16 : i32
      %mul3A_964 = arith.muli %scan3A_909, %mul3A_963 : i32
      %mul3A_965 = arith.constant 8 : i32
      %mul3A_966 = arith.muli %mul3A_964, %mul3A_965 : i32
      %add3A_967 = arith.constant 0 : i32
      %add3A_968 = arith.addi %mul3A_966, %add3A_967 : i32
      %swap3A = arith.index_cast %add3A_968 : i32 to index
      %swap3A_969 = tpu.vector_load %arg11[%swap3A] {strides = array<i32>} : memref<4096xf32, #tpu.memory_space<vmem>>, vector<16xf32>,
      tpu.vector_store %arg11[%swap3A], %gather3A {strides = array<i32>} : memref<4096xf32, #tpu.memory_space<vmem>>, vector<16xf32>,
      %mul3A_970 = arith.constant 16 : i32
      %mul3A_971 = arith.muli %scan3A_909, %mul3A_970 : i32
      %mul3A_972 = arith.constant 8 : i32
      %mul3A_973 = arith.muli %mul3A_971, %mul3A_972 : i32
      %add3A_974 = arith.constant 16 : i32
      %add3A_975 = arith.addi %mul3A_973, %add3A_974 : i32
      %swap3A_976 = arith.index_cast %add3A_975 : i32 to index
      %swap3A_977 = tpu.vector_load %arg11[%swap3A_976] {strides = array<i32>} : memref<4096xf32, #tpu.memory_space<vmem>>, vector<16xf32>,
      tpu.vector_store %arg11[%swap3A_976], %gather3A_924 {strides = array<i32>} : memref<4096xf32, #tpu.memory_space<vmem>>, vector<16xf32>,
      %mul3A_978 = arith.constant 16 : i32
      %mul3A_979 = arith.muli %scan3A_909, %mul3A_978 : i32
      %mul3A_980 = arith.constant 8 : i32
      %mul3A_981 = arith.muli %mul3A_979, %mul3A_980 : i32
      %add3A_982 = arith.constant 32 : i32
      %add3A_983 = arith.addi %mul3A_981, %add3A_982 : i32
      %swap3A_984 = arith.index_cast %add3A_983 : i32 to index
      %swap3A_985 = tpu.vector_load %arg11[%swap3A_984] {strides = array<i32>} : memref<4096xf32, #tpu.memory_space<vmem>>, vector<16xf32>,
      tpu.vector_store %arg11[%swap3A_984], %gather3A_925 {strides = array<i32>} : memref<4096xf32, #tpu.memory_space<vmem>>, vector<16xf32>,
      %mul3A_986 = arith.constant 16 : i32
      %mul3A_987 = arith.muli %scan3A_909, %mul3A_986 : i32
      %mul3A_988 = arith.constant 8 : i32
      %mul3A_989 = arith.muli %mul3A_987, %mul3A_988 : i32
      %add3A_990 = arith.constant 48 : i32
      %add3A_991 = arith.addi %mul3A_989, %add3A_990 : i32
      %swap3A_992 = arith.index_cast %add3A_991 : i32 to index
      %swap3A_993 = tpu.vector_load %arg11[%swap3A_992] {strides = array<i32>} : memref<4096xf32, #tpu.memory_space<vmem>>, vector<16xf32>,
      tpu.vector_store %arg11[%swap3A_992], %gather3A_926 {strides = array<i32>} : memref<4096xf32, #tpu.memory_space<vmem>>, vector<16xf32>,
      %mul3A_994 = arith.constant 16 : i32
      %mul3A_995 = arith.muli %scan3A_909, %mul3A_994 : i32
      %mul3A_996 = arith.constant 8 : i32
      %mul3A_997 = arith.muli %mul3A_995, %mul3A_996 : i32
      %add3A_998 = arith.constant 64 : i32
      %add3A_999 = arith.addi %mul3A_997, %add3A_998 : i32
      %swap3A_1000 = arith.index_cast %add3A_999 : i32 to index
      %swap3A_1001 = tpu.vector_load %arg11[%swap3A_1000] {strides = array<i32>} : memref<4096xf32, #tpu.memory_space<vmem>>, vector<16xf32>,
      tpu.vector_store %arg11[%swap3A_1000], %gather3A_927 {strides = array<i32>} : memref<4096xf32, #tpu.memory_space<vmem>>, vector<16xf32>,
      %mul3A_1002 = arith.constant 16 : i32
      %mul3A_1003 = arith.muli %scan3A_909, %mul3A_1002 : i32
      %mul3A_1004 = arith.constant 8 : i32
      %mul3A_1005 = arith.muli %mul3A_1003, %mul3A_1004 : i32
      %add3A_1006 = arith.constant 80 : i32
      %add3A_1007 = arith.addi %mul3A_1005, %add3A_1006 : i32
      %swap3A_1008 = arith.index_cast %add3A_1007 : i32 to index
      %swap3A_1009 = tpu.vector_load %arg11[%swap3A_1008] {strides = array<i32>} : memref<4096xf32, #tpu.memory_space<vmem>>, vector<16xf32>,
      tpu.vector_store %arg11[%swap3A_1008], %gather3A_928 {strides = array<i32>} : memref<4096xf32, #tpu.memory_space<vmem>>, vector<16xf32>,
      %mul3A_1010 = arith.constant 16 : i32
      %mul3A_1011 = arith.muli %scan3A_909, %mul3A_1010 : i32
      %mul3A_1012 = arith.constant 8 : i32
      %mul3A_1013 = arith.muli %mul3A_1011, %mul3A_1012 : i32
      %add3A_1014 = arith.constant 96 : i32
      %add3A_1015 = arith.addi %mul3A_1013, %add3A_1014 : i32
      %swap3A_1016 = arith.index_cast %add3A_1015 : i32 to index
      %swap3A_1017 = tpu.vector_load %arg11[%swap3A_1016] {strides = array<i32>} : memref<4096xf32, #tpu.memory_space<vmem>>, vector<16xf32>,
      tpu.vector_store %arg11[%swap3A_1016], %gather3A_929 {strides = array<i32>} : memref<4096xf32, #tpu.memory_space<vmem>>, vector<16xf32>,
      %mul3A_1018 = arith.constant 16 : i32
      %mul3A_1019 = arith.muli %scan3A_909, %mul3A_1018 : i32
      %mul3A_1020 = arith.constant 8 : i32
      %mul3A_1021 = arith.muli %mul3A_1019, %mul3A_1020 : i32
      %add3A_1022 = arith.constant 112 : i32
      %add3A_1023 = arith.addi %mul3A_1021, %add3A_1022 : i32
      %swap3A_1024 = arith.index_cast %add3A_1023 : i32 to index
      %swap3A_1025 = tpu.vector_load %arg11[%swap3A_1024] {strides = array<i32>} : memref<4096xf32, #tpu.memory_space<vmem>>, vector<16xf32>,
      tpu.vector_store %arg11[%swap3A_1024], %gather3A_930 {strides = array<i32>} : memref<4096xf32, #tpu.memory_space<vmem>>, vector<16xf32>,
      scf.yield %get3A_934, %get3A_938, %get3A_942, %get3A_946, %get3A_950, %get3A_954, %get3A_958, %get3A_962 : vector<16xi32>, vector<16xi32>, vector<16xi32>, vector<16xi32>, vector<16xi32>, vector<16xi32>, vector<16xi32>, vector<16xi32>
    }
    %scan3A_704 = arith.constant 32 : i32
    %dma_start3A_705 = arith.constant 8192 : i32
    %dma_start3A_706 = tpu.memref_slice %arg7[%add3A_596, %dma_start3A_705] : memref<64x16384xf32, #tpu.memory_space<hbm>> -> memref<1x4096xf32, #tpu.memory_space<hbm>>
    %dma_start3A_707 = tpu.memref_squeeze %dma_start3A_706 : memref<1x4096xf32, #tpu.memory_space<hbm>> -> memref<4096xf32, #tpu.memory_space<hbm>>
    %dma_start3A_708 = arith.constant 8192 : i32
    %dma_start3A_709 = tpu.memref_slice %arg7[%add3A_596, %dma_start3A_708] : memref<64x16384xf32, #tpu.memory_space<hbm>> -> memref<1x4096xf32, #tpu.memory_space<hbm>>
    %dma_start3A_710 = tpu.memref_squeeze %dma_start3A_709 : memref<1x4096xf32, #tpu.memory_space<hbm>> -> memref<4096xf32, #tpu.memory_space<hbm>>
    tpu.enqueue_dma source(%arg11 : memref<4096xf32, #tpu.memory_space<vmem>>) target(%dma_start3A_710 : memref<4096xf32, #tpu.memory_space<hbm>>) target_semaphore(%arg14 : memref<!tpu.dma_semaphore, #tpu.memory_space<semaphore_mem>>)
    %dma_wait3A_711 = arith.constant 4096 : i32
    %dma_wait3A_712 = tpu.memref_slice %arg7[%add3A_596, %dma_wait3A_711] : memref<64x16384xf32, #tpu.memory_space<hbm>> -> memref<1x4096xf32, #tpu.memory_space<hbm>>
    %dma_wait3A_713 = tpu.memref_squeeze %dma_wait3A_712 : memref<1x4096xf32, #tpu.memory_space<hbm>> -> memref<4096xf32, #tpu.memory_space<hbm>>
    %dma_wait3A_714 = arith.constant 4096 : i32
    %dma_wait3A_715 = tpu.memref_slice %arg7[%add3A_596, %dma_wait3A_714] : memref<64x16384xf32, #tpu.memory_space<hbm>> -> memref<1x4096xf32, #tpu.memory_space<hbm>>
    %dma_wait3A_716 = tpu.memref_squeeze %dma_wait3A_715 : memref<1x4096xf32, #tpu.memory_space<hbm>> -> memref<4096xf32, #tpu.memory_space<hbm>>
    tpu.wait_dma2 semaphore(%arg15 : memref<!tpu.dma_semaphore, #tpu.memory_space<semaphore_mem>>) src(%arg12 : memref<4096xf32, #tpu.memory_space<vmem>>) dst(%dma_wait3A_716 : memref<4096xf32, #tpu.memory_space<hbm>>)
    %get3A_717 = arith.constant 12288 : index
    %get3A_718 = tpu.vector_load %arg10[%get3A_717] {strides = array<i32>} : memref<16512xi32, #tpu.memory_space<vmem>>, vector<16xi32>,
    %get3A_719 = arith.constant 12304 : index
    %get3A_720 = tpu.vector_load %arg10[%get3A_719] {strides = array<i32>} : memref<16512xi32, #tpu.memory_space<vmem>>, vector<16xi32>,
    %get3A_721 = arith.constant 12320 : index
    %get3A_722 = tpu.vector_load %arg10[%get3A_721] {strides = array<i32>} : memref<16512xi32, #tpu.memory_space<vmem>>, vector<16xi32>,
    %get3A_723 = arith.constant 12336 : index
    %get3A_724 = tpu.vector_load %arg10[%get3A_723] {strides = array<i32>} : memref<16512xi32, #tpu.memory_space<vmem>>, vector<16xi32>,
    %get3A_725 = arith.constant 12352 : index
    %get3A_726 = tpu.vector_load %arg10[%get3A_725] {strides = array<i32>} : memref<16512xi32, #tpu.memory_space<vmem>>, vector<16xi32>,
    %get3A_727 = arith.constant 12368 : index
    %get3A_728 = tpu.vector_load %arg10[%get3A_727] {strides = array<i32>} : memref<16512xi32, #tpu.memory_space<vmem>>, vector<16xi32>,
    %get3A_729 = arith.constant 12384 : index
    %get3A_730 = tpu.vector_load %arg10[%get3A_729] {strides = array<i32>} : memref<16512xi32, #tpu.memory_space<vmem>>, vector<16xi32>,
    %get3A_731 = arith.constant 12400 : index
    %get3A_732 = tpu.vector_load %arg10[%get3A_731] {strides = array<i32>} : memref<16512xi32, #tpu.memory_space<vmem>>, vector<16xi32>,
    %scan3A_733 = arith.constant 0 : i32
    %scan3A_734 = arith.constant 32 : i32
    %scan3A_735 = arith.addi %scan3A_733, %scan3A_734 : i32
    %scan3A_736 = arith.constant 1 : i32
    %scan3A_737:8 = scf.for %scan3A_909 = %scan3A_733 to %scan3A_735 step %scan3A_736 iter_args(%scan3A_910 = %get3A_718, %scan3A_911 = %get3A_720, %scan3A_912 = %get3A_722, %scan3A_913 = %get3A_724, %scan3A_914 = %get3A_726, %scan3A_915 = %get3A_728, %scan3A_916 = %get3A_730, %scan3A_917 = %get3A_732) -> (vector<16xi32>, vector<16xi32>, vector<16xi32>, vector<16xi32>, vector<16xi32>, vector<16xi32>, vector<16xi32>, vector<16xi32>)  : i32 {
      %mul3A_918 = arith.constant 16 : i32
      %mul3A_919 = arith.muli %scan3A_909, %mul3A_918 : i32
      %mul3A_920 = arith.constant 8 : i32
      %mul3A_921 = arith.muli %mul3A_919, %mul3A_920 : i32
      %add3A_922 = arith.constant 12288 : i32
      %add3A_923 = arith.addi %add3A_922, %mul3A_921 : i32
      %gather3A = tpu.vector_load_idx %arg9[%scan3A_910] : memref<100000xf32, #tpu.memory_space<vmem>>[vector<16xi32>], vector<16xf32>,
      %gather3A_924 = tpu.vector_load_idx %arg9[%scan3A_911] : memref<100000xf32, #tpu.memory_space<vmem>>[vector<16xi32>], vector<16xf32>,
      %gather3A_925 = tpu.vector_load_idx %arg9[%scan3A_912] : memref<100000xf32, #tpu.memory_space<vmem>>[vector<16xi32>], vector<16xf32>,
      %gather3A_926 = tpu.vector_load_idx %arg9[%scan3A_913] : memref<100000xf32, #tpu.memory_space<vmem>>[vector<16xi32>], vector<16xf32>,
      %gather3A_927 = tpu.vector_load_idx %arg9[%scan3A_914] : memref<100000xf32, #tpu.memory_space<vmem>>[vector<16xi32>], vector<16xf32>,
      %gather3A_928 = tpu.vector_load_idx %arg9[%scan3A_915] : memref<100000xf32, #tpu.memory_space<vmem>>[vector<16xi32>], vector<16xf32>,
      %gather3A_929 = tpu.vector_load_idx %arg9[%scan3A_916] : memref<100000xf32, #tpu.memory_space<vmem>>[vector<16xi32>], vector<16xf32>,
      %gather3A_930 = tpu.vector_load_idx %arg9[%scan3A_917] : memref<100000xf32, #tpu.memory_space<vmem>>[vector<16xi32>], vector<16xf32>,
      %add3A_931 = arith.constant 128 : i32
      %add3A_932 = arith.addi %add3A_923, %add3A_931 : i32
      %get3A_933 = arith.index_cast %add3A_932 : i32 to index
      %get3A_934 = tpu.vector_load %arg10[%get3A_933] {strides = array<i32>} : memref<16512xi32, #tpu.memory_space<vmem>>, vector<16xi32>,
      %add3A_935 = arith.constant 144 : i32
      %add3A_936 = arith.addi %add3A_923, %add3A_935 : i32
      %get3A_937 = arith.index_cast %add3A_936 : i32 to index
      %get3A_938 = tpu.vector_load %arg10[%get3A_937] {strides = array<i32>} : memref<16512xi32, #tpu.memory_space<vmem>>, vector<16xi32>,
      %add3A_939 = arith.constant 160 : i32
      %add3A_940 = arith.addi %add3A_923, %add3A_939 : i32
      %get3A_941 = arith.index_cast %add3A_940 : i32 to index
      %get3A_942 = tpu.vector_load %arg10[%get3A_941] {strides = array<i32>} : memref<16512xi32, #tpu.memory_space<vmem>>, vector<16xi32>,
      %add3A_943 = arith.constant 176 : i32
      %add3A_944 = arith.addi %add3A_923, %add3A_943 : i32
      %get3A_945 = arith.index_cast %add3A_944 : i32 to index
      %get3A_946 = tpu.vector_load %arg10[%get3A_945] {strides = array<i32>} : memref<16512xi32, #tpu.memory_space<vmem>>, vector<16xi32>,
      %add3A_947 = arith.constant 192 : i32
      %add3A_948 = arith.addi %add3A_923, %add3A_947 : i32
      %get3A_949 = arith.index_cast %add3A_948 : i32 to index
      %get3A_950 = tpu.vector_load %arg10[%get3A_949] {strides = array<i32>} : memref<16512xi32, #tpu.memory_space<vmem>>, vector<16xi32>,
      %add3A_951 = arith.constant 208 : i32
      %add3A_952 = arith.addi %add3A_923, %add3A_951 : i32
      %get3A_953 = arith.index_cast %add3A_952 : i32 to index
      %get3A_954 = tpu.vector_load %arg10[%get3A_953] {strides = array<i32>} : memref<16512xi32, #tpu.memory_space<vmem>>, vector<16xi32>,
      %add3A_955 = arith.constant 224 : i32
      %add3A_956 = arith.addi %add3A_923, %add3A_955 : i32
      %get3A_957 = arith.index_cast %add3A_956 : i32 to index
      %get3A_958 = tpu.vector_load %arg10[%get3A_957] {strides = array<i32>} : memref<16512xi32, #tpu.memory_space<vmem>>, vector<16xi32>,
      %add3A_959 = arith.constant 240 : i32
      %add3A_960 = arith.addi %add3A_923, %add3A_959 : i32
      %get3A_961 = arith.index_cast %add3A_960 : i32 to index
      %get3A_962 = tpu.vector_load %arg10[%get3A_961] {strides = array<i32>} : memref<16512xi32, #tpu.memory_space<vmem>>, vector<16xi32>,
      %mul3A_963 = arith.constant 16 : i32
      %mul3A_964 = arith.muli %scan3A_909, %mul3A_963 : i32
      %mul3A_965 = arith.constant 8 : i32
      %mul3A_966 = arith.muli %mul3A_964, %mul3A_965 : i32
      %add3A_967 = arith.constant 0 : i32
      %add3A_968 = arith.addi %mul3A_966, %add3A_967 : i32
      %swap3A = arith.index_cast %add3A_968 : i32 to index
      %swap3A_969 = tpu.vector_load %arg12[%swap3A] {strides = array<i32>} : memref<4096xf32, #tpu.memory_space<vmem>>, vector<16xf32>,
      tpu.vector_store %arg12[%swap3A], %gather3A {strides = array<i32>} : memref<4096xf32, #tpu.memory_space<vmem>>, vector<16xf32>,
      %mul3A_970 = arith.constant 16 : i32
      %mul3A_971 = arith.muli %scan3A_909, %mul3A_970 : i32
      %mul3A_972 = arith.constant 8 : i32
      %mul3A_973 = arith.muli %mul3A_971, %mul3A_972 : i32
      %add3A_974 = arith.constant 16 : i32
      %add3A_975 = arith.addi %mul3A_973, %add3A_974 : i32
      %swap3A_976 = arith.index_cast %add3A_975 : i32 to index
      %swap3A_977 = tpu.vector_load %arg12[%swap3A_976] {strides = array<i32>} : memref<4096xf32, #tpu.memory_space<vmem>>, vector<16xf32>,
      tpu.vector_store %arg12[%swap3A_976], %gather3A_924 {strides = array<i32>} : memref<4096xf32, #tpu.memory_space<vmem>>, vector<16xf32>,
      %mul3A_978 = arith.constant 16 : i32
      %mul3A_979 = arith.muli %scan3A_909, %mul3A_978 : i32
      %mul3A_980 = arith.constant 8 : i32
      %mul3A_981 = arith.muli %mul3A_979, %mul3A_980 : i32
      %add3A_982 = arith.constant 32 : i32
      %add3A_983 = arith.addi %mul3A_981, %add3A_982 : i32
      %swap3A_984 = arith.index_cast %add3A_983 : i32 to index
      %swap3A_985 = tpu.vector_load %arg12[%swap3A_984] {strides = array<i32>} : memref<4096xf32, #tpu.memory_space<vmem>>, vector<16xf32>,
      tpu.vector_store %arg12[%swap3A_984], %gather3A_925 {strides = array<i32>} : memref<4096xf32, #tpu.memory_space<vmem>>, vector<16xf32>,
      %mul3A_986 = arith.constant 16 : i32
      %mul3A_987 = arith.muli %scan3A_909, %mul3A_986 : i32
      %mul3A_988 = arith.constant 8 : i32
      %mul3A_989 = arith.muli %mul3A_987, %mul3A_988 : i32
      %add3A_990 = arith.constant 48 : i32
      %add3A_991 = arith.addi %mul3A_989, %add3A_990 : i32
      %swap3A_992 = arith.index_cast %add3A_991 : i32 to index
      %swap3A_993 = tpu.vector_load %arg12[%swap3A_992] {strides = array<i32>} : memref<4096xf32, #tpu.memory_space<vmem>>, vector<16xf32>,
      tpu.vector_store %arg12[%swap3A_992], %gather3A_926 {strides = array<i32>} : memref<4096xf32, #tpu.memory_space<vmem>>, vector<16xf32>,
      %mul3A_994 = arith.constant 16 : i32
      %mul3A_995 = arith.muli %scan3A_909, %mul3A_994 : i32
      %mul3A_996 = arith.constant 8 : i32
      %mul3A_997 = arith.muli %mul3A_995, %mul3A_996 : i32
      %add3A_998 = arith.constant 64 : i32
      %add3A_999 = arith.addi %mul3A_997, %add3A_998 : i32
      %swap3A_1000 = arith.index_cast %add3A_999 : i32 to index
      %swap3A_1001 = tpu.vector_load %arg12[%swap3A_1000] {strides = array<i32>} : memref<4096xf32, #tpu.memory_space<vmem>>, vector<16xf32>,
      tpu.vector_store %arg12[%swap3A_1000], %gather3A_927 {strides = array<i32>} : memref<4096xf32, #tpu.memory_space<vmem>>, vector<16xf32>,
      %mul3A_1002 = arith.constant 16 : i32
      %mul3A_1003 = arith.muli %scan3A_909, %mul3A_1002 : i32
      %mul3A_1004 = arith.constant 8 : i32
      %mul3A_1005 = arith.muli %mul3A_1003, %mul3A_1004 : i32
      %add3A_1006 = arith.constant 80 : i32
      %add3A_1007 = arith.addi %mul3A_1005, %add3A_1006 : i32
      %swap3A_1008 = arith.index_cast %add3A_1007 : i32 to index
      %swap3A_1009 = tpu.vector_load %arg12[%swap3A_1008] {strides = array<i32>} : memref<4096xf32, #tpu.memory_space<vmem>>, vector<16xf32>,
      tpu.vector_store %arg12[%swap3A_1008], %gather3A_928 {strides = array<i32>} : memref<4096xf32, #tpu.memory_space<vmem>>, vector<16xf32>,
      %mul3A_1010 = arith.constant 16 : i32
      %mul3A_1011 = arith.muli %scan3A_909, %mul3A_1010 : i32
      %mul3A_1012 = arith.constant 8 : i32
      %mul3A_1013 = arith.muli %mul3A_1011, %mul3A_1012 : i32
      %add3A_1014 = arith.constant 96 : i32
      %add3A_1015 = arith.addi %mul3A_1013, %add3A_1014 : i32
      %swap3A_1016 = arith.index_cast %add3A_1015 : i32 to index
      %swap3A_1017 = tpu.vector_load %arg12[%swap3A_1016] {strides = array<i32>} : memref<4096xf32, #tpu.memory_space<vmem>>, vector<16xf32>,
      tpu.vector_store %arg12[%swap3A_1016], %gather3A_929 {strides = array<i32>} : memref<4096xf32, #tpu.memory_space<vmem>>, vector<16xf32>,
      %mul3A_1018 = arith.constant 16 : i32
      %mul3A_1019 = arith.muli %scan3A_909, %mul3A_1018 : i32
      %mul3A_1020 = arith.constant 8 : i32
      %mul3A_1021 = arith.muli %mul3A_1019, %mul3A_1020 : i32
      %add3A_1022 = arith.constant 112 : i32
      %add3A_1023 = arith.addi %mul3A_1021, %add3A_1022 : i32
      %swap3A_1024 = arith.index_cast %add3A_1023 : i32 to index
      %swap3A_1025 = tpu.vector_load %arg12[%swap3A_1024] {strides = array<i32>} : memref<4096xf32, #tpu.memory_space<vmem>>, vector<16xf32>,
      tpu.vector_store %arg12[%swap3A_1024], %gather3A_930 {strides = array<i32>} : memref<4096xf32, #tpu.memory_space<vmem>>, vector<16xf32>,
      scf.yield %get3A_934, %get3A_938, %get3A_942, %get3A_946, %get3A_950, %get3A_954, %get3A_958, %get3A_962 : vector<16xi32>, vector<16xi32>, vector<16xi32>, vector<16xi32>, vector<16xi32>, vector<16xi32>, vector<16xi32>, vector<16xi32>
    }
    %scan3A_738 = arith.constant 32 : i32
    %dma_start3A_739 = arith.constant 12288 : i32
    %dma_start3A_740 = tpu.memref_slice %arg7[%add3A_596, %dma_start3A_739] : memref<64x16384xf32, #tpu.memory_space<hbm>> -> memref<1x4096xf32, #tpu.memory_space<hbm>>
    %dma_start3A_741 = tpu.memref_squeeze %dma_start3A_740 : memref<1x4096xf32, #tpu.memory_space<hbm>> -> memref<4096xf32, #tpu.memory_space<hbm>>
    %dma_start3A_742 = arith.constant 12288 : i32
    %dma_start3A_743 = tpu.memref_slice %arg7[%add3A_596, %dma_start3A_742] : memref<64x16384xf32, #tpu.memory_space<hbm>> -> memref<1x4096xf32, #tpu.memory_space<hbm>>
    %dma_start3A_744 = tpu.memref_squeeze %dma_start3A_743 : memref<1x4096xf32, #tpu.memory_space<hbm>> -> memref<4096xf32, #tpu.memory_space<hbm>>
    tpu.enqueue_dma source(%arg12 : memref<4096xf32, #tpu.memory_space<vmem>>) target(%dma_start3A_744 : memref<4096xf32, #tpu.memory_space<hbm>>) target_semaphore(%arg15 : memref<!tpu.dma_semaphore, #tpu.memory_space<semaphore_mem>>)
    %mul3A_745 = arith.constant 2 : i32
    %mul3A_746 = arith.muli %add3A, %mul3A_745 : i32
    %add3A_747 = arith.constant 1 : i32
    %add3A_748 = arith.addi %mul3A_746, %add3A_747 : i32
    %dma_start3A_749 = arith.constant 0 : i32
    %dma_start3A_750 = tpu.memref_slice %arg5[%add3A_748, %dma_start3A_749] : memref<64x100000xf32, #tpu.memory_space<hbm>> -> memref<1x100000xf32, #tpu.memory_space<hbm>>
    %dma_start3A_751 = tpu.memref_squeeze %dma_start3A_750 : memref<1x100000xf32, #tpu.memory_space<hbm>> -> memref<100000xf32, #tpu.memory_space<hbm>>
    %dma_start3A_752 = arith.constant 0 : i32
    %dma_start3A_753 = tpu.memref_slice %arg5[%add3A_748, %dma_start3A_752] : memref<64x100000xf32, #tpu.memory_space<hbm>> -> memref<1x100000xf32, #tpu.memory_space<hbm>>
    %dma_start3A_754 = tpu.memref_squeeze %dma_start3A_753 : memref<1x100000xf32, #tpu.memory_space<hbm>> -> memref<100000xf32, #tpu.memory_space<hbm>>
    tpu.enqueue_dma source(%dma_start3A_754 : memref<100000xf32, #tpu.memory_space<hbm>>) target(%arg9 : memref<100000xf32, #tpu.memory_space<vmem>>) target_semaphore(%arg13 : memref<!tpu.dma_semaphore, #tpu.memory_space<semaphore_mem>>)
    %dma_wait3A_755 = arith.constant 0 : i32
    %dma_wait3A_756 = tpu.memref_slice %arg5[%add3A_748, %dma_wait3A_755] : memref<64x100000xf32, #tpu.memory_space<hbm>> -> memref<1x100000xf32, #tpu.memory_space<hbm>>
    %dma_wait3A_757 = tpu.memref_squeeze %dma_wait3A_756 : memref<1x100000xf32, #tpu.memory_space<hbm>> -> memref<100000xf32, #tpu.memory_space<hbm>>
    %dma_wait3A_758 = arith.constant 0 : i32
    %dma_wait3A_759 = tpu.memref_slice %arg5[%add3A_748, %dma_wait3A_758] : memref<64x100000xf32, #tpu.memory_space<hbm>> -> memref<1x100000xf32, #tpu.memory_space<hbm>>
    %dma_wait3A_760 = tpu.memref_squeeze %dma_wait3A_759 : memref<1x100000xf32, #tpu.memory_space<hbm>> -> memref<100000xf32, #tpu.memory_space<hbm>>
    tpu.wait_dma2 semaphore(%arg13 : memref<!tpu.dma_semaphore, #tpu.memory_space<semaphore_mem>>) src(%dma_wait3A_760 : memref<100000xf32, #tpu.memory_space<hbm>>) dst(%arg9 : memref<100000xf32, #tpu.memory_space<vmem>>)
    %dma_wait3A_761 = arith.constant 8192 : i32
    %dma_wait3A_762 = tpu.memref_slice %arg7[%add3A_596, %dma_wait3A_761] : memref<64x16384xf32, #tpu.memory_space<hbm>> -> memref<1x4096xf32, #tpu.memory_space<hbm>>
    %dma_wait3A_763 = tpu.memref_squeeze %dma_wait3A_762 : memref<1x4096xf32, #tpu.memory_space<hbm>> -> memref<4096xf32, #tpu.memory_space<hbm>>
    %dma_wait3A_764 = arith.constant 8192 : i32
    %dma_wait3A_765 = tpu.memref_slice %arg7[%add3A_596, %dma_wait3A_764] : memref<64x16384xf32, #tpu.memory_space<hbm>> -> memref<1x4096xf32, #tpu.memory_space<hbm>>
    %dma_wait3A_766 = tpu.memref_squeeze %dma_wait3A_765 : memref<1x4096xf32, #tpu.memory_space<hbm>> -> memref<4096xf32, #tpu.memory_space<hbm>>
    tpu.wait_dma2 semaphore(%arg14 : memref<!tpu.dma_semaphore, #tpu.memory_space<semaphore_mem>>) src(%arg11 : memref<4096xf32, #tpu.memory_space<vmem>>) dst(%dma_wait3A_766 : memref<4096xf32, #tpu.memory_space<hbm>>)
    %get3A_767 = arith.constant 0 : index
    %get3A_768 = tpu.vector_load %arg10[%get3A_767] {strides = array<i32>} : memref<16512xi32, #tpu.memory_space<vmem>>, vector<16xi32>,
    %get3A_769 = arith.constant 16 : index
    %get3A_770 = tpu.vector_load %arg10[%get3A_769] {strides = array<i32>} : memref<16512xi32, #tpu.memory_space<vmem>>, vector<16xi32>,
    %get3A_771 = arith.constant 32 : index
    %get3A_772 = tpu.vector_load %arg10[%get3A_771] {strides = array<i32>} : memref<16512xi32, #tpu.memory_space<vmem>>, vector<16xi32>,
    %get3A_773 = arith.constant 48 : index
    %get3A_774 = tpu.vector_load %arg10[%get3A_773] {strides = array<i32>} : memref<16512xi32, #tpu.memory_space<vmem>>, vector<16xi32>,
    %get3A_775 = arith.constant 64 : index
    %get3A_776 = tpu.vector_load %arg10[%get3A_775] {strides = array<i32>} : memref<16512xi32, #tpu.memory_space<vmem>>, vector<16xi32>,
    %get3A_777 = arith.constant 80 : index
    %get3A_778 = tpu.vector_load %arg10[%get3A_777] {strides = array<i32>} : memref<16512xi32, #tpu.memory_space<vmem>>, vector<16xi32>,
    %get3A_779 = arith.constant 96 : index
    %get3A_780 = tpu.vector_load %arg10[%get3A_779] {strides = array<i32>} : memref<16512xi32, #tpu.memory_space<vmem>>, vector<16xi32>,
    %get3A_781 = arith.constant 112 : index
    %get3A_782 = tpu.vector_load %arg10[%get3A_781] {strides = array<i32>} : memref<16512xi32, #tpu.memory_space<vmem>>, vector<16xi32>,
    %scan3A_783 = arith.constant 0 : i32
    %scan3A_784 = arith.constant 32 : i32
    %scan3A_785 = arith.addi %scan3A_783, %scan3A_784 : i32
    %scan3A_786 = arith.constant 1 : i32
    %scan3A_787:8 = scf.for %scan3A_909 = %scan3A_783 to %scan3A_785 step %scan3A_786 iter_args(%scan3A_910 = %get3A_768, %scan3A_911 = %get3A_770, %scan3A_912 = %get3A_772, %scan3A_913 = %get3A_774, %scan3A_914 = %get3A_776, %scan3A_915 = %get3A_778, %scan3A_916 = %get3A_780, %scan3A_917 = %get3A_782) -> (vector<16xi32>, vector<16xi32>, vector<16xi32>, vector<16xi32>, vector<16xi32>, vector<16xi32>, vector<16xi32>, vector<16xi32>)  : i32 {
      %mul3A_918 = arith.constant 16 : i32
      %mul3A_919 = arith.muli %scan3A_909, %mul3A_918 : i32
      %mul3A_920 = arith.constant 8 : i32
      %mul3A_921 = arith.muli %mul3A_919, %mul3A_920 : i32
      %add3A_922 = arith.constant 0 : i32
      %add3A_923 = arith.addi %add3A_922, %mul3A_921 : i32
      %gather3A = tpu.vector_load_idx %arg9[%scan3A_910] : memref<100000xf32, #tpu.memory_space<vmem>>[vector<16xi32>], vector<16xf32>,
      %gather3A_924 = tpu.vector_load_idx %arg9[%scan3A_911] : memref<100000xf32, #tpu.memory_space<vmem>>[vector<16xi32>], vector<16xf32>,
      %gather3A_925 = tpu.vector_load_idx %arg9[%scan3A_912] : memref<100000xf32, #tpu.memory_space<vmem>>[vector<16xi32>], vector<16xf32>,
      %gather3A_926 = tpu.vector_load_idx %arg9[%scan3A_913] : memref<100000xf32, #tpu.memory_space<vmem>>[vector<16xi32>], vector<16xf32>,
      %gather3A_927 = tpu.vector_load_idx %arg9[%scan3A_914] : memref<100000xf32, #tpu.memory_space<vmem>>[vector<16xi32>], vector<16xf32>,
      %gather3A_928 = tpu.vector_load_idx %arg9[%scan3A_915] : memref<100000xf32, #tpu.memory_space<vmem>>[vector<16xi32>], vector<16xf32>,
      %gather3A_929 = tpu.vector_load_idx %arg9[%scan3A_916] : memref<100000xf32, #tpu.memory_space<vmem>>[vector<16xi32>], vector<16xf32>,
      %gather3A_930 = tpu.vector_load_idx %arg9[%scan3A_917] : memref<100000xf32, #tpu.memory_space<vmem>>[vector<16xi32>], vector<16xf32>,
      %add3A_931 = arith.constant 128 : i32
      %add3A_932 = arith.addi %add3A_923, %add3A_931 : i32
      %get3A_933 = arith.index_cast %add3A_932 : i32 to index
      %get3A_934 = tpu.vector_load %arg10[%get3A_933] {strides = array<i32>} : memref<16512xi32, #tpu.memory_space<vmem>>, vector<16xi32>,
      %add3A_935 = arith.constant 144 : i32
      %add3A_936 = arith.addi %add3A_923, %add3A_935 : i32
      %get3A_937 = arith.index_cast %add3A_936 : i32 to index
      %get3A_938 = tpu.vector_load %arg10[%get3A_937] {strides = array<i32>} : memref<16512xi32, #tpu.memory_space<vmem>>, vector<16xi32>,
      %add3A_939 = arith.constant 160 : i32
      %add3A_940 = arith.addi %add3A_923, %add3A_939 : i32
      %get3A_941 = arith.index_cast %add3A_940 : i32 to index
      %get3A_942 = tpu.vector_load %arg10[%get3A_941] {strides = array<i32>} : memref<16512xi32, #tpu.memory_space<vmem>>, vector<16xi32>,
      %add3A_943 = arith.constant 176 : i32
      %add3A_944 = arith.addi %add3A_923, %add3A_943 : i32
      %get3A_945 = arith.index_cast %add3A_944 : i32 to index
      %get3A_946 = tpu.vector_load %arg10[%get3A_945] {strides = array<i32>} : memref<16512xi32, #tpu.memory_space<vmem>>, vector<16xi32>,
      %add3A_947 = arith.constant 192 : i32
      %add3A_948 = arith.addi %add3A_923, %add3A_947 : i32
      %get3A_949 = arith.index_cast %add3A_948 : i32 to index
      %get3A_950 = tpu.vector_load %arg10[%get3A_949] {strides = array<i32>} : memref<16512xi32, #tpu.memory_space<vmem>>, vector<16xi32>,
      %add3A_951 = arith.constant 208 : i32
      %add3A_952 = arith.addi %add3A_923, %add3A_951 : i32
      %get3A_953 = arith.index_cast %add3A_952 : i32 to index
      %get3A_954 = tpu.vector_load %arg10[%get3A_953] {strides = array<i32>} : memref<16512xi32, #tpu.memory_space<vmem>>, vector<16xi32>,
      %add3A_955 = arith.constant 224 : i32
      %add3A_956 = arith.addi %add3A_923, %add3A_955 : i32
      %get3A_957 = arith.index_cast %add3A_956 : i32 to index
      %get3A_958 = tpu.vector_load %arg10[%get3A_957] {strides = array<i32>} : memref<16512xi32, #tpu.memory_space<vmem>>, vector<16xi32>,
      %add3A_959 = arith.constant 240 : i32
      %add3A_960 = arith.addi %add3A_923, %add3A_959 : i32
      %get3A_961 = arith.index_cast %add3A_960 : i32 to index
      %get3A_962 = tpu.vector_load %arg10[%get3A_961] {strides = array<i32>} : memref<16512xi32, #tpu.memory_space<vmem>>, vector<16xi32>,
      %mul3A_963 = arith.constant 16 : i32
      %mul3A_964 = arith.muli %scan3A_909, %mul3A_963 : i32
      %mul3A_965 = arith.constant 8 : i32
      %mul3A_966 = arith.muli %mul3A_964, %mul3A_965 : i32
      %add3A_967 = arith.constant 0 : i32
      %add3A_968 = arith.addi %mul3A_966, %add3A_967 : i32
      %swap3A = arith.index_cast %add3A_968 : i32 to index
      %swap3A_969 = tpu.vector_load %arg11[%swap3A] {strides = array<i32>} : memref<4096xf32, #tpu.memory_space<vmem>>, vector<16xf32>,
      tpu.vector_store %arg11[%swap3A], %gather3A {strides = array<i32>} : memref<4096xf32, #tpu.memory_space<vmem>>, vector<16xf32>,
      %mul3A_970 = arith.constant 16 : i32
      %mul3A_971 = arith.muli %scan3A_909, %mul3A_970 : i32
      %mul3A_972 = arith.constant 8 : i32
      %mul3A_973 = arith.muli %mul3A_971, %mul3A_972 : i32
      %add3A_974 = arith.constant 16 : i32
      %add3A_975 = arith.addi %mul3A_973, %add3A_974 : i32
      %swap3A_976 = arith.index_cast %add3A_975 : i32 to index
      %swap3A_977 = tpu.vector_load %arg11[%swap3A_976] {strides = array<i32>} : memref<4096xf32, #tpu.memory_space<vmem>>, vector<16xf32>,
      tpu.vector_store %arg11[%swap3A_976], %gather3A_924 {strides = array<i32>} : memref<4096xf32, #tpu.memory_space<vmem>>, vector<16xf32>,
      %mul3A_978 = arith.constant 16 : i32
      %mul3A_979 = arith.muli %scan3A_909, %mul3A_978 : i32
      %mul3A_980 = arith.constant 8 : i32
      %mul3A_981 = arith.muli %mul3A_979, %mul3A_980 : i32
      %add3A_982 = arith.constant 32 : i32
      %add3A_983 = arith.addi %mul3A_981, %add3A_982 : i32
      %swap3A_984 = arith.index_cast %add3A_983 : i32 to index
      %swap3A_985 = tpu.vector_load %arg11[%swap3A_984] {strides = array<i32>} : memref<4096xf32, #tpu.memory_space<vmem>>, vector<16xf32>,
      tpu.vector_store %arg11[%swap3A_984], %gather3A_925 {strides = array<i32>} : memref<4096xf32, #tpu.memory_space<vmem>>, vector<16xf32>,
      %mul3A_986 = arith.constant 16 : i32
      %mul3A_987 = arith.muli %scan3A_909, %mul3A_986 : i32
      %mul3A_988 = arith.constant 8 : i32
      %mul3A_989 = arith.muli %mul3A_987, %mul3A_988 : i32
      %add3A_990 = arith.constant 48 : i32
      %add3A_991 = arith.addi %mul3A_989, %add3A_990 : i32
      %swap3A_992 = arith.index_cast %add3A_991 : i32 to index
      %swap3A_993 = tpu.vector_load %arg11[%swap3A_992] {strides = array<i32>} : memref<4096xf32, #tpu.memory_space<vmem>>, vector<16xf32>,
      tpu.vector_store %arg11[%swap3A_992], %gather3A_926 {strides = array<i32>} : memref<4096xf32, #tpu.memory_space<vmem>>, vector<16xf32>,
      %mul3A_994 = arith.constant 16 : i32
      %mul3A_995 = arith.muli %scan3A_909, %mul3A_994 : i32
      %mul3A_996 = arith.constant 8 : i32
      %mul3A_997 = arith.muli %mul3A_995, %mul3A_996 : i32
      %add3A_998 = arith.constant 64 : i32
      %add3A_999 = arith.addi %mul3A_997, %add3A_998 : i32
      %swap3A_1000 = arith.index_cast %add3A_999 : i32 to index
      %swap3A_1001 = tpu.vector_load %arg11[%swap3A_1000] {strides = array<i32>} : memref<4096xf32, #tpu.memory_space<vmem>>, vector<16xf32>,
      tpu.vector_store %arg11[%swap3A_1000], %gather3A_927 {strides = array<i32>} : memref<4096xf32, #tpu.memory_space<vmem>>, vector<16xf32>,
      %mul3A_1002 = arith.constant 16 : i32
      %mul3A_1003 = arith.muli %scan3A_909, %mul3A_1002 : i32
      %mul3A_1004 = arith.constant 8 : i32
      %mul3A_1005 = arith.muli %mul3A_1003, %mul3A_1004 : i32
      %add3A_1006 = arith.constant 80 : i32
      %add3A_1007 = arith.addi %mul3A_1005, %add3A_1006 : i32
      %swap3A_1008 = arith.index_cast %add3A_1007 : i32 to index
      %swap3A_1009 = tpu.vector_load %arg11[%swap3A_1008] {strides = array<i32>} : memref<4096xf32, #tpu.memory_space<vmem>>, vector<16xf32>,
      tpu.vector_store %arg11[%swap3A_1008], %gather3A_928 {strides = array<i32>} : memref<4096xf32, #tpu.memory_space<vmem>>, vector<16xf32>,
      %mul3A_1010 = arith.constant 16 : i32
      %mul3A_1011 = arith.muli %scan3A_909, %mul3A_1010 : i32
      %mul3A_1012 = arith.constant 8 : i32
      %mul3A_1013 = arith.muli %mul3A_1011, %mul3A_1012 : i32
      %add3A_1014 = arith.constant 96 : i32
      %add3A_1015 = arith.addi %mul3A_1013, %add3A_1014 : i32
      %swap3A_1016 = arith.index_cast %add3A_1015 : i32 to index
      %swap3A_1017 = tpu.vector_load %arg11[%swap3A_1016] {strides = array<i32>} : memref<4096xf32, #tpu.memory_space<vmem>>, vector<16xf32>,
      tpu.vector_store %arg11[%swap3A_1016], %gather3A_929 {strides = array<i32>} : memref<4096xf32, #tpu.memory_space<vmem>>, vector<16xf32>,
      %mul3A_1018 = arith.constant 16 : i32
      %mul3A_1019 = arith.muli %scan3A_909, %mul3A_1018 : i32
      %mul3A_1020 = arith.constant 8 : i32
      %mul3A_1021 = arith.muli %mul3A_1019, %mul3A_1020 : i32
      %add3A_1022 = arith.constant 112 : i32
      %add3A_1023 = arith.addi %mul3A_1021, %add3A_1022 : i32
      %swap3A_1024 = arith.index_cast %add3A_1023 : i32 to index
      %swap3A_1025 = tpu.vector_load %arg11[%swap3A_1024] {strides = array<i32>} : memref<4096xf32, #tpu.memory_space<vmem>>, vector<16xf32>,
      tpu.vector_store %arg11[%swap3A_1024], %gather3A_930 {strides = array<i32>} : memref<4096xf32, #tpu.memory_space<vmem>>, vector<16xf32>,
      scf.yield %get3A_934, %get3A_938, %get3A_942, %get3A_946, %get3A_950, %get3A_954, %get3A_958, %get3A_962 : vector<16xi32>, vector<16xi32>, vector<16xi32>, vector<16xi32>, vector<16xi32>, vector<16xi32>, vector<16xi32>, vector<16xi32>
    }
    %scan3A_788 = arith.constant 32 : i32
    %dma_start3A_789 = arith.constant 0 : i32
    %dma_start3A_790 = tpu.memref_slice %arg8[%add3A_748, %dma_start3A_789] : memref<64x16384xf32, #tpu.memory_space<hbm>> -> memref<1x4096xf32, #tpu.memory_space<hbm>>
    %dma_start3A_791 = tpu.memref_squeeze %dma_start3A_790 : memref<1x4096xf32, #tpu.memory_space<hbm>> -> memref<4096xf32, #tpu.memory_space<hbm>>
    %dma_start3A_792 = arith.constant 0 : i32
    %dma_start3A_793 = tpu.memref_slice %arg8[%add3A_748, %dma_start3A_792] : memref<64x16384xf32, #tpu.memory_space<hbm>> -> memref<1x4096xf32, #tpu.memory_space<hbm>>
    %dma_start3A_794 = tpu.memref_squeeze %dma_start3A_793 : memref<1x4096xf32, #tpu.memory_space<hbm>> -> memref<4096xf32, #tpu.memory_space<hbm>>
    tpu.enqueue_dma source(%arg11 : memref<4096xf32, #tpu.memory_space<vmem>>) target(%dma_start3A_794 : memref<4096xf32, #tpu.memory_space<hbm>>) target_semaphore(%arg14 : memref<!tpu.dma_semaphore, #tpu.memory_space<semaphore_mem>>)
    %dma_wait3A_795 = arith.constant 12288 : i32
    %dma_wait3A_796 = tpu.memref_slice %arg7[%add3A_596, %dma_wait3A_795] : memref<64x16384xf32, #tpu.memory_space<hbm>> -> memref<1x4096xf32, #tpu.memory_space<hbm>>
    %dma_wait3A_797 = tpu.memref_squeeze %dma_wait3A_796 : memref<1x4096xf32, #tpu.memory_space<hbm>> -> memref<4096xf32, #tpu.memory_space<hbm>>
    %dma_wait3A_798 = arith.constant 12288 : i32
    %dma_wait3A_799 = tpu.memref_slice %arg7[%add3A_596, %dma_wait3A_798] : memref<64x16384xf32, #tpu.memory_space<hbm>> -> memref<1x4096xf32, #tpu.memory_space<hbm>>
    %dma_wait3A_800 = tpu.memref_squeeze %dma_wait3A_799 : memref<1x4096xf32, #tpu.memory_space<hbm>> -> memref<4096xf32, #tpu.memory_space<hbm>>
    tpu.wait_dma2 semaphore(%arg15 : memref<!tpu.dma_semaphore, #tpu.memory_space<semaphore_mem>>) src(%arg12 : memref<4096xf32, #tpu.memory_space<vmem>>) dst(%dma_wait3A_800 : memref<4096xf32, #tpu.memory_space<hbm>>)
    %get3A_801 = arith.constant 4096 : index
    %get3A_802 = tpu.vector_load %arg10[%get3A_801] {strides = array<i32>} : memref<16512xi32, #tpu.memory_space<vmem>>, vector<16xi32>,
    %get3A_803 = arith.constant 4112 : index
    %get3A_804 = tpu.vector_load %arg10[%get3A_803] {strides = array<i32>} : memref<16512xi32, #tpu.memory_space<vmem>>, vector<16xi32>,
    %get3A_805 = arith.constant 4128 : index
    %get3A_806 = tpu.vector_load %arg10[%get3A_805] {strides = array<i32>} : memref<16512xi32, #tpu.memory_space<vmem>>, vector<16xi32>,
    %get3A_807 = arith.constant 4144 : index
    %get3A_808 = tpu.vector_load %arg10[%get3A_807] {strides = array<i32>} : memref<16512xi32, #tpu.memory_space<vmem>>, vector<16xi32>,
    %get3A_809 = arith.constant 4160 : index
    %get3A_810 = tpu.vector_load %arg10[%get3A_809] {strides = array<i32>} : memref<16512xi32, #tpu.memory_space<vmem>>, vector<16xi32>,
    %get3A_811 = arith.constant 4176 : index
    %get3A_812 = tpu.vector_load %arg10[%get3A_811] {strides = array<i32>} : memref<16512xi32, #tpu.memory_space<vmem>>, vector<16xi32>,
    %get3A_813 = arith.constant 4192 : index
    %get3A_814 = tpu.vector_load %arg10[%get3A_813] {strides = array<i32>} : memref<16512xi32, #tpu.memory_space<vmem>>, vector<16xi32>,
    %get3A_815 = arith.constant 4208 : index
    %get3A_816 = tpu.vector_load %arg10[%get3A_815] {strides = array<i32>} : memref<16512xi32, #tpu.memory_space<vmem>>, vector<16xi32>,
    %scan3A_817 = arith.constant 0 : i32
    %scan3A_818 = arith.constant 32 : i32
    %scan3A_819 = arith.addi %scan3A_817, %scan3A_818 : i32
    %scan3A_820 = arith.constant 1 : i32
    %scan3A_821:8 = scf.for %scan3A_909 = %scan3A_817 to %scan3A_819 step %scan3A_820 iter_args(%scan3A_910 = %get3A_802, %scan3A_911 = %get3A_804, %scan3A_912 = %get3A_806, %scan3A_913 = %get3A_808, %scan3A_914 = %get3A_810, %scan3A_915 = %get3A_812, %scan3A_916 = %get3A_814, %scan3A_917 = %get3A_816) -> (vector<16xi32>, vector<16xi32>, vector<16xi32>, vector<16xi32>, vector<16xi32>, vector<16xi32>, vector<16xi32>, vector<16xi32>)  : i32 {
      %mul3A_918 = arith.constant 16 : i32
      %mul3A_919 = arith.muli %scan3A_909, %mul3A_918 : i32
      %mul3A_920 = arith.constant 8 : i32
      %mul3A_921 = arith.muli %mul3A_919, %mul3A_920 : i32
      %add3A_922 = arith.constant 4096 : i32
      %add3A_923 = arith.addi %add3A_922, %mul3A_921 : i32
      %gather3A = tpu.vector_load_idx %arg9[%scan3A_910] : memref<100000xf32, #tpu.memory_space<vmem>>[vector<16xi32>], vector<16xf32>,
      %gather3A_924 = tpu.vector_load_idx %arg9[%scan3A_911] : memref<100000xf32, #tpu.memory_space<vmem>>[vector<16xi32>], vector<16xf32>,
      %gather3A_925 = tpu.vector_load_idx %arg9[%scan3A_912] : memref<100000xf32, #tpu.memory_space<vmem>>[vector<16xi32>], vector<16xf32>,
      %gather3A_926 = tpu.vector_load_idx %arg9[%scan3A_913] : memref<100000xf32, #tpu.memory_space<vmem>>[vector<16xi32>], vector<16xf32>,
      %gather3A_927 = tpu.vector_load_idx %arg9[%scan3A_914] : memref<100000xf32, #tpu.memory_space<vmem>>[vector<16xi32>], vector<16xf32>,
      %gather3A_928 = tpu.vector_load_idx %arg9[%scan3A_915] : memref<100000xf32, #tpu.memory_space<vmem>>[vector<16xi32>], vector<16xf32>,
      %gather3A_929 = tpu.vector_load_idx %arg9[%scan3A_916] : memref<100000xf32, #tpu.memory_space<vmem>>[vector<16xi32>], vector<16xf32>,
      %gather3A_930 = tpu.vector_load_idx %arg9[%scan3A_917] : memref<100000xf32, #tpu.memory_space<vmem>>[vector<16xi32>], vector<16xf32>,
      %add3A_931 = arith.constant 128 : i32
      %add3A_932 = arith.addi %add3A_923, %add3A_931 : i32
      %get3A_933 = arith.index_cast %add3A_932 : i32 to index
      %get3A_934 = tpu.vector_load %arg10[%get3A_933] {strides = array<i32>} : memref<16512xi32, #tpu.memory_space<vmem>>, vector<16xi32>,
      %add3A_935 = arith.constant 144 : i32
      %add3A_936 = arith.addi %add3A_923, %add3A_935 : i32
      %get3A_937 = arith.index_cast %add3A_936 : i32 to index
      %get3A_938 = tpu.vector_load %arg10[%get3A_937] {strides = array<i32>} : memref<16512xi32, #tpu.memory_space<vmem>>, vector<16xi32>,
      %add3A_939 = arith.constant 160 : i32
      %add3A_940 = arith.addi %add3A_923, %add3A_939 : i32
      %get3A_941 = arith.index_cast %add3A_940 : i32 to index
      %get3A_942 = tpu.vector_load %arg10[%get3A_941] {strides = array<i32>} : memref<16512xi32, #tpu.memory_space<vmem>>, vector<16xi32>,
      %add3A_943 = arith.constant 176 : i32
      %add3A_944 = arith.addi %add3A_923, %add3A_943 : i32
      %get3A_945 = arith.index_cast %add3A_944 : i32 to index
      %get3A_946 = tpu.vector_load %arg10[%get3A_945] {strides = array<i32>} : memref<16512xi32, #tpu.memory_space<vmem>>, vector<16xi32>,
      %add3A_947 = arith.constant 192 : i32
      %add3A_948 = arith.addi %add3A_923, %add3A_947 : i32
      %get3A_949 = arith.index_cast %add3A_948 : i32 to index
      %get3A_950 = tpu.vector_load %arg10[%get3A_949] {strides = array<i32>} : memref<16512xi32, #tpu.memory_space<vmem>>, vector<16xi32>,
      %add3A_951 = arith.constant 208 : i32
      %add3A_952 = arith.addi %add3A_923, %add3A_951 : i32
      %get3A_953 = arith.index_cast %add3A_952 : i32 to index
      %get3A_954 = tpu.vector_load %arg10[%get3A_953] {strides = array<i32>} : memref<16512xi32, #tpu.memory_space<vmem>>, vector<16xi32>,
      %add3A_955 = arith.constant 224 : i32
      %add3A_956 = arith.addi %add3A_923, %add3A_955 : i32
      %get3A_957 = arith.index_cast %add3A_956 : i32 to index
      %get3A_958 = tpu.vector_load %arg10[%get3A_957] {strides = array<i32>} : memref<16512xi32, #tpu.memory_space<vmem>>, vector<16xi32>,
      %add3A_959 = arith.constant 240 : i32
      %add3A_960 = arith.addi %add3A_923, %add3A_959 : i32
      %get3A_961 = arith.index_cast %add3A_960 : i32 to index
      %get3A_962 = tpu.vector_load %arg10[%get3A_961] {strides = array<i32>} : memref<16512xi32, #tpu.memory_space<vmem>>, vector<16xi32>,
      %mul3A_963 = arith.constant 16 : i32
      %mul3A_964 = arith.muli %scan3A_909, %mul3A_963 : i32
      %mul3A_965 = arith.constant 8 : i32
      %mul3A_966 = arith.muli %mul3A_964, %mul3A_965 : i32
      %add3A_967 = arith.constant 0 : i32
      %add3A_968 = arith.addi %mul3A_966, %add3A_967 : i32
      %swap3A = arith.index_cast %add3A_968 : i32 to index
      %swap3A_969 = tpu.vector_load %arg12[%swap3A] {strides = array<i32>} : memref<4096xf32, #tpu.memory_space<vmem>>, vector<16xf32>,
      tpu.vector_store %arg12[%swap3A], %gather3A {strides = array<i32>} : memref<4096xf32, #tpu.memory_space<vmem>>, vector<16xf32>,
      %mul3A_970 = arith.constant 16 : i32
      %mul3A_971 = arith.muli %scan3A_909, %mul3A_970 : i32
      %mul3A_972 = arith.constant 8 : i32
      %mul3A_973 = arith.muli %mul3A_971, %mul3A_972 : i32
      %add3A_974 = arith.constant 16 : i32
      %add3A_975 = arith.addi %mul3A_973, %add3A_974 : i32
      %swap3A_976 = arith.index_cast %add3A_975 : i32 to index
      %swap3A_977 = tpu.vector_load %arg12[%swap3A_976] {strides = array<i32>} : memref<4096xf32, #tpu.memory_space<vmem>>, vector<16xf32>,
      tpu.vector_store %arg12[%swap3A_976], %gather3A_924 {strides = array<i32>} : memref<4096xf32, #tpu.memory_space<vmem>>, vector<16xf32>,
      %mul3A_978 = arith.constant 16 : i32
      %mul3A_979 = arith.muli %scan3A_909, %mul3A_978 : i32
      %mul3A_980 = arith.constant 8 : i32
      %mul3A_981 = arith.muli %mul3A_979, %mul3A_980 : i32
      %add3A_982 = arith.constant 32 : i32
      %add3A_983 = arith.addi %mul3A_981, %add3A_982 : i32
      %swap3A_984 = arith.index_cast %add3A_983 : i32 to index
      %swap3A_985 = tpu.vector_load %arg12[%swap3A_984] {strides = array<i32>} : memref<4096xf32, #tpu.memory_space<vmem>>, vector<16xf32>,
      tpu.vector_store %arg12[%swap3A_984], %gather3A_925 {strides = array<i32>} : memref<4096xf32, #tpu.memory_space<vmem>>, vector<16xf32>,
      %mul3A_986 = arith.constant 16 : i32
      %mul3A_987 = arith.muli %scan3A_909, %mul3A_986 : i32
      %mul3A_988 = arith.constant 8 : i32
      %mul3A_989 = arith.muli %mul3A_987, %mul3A_988 : i32
      %add3A_990 = arith.constant 48 : i32
      %add3A_991 = arith.addi %mul3A_989, %add3A_990 : i32
      %swap3A_992 = arith.index_cast %add3A_991 : i32 to index
      %swap3A_993 = tpu.vector_load %arg12[%swap3A_992] {strides = array<i32>} : memref<4096xf32, #tpu.memory_space<vmem>>, vector<16xf32>,
      tpu.vector_store %arg12[%swap3A_992], %gather3A_926 {strides = array<i32>} : memref<4096xf32, #tpu.memory_space<vmem>>, vector<16xf32>,
      %mul3A_994 = arith.constant 16 : i32
      %mul3A_995 = arith.muli %scan3A_909, %mul3A_994 : i32
      %mul3A_996 = arith.constant 8 : i32
      %mul3A_997 = arith.muli %mul3A_995, %mul3A_996 : i32
      %add3A_998 = arith.constant 64 : i32
      %add3A_999 = arith.addi %mul3A_997, %add3A_998 : i32
      %swap3A_1000 = arith.index_cast %add3A_999 : i32 to index
      %swap3A_1001 = tpu.vector_load %arg12[%swap3A_1000] {strides = array<i32>} : memref<4096xf32, #tpu.memory_space<vmem>>, vector<16xf32>,
      tpu.vector_store %arg12[%swap3A_1000], %gather3A_927 {strides = array<i32>} : memref<4096xf32, #tpu.memory_space<vmem>>, vector<16xf32>,
      %mul3A_1002 = arith.constant 16 : i32
      %mul3A_1003 = arith.muli %scan3A_909, %mul3A_1002 : i32
      %mul3A_1004 = arith.constant 8 : i32
      %mul3A_1005 = arith.muli %mul3A_1003, %mul3A_1004 : i32
      %add3A_1006 = arith.constant 80 : i32
      %add3A_1007 = arith.addi %mul3A_1005, %add3A_1006 : i32
      %swap3A_1008 = arith.index_cast %add3A_1007 : i32 to index
      %swap3A_1009 = tpu.vector_load %arg12[%swap3A_1008] {strides = array<i32>} : memref<4096xf32, #tpu.memory_space<vmem>>, vector<16xf32>,
      tpu.vector_store %arg12[%swap3A_1008], %gather3A_928 {strides = array<i32>} : memref<4096xf32, #tpu.memory_space<vmem>>, vector<16xf32>,
      %mul3A_1010 = arith.constant 16 : i32
      %mul3A_1011 = arith.muli %scan3A_909, %mul3A_1010 : i32
      %mul3A_1012 = arith.constant 8 : i32
      %mul3A_1013 = arith.muli %mul3A_1011, %mul3A_1012 : i32
      %add3A_1014 = arith.constant 96 : i32
      %add3A_1015 = arith.addi %mul3A_1013, %add3A_1014 : i32
      %swap3A_1016 = arith.index_cast %add3A_1015 : i32 to index
      %swap3A_1017 = tpu.vector_load %arg12[%swap3A_1016] {strides = array<i32>} : memref<4096xf32, #tpu.memory_space<vmem>>, vector<16xf32>,
      tpu.vector_store %arg12[%swap3A_1016], %gather3A_929 {strides = array<i32>} : memref<4096xf32, #tpu.memory_space<vmem>>, vector<16xf32>,
      %mul3A_1018 = arith.constant 16 : i32
      %mul3A_1019 = arith.muli %scan3A_909, %mul3A_1018 : i32
      %mul3A_1020 = arith.constant 8 : i32
      %mul3A_1021 = arith.muli %mul3A_1019, %mul3A_1020 : i32
      %add3A_1022 = arith.constant 112 : i32
      %add3A_1023 = arith.addi %mul3A_1021, %add3A_1022 : i32
      %swap3A_1024 = arith.index_cast %add3A_1023 : i32 to index
      %swap3A_1025 = tpu.vector_load %arg12[%swap3A_1024] {strides = array<i32>} : memref<4096xf32, #tpu.memory_space<vmem>>, vector<16xf32>,
      tpu.vector_store %arg12[%swap3A_1024], %gather3A_930 {strides = array<i32>} : memref<4096xf32, #tpu.memory_space<vmem>>, vector<16xf32>,
      scf.yield %get3A_934, %get3A_938, %get3A_942, %get3A_946, %get3A_950, %get3A_954, %get3A_958, %get3A_962 : vector<16xi32>, vector<16xi32>, vector<16xi32>, vector<16xi32>, vector<16xi32>, vector<16xi32>, vector<16xi32>, vector<16xi32>
    }
    %scan3A_822 = arith.constant 32 : i32
    %dma_start3A_823 = arith.constant 4096 : i32
    %dma_start3A_824 = tpu.memref_slice %arg8[%add3A_748, %dma_start3A_823] : memref<64x16384xf32, #tpu.memory_space<hbm>> -> memref<1x4096xf32, #tpu.memory_space<hbm>>
    %dma_start3A_825 = tpu.memref_squeeze %dma_start3A_824 : memref<1x4096xf32, #tpu.memory_space<hbm>> -> memref<4096xf32, #tpu.memory_space<hbm>>
    %dma_start3A_826 = arith.constant 4096 : i32
    %dma_start3A_827 = tpu.memref_slice %arg8[%add3A_748, %dma_start3A_826] : memref<64x16384xf32, #tpu.memory_space<hbm>> -> memref<1x4096xf32, #tpu.memory_space<hbm>>
    %dma_start3A_828 = tpu.memref_squeeze %dma_start3A_827 : memref<1x4096xf32, #tpu.memory_space<hbm>> -> memref<4096xf32, #tpu.memory_space<hbm>>
    tpu.enqueue_dma source(%arg12 : memref<4096xf32, #tpu.memory_space<vmem>>) target(%dma_start3A_828 : memref<4096xf32, #tpu.memory_space<hbm>>) target_semaphore(%arg15 : memref<!tpu.dma_semaphore, #tpu.memory_space<semaphore_mem>>)
    %dma_wait3A_829 = arith.constant 0 : i32
    %dma_wait3A_830 = tpu.memref_slice %arg8[%add3A_748, %dma_wait3A_829] : memref<64x16384xf32, #tpu.memory_space<hbm>> -> memref<1x4096xf32, #tpu.memory_space<hbm>>
    %dma_wait3A_831 = tpu.memref_squeeze %dma_wait3A_830 : memref<1x4096xf32, #tpu.memory_space<hbm>> -> memref<4096xf32, #tpu.memory_space<hbm>>
    %dma_wait3A_832 = arith.constant 0 : i32
    %dma_wait3A_833 = tpu.memref_slice %arg8[%add3A_748, %dma_wait3A_832] : memref<64x16384xf32, #tpu.memory_space<hbm>> -> memref<1x4096xf32, #tpu.memory_space<hbm>>
    %dma_wait3A_834 = tpu.memref_squeeze %dma_wait3A_833 : memref<1x4096xf32, #tpu.memory_space<hbm>> -> memref<4096xf32, #tpu.memory_space<hbm>>
    tpu.wait_dma2 semaphore(%arg14 : memref<!tpu.dma_semaphore, #tpu.memory_space<semaphore_mem>>) src(%arg11 : memref<4096xf32, #tpu.memory_space<vmem>>) dst(%dma_wait3A_834 : memref<4096xf32, #tpu.memory_space<hbm>>)
    %get3A_835 = arith.constant 8192 : index
    %get3A_836 = tpu.vector_load %arg10[%get3A_835] {strides = array<i32>} : memref<16512xi32, #tpu.memory_space<vmem>>, vector<16xi32>,
    %get3A_837 = arith.constant 8208 : index
    %get3A_838 = tpu.vector_load %arg10[%get3A_837] {strides = array<i32>} : memref<16512xi32, #tpu.memory_space<vmem>>, vector<16xi32>,
    %get3A_839 = arith.constant 8224 : index
    %get3A_840 = tpu.vector_load %arg10[%get3A_839] {strides = array<i32>} : memref<16512xi32, #tpu.memory_space<vmem>>, vector<16xi32>,
    %get3A_841 = arith.constant 8240 : index
    %get3A_842 = tpu.vector_load %arg10[%get3A_841] {strides = array<i32>} : memref<16512xi32, #tpu.memory_space<vmem>>, vector<16xi32>,
    %get3A_843 = arith.constant 8256 : index
    %get3A_844 = tpu.vector_load %arg10[%get3A_843] {strides = array<i32>} : memref<16512xi32, #tpu.memory_space<vmem>>, vector<16xi32>,
    %get3A_845 = arith.constant 8272 : index
    %get3A_846 = tpu.vector_load %arg10[%get3A_845] {strides = array<i32>} : memref<16512xi32, #tpu.memory_space<vmem>>, vector<16xi32>,
    %get3A_847 = arith.constant 8288 : index
    %get3A_848 = tpu.vector_load %arg10[%get3A_847] {strides = array<i32>} : memref<16512xi32, #tpu.memory_space<vmem>>, vector<16xi32>,
    %get3A_849 = arith.constant 8304 : index
    %get3A_850 = tpu.vector_load %arg10[%get3A_849] {strides = array<i32>} : memref<16512xi32, #tpu.memory_space<vmem>>, vector<16xi32>,
    %scan3A_851 = arith.constant 0 : i32
    %scan3A_852 = arith.constant 32 : i32
    %scan3A_853 = arith.addi %scan3A_851, %scan3A_852 : i32
    %scan3A_854 = arith.constant 1 : i32
    %scan3A_855:8 = scf.for %scan3A_909 = %scan3A_851 to %scan3A_853 step %scan3A_854 iter_args(%scan3A_910 = %get3A_836, %scan3A_911 = %get3A_838, %scan3A_912 = %get3A_840, %scan3A_913 = %get3A_842, %scan3A_914 = %get3A_844, %scan3A_915 = %get3A_846, %scan3A_916 = %get3A_848, %scan3A_917 = %get3A_850) -> (vector<16xi32>, vector<16xi32>, vector<16xi32>, vector<16xi32>, vector<16xi32>, vector<16xi32>, vector<16xi32>, vector<16xi32>)  : i32 {
      %mul3A_918 = arith.constant 16 : i32
      %mul3A_919 = arith.muli %scan3A_909, %mul3A_918 : i32
      %mul3A_920 = arith.constant 8 : i32
      %mul3A_921 = arith.muli %mul3A_919, %mul3A_920 : i32
      %add3A_922 = arith.constant 8192 : i32
      %add3A_923 = arith.addi %add3A_922, %mul3A_921 : i32
      %gather3A = tpu.vector_load_idx %arg9[%scan3A_910] : memref<100000xf32, #tpu.memory_space<vmem>>[vector<16xi32>], vector<16xf32>,
      %gather3A_924 = tpu.vector_load_idx %arg9[%scan3A_911] : memref<100000xf32, #tpu.memory_space<vmem>>[vector<16xi32>], vector<16xf32>,
      %gather3A_925 = tpu.vector_load_idx %arg9[%scan3A_912] : memref<100000xf32, #tpu.memory_space<vmem>>[vector<16xi32>], vector<16xf32>,
      %gather3A_926 = tpu.vector_load_idx %arg9[%scan3A_913] : memref<100000xf32, #tpu.memory_space<vmem>>[vector<16xi32>], vector<16xf32>,
      %gather3A_927 = tpu.vector_load_idx %arg9[%scan3A_914] : memref<100000xf32, #tpu.memory_space<vmem>>[vector<16xi32>], vector<16xf32>,
      %gather3A_928 = tpu.vector_load_idx %arg9[%scan3A_915] : memref<100000xf32, #tpu.memory_space<vmem>>[vector<16xi32>], vector<16xf32>,
      %gather3A_929 = tpu.vector_load_idx %arg9[%scan3A_916] : memref<100000xf32, #tpu.memory_space<vmem>>[vector<16xi32>], vector<16xf32>,
      %gather3A_930 = tpu.vector_load_idx %arg9[%scan3A_917] : memref<100000xf32, #tpu.memory_space<vmem>>[vector<16xi32>], vector<16xf32>,
      %add3A_931 = arith.constant 128 : i32
      %add3A_932 = arith.addi %add3A_923, %add3A_931 : i32
      %get3A_933 = arith.index_cast %add3A_932 : i32 to index
      %get3A_934 = tpu.vector_load %arg10[%get3A_933] {strides = array<i32>} : memref<16512xi32, #tpu.memory_space<vmem>>, vector<16xi32>,
      %add3A_935 = arith.constant 144 : i32
      %add3A_936 = arith.addi %add3A_923, %add3A_935 : i32
      %get3A_937 = arith.index_cast %add3A_936 : i32 to index
      %get3A_938 = tpu.vector_load %arg10[%get3A_937] {strides = array<i32>} : memref<16512xi32, #tpu.memory_space<vmem>>, vector<16xi32>,
      %add3A_939 = arith.constant 160 : i32
      %add3A_940 = arith.addi %add3A_923, %add3A_939 : i32
      %get3A_941 = arith.index_cast %add3A_940 : i32 to index
      %get3A_942 = tpu.vector_load %arg10[%get3A_941] {strides = array<i32>} : memref<16512xi32, #tpu.memory_space<vmem>>, vector<16xi32>,
      %add3A_943 = arith.constant 176 : i32
      %add3A_944 = arith.addi %add3A_923, %add3A_943 : i32
      %get3A_945 = arith.index_cast %add3A_944 : i32 to index
      %get3A_946 = tpu.vector_load %arg10[%get3A_945] {strides = array<i32>} : memref<16512xi32, #tpu.memory_space<vmem>>, vector<16xi32>,
      %add3A_947 = arith.constant 192 : i32
      %add3A_948 = arith.addi %add3A_923, %add3A_947 : i32
      %get3A_949 = arith.index_cast %add3A_948 : i32 to index
      %get3A_950 = tpu.vector_load %arg10[%get3A_949] {strides = array<i32>} : memref<16512xi32, #tpu.memory_space<vmem>>, vector<16xi32>,
      %add3A_951 = arith.constant 208 : i32
      %add3A_952 = arith.addi %add3A_923, %add3A_951 : i32
      %get3A_953 = arith.index_cast %add3A_952 : i32 to index
      %get3A_954 = tpu.vector_load %arg10[%get3A_953] {strides = array<i32>} : memref<16512xi32, #tpu.memory_space<vmem>>, vector<16xi32>,
      %add3A_955 = arith.constant 224 : i32
      %add3A_956 = arith.addi %add3A_923, %add3A_955 : i32
      %get3A_957 = arith.index_cast %add3A_956 : i32 to index
      %get3A_958 = tpu.vector_load %arg10[%get3A_957] {strides = array<i32>} : memref<16512xi32, #tpu.memory_space<vmem>>, vector<16xi32>,
      %add3A_959 = arith.constant 240 : i32
      %add3A_960 = arith.addi %add3A_923, %add3A_959 : i32
      %get3A_961 = arith.index_cast %add3A_960 : i32 to index
      %get3A_962 = tpu.vector_load %arg10[%get3A_961] {strides = array<i32>} : memref<16512xi32, #tpu.memory_space<vmem>>, vector<16xi32>,
      %mul3A_963 = arith.constant 16 : i32
      %mul3A_964 = arith.muli %scan3A_909, %mul3A_963 : i32
      %mul3A_965 = arith.constant 8 : i32
      %mul3A_966 = arith.muli %mul3A_964, %mul3A_965 : i32
      %add3A_967 = arith.constant 0 : i32
      %add3A_968 = arith.addi %mul3A_966, %add3A_967 : i32
      %swap3A = arith.index_cast %add3A_968 : i32 to index
      %swap3A_969 = tpu.vector_load %arg11[%swap3A] {strides = array<i32>} : memref<4096xf32, #tpu.memory_space<vmem>>, vector<16xf32>,
      tpu.vector_store %arg11[%swap3A], %gather3A {strides = array<i32>} : memref<4096xf32, #tpu.memory_space<vmem>>, vector<16xf32>,
      %mul3A_970 = arith.constant 16 : i32
      %mul3A_971 = arith.muli %scan3A_909, %mul3A_970 : i32
      %mul3A_972 = arith.constant 8 : i32
      %mul3A_973 = arith.muli %mul3A_971, %mul3A_972 : i32
      %add3A_974 = arith.constant 16 : i32
      %add3A_975 = arith.addi %mul3A_973, %add3A_974 : i32
      %swap3A_976 = arith.index_cast %add3A_975 : i32 to index
      %swap3A_977 = tpu.vector_load %arg11[%swap3A_976] {strides = array<i32>} : memref<4096xf32, #tpu.memory_space<vmem>>, vector<16xf32>,
      tpu.vector_store %arg11[%swap3A_976], %gather3A_924 {strides = array<i32>} : memref<4096xf32, #tpu.memory_space<vmem>>, vector<16xf32>,
      %mul3A_978 = arith.constant 16 : i32
      %mul3A_979 = arith.muli %scan3A_909, %mul3A_978 : i32
      %mul3A_980 = arith.constant 8 : i32
      %mul3A_981 = arith.muli %mul3A_979, %mul3A_980 : i32
      %add3A_982 = arith.constant 32 : i32
      %add3A_983 = arith.addi %mul3A_981, %add3A_982 : i32
      %swap3A_984 = arith.index_cast %add3A_983 : i32 to index
      %swap3A_985 = tpu.vector_load %arg11[%swap3A_984] {strides = array<i32>} : memref<4096xf32, #tpu.memory_space<vmem>>, vector<16xf32>,
      tpu.vector_store %arg11[%swap3A_984], %gather3A_925 {strides = array<i32>} : memref<4096xf32, #tpu.memory_space<vmem>>, vector<16xf32>,
      %mul3A_986 = arith.constant 16 : i32
      %mul3A_987 = arith.muli %scan3A_909, %mul3A_986 : i32
      %mul3A_988 = arith.constant 8 : i32
      %mul3A_989 = arith.muli %mul3A_987, %mul3A_988 : i32
      %add3A_990 = arith.constant 48 : i32
      %add3A_991 = arith.addi %mul3A_989, %add3A_990 : i32
      %swap3A_992 = arith.index_cast %add3A_991 : i32 to index
      %swap3A_993 = tpu.vector_load %arg11[%swap3A_992] {strides = array<i32>} : memref<4096xf32, #tpu.memory_space<vmem>>, vector<16xf32>,
      tpu.vector_store %arg11[%swap3A_992], %gather3A_926 {strides = array<i32>} : memref<4096xf32, #tpu.memory_space<vmem>>, vector<16xf32>,
      %mul3A_994 = arith.constant 16 : i32
      %mul3A_995 = arith.muli %scan3A_909, %mul3A_994 : i32
      %mul3A_996 = arith.constant 8 : i32
      %mul3A_997 = arith.muli %mul3A_995, %mul3A_996 : i32
      %add3A_998 = arith.constant 64 : i32
      %add3A_999 = arith.addi %mul3A_997, %add3A_998 : i32
      %swap3A_1000 = arith.index_cast %add3A_999 : i32 to index
      %swap3A_1001 = tpu.vector_load %arg11[%swap3A_1000] {strides = array<i32>} : memref<4096xf32, #tpu.memory_space<vmem>>, vector<16xf32>,
      tpu.vector_store %arg11[%swap3A_1000], %gather3A_927 {strides = array<i32>} : memref<4096xf32, #tpu.memory_space<vmem>>, vector<16xf32>,
      %mul3A_1002 = arith.constant 16 : i32
      %mul3A_1003 = arith.muli %scan3A_909, %mul3A_1002 : i32
      %mul3A_1004 = arith.constant 8 : i32
      %mul3A_1005 = arith.muli %mul3A_1003, %mul3A_1004 : i32
      %add3A_1006 = arith.constant 80 : i32
      %add3A_1007 = arith.addi %mul3A_1005, %add3A_1006 : i32
      %swap3A_1008 = arith.index_cast %add3A_1007 : i32 to index
      %swap3A_1009 = tpu.vector_load %arg11[%swap3A_1008] {strides = array<i32>} : memref<4096xf32, #tpu.memory_space<vmem>>, vector<16xf32>,
      tpu.vector_store %arg11[%swap3A_1008], %gather3A_928 {strides = array<i32>} : memref<4096xf32, #tpu.memory_space<vmem>>, vector<16xf32>,
      %mul3A_1010 = arith.constant 16 : i32
      %mul3A_1011 = arith.muli %scan3A_909, %mul3A_1010 : i32
      %mul3A_1012 = arith.constant 8 : i32
      %mul3A_1013 = arith.muli %mul3A_1011, %mul3A_1012 : i32
      %add3A_1014 = arith.constant 96 : i32
      %add3A_1015 = arith.addi %mul3A_1013, %add3A_1014 : i32
      %swap3A_1016 = arith.index_cast %add3A_1015 : i32 to index
      %swap3A_1017 = tpu.vector_load %arg11[%swap3A_1016] {strides = array<i32>} : memref<4096xf32, #tpu.memory_space<vmem>>, vector<16xf32>,
      tpu.vector_store %arg11[%swap3A_1016], %gather3A_929 {strides = array<i32>} : memref<4096xf32, #tpu.memory_space<vmem>>, vector<16xf32>,
      %mul3A_1018 = arith.constant 16 : i32
      %mul3A_1019 = arith.muli %scan3A_909, %mul3A_1018 : i32
      %mul3A_1020 = arith.constant 8 : i32
      %mul3A_1021 = arith.muli %mul3A_1019, %mul3A_1020 : i32
      %add3A_1022 = arith.constant 112 : i32
      %add3A_1023 = arith.addi %mul3A_1021, %add3A_1022 : i32
      %swap3A_1024 = arith.index_cast %add3A_1023 : i32 to index
      %swap3A_1025 = tpu.vector_load %arg11[%swap3A_1024] {strides = array<i32>} : memref<4096xf32, #tpu.memory_space<vmem>>, vector<16xf32>,
      tpu.vector_store %arg11[%swap3A_1024], %gather3A_930 {strides = array<i32>} : memref<4096xf32, #tpu.memory_space<vmem>>, vector<16xf32>,
      scf.yield %get3A_934, %get3A_938, %get3A_942, %get3A_946, %get3A_950, %get3A_954, %get3A_958, %get3A_962 : vector<16xi32>, vector<16xi32>, vector<16xi32>, vector<16xi32>, vector<16xi32>, vector<16xi32>, vector<16xi32>, vector<16xi32>
    }
    %scan3A_856 = arith.constant 32 : i32
    %dma_start3A_857 = arith.constant 8192 : i32
    %dma_start3A_858 = tpu.memref_slice %arg8[%add3A_748, %dma_start3A_857] : memref<64x16384xf32, #tpu.memory_space<hbm>> -> memref<1x4096xf32, #tpu.memory_space<hbm>>
    %dma_start3A_859 = tpu.memref_squeeze %dma_start3A_858 : memref<1x4096xf32, #tpu.memory_space<hbm>> -> memref<4096xf32, #tpu.memory_space<hbm>>
    %dma_start3A_860 = arith.constant 8192 : i32
    %dma_start3A_861 = tpu.memref_slice %arg8[%add3A_748, %dma_start3A_860] : memref<64x16384xf32, #tpu.memory_space<hbm>> -> memref<1x4096xf32, #tpu.memory_space<hbm>>
    %dma_start3A_862 = tpu.memref_squeeze %dma_start3A_861 : memref<1x4096xf32, #tpu.memory_space<hbm>> -> memref<4096xf32, #tpu.memory_space<hbm>>
    tpu.enqueue_dma source(%arg11 : memref<4096xf32, #tpu.memory_space<vmem>>) target(%dma_start3A_862 : memref<4096xf32, #tpu.memory_space<hbm>>) target_semaphore(%arg14 : memref<!tpu.dma_semaphore, #tpu.memory_space<semaphore_mem>>)
    %dma_wait3A_863 = arith.constant 4096 : i32
    %dma_wait3A_864 = tpu.memref_slice %arg8[%add3A_748, %dma_wait3A_863] : memref<64x16384xf32, #tpu.memory_space<hbm>> -> memref<1x4096xf32, #tpu.memory_space<hbm>>
    %dma_wait3A_865 = tpu.memref_squeeze %dma_wait3A_864 : memref<1x4096xf32, #tpu.memory_space<hbm>> -> memref<4096xf32, #tpu.memory_space<hbm>>
    %dma_wait3A_866 = arith.constant 4096 : i32
    %dma_wait3A_867 = tpu.memref_slice %arg8[%add3A_748, %dma_wait3A_866] : memref<64x16384xf32, #tpu.memory_space<hbm>> -> memref<1x4096xf32, #tpu.memory_space<hbm>>
    %dma_wait3A_868 = tpu.memref_squeeze %dma_wait3A_867 : memref<1x4096xf32, #tpu.memory_space<hbm>> -> memref<4096xf32, #tpu.memory_space<hbm>>
    tpu.wait_dma2 semaphore(%arg15 : memref<!tpu.dma_semaphore, #tpu.memory_space<semaphore_mem>>) src(%arg12 : memref<4096xf32, #tpu.memory_space<vmem>>) dst(%dma_wait3A_868 : memref<4096xf32, #tpu.memory_space<hbm>>)
    %get3A_869 = arith.constant 12288 : index
    %get3A_870 = tpu.vector_load %arg10[%get3A_869] {strides = array<i32>} : memref<16512xi32, #tpu.memory_space<vmem>>, vector<16xi32>,
    %get3A_871 = arith.constant 12304 : index
    %get3A_872 = tpu.vector_load %arg10[%get3A_871] {strides = array<i32>} : memref<16512xi32, #tpu.memory_space<vmem>>, vector<16xi32>,
    %get3A_873 = arith.constant 12320 : index
    %get3A_874 = tpu.vector_load %arg10[%get3A_873] {strides = array<i32>} : memref<16512xi32, #tpu.memory_space<vmem>>, vector<16xi32>,
    %get3A_875 = arith.constant 12336 : index
    %get3A_876 = tpu.vector_load %arg10[%get3A_875] {strides = array<i32>} : memref<16512xi32, #tpu.memory_space<vmem>>, vector<16xi32>,
    %get3A_877 = arith.constant 12352 : index
    %get3A_878 = tpu.vector_load %arg10[%get3A_877] {strides = array<i32>} : memref<16512xi32, #tpu.memory_space<vmem>>, vector<16xi32>,
    %get3A_879 = arith.constant 12368 : index
    %get3A_880 = tpu.vector_load %arg10[%get3A_879] {strides = array<i32>} : memref<16512xi32, #tpu.memory_space<vmem>>, vector<16xi32>,
    %get3A_881 = arith.constant 12384 : index
    %get3A_882 = tpu.vector_load %arg10[%get3A_881] {strides = array<i32>} : memref<16512xi32, #tpu.memory_space<vmem>>, vector<16xi32>,
    %get3A_883 = arith.constant 12400 : index
    %get3A_884 = tpu.vector_load %arg10[%get3A_883] {strides = array<i32>} : memref<16512xi32, #tpu.memory_space<vmem>>, vector<16xi32>,
    %scan3A_885 = arith.constant 0 : i32
    %scan3A_886 = arith.constant 32 : i32
    %scan3A_887 = arith.addi %scan3A_885, %scan3A_886 : i32
    %scan3A_888 = arith.constant 1 : i32
    %scan3A_889:8 = scf.for %scan3A_909 = %scan3A_885 to %scan3A_887 step %scan3A_888 iter_args(%scan3A_910 = %get3A_870, %scan3A_911 = %get3A_872, %scan3A_912 = %get3A_874, %scan3A_913 = %get3A_876, %scan3A_914 = %get3A_878, %scan3A_915 = %get3A_880, %scan3A_916 = %get3A_882, %scan3A_917 = %get3A_884) -> (vector<16xi32>, vector<16xi32>, vector<16xi32>, vector<16xi32>, vector<16xi32>, vector<16xi32>, vector<16xi32>, vector<16xi32>)  : i32 {
      %mul3A_918 = arith.constant 16 : i32
      %mul3A_919 = arith.muli %scan3A_909, %mul3A_918 : i32
      %mul3A_920 = arith.constant 8 : i32
      %mul3A_921 = arith.muli %mul3A_919, %mul3A_920 : i32
      %add3A_922 = arith.constant 12288 : i32
      %add3A_923 = arith.addi %add3A_922, %mul3A_921 : i32
      %gather3A = tpu.vector_load_idx %arg9[%scan3A_910] : memref<100000xf32, #tpu.memory_space<vmem>>[vector<16xi32>], vector<16xf32>,
      %gather3A_924 = tpu.vector_load_idx %arg9[%scan3A_911] : memref<100000xf32, #tpu.memory_space<vmem>>[vector<16xi32>], vector<16xf32>,
      %gather3A_925 = tpu.vector_load_idx %arg9[%scan3A_912] : memref<100000xf32, #tpu.memory_space<vmem>>[vector<16xi32>], vector<16xf32>,
      %gather3A_926 = tpu.vector_load_idx %arg9[%scan3A_913] : memref<100000xf32, #tpu.memory_space<vmem>>[vector<16xi32>], vector<16xf32>,
      %gather3A_927 = tpu.vector_load_idx %arg9[%scan3A_914] : memref<100000xf32, #tpu.memory_space<vmem>>[vector<16xi32>], vector<16xf32>,
      %gather3A_928 = tpu.vector_load_idx %arg9[%scan3A_915] : memref<100000xf32, #tpu.memory_space<vmem>>[vector<16xi32>], vector<16xf32>,
      %gather3A_929 = tpu.vector_load_idx %arg9[%scan3A_916] : memref<100000xf32, #tpu.memory_space<vmem>>[vector<16xi32>], vector<16xf32>,
      %gather3A_930 = tpu.vector_load_idx %arg9[%scan3A_917] : memref<100000xf32, #tpu.memory_space<vmem>>[vector<16xi32>], vector<16xf32>,
      %add3A_931 = arith.constant 128 : i32
      %add3A_932 = arith.addi %add3A_923, %add3A_931 : i32
      %get3A_933 = arith.index_cast %add3A_932 : i32 to index
      %get3A_934 = tpu.vector_load %arg10[%get3A_933] {strides = array<i32>} : memref<16512xi32, #tpu.memory_space<vmem>>, vector<16xi32>,
      %add3A_935 = arith.constant 144 : i32
      %add3A_936 = arith.addi %add3A_923, %add3A_935 : i32
      %get3A_937 = arith.index_cast %add3A_936 : i32 to index
      %get3A_938 = tpu.vector_load %arg10[%get3A_937] {strides = array<i32>} : memref<16512xi32, #tpu.memory_space<vmem>>, vector<16xi32>,
      %add3A_939 = arith.constant 160 : i32
      %add3A_940 = arith.addi %add3A_923, %add3A_939 : i32
      %get3A_941 = arith.index_cast %add3A_940 : i32 to index
      %get3A_942 = tpu.vector_load %arg10[%get3A_941] {strides = array<i32>} : memref<16512xi32, #tpu.memory_space<vmem>>, vector<16xi32>,
      %add3A_943 = arith.constant 176 : i32
      %add3A_944 = arith.addi %add3A_923, %add3A_943 : i32
      %get3A_945 = arith.index_cast %add3A_944 : i32 to index
      %get3A_946 = tpu.vector_load %arg10[%get3A_945] {strides = array<i32>} : memref<16512xi32, #tpu.memory_space<vmem>>, vector<16xi32>,
      %add3A_947 = arith.constant 192 : i32
      %add3A_948 = arith.addi %add3A_923, %add3A_947 : i32
      %get3A_949 = arith.index_cast %add3A_948 : i32 to index
      %get3A_950 = tpu.vector_load %arg10[%get3A_949] {strides = array<i32>} : memref<16512xi32, #tpu.memory_space<vmem>>, vector<16xi32>,
      %add3A_951 = arith.constant 208 : i32
      %add3A_952 = arith.addi %add3A_923, %add3A_951 : i32
      %get3A_953 = arith.index_cast %add3A_952 : i32 to index
      %get3A_954 = tpu.vector_load %arg10[%get3A_953] {strides = array<i32>} : memref<16512xi32, #tpu.memory_space<vmem>>, vector<16xi32>,
      %add3A_955 = arith.constant 224 : i32
      %add3A_956 = arith.addi %add3A_923, %add3A_955 : i32
      %get3A_957 = arith.index_cast %add3A_956 : i32 to index
      %get3A_958 = tpu.vector_load %arg10[%get3A_957] {strides = array<i32>} : memref<16512xi32, #tpu.memory_space<vmem>>, vector<16xi32>,
      %add3A_959 = arith.constant 240 : i32
      %add3A_960 = arith.addi %add3A_923, %add3A_959 : i32
      %get3A_961 = arith.index_cast %add3A_960 : i32 to index
      %get3A_962 = tpu.vector_load %arg10[%get3A_961] {strides = array<i32>} : memref<16512xi32, #tpu.memory_space<vmem>>, vector<16xi32>,
      %mul3A_963 = arith.constant 16 : i32
      %mul3A_964 = arith.muli %scan3A_909, %mul3A_963 : i32
      %mul3A_965 = arith.constant 8 : i32
      %mul3A_966 = arith.muli %mul3A_964, %mul3A_965 : i32
      %add3A_967 = arith.constant 0 : i32
      %add3A_968 = arith.addi %mul3A_966, %add3A_967 : i32
      %swap3A = arith.index_cast %add3A_968 : i32 to index
      %swap3A_969 = tpu.vector_load %arg12[%swap3A] {strides = array<i32>} : memref<4096xf32, #tpu.memory_space<vmem>>, vector<16xf32>,
      tpu.vector_store %arg12[%swap3A], %gather3A {strides = array<i32>} : memref<4096xf32, #tpu.memory_space<vmem>>, vector<16xf32>,
      %mul3A_970 = arith.constant 16 : i32
      %mul3A_971 = arith.muli %scan3A_909, %mul3A_970 : i32
      %mul3A_972 = arith.constant 8 : i32
      %mul3A_973 = arith.muli %mul3A_971, %mul3A_972 : i32
      %add3A_974 = arith.constant 16 : i32
      %add3A_975 = arith.addi %mul3A_973, %add3A_974 : i32
      %swap3A_976 = arith.index_cast %add3A_975 : i32 to index
      %swap3A_977 = tpu.vector_load %arg12[%swap3A_976] {strides = array<i32>} : memref<4096xf32, #tpu.memory_space<vmem>>, vector<16xf32>,
      tpu.vector_store %arg12[%swap3A_976], %gather3A_924 {strides = array<i32>} : memref<4096xf32, #tpu.memory_space<vmem>>, vector<16xf32>,
      %mul3A_978 = arith.constant 16 : i32
      %mul3A_979 = arith.muli %scan3A_909, %mul3A_978 : i32
      %mul3A_980 = arith.constant 8 : i32
      %mul3A_981 = arith.muli %mul3A_979, %mul3A_980 : i32
      %add3A_982 = arith.constant 32 : i32
      %add3A_983 = arith.addi %mul3A_981, %add3A_982 : i32
      %swap3A_984 = arith.index_cast %add3A_983 : i32 to index
      %swap3A_985 = tpu.vector_load %arg12[%swap3A_984] {strides = array<i32>} : memref<4096xf32, #tpu.memory_space<vmem>>, vector<16xf32>,
      tpu.vector_store %arg12[%swap3A_984], %gather3A_925 {strides = array<i32>} : memref<4096xf32, #tpu.memory_space<vmem>>, vector<16xf32>,
      %mul3A_986 = arith.constant 16 : i32
      %mul3A_987 = arith.muli %scan3A_909, %mul3A_986 : i32
      %mul3A_988 = arith.constant 8 : i32
      %mul3A_989 = arith.muli %mul3A_987, %mul3A_988 : i32
      %add3A_990 = arith.constant 48 : i32
      %add3A_991 = arith.addi %mul3A_989, %add3A_990 : i32
      %swap3A_992 = arith.index_cast %add3A_991 : i32 to index
      %swap3A_993 = tpu.vector_load %arg12[%swap3A_992] {strides = array<i32>} : memref<4096xf32, #tpu.memory_space<vmem>>, vector<16xf32>,
      tpu.vector_store %arg12[%swap3A_992], %gather3A_926 {strides = array<i32>} : memref<4096xf32, #tpu.memory_space<vmem>>, vector<16xf32>,
      %mul3A_994 = arith.constant 16 : i32
      %mul3A_995 = arith.muli %scan3A_909, %mul3A_994 : i32
      %mul3A_996 = arith.constant 8 : i32
      %mul3A_997 = arith.muli %mul3A_995, %mul3A_996 : i32
      %add3A_998 = arith.constant 64 : i32
      %add3A_999 = arith.addi %mul3A_997, %add3A_998 : i32
      %swap3A_1000 = arith.index_cast %add3A_999 : i32 to index
      %swap3A_1001 = tpu.vector_load %arg12[%swap3A_1000] {strides = array<i32>} : memref<4096xf32, #tpu.memory_space<vmem>>, vector<16xf32>,
      tpu.vector_store %arg12[%swap3A_1000], %gather3A_927 {strides = array<i32>} : memref<4096xf32, #tpu.memory_space<vmem>>, vector<16xf32>,
      %mul3A_1002 = arith.constant 16 : i32
      %mul3A_1003 = arith.muli %scan3A_909, %mul3A_1002 : i32
      %mul3A_1004 = arith.constant 8 : i32
      %mul3A_1005 = arith.muli %mul3A_1003, %mul3A_1004 : i32
      %add3A_1006 = arith.constant 80 : i32
      %add3A_1007 = arith.addi %mul3A_1005, %add3A_1006 : i32
      %swap3A_1008 = arith.index_cast %add3A_1007 : i32 to index
      %swap3A_1009 = tpu.vector_load %arg12[%swap3A_1008] {strides = array<i32>} : memref<4096xf32, #tpu.memory_space<vmem>>, vector<16xf32>,
      tpu.vector_store %arg12[%swap3A_1008], %gather3A_928 {strides = array<i32>} : memref<4096xf32, #tpu.memory_space<vmem>>, vector<16xf32>,
      %mul3A_1010 = arith.constant 16 : i32
      %mul3A_1011 = arith.muli %scan3A_909, %mul3A_1010 : i32
      %mul3A_1012 = arith.constant 8 : i32
      %mul3A_1013 = arith.muli %mul3A_1011, %mul3A_1012 : i32
      %add3A_1014 = arith.constant 96 : i32
      %add3A_1015 = arith.addi %mul3A_1013, %add3A_1014 : i32
      %swap3A_1016 = arith.index_cast %add3A_1015 : i32 to index
      %swap3A_1017 = tpu.vector_load %arg12[%swap3A_1016] {strides = array<i32>} : memref<4096xf32, #tpu.memory_space<vmem>>, vector<16xf32>,
      tpu.vector_store %arg12[%swap3A_1016], %gather3A_929 {strides = array<i32>} : memref<4096xf32, #tpu.memory_space<vmem>>, vector<16xf32>,
      %mul3A_1018 = arith.constant 16 : i32
      %mul3A_1019 = arith.muli %scan3A_909, %mul3A_1018 : i32
      %mul3A_1020 = arith.constant 8 : i32
      %mul3A_1021 = arith.muli %mul3A_1019, %mul3A_1020 : i32
      %add3A_1022 = arith.constant 112 : i32
      %add3A_1023 = arith.addi %mul3A_1021, %add3A_1022 : i32
      %swap3A_1024 = arith.index_cast %add3A_1023 : i32 to index
      %swap3A_1025 = tpu.vector_load %arg12[%swap3A_1024] {strides = array<i32>} : memref<4096xf32, #tpu.memory_space<vmem>>, vector<16xf32>,
      tpu.vector_store %arg12[%swap3A_1024], %gather3A_930 {strides = array<i32>} : memref<4096xf32, #tpu.memory_space<vmem>>, vector<16xf32>,
      scf.yield %get3A_934, %get3A_938, %get3A_942, %get3A_946, %get3A_950, %get3A_954, %get3A_958, %get3A_962 : vector<16xi32>, vector<16xi32>, vector<16xi32>, vector<16xi32>, vector<16xi32>, vector<16xi32>, vector<16xi32>, vector<16xi32>
    }
    %scan3A_890 = arith.constant 32 : i32
    %dma_start3A_891 = arith.constant 12288 : i32
    %dma_start3A_892 = tpu.memref_slice %arg8[%add3A_748, %dma_start3A_891] : memref<64x16384xf32, #tpu.memory_space<hbm>> -> memref<1x4096xf32, #tpu.memory_space<hbm>>
    %dma_start3A_893 = tpu.memref_squeeze %dma_start3A_892 : memref<1x4096xf32, #tpu.memory_space<hbm>> -> memref<4096xf32, #tpu.memory_space<hbm>>
    %dma_start3A_894 = arith.constant 12288 : i32
    %dma_start3A_895 = tpu.memref_slice %arg8[%add3A_748, %dma_start3A_894] : memref<64x16384xf32, #tpu.memory_space<hbm>> -> memref<1x4096xf32, #tpu.memory_space<hbm>>
    %dma_start3A_896 = tpu.memref_squeeze %dma_start3A_895 : memref<1x4096xf32, #tpu.memory_space<hbm>> -> memref<4096xf32, #tpu.memory_space<hbm>>
    tpu.enqueue_dma source(%arg12 : memref<4096xf32, #tpu.memory_space<vmem>>) target(%dma_start3A_896 : memref<4096xf32, #tpu.memory_space<hbm>>) target_semaphore(%arg15 : memref<!tpu.dma_semaphore, #tpu.memory_space<semaphore_mem>>)
    %dma_wait3A_897 = arith.constant 8192 : i32
    %dma_wait3A_898 = tpu.memref_slice %arg8[%add3A_748, %dma_wait3A_897] : memref<64x16384xf32, #tpu.memory_space<hbm>> -> memref<1x4096xf32, #tpu.memory_space<hbm>>
    %dma_wait3A_899 = tpu.memref_squeeze %dma_wait3A_898 : memref<1x4096xf32, #tpu.memory_space<hbm>> -> memref<4096xf32, #tpu.memory_space<hbm>>
    %dma_wait3A_900 = arith.constant 8192 : i32
    %dma_wait3A_901 = tpu.memref_slice %arg8[%add3A_748, %dma_wait3A_900] : memref<64x16384xf32, #tpu.memory_space<hbm>> -> memref<1x4096xf32, #tpu.memory_space<hbm>>
    %dma_wait3A_902 = tpu.memref_squeeze %dma_wait3A_901 : memref<1x4096xf32, #tpu.memory_space<hbm>> -> memref<4096xf32, #tpu.memory_space<hbm>>
    tpu.wait_dma2 semaphore(%arg14 : memref<!tpu.dma_semaphore, #tpu.memory_space<semaphore_mem>>) src(%arg11 : memref<4096xf32, #tpu.memory_space<vmem>>) dst(%dma_wait3A_902 : memref<4096xf32, #tpu.memory_space<hbm>>)
    %dma_wait3A_903 = arith.constant 12288 : i32
    %dma_wait3A_904 = tpu.memref_slice %arg8[%add3A_748, %dma_wait3A_903] : memref<64x16384xf32, #tpu.memory_space<hbm>> -> memref<1x4096xf32, #tpu.memory_space<hbm>>
    %dma_wait3A_905 = tpu.memref_squeeze %dma_wait3A_904 : memref<1x4096xf32, #tpu.memory_space<hbm>> -> memref<4096xf32, #tpu.memory_space<hbm>>
    %dma_wait3A_906 = arith.constant 12288 : i32
    %dma_wait3A_907 = tpu.memref_slice %arg8[%add3A_748, %dma_wait3A_906] : memref<64x16384xf32, #tpu.memory_space<hbm>> -> memref<1x4096xf32, #tpu.memory_space<hbm>>
    %dma_wait3A_908 = tpu.memref_squeeze %dma_wait3A_907 : memref<1x4096xf32, #tpu.memory_space<hbm>> -> memref<4096xf32, #tpu.memory_space<hbm>>
    tpu.wait_dma2 semaphore(%arg15 : memref<!tpu.dma_semaphore, #tpu.memory_space<semaphore_mem>>) src(%arg12 : memref<4096xf32, #tpu.memory_space<vmem>>) dst(%dma_wait3A_908 : memref<4096xf32, #tpu.memory_space<hbm>>)
    return
  }
}

module attributes {stable_mosaic.version = 14 : i64} {
  func.func @_postproc_body(%arg0: i32, %arg1: memref<1x2048xi32, #tpu.memory_space<vmem>>, %arg2: memref<64x2048xf32, #tpu.memory_space<vmem>>, %arg3: memref<64x2048xf32, #tpu.memory_space<vmem>>, %arg4: memref<64x2048xf32, #tpu.memory_space<vmem>>, %arg5: memref<64x2048xf32, #tpu.memory_space<vmem>>, %arg6: memref<64x2048xf32, #tpu.memory_space<vmem>>, %arg7: memref<64x2048xf32, #tpu.memory_space<vmem>>) attributes {dimension_semantics = [#tpu.dimension_semantics<arbitrary>], iteration_bounds = array<i64: 8>, scalar_prefetch = 0 : i64, scratch_operands = 0 : i64, tpu.core_type = #tpu.core_type<tc>, window_params = [{transform_indices = @transform_0, window_bounds = array<i64: 1, 2048>}, {transform_indices = @transform_1, window_bounds = array<i64: 64, 2048>}, {transform_indices = @transform_2, window_bounds = array<i64: 64, 2048>}, {transform_indices = @transform_3, window_bounds = array<i64: 64, 2048>}, {transform_indices = @transform_4, window_bounds = array<i64: 64, 2048>}, {transform_indices = @transform_5, window_bounds = array<i64: 64, 2048>}, {transform_indices = @transform_6, window_bounds = array<i64: 64, 2048>}]} {
    %get3A = arith.constant 0 : index
    %get3A_0 = arith.constant 0 : index
    %get3A_1 = vector.load %arg2[%get3A, %get3A_0] : memref<64x2048xf32, #tpu.memory_space<vmem>>, vector<64x2048xf32>
    %exp3A = math.exp %get3A_1 : vector<64x2048xf32>
    %reduce_sum3A = arith.constant dense<0.000000e+00> : vector<2048xf32>
    %reduce_sum3A_2 = vector.multi_reduction <add>, %exp3A, %reduce_sum3A [0] : vector<64x2048xf32> to vector<2048xf32>
    %broadcast_in_dim3A = vector.shape_cast %reduce_sum3A_2 : vector<2048xf32> to vector<1x2048xf32>
    %get3A_3 = arith.constant 0 : index
    %get3A_4 = arith.constant 0 : index
    %get3A_5 = vector.load %arg1[%get3A_3, %get3A_4] : memref<1x2048xi32, #tpu.memory_space<vmem>>, vector<1x2048xi32>
    %ne3A = arith.constant 0 : i32
    %ne3A_6 = vector.broadcast %ne3A : i32 to vector<1x2048xi32>
    %ne3A_7 = arith.cmpi ne, %get3A_5, %ne3A_6 : vector<1x2048xi32>
    %convert_element_type3A = arith.extui %ne3A_7 : vector<1x2048xi1> to vector<1x2048xi32>
    %convert_element_type3A_8 = arith.sitofp %convert_element_type3A : vector<1x2048xi32> to vector<1x2048xf32>
    %div3A = arith.divf %convert_element_type3A_8, %broadcast_in_dim3A : vector<1x2048xf32>
    %mul3A = vector.broadcast %div3A : vector<1x2048xf32> to vector<64x2048xf32>
    %mul3A_9 = arith.mulf %exp3A, %mul3A : vector<64x2048xf32>
    %swap3A = arith.constant 0 : index
    %swap3A_10 = arith.constant 0 : index
    %swap3A_11 = vector.load %arg5[%swap3A, %swap3A_10] : memref<64x2048xf32, #tpu.memory_space<vmem>>, vector<64x2048xf32>
    tpu.vector_store %arg5[%swap3A, %swap3A_10], %mul3A_9 {strides = array<i32>} : memref<64x2048xf32, #tpu.memory_space<vmem>>, vector<64x2048xf32>,
    %get3A_12 = arith.constant 0 : index
    %get3A_13 = arith.constant 0 : index
    %get3A_14 = vector.load %arg3[%get3A_12, %get3A_13] : memref<64x2048xf32, #tpu.memory_space<vmem>>, vector<64x2048xf32>
    %mul3A_15 = vector.broadcast %convert_element_type3A_8 : vector<1x2048xf32> to vector<64x2048xf32>
    %mul3A_16 = arith.mulf %get3A_14, %mul3A_15 : vector<64x2048xf32>
    %swap3A_17 = arith.constant 0 : index
    %swap3A_18 = arith.constant 0 : index
    %swap3A_19 = vector.load %arg6[%swap3A_17, %swap3A_18] : memref<64x2048xf32, #tpu.memory_space<vmem>>, vector<64x2048xf32>
    tpu.vector_store %arg6[%swap3A_17, %swap3A_18], %mul3A_16 {strides = array<i32>} : memref<64x2048xf32, #tpu.memory_space<vmem>>, vector<64x2048xf32>,
    %get3A_20 = arith.constant 0 : index
    %get3A_21 = arith.constant 0 : index
    %get3A_22 = vector.load %arg4[%get3A_20, %get3A_21] : memref<64x2048xf32, #tpu.memory_space<vmem>>, vector<64x2048xf32>
    %mul3A_23 = vector.broadcast %convert_element_type3A_8 : vector<1x2048xf32> to vector<64x2048xf32>
    %mul3A_24 = arith.mulf %get3A_22, %mul3A_23 : vector<64x2048xf32>
    %swap3A_25 = arith.constant 0 : index
    %swap3A_26 = arith.constant 0 : index
    %swap3A_27 = vector.load %arg7[%swap3A_25, %swap3A_26] : memref<64x2048xf32, #tpu.memory_space<vmem>>, vector<64x2048xf32>
    tpu.vector_store %arg7[%swap3A_25, %swap3A_26], %mul3A_24 {strides = array<i32>} : memref<64x2048xf32, #tpu.memory_space<vmem>>, vector<64x2048xf32>,
    return
  }
  func.func @transform_0(%arg0: i32) -> (i32, i32) {
    %c0_i32 = arith.constant 0 : i32
    %c0_i32_0 = arith.constant 0 : i32
    return %c0_i32, %arg0 : i32, i32
  }
  func.func @transform_1(%arg0: i32) -> (i32, i32) {
    %c0_i32 = arith.constant 0 : i32
    %c0_i32_0 = arith.constant 0 : i32
    return %c0_i32, %arg0 : i32, i32
  }
  func.func @transform_2(%arg0: i32) -> (i32, i32) {
    %c0_i32 = arith.constant 0 : i32
    %c0_i32_0 = arith.constant 0 : i32
    return %c0_i32, %arg0 : i32, i32
  }
  func.func @transform_3(%arg0: i32) -> (i32, i32) {
    %c0_i32 = arith.constant 0 : i32
    %c0_i32_0 = arith.constant 0 : i32
    return %c0_i32, %arg0 : i32, i32
  }
  func.func @transform_4(%arg0: i32) -> (i32, i32) {
    %c0_i32 = arith.constant 0 : i32
    %c0_i32_0 = arith.constant 0 : i32
    return %c0_i32, %arg0 : i32, i32
  }
  func.func @transform_5(%arg0: i32) -> (i32, i32) {
    %c0_i32 = arith.constant 0 : i32
    %c0_i32_0 = arith.constant 0 : i32
    return %c0_i32, %arg0 : i32, i32
  }
  func.func @transform_6(%arg0: i32) -> (i32, i32) {
    %c0_i32 = arith.constant 0 : i32
    %c0_i32_0 = arith.constant 0 : i32
    return %c0_i32, %arg0 : i32, i32
  }
}

</mosaic_0001>

<sc_bundles>
// kernel: kernel.4.cloned.1.call-start
scs
__scs_entry_jumppad:
0x0: {  	(pc) =	sbr.rel $0x88, $3  }
0x1: {  	(tag) =	ssettag $0x0;
	lr =	simm.s32 $0x1  }
0x2: {  	[smem:$0x3F9D] =	sst lr;
	_ =	strace $0xD0000000  }
0x3: {  	_ = 	snop  }
0x4: {  	_ = 	snop  }
0x5: {  	_ = 	snop  }
0x6: {  	_ = 	snop  }
0x7: {  	_ = 	snop  }
__scs_overlays_trampoline_lowered:
0x8: {  	[smem:$0x3FAC] =	sst s0  }
0x9: {  	[smem:$0x3FAD] =	sst s1  }
0xa: {  	[smem:$0x3FAE] =	sst s2  }
0xb: {  	[smem:$0x3FAF] =	sst s3  }
0xc: {  	[smem:$0x3FB0] =	sst s4  }
0xd: {  	[smem:$0x3FB1] =	sst s5  }
0xe: {  	[smem:$0x3FB2] =	sst s6  }
0xf: {  	[smem:$0x3FB3] =	sst s7  }
0x10: {  	[smem:$0x3FB4] =	sst s8  }
0x11: {  	[smem:$0x3FB5] =	sst s9;
	s0 =	simm.s32 @!p0 $0x0  }
0x12: {  	s1 =	sld [smem:$0x3F9B];
	s0 =	simm.s32 @p0 $0x1  }
0x13: {  	[smem:$0x3FB6] =	sst s0;
	s0 =	simm.s32 @!p1 $0x0  }
0x14: {  	s2 =	sld [smem:$0x3F9A];
	s0 =	simm.s32 @p1 $0x1  }
0x15: {  	[smem:$0x3FB7] =	sst s0;
	s0 =	simm.s32 @!p2 $0x0  }
0x16: {  	s3 =	sld [smem:$0x3FDB];
	s0 =	simm.s32 @p2 $0x1  }
0x17: {  	s4 =	simm.s32 $0x1BF5;
	[smem:$0x3FB9] =	sst s0  }
0x18: {  	s0 =	sld [smem:$0x3F9C];
	_ =	swait.ge [sflag:s4], $0x0  }
0x19: {  	s7 =	sld [smem:$0x3F9D]  }
0x1a: {  	s8 =	sadd.s32 $0xFFFFE003, lr  }
0x1b: {  	s9 =	sadd.s32 $0xFFFFFEF7, lr;
	s5 =	simm.s32 $0xFFFFFFFF;
	p2 =	slt.u32 s8, $0xFFFFF086  }
0x1c: {  	p1 =	slt.u32 s9, $0xF7A;
	s5 =	simm.s32 @!p2 $0x0  }
0x1d: {  	s5 =	simm.s32 @p1 $0x1;
	p0 =	seq.s32 s7, s2  }
0x1e: {  	s7 =	smul.u32 @!p0 $0xF7A, s2;
	p2 =	seq.s32 @!p0 s5, $0x0  }
0x1f: {  	s9 =	smul.u32 $0xF7A, s1;
	s8 =	simm.s32 @!p0 $0x1BF5;
	p2 =	por !p2, p0  }
0x20: {  	[sflag:s8] =	ssyncset.s32 @!p0 $0xFFFFF086;
	s6 =	sadd.s32 @!p0 s3, s7;
	s7 =	simm.s32 @!p0 $0x108  }
0x21: {  	s3 =	sadd.s32 s3, s9;
	s6 =	sadd.s32 @!p0 $0x88, s6;
	s7 =	simm.s32 @p2 $0x1082  }
0x22: {  	[simem:s7], [sflag:s8] =	dma.local @!p0 [hbm:s6], $0xF7A  }
0x23: {  	s9 =	sor.u32 $0xD0000000, s2;
	s6 =	simm.s32 $0x108;
	_ =	swait.ge @!p0 [sflag:s8], $0x0  }
0x24: {  	s3 =	sadd.s32 $0x88, s3;
	s6 =	simm.s32 @!p1 $0x1082;
	[sflag:s4] =	ssyncset.s32 $0xFFFFF086  }
0x25: {  	[simem:s6], [sflag:s4] =	dma.local [hbm:s3], $0xF7A  }
0x26: {  	[smem:$0x3F9D] =	sst s1;
	(tag) =	ssettag s2;
	_ =	strace s9  }
0x27: {  	s1 =	sld [smem:$0x3FAD]  }
0x28: {  	s2 =	sld [smem:$0x3FAE]  }
0x29: {  	s4 =	sld [smem:$0x3FB0]  }
0x2a: {  	p0 =	seq.s32 s5, $0x0;
	s5 =	sld [smem:$0x3FB1]  }
0x2b: {  	s6 =	sld [smem:$0x3FB2]  }
0x2c: {  	s7 =	sld [smem:$0x3FB3]  }
0x2d: {  	s3 =	simm.s32 $0x108;
	s8 =	sld [smem:$0x3FB4]  }
0x2e: {  	s3 =	simm.s32 @!p0 $0x1082;
	s9 =	sld [smem:$0x3FB5]  }
0x2f: {  	lr =	sadd.s32 s0, s3;
	s0 =	sld [smem:$0x3FAC]  }
0x30: {  	s3 =	sld [smem:$0x3FAF]  }
0x31: {  	[smem:$0x3FB8] =	sst s10  }
0x32: {  	s10 =	sld [smem:$0x3FB6];
	_ =	sdelay $0x3  }
0x33: {  	p0 =	seq.s32 s10, $0x1;
	s10 =	sld [smem:$0x3FB8];
	_ =	sdelay $0x3  }
0x34: {  	[smem:$0x3FB8] =	sst s10  }
0x35: {  	s10 =	sld [smem:$0x3FB7];
	_ =	sdelay $0x3  }
0x36: {  	p1 =	seq.s32 s10, $0x1;
	s10 =	sld [smem:$0x3FB8];
	_ =	sdelay $0x3  }
0x37: {  	[smem:$0x3FB8] =	sst s10  }
0x38: {  	s10 =	sld [smem:$0x3FB9]  }
0x39: {  	_ = 	snop;
	(pc) =	sbr.ind lr, $3  }
0x3a: {  	_ = 	snop  }
0x3b: {  	_ = 	snop  }
0x3c: {  	p2 =	seq.s32 s10, $0x1;
	s10 =	sld [smem:$0x3FB8]  }
0x3d: {  	_ =	shalt  }
0x3e: {  	_ =	shalt  }
0x3f: {  	_ =	shalt  }
0x40: {  	_ =	shalt  }
0x41: {  	_ =	shalt  }
0x42: {  	_ =	shalt  }
0x43: {  	_ =	shalt  }
0x44: {  	_ =	shalt  }
0x45: {  	_ =	shalt  }
0x46: {  	_ =	shalt  }
0x47: {  	_ =	shalt  }
0x48: {  	_ =	shalt  }
0x49: {  	_ =	shalt  }
0x4a: {  	_ =	shalt  }
0x4b: {  	_ =	shalt  }
0x4c: {  	_ =	shalt  }
0x4d: {  	_ =	shalt  }
0x4e: {  	_ =	shalt  }
0x4f: {  	_ =	shalt  }
0x50: {  	_ =	shalt  }
0x51: {  	_ =	shalt  }
0x52: {  	_ =	shalt  }
0x53: {  	_ =	shalt  }
0x54: {  	_ =	shalt  }
0x55: {  	_ =	shalt  }
0x56: {  	_ =	shalt  }
0x57: {  	_ =	shalt  }
0x58: {  	_ =	shalt  }
0x59: {  	_ =	shalt  }
0x5a: {  	_ =	shalt  }
0x5b: {  	_ =	shalt  }
0x5c: {  	_ =	shalt  }
0x5d: {  	_ =	shalt  }
0x5e: {  	_ =	shalt  }
0x5f: {  	_ =	shalt  }
0x60: {  	_ =	shalt  }
0x61: {  	_ =	shalt  }
0x62: {  	_ =	shalt  }
0x63: {  	_ =	shalt  }
0x64: {  	_ =	shalt  }
0x65: {  	_ =	shalt  }
0x66: {  	_ =	shalt  }
0x67: {  	_ =	shalt  }
0x68: {  	_ =	shalt  }
0x69: {  	_ =	shalt  }
0x6a: {  	_ =	shalt  }
0x6b: {  	_ =	shalt  }
0x6c: {  	_ =	shalt  }
0x6d: {  	_ =	shalt  }
0x6e: {  	_ =	shalt  }
0x6f: {  	_ =	shalt  }
0x70: {  	_ =	shalt  }
0x71: {  	_ =	shalt  }
0x72: {  	_ =	shalt  }
0x73: {  	_ =	shalt  }
0x74: {  	_ =	shalt  }
0x75: {  	_ =	shalt  }
0x76: {  	_ =	shalt  }
0x77: {  	_ =	shalt  }
0x78: {  	_ =	shalt  }
0x79: {  	_ =	shalt  }
0x7a: {  	_ =	shalt  }
0x7b: {  	_ =	shalt  }
0x7c: {  	_ =	shalt  }
0x7d: {  	_ =	shalt  }
0x7e: {  	_ =	shalt  }
0x7f: {  	_ =	shalt  }
0x80: {  	_ =	shalt  }
0x81: {  	_ =	shalt  }
0x82: {  	_ =	shalt  }
0x83: {  	_ =	shalt  }
0x84: {  	_ =	shalt  }
0x85: {  	_ =	shalt  }
0x86: {  	_ =	shalt  }
0x87: {  	_ =	shalt  }
.Lfunc_end0:
.L_simem_size_0:
called_computation_lowered:
.L_overlay_start_0:
0x88: {  	s2 =	sld [smem:$0x3FD9]  }
0x89: {  	s3 =	sld [smem:$0x3FFE];
	_ =	sdelay $0x1  }
0x8a: {  	s1 =	srdreg.scid  }
0x8b: {  	s0 =	sand.u32 $0x1, s1  }
0x8c: {  	s15 =	sshll.u32 s0, $0xA;
	s2 =	sadd.s32 s3, s2  }
0x8d: {  	s2 =	sadd.s32 s2, s15  }
0x8e: {  	[smem:$0x3FC4] =	sst s2  }
0x8f: {  	_ = 	snop  }
0x90: {  	s2 =	sld [smem:$0x3FC9]  }
0x91: {  	s16 =	sld [smem:$0x3FD0]  }
0x92: {  	s4 =	sld [smem:$0x3FC8]  }
0x93: {  	s5 =	sld [smem:$0x3FC7]  }
0x94: {  	s7 =	simm.s32 $0xA;
	s8 =	simm.s32 $0x10;
	s6 =	sld [smem:$0x3FC6]  }
0x95: {  	[smem:s8], [sflag:s7] =	dma.local [hbm:s16], $0x1  }
0x96: {  	_ =	swait.eq [sflag:s7], $0x1  }
0x97: {  	s17 =	sld [smem:$0x10];
	[sflag:s7] =	ssyncset.done $0x0  }
0x98: {  	s18 =	sld [smem:$0x11];
	[sflag:s7] =	ssyncadd.s32 $0xFFFFFFFF  }
0x99: {  	s19 =	sld [smem:$0x12];
	(tm) =	ssettm $0x1  }
0x9a: {  	s9 =	sld [smem:$0x3FFB];
	_ =	sdelay $0x3  }
0x9b: {  	_ =	strace s9  }
0x9c: {  	s9 =	sld [smem:$0x3FFC];
	_ =	sdelay $0x3  }
0x9d: {  	_ =	strace s9  }
0x9e: {  	s9 =	sld [smem:$0x3FFD];
	_ =	sdelay $0x3  }
0x9f: {  	_ =	strace s9  }
0xa0: {  	_ =	strace $0x8FFFFFFF  }
0xa1: {  	s20 =	sld [smem:$0x3FDB];
	_ =	sdelay $0x1  }
0xa2: {  	s10 =	simm.s32 $_scs_section_size  }
0xa3: {  	s11 =	simm.s32 $_size__tile_overlayer_lowered;
	s12 =	simm.s32 $_tile_overlayer_lowered  }
0xa4: {  	s23 =	simm.s32 $0x1BFF;
	s22 =	sshll.u32 s12, $0x1;
	s9 =	sadd.s32 s10, s20  }
0xa5: {  	s13 =	simm.s32 $0x0;
	s21 =	sshll.u32 s11, $0x1;
	s11 =	sadd.s32 s22, s9  }
0xa6: {  	[timem:s13], [sflag:s23] =	dma.local [hbm:s11], s21  }
0xa7: {  	_ =	swait.ge [sflag:s23], s21  }
0xa8: {  	s10 =	ssub.s32 $0x0, s21;
	[sflag:s23] =	ssyncset.done $0x0  }
0xa9: {  	[sflag:s23] =	ssyncadd.s32 s10;
	_ =	sdelay $0x1  }
0xaa: {  	s24 =	simm.s32 $0x1B8B  }
0xab: {  	_ =	swait.ge [sflag:s24], $0x1  }
0xac: {  	[sflag:s24] =	ssyncset.done $0x0  }
0xad: {  	s25 =	simm.s32 $0x1B8E;
	[sflag:s24] =	ssyncadd.s32 $0xFFFFFFFF  }
0xae: {  	s26 =	simm.s32 $execute0_lowered;
	[smem:$0x3FD2] =	sst s25  }
0xaf: {  	s10 =	sshll.u32 s26, $0x1;
	_ =	strace $0x80000046;
	[dreg:$0x1] =	wrdreg $0xFFFFFFFF  }
0xb0: {  	s28 =	simm.s32 $_size_execute0_lowered;
	s9 =	sadd.s32 s9, s10;
	[dreg:$0x0] =	wrdreg $0x0  }
0xb1: {  	s10 =	sshll.u32 s28, $0x1;
	[dreg:$0x2] =	wrdreg s9  }
0xb2: {  	[dreg:$0x3] =	wrdreg s10  }
0xb3: {  	[dreg:$0x4] =	wrdreg $0xC0  }
0xb4: {  	_ =	task [dreg:s13], $0x5FFFF  }
0xb5: {  	[dreg:$0x1] =	wrdreg $0xFFFFFFFF  }
0xb6: {  	[dreg:$0x0] =	wrdreg $0x60  }
0xb7: {  	[dreg:$0x2] =	wrdreg s2  }
0xb8: {  	[dreg:$0x3] =	wrdreg s4  }
0xb9: {  	[dreg:$0x4] =	wrdreg s5  }
0xba: {  	[dreg:$0x5] =	wrdreg s6  }
0xbb: {  	[dreg:$0x6] =	wrdreg s19  }
0xbc: {  	[dreg:$0x7] =	wrdreg s18  }
0xbd: {  	[dreg:$0x8] =	wrdreg s17  }
0xbe: {  	[dreg:$0x9] =	wrdreg $0x9  }
0xbf: {  	_ =	task.clear_ibuf [dreg:s13], $0xAFFFF;
	_ =	strace $0x90000046  }
0xc0: {  	s29 =	simm.s32 $0x9;
	_ =	strace $0x80000048  }
0xc1: {  	_ =	swait.ge [sflag:s29], $0x1  }
0xc2: {  	[sflag:s29] =	ssyncadd.s32 $0xFFFFFFFF  }
0xc3: {  	_ =	strace $0x90000048  }
0xc4: {  	_ =	sfence  }
0xc5: {  	s30 =	sld [smem:$0x0];
	_ =	sdelay $0x2  }
0xc6: {  	s31 =	sshll.u32 s1, $0xD;
	s1 =	sshrl.u32 s1, $0x2  }
0xc7: {  	s3 =	sand.u32 $0x4000, s31;
	s1 =	sadd.s32 s1, s30  }
0xc8: {  	s0 =	sor.u32 s3, s0;
	s1 =	sshll.u32 s1, $0x11  }
0xc9: {  	s0 =	sor.u32 s1, s0  }
0xca: {  	s0 =	sadd.s32 $0x8F2B, s0  }
0xcb: {  	[sflag:s0] =	ssyncadd.remote.s32 $0x1  }
0xcc: {  	_ =	sfence.sel $0xFFFF  }
0xcd: {  	[dreg:$0x0] =	wrdreg $0xFFFFFFFF;
	(pc) =	sbr.abs _section_cstart, $3  }
0xce: {  	[dreg:$0x1] =	wrdreg $0xFFFFFFFF  }
0xcf: {  	_ =	task.clear_ibuf [dreg:s13], $0x2FFFF;
	_ =	strace $0x9FFFFFFF  }
0xd0: {  	(tm) =	ssettm $0x7FFFFFFF  }
0xd1: {  	_ =	shalt  }
tec
execute0_lowered:
.L_overlay_start_1:
0x0: {  	(tag) =	ssettag $0x1  }
0x1: {  	s0 =	rddreg [dreg:$0x1]  }
0x2: {  	s2 =	rddreg [dreg:$0x2]  }
0x3: {  	s3 =	rddreg [dreg:$0x3]  }
0x4: {  	s4 =	rddreg [dreg:$0x4]  }
0x5: {  	s5 =	rddreg [dreg:$0x5]  }
0x6: {  	s6 =	rddreg [dreg:$0x6]  }
0x7: {  	s1 =	simm.s32 $0x0;
	s7 =	srdreg.scid;
	s9 =	stileid.u32  }
0x8: {  	s7 =	sand.u32 $0x1, s7;
	s8 =	sshll.u32 s9, $0x9;
	s9 =	sshrl.u32 s9, $0x1  }
0x9: {  	s10 =	sshll.u32 s7, $0x8;
	s8 =	sand.u32 $0x200, s8;
	s11 =	smul.u32 $0xC3800, s9  }
0xa: {  	[smem:$0x7FF] =	sst s1;
	s7 =	ssub.s32 $0x2, s7;
	s8 =	sor.u32 s10, s8  }
0xb: {  	s9 =	sshll.u32 s9, $0x11;
	s12 =	sshrl.u32 s7, $0x1;
	s10 =	sor.u32 s11, s8  }
0xc: {  	s13 =	sor.u32 s9, s8;
	s7 =	ssub.s32 s7, s12;
	s8 =	sor.u32 $0x80, s8  }
0xd: {  	s10 =	sshrl.u32 s10, $0x3;
	s26 =	sshrl.u32 s13, $0x3;
	s11 =	sor.u32 s11, s8  }
0xe: {  	s8 =	sor.u32 s9, s8;
	s9 =	simm.s32 $0x2;
	s25 =	sadd.s32 s0, s10  }
0xf: {  	s13 =	sadd.s32 s4, s26;
	s17 =	sor.u32 $0x1000, s26;
	[dreg:$0x8] =	wrdreg s25  }
0x10: {  	s15 =	sor.u32 $0x2000, s26;
	s20 =	sadd.s32 s2, s10;
	[dreg:$0x9] =	wrdreg s13  }
0x11: {  	s16 =	sor.u32 $0x3000, s26;
	s21 =	sadd.s32 s5, s26;
	[dreg:$0xd] =	wrdreg s20  }
0x12: {  	s26 =	sadd.s32 s6, s26;
	s11 =	sshrl.u32 s11, $0x3;
	[dreg:$0xe] =	wrdreg s21  }
0x13: {  	s12 =	sshrl.u32 s8, $0x3;
	s14 =	sadd.s32 s4, s17;
	[dreg:$0x13] =	wrdreg s26  }
0x14: {  	s18 =	sadd.s32 s4, s15;
	s19 =	sadd.s32 s4, s16;
	[dreg:$0xa] =	wrdreg s14  }
0x15: {  	s22 =	sadd.s32 s5, s17;
	s23 =	sadd.s32 s5, s15;
	[dreg:$0xb] =	wrdreg s18  }
0x16: {  	s24 =	sadd.s32 s5, s16;
	s25 =	sadd.s32 s3, s10;
	[dreg:$0xc] =	wrdreg s19  }
0x17: {  	s10 =	sadd.s32 s6, s17;
	s15 =	sadd.s32 s6, s15;
	[dreg:$0xf] =	wrdreg s22  }
0x18: {  	s16 =	sadd.s32 s6, s16;
	s17 =	sadd.s32 s0, s11;
	[dreg:$0x10] =	wrdreg s23  }
0x19: {  	s20 =	sadd.s32 s4, s12;
	s13 =	sor.u32 $0x1000, s12;
	[dreg:$0x11] =	wrdreg s24  }
0x1a: {  	s8 =	sor.u32 $0x3000, s12;
	s30 =	sadd.s32 s6, s12;
	[dreg:$0x12] =	wrdreg s25  }
0x1b: {  	[dreg:$0x14] =	wrdreg s10;
	s18 =	sadd.s32 s2, s11;
	s19 =	sadd.s32 s3, s11  }
0x1c: {  	s21 =	sadd.s32 s4, s13;
	s14 =	sor.u32 $0x2000, s12;
	s23 =	sadd.s32 s4, s8  }
0x1d: {  	s24 =	sadd.s32 s5, s12;
	s25 =	sadd.s32 s5, s13;
	s29 =	sadd.s32 s5, s8  }
0x1e: {  	s31 =	sadd.s32 s6, s13;
	s28 =	sadd.s32 s6, s8;
	s2 =	smax.u32 s7, $0x1  }
0x1f: {  	s3 =	simm.s32 $0x4;
	s7 =	simm.s32 $0x1C780;
	s8 =	simm.s32 $0x1D780  }
0x20: {  	s10 =	simm.s32 $0x3;
	s11 =	simm.s32 $0x0;
	s22 =	sadd.s32 s4, s14  }
0x21: {  	s26 =	sadd.s32 s5, s14;
	s0 =	sadd.s32 s6, s14;
	_ =	strace $0x80000047  }
0x22: {  	s4 =	simm.s32 $0x80;
	s5 =	simm.s32 $0x400;
	s6 =	simm.s32 $0x1  }
.LBB2_1:
0x23: {  	s12 =	rddreg [dreg:$0x0];
	s13 =	simm.s32 $0x18700  }
0x24: {  	[tilespmem:s13], [sflag:$0x4] =	stream.linear.gather [hbm4b:s12+s1], $0x4000, $0x38;
	[tilespmem:$0x1E780] =	vst v63  }
0x25: {  	_ =	swait.ge [sflag:s3], $0x4000  }
0x26: {  	[sflag:s3] =	ssyncset.done $0x0  }
0x27: {  	s14 =	rddreg [dreg:$0x8];
	[sflag:s3] =	ssyncadd.s32 $0xFFFFC000  }
0x28: {  	[tilespmem:s1], [sflag:$0x1] =	stream.strided.gather [hbm4b:s14+s4], $0x18700, s5, s4, $0x38;
	[tilespmem:$0x1E780] =	vst v63  }
0x29: {  	_ =	swait.ge [sflag:s6], $0x18700  }
0x2a: {  	[sflag:s6] =	ssyncset.done $0x0  }
0x2b: {  	[sflag:s6] =	ssyncadd.s32 $0xFFFE7900  }
0x2c: {  	v3 =	vld [tilespmem:$0x18700]  }
0x2d: {  	v9 =	vld [tilespmem:$0x18710]  }
0x2e: {  	v0 =	vld [tilespmem:$0x18720]  }
0x2f: {  	v1 =	vld [tilespmem:$0x18730]  }
0x30: {  	v2 =	vld [tilespmem:$0x18740]  }
0x31: {  	v8 =	vld [tilespmem:$0x18750]  }
0x32: {  	v11 =	vld [tilespmem:$0x18760]  }
0x33: {  	s12 =	simm.s32 $0x0;
	v12 =	vld [tilespmem:$0x18770]  }
0x34: {  	v4 =	vld [tilespmem:s12+$0x187E0]  }
0x35: {  	v5 =	vld [tilespmem:s12+$0x187D0]  }
0x36: {  	v6 =	vld [tilespmem:s12+$0x187C0]  }
0x37: {  	v10 =	vld [tilespmem:s12+$0x187B0]  }
0x38: {  	v7 =	vld.idx.msk [tilespmem:v1+s1+$0x0], $0xffff  }
0x39: {  	v2 =	vld.idx.msk [tilespmem:v2+s1+$0x0], $0xffff  }
0x3a: {  	v8 =	vld.idx.msk [tilespmem:v8+s1+$0x0], $0xffff  }
0x3b: {  	v1 =	vld.idx.msk [tilespmem:v11+s1+$0x0], $0xffff  }
0x3c: {  	v11 =	vld.idx.msk [tilespmem:v9+s1+$0x0], $0xffff  }
0x3d: {  	v9 =	vld.idx.msk [tilespmem:v3+s1+$0x0], $0xffff  }
0x3e: {  	s13 =	simm.s32 $0x200;
	v3 =	vld.idx.msk [tilespmem:v12+s1+$0x0], $0xffff  }
.LBB2_2:
0x3f: {  	p0 =	sne.s32 s13, $0x3E00;
	v12 =	vld.idx.msk [tilespmem:v0+s1+$0x0], $0xffff;
	v13 =	vmovc v4;
	v14 =	vmov v5;
	v15 =	vmov v6;
	v16 =	vmov v10;
	s14 =	smov.u32 s13;
	s13 =	sadd.s32 $0x200, s13  }
0x40: {  	v0 =	vld [tilespmem:s12+$0x187A0];
	[tilespmem:s12+$0x1C7B0] =	vst v7  }
0x41: {  	v17 =	vld [tilespmem:s12+$0x187F0];
	[tilespmem:s12+$0x1C7D0] =	vst v8  }
0x42: {  	v18 =	vld [tilespmem:s12+$0x18780];
	[tilespmem:s12+$0x1C790] =	vst v11  }
0x43: {  	s14 =	sshra.s32 s14, $0x2;
	v11 =	vld [tilespmem:s12+$0x18790];
	[tilespmem:s12+$0x1C780] =	vst v9  }
0x44: {  	v4 =	vld [tilespmem:s14+$0x187E0];
	[tilespmem:s12+$0x1C7C0] =	vst v2  }
0x45: {  	v5 =	vld [tilespmem:s14+$0x187D0];
	[tilespmem:s12+$0x1C7A0] =	vst v12  }
0x46: {  	v6 =	vld [tilespmem:s14+$0x187C0];
	[tilespmem:s12+$0x1C7E0] =	vst v1  }
0x47: {  	v10 =	vld [tilespmem:s14+$0x187B0];
	[tilespmem:s12+$0x1C7F0] =	vst v3;
	s12 =	smov.u32 s14  }
0x48: {  	v7 =	vld.idx.msk [tilespmem:v16+s1+$0x0], $0xffff  }
0x49: {  	v2 =	vld.idx.msk [tilespmem:v15+s1+$0x0], $0xffff  }
.Ltmp0:
0x4a: {  	v8 =	vld.idx.msk [tilespmem:v14+s1+$0x0], $0xffff;
	(pc) =	sbr.rel @p0 .LBB2_2-.Ltmp0, $4  }
0x4b: {  	v1 =	vld.idx.msk [tilespmem:v13+s1+$0x0], $0xffff  }
0x4c: {  	v11 =	vld.idx.msk [tilespmem:v11+s1+$0x0], $0xffff  }
0x4d: {  	v9 =	vld.idx.msk [tilespmem:v18+s1+$0x0], $0xffff  }
0x4e: {  	v3 =	vld.idx.msk [tilespmem:v17+s1+$0x0], $0xffff  }
0x4f: {  	_ =	sdelay $0x3  }
0x50: {  	v0 =	vld.idx.msk [tilespmem:v0+s1+$0x0], $0xffff;
	[tilespmem:s12+$0x1C7B0] =	vst v7  }
0x51: {  	[tilespmem:s12+$0x1C7D0] =	vst v8  }
0x52: {  	[tilespmem:s12+$0x1C7C0] =	vst v2  }
0x53: {  	[tilespmem:s12+$0x1C7E0] =	vst v1  }
0x54: {  	[tilespmem:s12+$0x1C790] =	vst v11  }
0x55: {  	[tilespmem:s12+$0x1C780] =	vst v9  }
0x56: {  	[tilespmem:s12+$0x1C7F0] =	vst v3  }
0x57: {  	s14 =	rddreg [dreg:$0x9];
	[tilespmem:s12+$0x1C7A0] =	vst v0  }
0x58: {  	[hbm4b:s14+s4] =	stream.strided.scatter [tilespmem:s7], [sflag:$0x2], $0x1000, s5, s4, $0x38;
	[tilespmem:$0x1E780] =	vst v63  }
0x59: {  	v3 =	vld [tilespmem:$0x19700]  }
0x5a: {  	v9 =	vld [tilespmem:$0x19710]  }
0x5b: {  	v0 =	vld [tilespmem:$0x19720]  }
0x5c: {  	v1 =	vld [tilespmem:$0x19730]  }
0x5d: {  	v2 =	vld [tilespmem:$0x19740]  }
0x5e: {  	v8 =	vld [tilespmem:$0x19750]  }
0x5f: {  	v11 =	vld [tilespmem:$0x19760]  }
0x60: {  	s12 =	simm.s32 $0x0;
	v12 =	vld [tilespmem:$0x19770]  }
0x61: {  	v4 =	vld [tilespmem:s12+$0x197E0]  }
0x62: {  	v5 =	vld [tilespmem:s12+$0x197D0]  }
0x63: {  	v6 =	vld [tilespmem:s12+$0x197C0]  }
0x64: {  	v10 =	vld [tilespmem:s12+$0x197B0]  }
0x65: {  	v7 =	vld.idx.msk [tilespmem:v1+s1+$0x0], $0xffff  }
0x66: {  	v2 =	vld.idx.msk [tilespmem:v2+s1+$0x0], $0xffff  }
0x67: {  	v8 =	vld.idx.msk [tilespmem:v8+s1+$0x0], $0xffff  }
0x68: {  	v1 =	vld.idx.msk [tilespmem:v11+s1+$0x0], $0xffff  }
0x69: {  	v11 =	vld.idx.msk [tilespmem:v9+s1+$0x0], $0xffff  }
0x6a: {  	v9 =	vld.idx.msk [tilespmem:v3+s1+$0x0], $0xffff  }
0x6b: {  	s13 =	simm.s32 $0x200;
	v3 =	vld.idx.msk [tilespmem:v12+s1+$0x0], $0xffff  }
.LBB2_4:
0x6c: {  	p0 =	sne.s32 s13, $0x3E00;
	v12 =	vld.idx.msk [tilespmem:v0+s1+$0x0], $0xffff;
	v13 =	vmovc v4;
	v14 =	vmov v5;
	v15 =	vmov v6;
	v16 =	vmov v10;
	s14 =	smov.u32 s13;
	s13 =	sadd.s32 $0x200, s13  }
0x6d: {  	v0 =	vld [tilespmem:s12+$0x197A0];
	[tilespmem:s12+$0x1D7B0] =	vst v7  }
0x6e: {  	v17 =	vld [tilespmem:s12+$0x197F0];
	[tilespmem:s12+$0x1D7D0] =	vst v8  }
0x6f: {  	v18 =	vld [tilespmem:s12+$0x19780];
	[tilespmem:s12+$0x1D790] =	vst v11  }
0x70: {  	s14 =	sshra.s32 s14, $0x2;
	v11 =	vld [tilespmem:s12+$0x19790];
	[tilespmem:s12+$0x1D780] =	vst v9  }
0x71: {  	v4 =	vld [tilespmem:s14+$0x197E0];
	[tilespmem:s12+$0x1D7C0] =	vst v2  }
0x72: {  	v5 =	vld [tilespmem:s14+$0x197D0];
	[tilespmem:s12+$0x1D7A0] =	vst v12  }
0x73: {  	v6 =	vld [tilespmem:s14+$0x197C0];
	[tilespmem:s12+$0x1D7E0] =	vst v1  }
0x74: {  	v10 =	vld [tilespmem:s14+$0x197B0];
	[tilespmem:s12+$0x1D7F0] =	vst v3;
	s12 =	smov.u32 s14  }
0x75: {  	v7 =	vld.idx.msk [tilespmem:v16+s1+$0x0], $0xffff  }
0x76: {  	v2 =	vld.idx.msk [tilespmem:v15+s1+$0x0], $0xffff  }
.Ltmp1:
0x77: {  	v8 =	vld.idx.msk [tilespmem:v14+s1+$0x0], $0xffff;
	(pc) =	sbr.rel @p0 .LBB2_4-.Ltmp1, $4  }
0x78: {  	v1 =	vld.idx.msk [tilespmem:v13+s1+$0x0], $0xffff  }
0x79: {  	v11 =	vld.idx.msk [tilespmem:v11+s1+$0x0], $0xffff  }
0x7a: {  	v9 =	vld.idx.msk [tilespmem:v18+s1+$0x0], $0xffff  }
0x7b: {  	v3 =	vld.idx.msk [tilespmem:v17+s1+$0x0], $0xffff  }
0x7c: {  	_ =	sdelay $0x3  }
0x7d: {  	v0 =	vld.idx.msk [tilespmem:v0+s1+$0x0], $0xffff;
	[tilespmem:s12+$0x1D7B0] =	vst v7  }
0x7e: {  	[tilespmem:s12+$0x1D7D0] =	vst v8  }
0x7f: {  	[tilespmem:s12+$0x1D7C0] =	vst v2  }
0x80: {  	[tilespmem:s12+$0x1D7E0] =	vst v1  }
0x81: {  	[tilespmem:s12+$0x1D790] =	vst v11  }
0x82: {  	[tilespmem:s12+$0x1D780] =	vst v9  }
0x83: {  	[tilespmem:s12+$0x1D7F0] =	vst v3  }
0x84: {  	s14 =	rddreg [dreg:$0xa];
	[tilespmem:s12+$0x1D7A0] =	vst v0  }
0x85: {  	[hbm4b:s14+s4] =	stream.strided.scatter [tilespmem:s8], [sflag:$0x3], $0x1000, s5, s4, $0x38;
	[tilespmem:$0x1E780] =	vst v63  }
0x86: {  	_ =	swait.ge [sflag:s9], $0x1000  }
0x87: {  	[sflag:s9] =	ssyncset.done $0x0  }
0x88: {  	[sflag:s9] =	ssyncadd.s32 $0xFFFFF000  }
0x89: {  	v3 =	vld [tilespmem:$0x1A700]  }
0x8a: {  	v9 =	vld [tilespmem:$0x1A710]  }
0x8b: {  	v0 =	vld [tilespmem:$0x1A720]  }
0x8c: {  	v1 =	vld [tilespmem:$0x1A730]  }
0x8d: {  	v2 =	vld [tilespmem:$0x1A740]  }
0x8e: {  	v8 =	vld [tilespmem:$0x1A750]  }
0x8f: {  	v11 =	vld [tilespmem:$0x1A760]  }
0x90: {  	s12 =	simm.s32 $0x0;
	v12 =	vld [tilespmem:$0x1A770]  }
0x91: {  	v4 =	vld [tilespmem:s12+$0x1A7E0]  }
0x92: {  	v5 =	vld [tilespmem:s12+$0x1A7D0]  }
0x93: {  	v6 =	vld [tilespmem:s12+$0x1A7C0]  }
0x94: {  	v10 =	vld [tilespmem:s12+$0x1A7B0]  }
0x95: {  	v7 =	vld.idx.msk [tilespmem:v1+s1+$0x0], $0xffff  }
0x96: {  	v2 =	vld.idx.msk [tilespmem:v2+s1+$0x0], $0xffff  }
0x97: {  	v8 =	vld.idx.msk [tilespmem:v8+s1+$0x0], $0xffff  }
0x98: {  	v1 =	vld.idx.msk [tilespmem:v11+s1+$0x0], $0xffff  }
0x99: {  	v11 =	vld.idx.msk [tilespmem:v9+s1+$0x0], $0xffff  }
0x9a: {  	v9 =	vld.idx.msk [tilespmem:v3+s1+$0x0], $0xffff  }
0x9b: {  	s13 =	simm.s32 $0x200;
	v3 =	vld.idx.msk [tilespmem:v12+s1+$0x0], $0xffff  }
.LBB2_6:
0x9c: {  	p0 =	sne.s32 s13, $0x3E00;
	v12 =	vld.idx.msk [tilespmem:v0+s1+$0x0], $0xffff;
	v13 =	vmovc v4;
	v14 =	vmov v5;
	v15 =	vmov v6;
	v16 =	vmov v10;
	s14 =	smov.u32 s13;
	s13 =	sadd.s32 $0x200, s13  }
0x9d: {  	v0 =	vld [tilespmem:s12+$0x1A7A0];
	[tilespmem:s12+$0x1C7B0] =	vst v7  }
0x9e: {  	v17 =	vld [tilespmem:s12+$0x1A7F0];
	[tilespmem:s12+$0x1C7D0] =	vst v8  }
0x9f: {  	v18 =	vld [tilespmem:s12+$0x1A780];
	[tilespmem:s12+$0x1C790] =	vst v11  }
0xa0: {  	s14 =	sshra.s32 s14, $0x2;
	v11 =	vld [tilespmem:s12+$0x1A790];
	[tilespmem:s12+$0x1C780] =	vst v9  }
0xa1: {  	v4 =	vld [tilespmem:s14+$0x1A7E0];
	[tilespmem:s12+$0x1C7C0] =	vst v2  }
0xa2: {  	v5 =	vld [tilespmem:s14+$0x1A7D0];
	[tilespmem:s12+$0x1C7A0] =	vst v12  }
0xa3: {  	v6 =	vld [tilespmem:s14+$0x1A7C0];
	[tilespmem:s12+$0x1C7E0] =	vst v1  }
0xa4: {  	v10 =	vld [tilespmem:s14+$0x1A7B0];
	[tilespmem:s12+$0x1C7F0] =	vst v3;
	s12 =	smov.u32 s14  }
0xa5: {  	v7 =	vld.idx.msk [tilespmem:v16+s1+$0x0], $0xffff  }
0xa6: {  	v2 =	vld.idx.msk [tilespmem:v15+s1+$0x0], $0xffff  }
.Ltmp2:
0xa7: {  	v8 =	vld.idx.msk [tilespmem:v14+s1+$0x0], $0xffff;
	(pc) =	sbr.rel @p0 .LBB2_6-.Ltmp2, $4  }
0xa8: {  	v1 =	vld.idx.msk [tilespmem:v13+s1+$0x0], $0xffff  }
0xa9: {  	v11 =	vld.idx.msk [tilespmem:v11+s1+$0x0], $0xffff  }
0xaa: {  	v9 =	vld.idx.msk [tilespmem:v18+s1+$0x0], $0xffff  }
0xab: {  	v3 =	vld.idx.msk [tilespmem:v17+s1+$0x0], $0xffff  }
0xac: {  	_ =	sdelay $0x3  }
0xad: {  	v0 =	vld.idx.msk [tilespmem:v0+s1+$0x0], $0xffff;
	[tilespmem:s12+$0x1C7B0] =	vst v7  }
0xae: {  	[tilespmem:s12+$0x1C7D0] =	vst v8  }
0xaf: {  	[tilespmem:s12+$0x1C7C0] =	vst v2  }
0xb0: {  	[tilespmem:s12+$0x1C7E0] =	vst v1  }
0xb1: {  	[tilespmem:s12+$0x1C790] =	vst v11  }
0xb2: {  	[tilespmem:s12+$0x1C780] =	vst v9  }
0xb3: {  	[tilespmem:s12+$0x1C7F0] =	vst v3  }
0xb4: {  	s14 =	rddreg [dreg:$0xb];
	[tilespmem:s12+$0x1C7A0] =	vst v0  }
0xb5: {  	[hbm4b:s14+s4] =	stream.strided.scatter [tilespmem:s7], [sflag:$0x2], $0x1000, s5, s4, $0x38;
	[tilespmem:$0x1E780] =	vst v63  }
0xb6: {  	_ =	swait.ge [sflag:s10], $0x1000  }
0xb7: {  	[sflag:s10] =	ssyncset.done $0x0  }
0xb8: {  	[sflag:s10] =	ssyncadd.s32 $0xFFFFF000  }
0xb9: {  	v3 =	vld [tilespmem:$0x1B700]  }
0xba: {  	v9 =	vld [tilespmem:$0x1B710]  }
0xbb: {  	v0 =	vld [tilespmem:$0x1B720]  }
0xbc: {  	v1 =	vld [tilespmem:$0x1B730]  }
0xbd: {  	v2 =	vld [tilespmem:$0x1B740]  }
0xbe: {  	v8 =	vld [tilespmem:$0x1B750]  }
0xbf: {  	v11 =	vld [tilespmem:$0x1B760]  }
0xc0: {  	s12 =	simm.s32 $0x0;
	v12 =	vld [tilespmem:$0x1B770]  }
0xc1: {  	v4 =	vld [tilespmem:s12+$0x1B7E0]  }
0xc2: {  	v5 =	vld [tilespmem:s12+$0x1B7D0]  }
0xc3: {  	v6 =	vld [tilespmem:s12+$0x1B7C0]  }
0xc4: {  	v10 =	vld [tilespmem:s12+$0x1B7B0]  }
0xc5: {  	v7 =	vld.idx.msk [tilespmem:v1+s1+$0x0], $0xffff  }
0xc6: {  	v2 =	vld.idx.msk [tilespmem:v2+s1+$0x0], $0xffff  }
0xc7: {  	v8 =	vld.idx.msk [tilespmem:v8+s1+$0x0], $0xffff  }
0xc8: {  	v1 =	vld.idx.msk [tilespmem:v11+s1+$0x0], $0xffff  }
0xc9: {  	v11 =	vld.idx.msk [tilespmem:v9+s1+$0x0], $0xffff  }
0xca: {  	v9 =	vld.idx.msk [tilespmem:v3+s1+$0x0], $0xffff  }
0xcb: {  	s13 =	simm.s32 $0x200;
	v3 =	vld.idx.msk [tilespmem:v12+s1+$0x0], $0xffff  }
.LBB2_8:
0xcc: {  	p0 =	sne.s32 s13, $0x3E00;
	v12 =	vld.idx.msk [tilespmem:v0+s1+$0x0], $0xffff;
	v13 =	vmovc v4;
	v14 =	vmov v5;
	v15 =	vmov v6;
	v16 =	vmov v10;
	s14 =	smov.u32 s13;
	s13 =	sadd.s32 $0x200, s13  }
0xcd: {  	v0 =	vld [tilespmem:s12+$0x1B7A0];
	[tilespmem:s12+$0x1D7B0] =	vst v7  }
0xce: {  	v17 =	vld [tilespmem:s12+$0x1B7F0];
	[tilespmem:s12+$0x1D7D0] =	vst v8  }
0xcf: {  	v18 =	vld [tilespmem:s12+$0x1B780];
	[tilespmem:s12+$0x1D790] =	vst v11  }
0xd0: {  	s14 =	sshra.s32 s14, $0x2;
	v11 =	vld [tilespmem:s12+$0x1B790];
	[tilespmem:s12+$0x1D780] =	vst v9  }
0xd1: {  	v4 =	vld [tilespmem:s14+$0x1B7E0];
	[tilespmem:s12+$0x1D7C0] =	vst v2  }
0xd2: {  	v5 =	vld [tilespmem:s14+$0x1B7D0];
	[tilespmem:s12+$0x1D7A0] =	vst v12  }
0xd3: {  	v6 =	vld [tilespmem:s14+$0x1B7C0];
	[tilespmem:s12+$0x1D7E0] =	vst v1  }
0xd4: {  	v10 =	vld [tilespmem:s14+$0x1B7B0];
	[tilespmem:s12+$0x1D7F0] =	vst v3;
	s12 =	smov.u32 s14  }
0xd5: {  	v7 =	vld.idx.msk [tilespmem:v16+s1+$0x0], $0xffff  }
0xd6: {  	v2 =	vld.idx.msk [tilespmem:v15+s1+$0x0], $0xffff  }
.Ltmp3:
0xd7: {  	v8 =	vld.idx.msk [tilespmem:v14+s1+$0x0], $0xffff;
	(pc) =	sbr.rel @p0 .LBB2_8-.Ltmp3, $4  }
0xd8: {  	v1 =	vld.idx.msk [tilespmem:v13+s1+$0x0], $0xffff  }
0xd9: {  	v11 =	vld.idx.msk [tilespmem:v11+s1+$0x0], $0xffff  }
0xda: {  	v9 =	vld.idx.msk [tilespmem:v18+s1+$0x0], $0xffff  }
0xdb: {  	v3 =	vld.idx.msk [tilespmem:v17+s1+$0x0], $0xffff  }
0xdc: {  	_ =	sdelay $0x3  }
0xdd: {  	v0 =	vld.idx.msk [tilespmem:v0+s1+$0x0], $0xffff;
	[tilespmem:s12+$0x1D7B0] =	vst v7  }
0xde: {  	[tilespmem:s12+$0x1D7D0] =	vst v8  }
0xdf: {  	[tilespmem:s12+$0x1D7C0] =	vst v2  }
0xe0: {  	[tilespmem:s12+$0x1D7E0] =	vst v1  }
0xe1: {  	[tilespmem:s12+$0x1D790] =	vst v11  }
0xe2: {  	[tilespmem:s12+$0x1D780] =	vst v9  }
0xe3: {  	[tilespmem:s12+$0x1D7F0] =	vst v3  }
0xe4: {  	s13 =	rddreg [dreg:$0xc];
	[tilespmem:s12+$0x1D7A0] =	vst v0  }
0xe5: {  	[hbm4b:s13+s4] =	stream.strided.scatter [tilespmem:s8], [sflag:$0x3], $0x1000, s5, s4, $0x38;
	[tilespmem:$0x1E780] =	vst v63  }
0xe6: {  	s14 =	simm.s32 $0x0;
	s13 =	rddreg [dreg:$0xd]  }
0xe7: {  	[tilespmem:s14], [sflag:$0x1] =	stream.strided.gather [hbm4b:s13+s4], $0x18700, s5, s4, $0x38;
	[tilespmem:$0x1E780] =	vst v63  }
0xe8: {  	_ =	swait.ge [sflag:s6], $0x18700  }
0xe9: {  	[sflag:s6] =	ssyncset.done $0x0  }
0xea: {  	[sflag:s6] =	ssyncadd.s32 $0xFFFE7900  }
0xeb: {  	_ =	swait.ge [sflag:s9], $0x1000  }
0xec: {  	[sflag:s9] =	ssyncset.done $0x0  }
0xed: {  	[sflag:s9] =	ssyncadd.s32 $0xFFFFF000  }
0xee: {  	v3 =	vld [tilespmem:$0x18700]  }
0xef: {  	v9 =	vld [tilespmem:$0x18710]  }
0xf0: {  	v0 =	vld [tilespmem:$0x18720]  }
0xf1: {  	v1 =	vld [tilespmem:$0x18730]  }
0xf2: {  	v2 =	vld [tilespmem:$0x18740]  }
0xf3: {  	v8 =	vld [tilespmem:$0x18750]  }
0xf4: {  	v11 =	vld [tilespmem:$0x18760]  }
0xf5: {  	s12 =	simm.s32 $0x0;
	v12 =	vld [tilespmem:$0x18770]  }
0xf6: {  	v4 =	vld [tilespmem:s12+$0x187E0]  }
0xf7: {  	v5 =	vld [tilespmem:s12+$0x187D0]  }
0xf8: {  	v6 =	vld [tilespmem:s12+$0x187C0]  }
0xf9: {  	v10 =	vld [tilespmem:s12+$0x187B0]  }
0xfa: {  	v7 =	vld.idx.msk [tilespmem:v1+s1+$0x0], $0xffff  }
0xfb: {  	v2 =	vld.idx.msk [tilespmem:v2+s1+$0x0], $0xffff  }
0xfc: {  	v8 =	vld.idx.msk [tilespmem:v8+s1+$0x0], $0xffff  }
0xfd: {  	v1 =	vld.idx.msk [tilespmem:v11+s1+$0x0], $0xffff  }
0xfe: {  	v11 =	vld.idx.msk [tilespmem:v9+s1+$0x0], $0xffff  }
0xff: {  	v9 =	vld.idx.msk [tilespmem:v3+s1+$0x0], $0xffff  }
0x100: {  	s13 =	simm.s32 $0x200;
	v3 =	vld.idx.msk [tilespmem:v12+s1+$0x0], $0xffff  }
.LBB2_10:
0x101: {  	p0 =	sne.s32 s13, $0x3E00;
	v12 =	vld.idx.msk [tilespmem:v0+s1+$0x0], $0xffff;
	v13 =	vmovc v4;
	v14 =	vmov v5;
	v15 =	vmov v6;
	v16 =	vmov v10;
	s14 =	smov.u32 s13;
	s13 =	sadd.s32 $0x200, s13  }
0x102: {  	v0 =	vld [tilespmem:s12+$0x187A0];
	[tilespmem:s12+$0x1C7B0] =	vst v7  }
0x103: {  	v17 =	vld [tilespmem:s12+$0x187F0];
	[tilespmem:s12+$0x1C7D0] =	vst v8  }
0x104: {  	v18 =	vld [tilespmem:s12+$0x18780];
	[tilespmem:s12+$0x1C790] =	vst v11  }
0x105: {  	s14 =	sshra.s32 s14, $0x2;
	v11 =	vld [tilespmem:s12+$0x18790];
	[tilespmem:s12+$0x1C780] =	vst v9  }
0x106: {  	v4 =	vld [tilespmem:s14+$0x187E0];
	[tilespmem:s12+$0x1C7C0] =	vst v2  }
0x107: {  	v5 =	vld [tilespmem:s14+$0x187D0];
	[tilespmem:s12+$0x1C7A0] =	vst v12  }
0x108: {  	v6 =	vld [tilespmem:s14+$0x187C0];
	[tilespmem:s12+$0x1C7E0] =	vst v1  }
0x109: {  	v10 =	vld [tilespmem:s14+$0x187B0];
	[tilespmem:s12+$0x1C7F0] =	vst v3;
	s12 =	smov.u32 s14  }
0x10a: {  	v7 =	vld.idx.msk [tilespmem:v16+s1+$0x0], $0xffff  }
0x10b: {  	v2 =	vld.idx.msk [tilespmem:v15+s1+$0x0], $0xffff  }
.Ltmp4:
0x10c: {  	v8 =	vld.idx.msk [tilespmem:v14+s1+$0x0], $0xffff;
	(pc) =	sbr.rel @p0 .LBB2_10-.Ltmp4, $4  }
0x10d: {  	v1 =	vld.idx.msk [tilespmem:v13+s1+$0x0], $0xffff  }
0x10e: {  	v11 =	vld.idx.msk [tilespmem:v11+s1+$0x0], $0xffff  }
0x10f: {  	v9 =	vld.idx.msk [tilespmem:v18+s1+$0x0], $0xffff  }
0x110: {  	v3 =	vld.idx.msk [tilespmem:v17+s1+$0x0], $0xffff  }
0x111: {  	_ =	sdelay $0x3  }
0x112: {  	v0 =	vld.idx.msk [tilespmem:v0+s1+$0x0], $0xffff;
	[tilespmem:s12+$0x1C7B0] =	vst v7  }
0x113: {  	[tilespmem:s12+$0x1C7D0] =	vst v8  }
0x114: {  	[tilespmem:s12+$0x1C7C0] =	vst v2  }
0x115: {  	[tilespmem:s12+$0x1C7E0] =	vst v1  }
0x116: {  	[tilespmem:s12+$0x1C790] =	vst v11  }
0x117: {  	[tilespmem:s12+$0x1C780] =	vst v9  }
0x118: {  	[tilespmem:s12+$0x1C7F0] =	vst v3  }
0x119: {  	s14 =	rddreg [dreg:$0xe];
	[tilespmem:s12+$0x1C7A0] =	vst v0  }
0x11a: {  	[hbm4b:s14+s4] =	stream.strided.scatter [tilespmem:s7], [sflag:$0x2], $0x1000, s5, s4, $0x38;
	[tilespmem:$0x1E780] =	vst v63  }
0x11b: {  	_ =	swait.ge [sflag:s10], $0x1000  }
0x11c: {  	[sflag:s10] =	ssyncset.done $0x0  }
0x11d: {  	[sflag:s10] =	ssyncadd.s32 $0xFFFFF000  }
0x11e: {  	v3 =	vld [tilespmem:$0x19700]  }
0x11f: {  	v9 =	vld [tilespmem:$0x19710]  }
0x120: {  	v0 =	vld [tilespmem:$0x19720]  }
0x121: {  	v1 =	vld [tilespmem:$0x19730]  }
0x122: {  	v2 =	vld [tilespmem:$0x19740]  }
0x123: {  	v8 =	vld [tilespmem:$0x19750]  }
0x124: {  	v11 =	vld [tilespmem:$0x19760]  }
0x125: {  	s12 =	simm.s32 $0x0;
	v12 =	vld [tilespmem:$0x19770]  }
0x126: {  	v4 =	vld [tilespmem:s12+$0x197E0]  }
0x127: {  	v5 =	vld [tilespmem:s12+$0x197D0]  }
0x128: {  	v6 =	vld [tilespmem:s12+$0x197C0]  }
0x129: {  	v10 =	vld [tilespmem:s12+$0x197B0]  }
0x12a: {  	v7 =	vld.idx.msk [tilespmem:v1+s1+$0x0], $0xffff  }
0x12b: {  	v2 =	vld.idx.msk [tilespmem:v2+s1+$0x0], $0xffff  }
0x12c: {  	v8 =	vld.idx.msk [tilespmem:v8+s1+$0x0], $0xffff  }
0x12d: {  	v1 =	vld.idx.msk [tilespmem:v11+s1+$0x0], $0xffff  }
0x12e: {  	v11 =	vld.idx.msk [tilespmem:v9+s1+$0x0], $0xffff  }
0x12f: {  	v9 =	vld.idx.msk [tilespmem:v3+s1+$0x0], $0xffff  }
0x130: {  	s13 =	simm.s32 $0x200;
	v3 =	vld.idx.msk [tilespmem:v12+s1+$0x0], $0xffff  }
.LBB2_12:
0x131: {  	p0 =	sne.s32 s13, $0x3E00;
	v12 =	vld.idx.msk [tilespmem:v0+s1+$0x0], $0xffff;
	v13 =	vmovc v4;
	v14 =	vmov v5;
	v15 =	vmov v6;
	v16 =	vmov v10;
	s14 =	smov.u32 s13;
	s13 =	sadd.s32 $0x200, s13  }
0x132: {  	v0 =	vld [tilespmem:s12+$0x197A0];
	[tilespmem:s12+$0x1D7B0] =	vst v7  }
0x133: {  	v17 =	vld [tilespmem:s12+$0x197F0];
	[tilespmem:s12+$0x1D7D0] =	vst v8  }
0x134: {  	v18 =	vld [tilespmem:s12+$0x19780];
	[tilespmem:s12+$0x1D790] =	vst v11  }
0x135: {  	s14 =	sshra.s32 s14, $0x2;
	v11 =	vld [tilespmem:s12+$0x19790];
	[tilespmem:s12+$0x1D780] =	vst v9  }
0x136: {  	v4 =	vld [tilespmem:s14+$0x197E0];
	[tilespmem:s12+$0x1D7C0] =	vst v2  }
0x137: {  	v5 =	vld [tilespmem:s14+$0x197D0];
	[tilespmem:s12+$0x1D7A0] =	vst v12  }
0x138: {  	v6 =	vld [tilespmem:s14+$0x197C0];
	[tilespmem:s12+$0x1D7E0] =	vst v1  }
0x139: {  	v10 =	vld [tilespmem:s14+$0x197B0];
	[tilespmem:s12+$0x1D7F0] =	vst v3;
	s12 =	smov.u32 s14  }
0x13a: {  	v7 =	vld.idx.msk [tilespmem:v16+s1+$0x0], $0xffff  }
0x13b: {  	v2 =	vld.idx.msk [tilespmem:v15+s1+$0x0], $0xffff  }
.Ltmp5:
0x13c: {  	v8 =	vld.idx.msk [tilespmem:v14+s1+$0x0], $0xffff;
	(pc) =	sbr.rel @p0 .LBB2_12-.Ltmp5, $4  }
0x13d: {  	v1 =	vld.idx.msk [tilespmem:v13+s1+$0x0], $0xffff  }
0x13e: {  	v11 =	vld.idx.msk [tilespmem:v11+s1+$0x0], $0xffff  }
0x13f: {  	v9 =	vld.idx.msk [tilespmem:v18+s1+$0x0], $0xffff  }
0x140: {  	v3 =	vld.idx.msk [tilespmem:v17+s1+$0x0], $0xffff  }
0x141: {  	_ =	sdelay $0x3  }
0x142: {  	v0 =	vld.idx.msk [tilespmem:v0+s1+$0x0], $0xffff;
	[tilespmem:s12+$0x1D7B0] =	vst v7  }
0x143: {  	[tilespmem:s12+$0x1D7D0] =	vst v8  }
0x144: {  	[tilespmem:s12+$0x1D7C0] =	vst v2  }
0x145: {  	[tilespmem:s12+$0x1D7E0] =	vst v1  }
0x146: {  	[tilespmem:s12+$0x1D790] =	vst v11  }
0x147: {  	[tilespmem:s12+$0x1D780] =	vst v9  }
0x148: {  	[tilespmem:s12+$0x1D7F0] =	vst v3  }
0x149: {  	s14 =	rddreg [dreg:$0xf];
	[tilespmem:s12+$0x1D7A0] =	vst v0  }
0x14a: {  	[hbm4b:s14+s4] =	stream.strided.scatter [tilespmem:s8], [sflag:$0x3], $0x1000, s5, s4, $0x38;
	[tilespmem:$0x1E780] =	vst v63  }
0x14b: {  	_ =	swait.ge [sflag:s9], $0x1000  }
0x14c: {  	[sflag:s9] =	ssyncset.done $0x0  }
0x14d: {  	[sflag:s9] =	ssyncadd.s32 $0xFFFFF000  }
0x14e: {  	v3 =	vld [tilespmem:$0x1A700]  }
0x14f: {  	v9 =	vld [tilespmem:$0x1A710]  }
0x150: {  	v0 =	vld [tilespmem:$0x1A720]  }
0x151: {  	v1 =	vld [tilespmem:$0x1A730]  }
0x152: {  	v2 =	vld [tilespmem:$0x1A740]  }
0x153: {  	v8 =	vld [tilespmem:$0x1A750]  }
0x154: {  	v11 =	vld [tilespmem:$0x1A760]  }
0x155: {  	s12 =	simm.s32 $0x0;
	v12 =	vld [tilespmem:$0x1A770]  }
0x156: {  	v4 =	vld [tilespmem:s12+$0x1A7E0]  }
0x157: {  	v5 =	vld [tilespmem:s12+$0x1A7D0]  }
0x158: {  	v6 =	vld [tilespmem:s12+$0x1A7C0]  }
0x159: {  	v10 =	vld [tilespmem:s12+$0x1A7B0]  }
0x15a: {  	v7 =	vld.idx.msk [tilespmem:v1+s1+$0x0], $0xffff  }
0x15b: {  	v2 =	vld.idx.msk [tilespmem:v2+s1+$0x0], $0xffff  }
0x15c: {  	v8 =	vld.idx.msk [tilespmem:v8+s1+$0x0], $0xffff  }
0x15d: {  	v1 =	vld.idx.msk [tilespmem:v11+s1+$0x0], $0xffff  }
0x15e: {  	v11 =	vld.idx.msk [tilespmem:v9+s1+$0x0], $0xffff  }
0x15f: {  	v9 =	vld.idx.msk [tilespmem:v3+s1+$0x0], $0xffff  }
0x160: {  	s13 =	simm.s32 $0x200;
	v3 =	vld.idx.msk [tilespmem:v12+s1+$0x0], $0xffff  }
.LBB2_14:
0x161: {  	p0 =	sne.s32 s13, $0x3E00;
	v12 =	vld.idx.msk [tilespmem:v0+s1+$0x0], $0xffff;
	v13 =	vmovc v4;
	v14 =	vmov v5;
	v15 =	vmov v6;
	v16 =	vmov v10;
	s14 =	smov.u32 s13;
	s13 =	sadd.s32 $0x200, s13  }
0x162: {  	v0 =	vld [tilespmem:s12+$0x1A7A0];
	[tilespmem:s12+$0x1C7B0] =	vst v7  }
0x163: {  	v17 =	vld [tilespmem:s12+$0x1A7F0];
	[tilespmem:s12+$0x1C7D0] =	vst v8  }
0x164: {  	v18 =	vld [tilespmem:s12+$0x1A780];
	[tilespmem:s12+$0x1C790] =	vst v11  }
0x165: {  	s14 =	sshra.s32 s14, $0x2;
	v11 =	vld [tilespmem:s12+$0x1A790];
	[tilespmem:s12+$0x1C780] =	vst v9  }
0x166: {  	v4 =	vld [tilespmem:s14+$0x1A7E0];
	[tilespmem:s12+$0x1C7C0] =	vst v2  }
0x167: {  	v5 =	vld [tilespmem:s14+$0x1A7D0];
	[tilespmem:s12+$0x1C7A0] =	vst v12  }
0x168: {  	v6 =	vld [tilespmem:s14+$0x1A7C0];
	[tilespmem:s12+$0x1C7E0] =	vst v1  }
0x169: {  	v10 =	vld [tilespmem:s14+$0x1A7B0];
	[tilespmem:s12+$0x1C7F0] =	vst v3;
	s12 =	smov.u32 s14  }
0x16a: {  	v7 =	vld.idx.msk [tilespmem:v16+s1+$0x0], $0xffff  }
0x16b: {  	v2 =	vld.idx.msk [tilespmem:v15+s1+$0x0], $0xffff  }
.Ltmp6:
0x16c: {  	v8 =	vld.idx.msk [tilespmem:v14+s1+$0x0], $0xffff;
	(pc) =	sbr.rel @p0 .LBB2_14-.Ltmp6, $4  }
0x16d: {  	v1 =	vld.idx.msk [tilespmem:v13+s1+$0x0], $0xffff  }
0x16e: {  	v11 =	vld.idx.msk [tilespmem:v11+s1+$0x0], $0xffff  }
0x16f: {  	v9 =	vld.idx.msk [tilespmem:v18+s1+$0x0], $0xffff  }
0x170: {  	v3 =	vld.idx.msk [tilespmem:v17+s1+$0x0], $0xffff  }
0x171: {  	_ =	sdelay $0x3  }
0x172: {  	v0 =	vld.idx.msk [tilespmem:v0+s1+$0x0], $0xffff;
	[tilespmem:s12+$0x1C7B0] =	vst v7  }
0x173: {  	[tilespmem:s12+$0x1C7D0] =	vst v8  }
0x174: {  	[tilespmem:s12+$0x1C7C0] =	vst v2  }
0x175: {  	[tilespmem:s12+$0x1C7E0] =	vst v1  }
0x176: {  	[tilespmem:s12+$0x1C790] =	vst v11  }
0x177: {  	[tilespmem:s12+$0x1C780] =	vst v9  }
0x178: {  	[tilespmem:s12+$0x1C7F0] =	vst v3  }
0x179: {  	s14 =	rddreg [dreg:$0x10];
	[tilespmem:s12+$0x1C7A0] =	vst v0  }
0x17a: {  	[hbm4b:s14+s4] =	stream.strided.scatter [tilespmem:s7], [sflag:$0x2], $0x1000, s5, s4, $0x38;
	[tilespmem:$0x1E780] =	vst v63  }
0x17b: {  	_ =	swait.ge [sflag:s10], $0x1000  }
0x17c: {  	[sflag:s10] =	ssyncset.done $0x0  }
0x17d: {  	[sflag:s10] =	ssyncadd.s32 $0xFFFFF000  }
0x17e: {  	v3 =	vld [tilespmem:$0x1B700]  }
0x17f: {  	v9 =	vld [tilespmem:$0x1B710]  }
0x180: {  	v0 =	vld [tilespmem:$0x1B720]  }
0x181: {  	v1 =	vld [tilespmem:$0x1B730]  }
0x182: {  	v2 =	vld [tilespmem:$0x1B740]  }
0x183: {  	v8 =	vld [tilespmem:$0x1B750]  }
0x184: {  	v11 =	vld [tilespmem:$0x1B760]  }
0x185: {  	s12 =	simm.s32 $0x0;
	v12 =	vld [tilespmem:$0x1B770]  }
0x186: {  	v4 =	vld [tilespmem:s12+$0x1B7E0]  }
0x187: {  	v5 =	vld [tilespmem:s12+$0x1B7D0]  }
0x188: {  	v6 =	vld [tilespmem:s12+$0x1B7C0]  }
0x189: {  	v10 =	vld [tilespmem:s12+$0x1B7B0]  }
0x18a: {  	v7 =	vld.idx.msk [tilespmem:v1+s1+$0x0], $0xffff  }
0x18b: {  	v2 =	vld.idx.msk [tilespmem:v2+s1+$0x0], $0xffff  }
0x18c: {  	v8 =	vld.idx.msk [tilespmem:v8+s1+$0x0], $0xffff  }
0x18d: {  	v1 =	vld.idx.msk [tilespmem:v11+s1+$0x0], $0xffff  }
0x18e: {  	v11 =	vld.idx.msk [tilespmem:v9+s1+$0x0], $0xffff  }
0x18f: {  	v9 =	vld.idx.msk [tilespmem:v3+s1+$0x0], $0xffff  }
0x190: {  	s13 =	simm.s32 $0x200;
	v3 =	vld.idx.msk [tilespmem:v12+s1+$0x0], $0xffff  }
.LBB2_16:
0x191: {  	p0 =	sne.s32 s13, $0x3E00;
	v12 =	vld.idx.msk [tilespmem:v0+s1+$0x0], $0xffff;
	v13 =	vmovc v4;
	v14 =	vmov v5;
	v15 =	vmov v6;
	v16 =	vmov v10;
	s14 =	smov.u32 s13;
	s13 =	sadd.s32 $0x200, s13  }
0x192: {  	v0 =	vld [tilespmem:s12+$0x1B7A0];
	[tilespmem:s12+$0x1D7B0] =	vst v7  }
0x193: {  	v17 =	vld [tilespmem:s12+$0x1B7F0];
	[tilespmem:s12+$0x1D7D0] =	vst v8  }
0x194: {  	v18 =	vld [tilespmem:s12+$0x1B780];
	[tilespmem:s12+$0x1D790] =	vst v11  }
0x195: {  	s14 =	sshra.s32 s14, $0x2;
	v11 =	vld [tilespmem:s12+$0x1B790];
	[tilespmem:s12+$0x1D780] =	vst v9  }
0x196: {  	v4 =	vld [tilespmem:s14+$0x1B7E0];
	[tilespmem:s12+$0x1D7C0] =	vst v2  }
0x197: {  	v5 =	vld [tilespmem:s14+$0x1B7D0];
	[tilespmem:s12+$0x1D7A0] =	vst v12  }
0x198: {  	v6 =	vld [tilespmem:s14+$0x1B7C0];
	[tilespmem:s12+$0x1D7E0] =	vst v1  }
0x199: {  	v10 =	vld [tilespmem:s14+$0x1B7B0];
	[tilespmem:s12+$0x1D7F0] =	vst v3;
	s12 =	smov.u32 s14  }
0x19a: {  	v7 =	vld.idx.msk [tilespmem:v16+s1+$0x0], $0xffff  }
0x19b: {  	v2 =	vld.idx.msk [tilespmem:v15+s1+$0x0], $0xffff  }
.Ltmp7:
0x19c: {  	v8 =	vld.idx.msk [tilespmem:v14+s1+$0x0], $0xffff;
	(pc) =	sbr.rel @p0 .LBB2_16-.Ltmp7, $4  }
0x19d: {  	v1 =	vld.idx.msk [tilespmem:v13+s1+$0x0], $0xffff  }
0x19e: {  	v11 =	vld.idx.msk [tilespmem:v11+s1+$0x0], $0xffff  }
0x19f: {  	v9 =	vld.idx.msk [tilespmem:v18+s1+$0x0], $0xffff  }
0x1a0: {  	v3 =	vld.idx.msk [tilespmem:v17+s1+$0x0], $0xffff  }
0x1a1: {  	_ =	sdelay $0x3  }
0x1a2: {  	v0 =	vld.idx.msk [tilespmem:v0+s1+$0x0], $0xffff;
	[tilespmem:s12+$0x1D7B0] =	vst v7  }
0x1a3: {  	[tilespmem:s12+$0x1D7D0] =	vst v8  }
0x1a4: {  	[tilespmem:s12+$0x1D7C0] =	vst v2  }
0x1a5: {  	[tilespmem:s12+$0x1D7E0] =	vst v1  }
0x1a6: {  	[tilespmem:s12+$0x1D790] =	vst v11  }
0x1a7: {  	[tilespmem:s12+$0x1D780] =	vst v9  }
0x1a8: {  	[tilespmem:s12+$0x1D7F0] =	vst v3  }
0x1a9: {  	s13 =	rddreg [dreg:$0x11];
	[tilespmem:s12+$0x1D7A0] =	vst v0  }
0x1aa: {  	[hbm4b:s13+s4] =	stream.strided.scatter [tilespmem:s8], [sflag:$0x3], $0x1000, s5, s4, $0x38;
	[tilespmem:$0x1E780] =	vst v63  }
0x1ab: {  	s14 =	simm.s32 $0x0;
	s13 =	rddreg [dreg:$0x12]  }
0x1ac: {  	[tilespmem:s14], [sflag:$0x1] =	stream.strided.gather [hbm4b:s13+s4], $0x18700, s5, s4, $0x38;
	[tilespmem:$0x1E780] =	vst v63  }
0x1ad: {  	_ =	swait.ge [sflag:s6], $0x18700  }
0x1ae: {  	[sflag:s6] =	ssyncset.done $0x0  }
0x1af: {  	[sflag:s6] =	ssyncadd.s32 $0xFFFE7900  }
0x1b0: {  	_ =	swait.ge [sflag:s9], $0x1000  }
0x1b1: {  	[sflag:s9] =	ssyncset.done $0x0  }
0x1b2: {  	[sflag:s9] =	ssyncadd.s32 $0xFFFFF000  }
0x1b3: {  	v3 =	vld [tilespmem:$0x18700]  }
0x1b4: {  	v9 =	vld [tilespmem:$0x18710]  }
0x1b5: {  	v0 =	vld [tilespmem:$0x18720]  }
0x1b6: {  	v1 =	vld [tilespmem:$0x18730]  }
0x1b7: {  	v2 =	vld [tilespmem:$0x18740]  }
0x1b8: {  	v8 =	vld [tilespmem:$0x18750]  }
0x1b9: {  	v11 =	vld [tilespmem:$0x18760]  }
0x1ba: {  	s12 =	simm.s32 $0x0;
	v12 =	vld [tilespmem:$0x18770]  }
0x1bb: {  	v4 =	vld [tilespmem:s12+$0x187E0]  }
0x1bc: {  	v5 =	vld [tilespmem:s12+$0x187D0]  }
0x1bd: {  	v6 =	vld [tilespmem:s12+$0x187C0]  }
0x1be: {  	v10 =	vld [tilespmem:s12+$0x187B0]  }
0x1bf: {  	v7 =	vld.idx.msk [tilespmem:v1+s1+$0x0], $0xffff  }
0x1c0: {  	v2 =	vld.idx.msk [tilespmem:v2+s1+$0x0], $0xffff  }
0x1c1: {  	v8 =	vld.idx.msk [tilespmem:v8+s1+$0x0], $0xffff  }
0x1c2: {  	v1 =	vld.idx.msk [tilespmem:v11+s1+$0x0], $0xffff  }
0x1c3: {  	v11 =	vld.idx.msk [tilespmem:v9+s1+$0x0], $0xffff  }
0x1c4: {  	v9 =	vld.idx.msk [tilespmem:v3+s1+$0x0], $0xffff  }
0x1c5: {  	s13 =	simm.s32 $0x200;
	v3 =	vld.idx.msk [tilespmem:v12+s1+$0x0], $0xffff  }
.LBB2_18:
0x1c6: {  	p0 =	sne.s32 s13, $0x3E00;
	v12 =	vld.idx.msk [tilespmem:v0+s1+$0x0], $0xffff;
	v13 =	vmovc v4;
	v14 =	vmov v5;
	v15 =	vmov v6;
	v16 =	vmov v10;
	s14 =	smov.u32 s13;
	s13 =	sadd.s32 $0x200, s13  }
0x1c7: {  	v0 =	vld [tilespmem:s12+$0x187A0];
	[tilespmem:s12+$0x1C7B0] =	vst v7  }
0x1c8: {  	v17 =	vld [tilespmem:s12+$0x187F0];
	[tilespmem:s12+$0x1C7D0] =	vst v8  }
0x1c9: {  	v18 =	vld [tilespmem:s12+$0x18780];
	[tilespmem:s12+$0x1C790] =	vst v11  }
0x1ca: {  	s14 =	sshra.s32 s14, $0x2;
	v11 =	vld [tilespmem:s12+$0x18790];
	[tilespmem:s12+$0x1C780] =	vst v9  }
0x1cb: {  	v4 =	vld [tilespmem:s14+$0x187E0];
	[tilespmem:s12+$0x1C7C0] =	vst v2  }
0x1cc: {  	v5 =	vld [tilespmem:s14+$0x187D0];
	[tilespmem:s12+$0x1C7A0] =	vst v12  }
0x1cd: {  	v6 =	vld [tilespmem:s14+$0x187C0];
	[tilespmem:s12+$0x1C7E0] =	vst v1  }
0x1ce: {  	v10 =	vld [tilespmem:s14+$0x187B0];
	[tilespmem:s12+$0x1C7F0] =	vst v3;
	s12 =	smov.u32 s14  }
0x1cf: {  	v7 =	vld.idx.msk [tilespmem:v16+s1+$0x0], $0xffff  }
0x1d0: {  	v2 =	vld.idx.msk [tilespmem:v15+s1+$0x0], $0xffff  }
.Ltmp8:
0x1d1: {  	v8 =	vld.idx.msk [tilespmem:v14+s1+$0x0], $0xffff;
	(pc) =	sbr.rel @p0 .LBB2_18-.Ltmp8, $4  }
0x1d2: {  	v1 =	vld.idx.msk [tilespmem:v13+s1+$0x0], $0xffff  }
0x1d3: {  	v11 =	vld.idx.msk [tilespmem:v11+s1+$0x0], $0xffff  }
0x1d4: {  	v9 =	vld.idx.msk [tilespmem:v18+s1+$0x0], $0xffff  }
0x1d5: {  	v3 =	vld.idx.msk [tilespmem:v17+s1+$0x0], $0xffff  }
0x1d6: {  	_ =	sdelay $0x3  }
0x1d7: {  	v0 =	vld.idx.msk [tilespmem:v0+s1+$0x0], $0xffff;
	[tilespmem:s12+$0x1C7B0] =	vst v7  }
0x1d8: {  	[tilespmem:s12+$0x1C7D0] =	vst v8  }
0x1d9: {  	[tilespmem:s12+$0x1C7C0] =	vst v2  }
0x1da: {  	[tilespmem:s12+$0x1C7E0] =	vst v1  }
0x1db: {  	[tilespmem:s12+$0x1C790] =	vst v11  }
0x1dc: {  	[tilespmem:s12+$0x1C780] =	vst v9  }
0x1dd: {  	[tilespmem:s12+$0x1C7F0] =	vst v3  }
0x1de: {  	s14 =	rddreg [dreg:$0x13];
	[tilespmem:s12+$0x1C7A0] =	vst v0  }
0x1df: {  	[hbm4b:s14+s4] =	stream.strided.scatter [tilespmem:s7], [sflag:$0x2], $0x1000, s5, s4, $0x38;
	[tilespmem:$0x1E780] =	vst v63  }
0x1e0: {  	_ =	swait.ge [sflag:s10], $0x1000  }
0x1e1: {  	[sflag:s10] =	ssyncset.done $0x0  }
0x1e2: {  	[sflag:s10] =	ssyncadd.s32 $0xFFFFF000  }
0x1e3: {  	v3 =	vld [tilespmem:$0x19700]  }
0x1e4: {  	v9 =	vld [tilespmem:$0x19710]  }
0x1e5: {  	v0 =	vld [tilespmem:$0x19720]  }
0x1e6: {  	v1 =	vld [tilespmem:$0x19730]  }
0x1e7: {  	v2 =	vld [tilespmem:$0x19740]  }
0x1e8: {  	v8 =	vld [tilespmem:$0x19750]  }
0x1e9: {  	v11 =	vld [tilespmem:$0x19760]  }
0x1ea: {  	s12 =	simm.s32 $0x0;
	v12 =	vld [tilespmem:$0x19770]  }
0x1eb: {  	v4 =	vld [tilespmem:s12+$0x197E0]  }
0x1ec: {  	v5 =	vld [tilespmem:s12+$0x197D0]  }
0x1ed: {  	v6 =	vld [tilespmem:s12+$0x197C0]  }
0x1ee: {  	v10 =	vld [tilespmem:s12+$0x197B0]  }
0x1ef: {  	v7 =	vld.idx.msk [tilespmem:v1+s1+$0x0], $0xffff  }
0x1f0: {  	v2 =	vld.idx.msk [tilespmem:v2+s1+$0x0], $0xffff  }
0x1f1: {  	v8 =	vld.idx.msk [tilespmem:v8+s1+$0x0], $0xffff  }
0x1f2: {  	v1 =	vld.idx.msk [tilespmem:v11+s1+$0x0], $0xffff  }
0x1f3: {  	v11 =	vld.idx.msk [tilespmem:v9+s1+$0x0], $0xffff  }
0x1f4: {  	v9 =	vld.idx.msk [tilespmem:v3+s1+$0x0], $0xffff  }
0x1f5: {  	s13 =	simm.s32 $0x200;
	v3 =	vld.idx.msk [tilespmem:v12+s1+$0x0], $0xffff  }
.LBB2_20:
0x1f6: {  	p0 =	sne.s32 s13, $0x3E00;
	v12 =	vld.idx.msk [tilespmem:v0+s1+$0x0], $0xffff;
	v13 =	vmovc v4;
	v14 =	vmov v5;
	v15 =	vmov v6;
	v16 =	vmov v10;
	s14 =	smov.u32 s13;
	s13 =	sadd.s32 $0x200, s13  }
0x1f7: {  	v0 =	vld [tilespmem:s12+$0x197A0];
	[tilespmem:s12+$0x1D7B0] =	vst v7  }
0x1f8: {  	v17 =	vld [tilespmem:s12+$0x197F0];
	[tilespmem:s12+$0x1D7D0] =	vst v8  }
0x1f9: {  	v18 =	vld [tilespmem:s12+$0x19780];
	[tilespmem:s12+$0x1D790] =	vst v11  }
0x1fa: {  	s14 =	sshra.s32 s14, $0x2;
	v11 =	vld [tilespmem:s12+$0x19790];
	[tilespmem:s12+$0x1D780] =	vst v9  }
0x1fb: {  	v4 =	vld [tilespmem:s14+$0x197E0];
	[tilespmem:s12+$0x1D7C0] =	vst v2  }
0x1fc: {  	v5 =	vld [tilespmem:s14+$0x197D0];
	[tilespmem:s12+$0x1D7A0] =	vst v12  }
0x1fd: {  	v6 =	vld [tilespmem:s14+$0x197C0];
	[tilespmem:s12+$0x1D7E0] =	vst v1  }
0x1fe: {  	v10 =	vld [tilespmem:s14+$0x197B0];
	[tilespmem:s12+$0x1D7F0] =	vst v3;
	s12 =	smov.u32 s14  }
0x1ff: {  	v7 =	vld.idx.msk [tilespmem:v16+s1+$0x0], $0xffff  }
0x200: {  	v2 =	vld.idx.msk [tilespmem:v15+s1+$0x0], $0xffff  }
.Ltmp9:
0x201: {  	v8 =	vld.idx.msk [tilespmem:v14+s1+$0x0], $0xffff;
	(pc) =	sbr.rel @p0 .LBB2_20-.Ltmp9, $4  }
0x202: {  	v1 =	vld.idx.msk [tilespmem:v13+s1+$0x0], $0xffff  }
0x203: {  	v11 =	vld.idx.msk [tilespmem:v11+s1+$0x0], $0xffff  }
0x204: {  	v9 =	vld.idx.msk [tilespmem:v18+s1+$0x0], $0xffff  }
0x205: {  	v3 =	vld.idx.msk [tilespmem:v17+s1+$0x0], $0xffff  }
0x206: {  	_ =	sdelay $0x3  }
0x207: {  	v0 =	vld.idx.msk [tilespmem:v0+s1+$0x0], $0xffff;
	[tilespmem:s12+$0x1D7B0] =	vst v7  }
0x208: {  	[tilespmem:s12+$0x1D7D0] =	vst v8  }
0x209: {  	[tilespmem:s12+$0x1D7C0] =	vst v2  }
0x20a: {  	[tilespmem:s12+$0x1D7E0] =	vst v1  }
0x20b: {  	[tilespmem:s12+$0x1D790] =	vst v11  }
0x20c: {  	[tilespmem:s12+$0x1D780] =	vst v9  }
0x20d: {  	[tilespmem:s12+$0x1D7F0] =	vst v3  }
0x20e: {  	s14 =	rddreg [dreg:$0x14];
	[tilespmem:s12+$0x1D7A0] =	vst v0  }
0x20f: {  	[hbm4b:s14+s4] =	stream.strided.scatter [tilespmem:s8], [sflag:$0x3], $0x1000, s5, s4, $0x38;
	[tilespmem:$0x1E780] =	vst v63  }
0x210: {  	_ =	swait.ge [sflag:s9], $0x1000  }
0x211: {  	[sflag:s9] =	ssyncset.done $0x0  }
0x212: {  	[sflag:s9] =	ssyncadd.s32 $0xFFFFF000  }
0x213: {  	v3 =	vld [tilespmem:$0x1A700]  }
0x214: {  	v9 =	vld [tilespmem:$0x1A710]  }
0x215: {  	v0 =	vld [tilespmem:$0x1A720]  }
0x216: {  	v1 =	vld [tilespmem:$0x1A730]  }
0x217: {  	v2 =	vld [tilespmem:$0x1A740]  }
0x218: {  	v8 =	vld [tilespmem:$0x1A750]  }
0x219: {  	v11 =	vld [tilespmem:$0x1A760]  }
0x21a: {  	s12 =	simm.s32 $0x0;
	v12 =	vld [tilespmem:$0x1A770]  }
0x21b: {  	v4 =	vld [tilespmem:s12+$0x1A7E0]  }
0x21c: {  	v5 =	vld [tilespmem:s12+$0x1A7D0]  }
0x21d: {  	v6 =	vld [tilespmem:s12+$0x1A7C0]  }
0x21e: {  	v10 =	vld [tilespmem:s12+$0x1A7B0]  }
0x21f: {  	v7 =	vld.idx.msk [tilespmem:v1+s1+$0x0], $0xffff  }
0x220: {  	v2 =	vld.idx.msk [tilespmem:v2+s1+$0x0], $0xffff  }
0x221: {  	v8 =	vld.idx.msk [tilespmem:v8+s1+$0x0], $0xffff  }
0x222: {  	v1 =	vld.idx.msk [tilespmem:v11+s1+$0x0], $0xffff  }
0x223: {  	v11 =	vld.idx.msk [tilespmem:v9+s1+$0x0], $0xffff  }
0x224: {  	v9 =	vld.idx.msk [tilespmem:v3+s1+$0x0], $0xffff  }
0x225: {  	s13 =	simm.s32 $0x200;
	v3 =	vld.idx.msk [tilespmem:v12+s1+$0x0], $0xffff  }
.LBB2_22:
0x226: {  	p0 =	sne.s32 s13, $0x3E00;
	v12 =	vld.idx.msk [tilespmem:v0+s1+$0x0], $0xffff;
	v13 =	vmovc v4;
	v14 =	vmov v5;
	v15 =	vmov v6;
	v16 =	vmov v10;
	s14 =	smov.u32 s13;
	s13 =	sadd.s32 $0x200, s13  }
0x227: {  	v0 =	vld [tilespmem:s12+$0x1A7A0];
	[tilespmem:s12+$0x1C7B0] =	vst v7  }
0x228: {  	v17 =	vld [tilespmem:s12+$0x1A7F0];
	[tilespmem:s12+$0x1C7D0] =	vst v8  }
0x229: {  	v18 =	vld [tilespmem:s12+$0x1A780];
	[tilespmem:s12+$0x1C790] =	vst v11  }
0x22a: {  	s14 =	sshra.s32 s14, $0x2;
	v11 =	vld [tilespmem:s12+$0x1A790];
	[tilespmem:s12+$0x1C780] =	vst v9  }
0x22b: {  	v4 =	vld [tilespmem:s14+$0x1A7E0];
	[tilespmem:s12+$0x1C7C0] =	vst v2  }
0x22c: {  	v5 =	vld [tilespmem:s14+$0x1A7D0];
	[tilespmem:s12+$0x1C7A0] =	vst v12  }
0x22d: {  	v6 =	vld [tilespmem:s14+$0x1A7C0];
	[tilespmem:s12+$0x1C7E0] =	vst v1  }
0x22e: {  	v10 =	vld [tilespmem:s14+$0x1A7B0];
	[tilespmem:s12+$0x1C7F0] =	vst v3;
	s12 =	smov.u32 s14  }
0x22f: {  	v7 =	vld.idx.msk [tilespmem:v16+s1+$0x0], $0xffff  }
0x230: {  	v2 =	vld.idx.msk [tilespmem:v15+s1+$0x0], $0xffff  }
.Ltmp10:
0x231: {  	v8 =	vld.idx.msk [tilespmem:v14+s1+$0x0], $0xffff;
	(pc) =	sbr.rel @p0 .LBB2_22-.Ltmp10, $4  }
0x232: {  	v1 =	vld.idx.msk [tilespmem:v13+s1+$0x0], $0xffff  }
0x233: {  	v11 =	vld.idx.msk [tilespmem:v11+s1+$0x0], $0xffff  }
0x234: {  	v9 =	vld.idx.msk [tilespmem:v18+s1+$0x0], $0xffff  }
0x235: {  	v3 =	vld.idx.msk [tilespmem:v17+s1+$0x0], $0xffff  }
0x236: {  	_ =	sdelay $0x3  }
0x237: {  	v0 =	vld.idx.msk [tilespmem:v0+s1+$0x0], $0xffff;
	[tilespmem:s12+$0x1C7B0] =	vst v7  }
0x238: {  	[tilespmem:s12+$0x1C7D0] =	vst v8  }
0x239: {  	[tilespmem:s12+$0x1C7C0] =	vst v2  }
0x23a: {  	[tilespmem:s12+$0x1C7E0] =	vst v1  }
0x23b: {  	[tilespmem:s12+$0x1C790] =	vst v11  }
0x23c: {  	[tilespmem:s12+$0x1C780] =	vst v9  }
0x23d: {  	[tilespmem:s12+$0x1C7F0] =	vst v3  }
0x23e: {  	[tilespmem:s12+$0x1C7A0] =	vst v0  }
0x23f: {  	[hbm4b:s15+s4] =	stream.strided.scatter [tilespmem:s7], [sflag:$0x2], $0x1000, s5, s4, $0x38;
	[tilespmem:$0x1E780] =	vst v63  }
0x240: {  	_ =	swait.ge [sflag:s10], $0x1000  }
0x241: {  	[sflag:s10] =	ssyncset.done $0x0  }
0x242: {  	[sflag:s10] =	ssyncadd.s32 $0xFFFFF000  }
0x243: {  	v3 =	vld [tilespmem:$0x1B700]  }
0x244: {  	v9 =	vld [tilespmem:$0x1B710]  }
0x245: {  	v0 =	vld [tilespmem:$0x1B720]  }
0x246: {  	v1 =	vld [tilespmem:$0x1B730]  }
0x247: {  	v2 =	vld [tilespmem:$0x1B740]  }
0x248: {  	v8 =	vld [tilespmem:$0x1B750]  }
0x249: {  	v11 =	vld [tilespmem:$0x1B760]  }
0x24a: {  	s12 =	simm.s32 $0x0;
	v12 =	vld [tilespmem:$0x1B770]  }
0x24b: {  	v4 =	vld [tilespmem:s12+$0x1B7E0]  }
0x24c: {  	v5 =	vld [tilespmem:s12+$0x1B7D0]  }
0x24d: {  	v6 =	vld [tilespmem:s12+$0x1B7C0]  }
0x24e: {  	v10 =	vld [tilespmem:s12+$0x1B7B0]  }
0x24f: {  	v7 =	vld.idx.msk [tilespmem:v1+s1+$0x0], $0xffff  }
0x250: {  	v2 =	vld.idx.msk [tilespmem:v2+s1+$0x0], $0xffff  }
0x251: {  	v8 =	vld.idx.msk [tilespmem:v8+s1+$0x0], $0xffff  }
0x252: {  	v1 =	vld.idx.msk [tilespmem:v11+s1+$0x0], $0xffff  }
0x253: {  	v11 =	vld.idx.msk [tilespmem:v9+s1+$0x0], $0xffff  }
0x254: {  	v9 =	vld.idx.msk [tilespmem:v3+s1+$0x0], $0xffff  }
0x255: {  	s13 =	simm.s32 $0x200;
	v3 =	vld.idx.msk [tilespmem:v12+s1+$0x0], $0xffff  }
.LBB2_24:
0x256: {  	p0 =	sne.s32 s13, $0x3E00;
	v12 =	vld.idx.msk [tilespmem:v0+s1+$0x0], $0xffff;
	v13 =	vmovc v4;
	v14 =	vmov v5;
	v15 =	vmov v6;
	v16 =	vmov v10;
	s14 =	smov.u32 s13;
	s13 =	sadd.s32 $0x200, s13  }
0x257: {  	v0 =	vld [tilespmem:s12+$0x1B7A0];
	[tilespmem:s12+$0x1D7B0] =	vst v7  }
0x258: {  	v17 =	vld [tilespmem:s12+$0x1B7F0];
	[tilespmem:s12+$0x1D7D0] =	vst v8  }
0x259: {  	v18 =	vld [tilespmem:s12+$0x1B780];
	[tilespmem:s12+$0x1D790] =	vst v11  }
0x25a: {  	s14 =	sshra.s32 s14, $0x2;
	v11 =	vld [tilespmem:s12+$0x1B790];
	[tilespmem:s12+$0x1D780] =	vst v9  }
0x25b: {  	v4 =	vld [tilespmem:s14+$0x1B7E0];
	[tilespmem:s12+$0x1D7C0] =	vst v2  }
0x25c: {  	v5 =	vld [tilespmem:s14+$0x1B7D0];
	[tilespmem:s12+$0x1D7A0] =	vst v12  }
0x25d: {  	v6 =	vld [tilespmem:s14+$0x1B7C0];
	[tilespmem:s12+$0x1D7E0] =	vst v1  }
0x25e: {  	v10 =	vld [tilespmem:s14+$0x1B7B0];
	[tilespmem:s12+$0x1D7F0] =	vst v3;
	s12 =	smov.u32 s14  }
0x25f: {  	v7 =	vld.idx.msk [tilespmem:v16+s1+$0x0], $0xffff  }
0x260: {  	v2 =	vld.idx.msk [tilespmem:v15+s1+$0x0], $0xffff  }
.Ltmp11:
0x261: {  	v8 =	vld.idx.msk [tilespmem:v14+s1+$0x0], $0xffff;
	(pc) =	sbr.rel @p0 .LBB2_24-.Ltmp11, $4  }
0x262: {  	v1 =	vld.idx.msk [tilespmem:v13+s1+$0x0], $0xffff  }
0x263: {  	v11 =	vld.idx.msk [tilespmem:v11+s1+$0x0], $0xffff  }
0x264: {  	v9 =	vld.idx.msk [tilespmem:v18+s1+$0x0], $0xffff  }
0x265: {  	v3 =	vld.idx.msk [tilespmem:v17+s1+$0x0], $0xffff  }
0x266: {  	_ =	sdelay $0x3  }
0x267: {  	v0 =	vld.idx.msk [tilespmem:v0+s1+$0x0], $0xffff;
	[tilespmem:s12+$0x1D7B0] =	vst v7  }
0x268: {  	[tilespmem:s12+$0x1D7D0] =	vst v8  }
0x269: {  	[tilespmem:s12+$0x1D7C0] =	vst v2  }
0x26a: {  	[tilespmem:s12+$0x1D7E0] =	vst v1  }
0x26b: {  	[tilespmem:s12+$0x1D790] =	vst v11  }
0x26c: {  	[tilespmem:s12+$0x1D780] =	vst v9  }
0x26d: {  	[tilespmem:s12+$0x1D7F0] =	vst v3  }
0x26e: {  	[tilespmem:s12+$0x1D7A0] =	vst v0  }
0x26f: {  	[hbm4b:s16+s4] =	stream.strided.scatter [tilespmem:s8], [sflag:$0x3], $0x1000, s5, s4, $0x38;
	[tilespmem:$0x1E780] =	vst v63  }
0x270: {  	s14 =	simm.s32 $0x0  }
0x271: {  	[tilespmem:s14], [sflag:$0x1] =	stream.strided.gather [hbm4b:s17+s4], $0x18700, s5, s4, $0x38;
	[tilespmem:$0x1E780] =	vst v63  }
0x272: {  	_ =	swait.ge [sflag:s6], $0x18700  }
0x273: {  	[sflag:s6] =	ssyncset.done $0x0  }
0x274: {  	[sflag:s6] =	ssyncadd.s32 $0xFFFE7900  }
0x275: {  	_ =	swait.ge [sflag:s9], $0x1000  }
0x276: {  	[sflag:s9] =	ssyncset.done $0x0  }
0x277: {  	[sflag:s9] =	ssyncadd.s32 $0xFFFFF000  }
0x278: {  	v3 =	vld [tilespmem:$0x18700]  }
0x279: {  	v9 =	vld [tilespmem:$0x18710]  }
0x27a: {  	v0 =	vld [tilespmem:$0x18720]  }
0x27b: {  	v1 =	vld [tilespmem:$0x18730]  }
0x27c: {  	v2 =	vld [tilespmem:$0x18740]  }
0x27d: {  	v8 =	vld [tilespmem:$0x18750]  }
0x27e: {  	v11 =	vld [tilespmem:$0x18760]  }
0x27f: {  	s12 =	simm.s32 $0x0;
	v12 =	vld [tilespmem:$0x18770]  }
0x280: {  	v4 =	vld [tilespmem:s12+$0x187E0]  }
0x281: {  	v5 =	vld [tilespmem:s12+$0x187D0]  }
0x282: {  	v6 =	vld [tilespmem:s12+$0x187C0]  }
0x283: {  	v10 =	vld [tilespmem:s12+$0x187B0]  }
0x284: {  	v7 =	vld.idx.msk [tilespmem:v1+s1+$0x0], $0xffff  }
0x285: {  	v2 =	vld.idx.msk [tilespmem:v2+s1+$0x0], $0xffff  }
0x286: {  	v8 =	vld.idx.msk [tilespmem:v8+s1+$0x0], $0xffff  }
0x287: {  	v1 =	vld.idx.msk [tilespmem:v11+s1+$0x0], $0xffff  }
0x288: {  	v11 =	vld.idx.msk [tilespmem:v9+s1+$0x0], $0xffff  }
0x289: {  	v9 =	vld.idx.msk [tilespmem:v3+s1+$0x0], $0xffff  }
0x28a: {  	s13 =	simm.s32 $0x200;
	v3 =	vld.idx.msk [tilespmem:v12+s1+$0x0], $0xffff  }
.LBB2_26:
0x28b: {  	p0 =	sne.s32 s13, $0x3E00;
	v12 =	vld.idx.msk [tilespmem:v0+s1+$0x0], $0xffff;
	v13 =	vmovc v4;
	v14 =	vmov v5;
	v15 =	vmov v6;
	v16 =	vmov v10;
	s14 =	smov.u32 s13;
	s13 =	sadd.s32 $0x200, s13  }
0x28c: {  	v0 =	vld [tilespmem:s12+$0x187A0];
	[tilespmem:s12+$0x1C7B0] =	vst v7  }
0x28d: {  	v17 =	vld [tilespmem:s12+$0x187F0];
	[tilespmem:s12+$0x1C7D0] =	vst v8  }
0x28e: {  	v18 =	vld [tilespmem:s12+$0x18780];
	[tilespmem:s12+$0x1C790] =	vst v11  }
0x28f: {  	s14 =	sshra.s32 s14, $0x2;
	v11 =	vld [tilespmem:s12+$0x18790];
	[tilespmem:s12+$0x1C780] =	vst v9  }
0x290: {  	v4 =	vld [tilespmem:s14+$0x187E0];
	[tilespmem:s12+$0x1C7C0] =	vst v2  }
0x291: {  	v5 =	vld [tilespmem:s14+$0x187D0];
	[tilespmem:s12+$0x1C7A0] =	vst v12  }
0x292: {  	v6 =	vld [tilespmem:s14+$0x187C0];
	[tilespmem:s12+$0x1C7E0] =	vst v1  }
0x293: {  	v10 =	vld [tilespmem:s14+$0x187B0];
	[tilespmem:s12+$0x1C7F0] =	vst v3;
	s12 =	smov.u32 s14  }
0x294: {  	v7 =	vld.idx.msk [tilespmem:v16+s1+$0x0], $0xffff  }
0x295: {  	v2 =	vld.idx.msk [tilespmem:v15+s1+$0x0], $0xffff  }
.Ltmp12:
0x296: {  	v8 =	vld.idx.msk [tilespmem:v14+s1+$0x0], $0xffff;
	(pc) =	sbr.rel @p0 .LBB2_26-.Ltmp12, $4  }
0x297: {  	v1 =	vld.idx.msk [tilespmem:v13+s1+$0x0], $0xffff  }
0x298: {  	v11 =	vld.idx.msk [tilespmem:v11+s1+$0x0], $0xffff  }
0x299: {  	v9 =	vld.idx.msk [tilespmem:v18+s1+$0x0], $0xffff  }
0x29a: {  	v3 =	vld.idx.msk [tilespmem:v17+s1+$0x0], $0xffff  }
0x29b: {  	_ =	sdelay $0x3  }
0x29c: {  	v0 =	vld.idx.msk [tilespmem:v0+s1+$0x0], $0xffff;
	[tilespmem:s12+$0x1C7B0] =	vst v7  }
0x29d: {  	[tilespmem:s12+$0x1C7D0] =	vst v8  }
0x29e: {  	[tilespmem:s12+$0x1C7C0] =	vst v2  }
0x29f: {  	[tilespmem:s12+$0x1C7E0] =	vst v1  }
0x2a0: {  	[tilespmem:s12+$0x1C790] =	vst v11  }
0x2a1: {  	[tilespmem:s12+$0x1C780] =	vst v9  }
0x2a2: {  	[tilespmem:s12+$0x1C7F0] =	vst v3  }
0x2a3: {  	[tilespmem:s12+$0x1C7A0] =	vst v0  }
0x2a4: {  	[hbm4b:s20+s4] =	stream.strided.scatter [tilespmem:s7], [sflag:$0x2], $0x1000, s5, s4, $0x38;
	[tilespmem:$0x1E780] =	vst v63  }
0x2a5: {  	_ =	swait.ge [sflag:s10], $0x1000  }
0x2a6: {  	[sflag:s10] =	ssyncset.done $0x0  }
0x2a7: {  	[sflag:s10] =	ssyncadd.s32 $0xFFFFF000  }
0x2a8: {  	v3 =	vld [tilespmem:$0x19700]  }
0x2a9: {  	v9 =	vld [tilespmem:$0x19710]  }
0x2aa: {  	v0 =	vld [tilespmem:$0x19720]  }
0x2ab: {  	v1 =	vld [tilespmem:$0x19730]  }
0x2ac: {  	v2 =	vld [tilespmem:$0x19740]  }
0x2ad: {  	v8 =	vld [tilespmem:$0x19750]  }
0x2ae: {  	v11 =	vld [tilespmem:$0x19760]  }
0x2af: {  	s12 =	simm.s32 $0x0;
	v12 =	vld [tilespmem:$0x19770]  }
0x2b0: {  	v4 =	vld [tilespmem:s12+$0x197E0]  }
0x2b1: {  	v5 =	vld [tilespmem:s12+$0x197D0]  }
0x2b2: {  	v6 =	vld [tilespmem:s12+$0x197C0]  }
0x2b3: {  	v10 =	vld [tilespmem:s12+$0x197B0]  }
0x2b4: {  	v7 =	vld.idx.msk [tilespmem:v1+s1+$0x0], $0xffff  }
0x2b5: {  	v2 =	vld.idx.msk [tilespmem:v2+s1+$0x0], $0xffff  }
0x2b6: {  	v8 =	vld.idx.msk [tilespmem:v8+s1+$0x0], $0xffff  }
0x2b7: {  	v1 =	vld.idx.msk [tilespmem:v11+s1+$0x0], $0xffff  }
0x2b8: {  	v11 =	vld.idx.msk [tilespmem:v9+s1+$0x0], $0xffff  }
0x2b9: {  	v9 =	vld.idx.msk [tilespmem:v3+s1+$0x0], $0xffff  }
0x2ba: {  	s13 =	simm.s32 $0x200;
	v3 =	vld.idx.msk [tilespmem:v12+s1+$0x0], $0xffff  }
.LBB2_28:
0x2bb: {  	p0 =	sne.s32 s13, $0x3E00;
	v12 =	vld.idx.msk [tilespmem:v0+s1+$0x0], $0xffff;
	v13 =	vmovc v4;
	v14 =	vmov v5;
	v15 =	vmov v6;
	v16 =	vmov v10;
	s14 =	smov.u32 s13;
	s13 =	sadd.s32 $0x200, s13  }
0x2bc: {  	v0 =	vld [tilespmem:s12+$0x197A0];
	[tilespmem:s12+$0x1D7B0] =	vst v7  }
0x2bd: {  	v17 =	vld [tilespmem:s12+$0x197F0];
	[tilespmem:s12+$0x1D7D0] =	vst v8  }
0x2be: {  	v18 =	vld [tilespmem:s12+$0x19780];
	[tilespmem:s12+$0x1D790] =	vst v11  }
0x2bf: {  	s14 =	sshra.s32 s14, $0x2;
	v11 =	vld [tilespmem:s12+$0x19790];
	[tilespmem:s12+$0x1D780] =	vst v9  }
0x2c0: {  	v4 =	vld [tilespmem:s14+$0x197E0];
	[tilespmem:s12+$0x1D7C0] =	vst v2  }
0x2c1: {  	v5 =	vld [tilespmem:s14+$0x197D0];
	[tilespmem:s12+$0x1D7A0] =	vst v12  }
0x2c2: {  	v6 =	vld [tilespmem:s14+$0x197C0];
	[tilespmem:s12+$0x1D7E0] =	vst v1  }
0x2c3: {  	v10 =	vld [tilespmem:s14+$0x197B0];
	[tilespmem:s12+$0x1D7F0] =	vst v3;
	s12 =	smov.u32 s14  }
0x2c4: {  	v7 =	vld.idx.msk [tilespmem:v16+s1+$0x0], $0xffff  }
0x2c5: {  	v2 =	vld.idx.msk [tilespmem:v15+s1+$0x0], $0xffff  }
.Ltmp13:
0x2c6: {  	v8 =	vld.idx.msk [tilespmem:v14+s1+$0x0], $0xffff;
	(pc) =	sbr.rel @p0 .LBB2_28-.Ltmp13, $4  }
0x2c7: {  	v1 =	vld.idx.msk [tilespmem:v13+s1+$0x0], $0xffff  }
0x2c8: {  	v11 =	vld.idx.msk [tilespmem:v11+s1+$0x0], $0xffff  }
0x2c9: {  	v9 =	vld.idx.msk [tilespmem:v18+s1+$0x0], $0xffff  }
0x2ca: {  	v3 =	vld.idx.msk [tilespmem:v17+s1+$0x0], $0xffff  }
0x2cb: {  	_ =	sdelay $0x3  }
0x2cc: {  	v0 =	vld.idx.msk [tilespmem:v0+s1+$0x0], $0xffff;
	[tilespmem:s12+$0x1D7B0] =	vst v7  }
0x2cd: {  	[tilespmem:s12+$0x1D7D0] =	vst v8  }
0x2ce: {  	[tilespmem:s12+$0x1D7C0] =	vst v2  }
0x2cf: {  	[tilespmem:s12+$0x1D7E0] =	vst v1  }
0x2d0: {  	[tilespmem:s12+$0x1D790] =	vst v11  }
0x2d1: {  	[tilespmem:s12+$0x1D780] =	vst v9  }
0x2d2: {  	[tilespmem:s12+$0x1D7F0] =	vst v3  }
0x2d3: {  	[tilespmem:s12+$0x1D7A0] =	vst v0  }
0x2d4: {  	[hbm4b:s21+s4] =	stream.strided.scatter [tilespmem:s8], [sflag:$0x3], $0x1000, s5, s4, $0x38;
	[tilespmem:$0x1E780] =	vst v63  }
0x2d5: {  	_ =	swait.ge [sflag:s9], $0x1000  }
0x2d6: {  	[sflag:s9] =	ssyncset.done $0x0  }
0x2d7: {  	[sflag:s9] =	ssyncadd.s32 $0xFFFFF000  }
0x2d8: {  	v3 =	vld [tilespmem:$0x1A700]  }
0x2d9: {  	v9 =	vld [tilespmem:$0x1A710]  }
0x2da: {  	v0 =	vld [tilespmem:$0x1A720]  }
0x2db: {  	v1 =	vld [tilespmem:$0x1A730]  }
0x2dc: {  	v2 =	vld [tilespmem:$0x1A740]  }
0x2dd: {  	v8 =	vld [tilespmem:$0x1A750]  }
0x2de: {  	v11 =	vld [tilespmem:$0x1A760]  }
0x2df: {  	s12 =	simm.s32 $0x0;
	v12 =	vld [tilespmem:$0x1A770]  }
0x2e0: {  	v4 =	vld [tilespmem:s12+$0x1A7E0]  }
0x2e1: {  	v5 =	vld [tilespmem:s12+$0x1A7D0]  }
0x2e2: {  	v6 =	vld [tilespmem:s12+$0x1A7C0]  }
0x2e3: {  	v10 =	vld [tilespmem:s12+$0x1A7B0]  }
0x2e4: {  	v7 =	vld.idx.msk [tilespmem:v1+s1+$0x0], $0xffff  }
0x2e5: {  	v2 =	vld.idx.msk [tilespmem:v2+s1+$0x0], $0xffff  }
0x2e6: {  	v8 =	vld.idx.msk [tilespmem:v8+s1+$0x0], $0xffff  }
0x2e7: {  	v1 =	vld.idx.msk [tilespmem:v11+s1+$0x0], $0xffff  }
0x2e8: {  	v11 =	vld.idx.msk [tilespmem:v9+s1+$0x0], $0xffff  }
0x2e9: {  	v9 =	vld.idx.msk [tilespmem:v3+s1+$0x0], $0xffff  }
0x2ea: {  	s13 =	simm.s32 $0x200;
	v3 =	vld.idx.msk [tilespmem:v12+s1+$0x0], $0xffff  }
.LBB2_30:
0x2eb: {  	p0 =	sne.s32 s13, $0x3E00;
	v12 =	vld.idx.msk [tilespmem:v0+s1+$0x0], $0xffff;
	v13 =	vmovc v4;
	v14 =	vmov v5;
	v15 =	vmov v6;
	v16 =	vmov v10;
	s14 =	smov.u32 s13;
	s13 =	sadd.s32 $0x200, s13  }
0x2ec: {  	v0 =	vld [tilespmem:s12+$0x1A7A0];
	[tilespmem:s12+$0x1C7B0] =	vst v7  }
0x2ed: {  	v17 =	vld [tilespmem:s12+$0x1A7F0];
	[tilespmem:s12+$0x1C7D0] =	vst v8  }
0x2ee: {  	v18 =	vld [tilespmem:s12+$0x1A780];
	[tilespmem:s12+$0x1C790] =	vst v11  }
0x2ef: {  	s14 =	sshra.s32 s14, $0x2;
	v11 =	vld [tilespmem:s12+$0x1A790];
	[tilespmem:s12+$0x1C780] =	vst v9  }
0x2f0: {  	v4 =	vld [tilespmem:s14+$0x1A7E0];
	[tilespmem:s12+$0x1C7C0] =	vst v2  }
0x2f1: {  	v5 =	vld [tilespmem:s14+$0x1A7D0];
	[tilespmem:s12+$0x1C7A0] =	vst v12  }
0x2f2: {  	v6 =	vld [tilespmem:s14+$0x1A7C0];
	[tilespmem:s12+$0x1C7E0] =	vst v1  }
0x2f3: {  	v10 =	vld [tilespmem:s14+$0x1A7B0];
	[tilespmem:s12+$0x1C7F0] =	vst v3;
	s12 =	smov.u32 s14  }
0x2f4: {  	v7 =	vld.idx.msk [tilespmem:v16+s1+$0x0], $0xffff  }
0x2f5: {  	v2 =	vld.idx.msk [tilespmem:v15+s1+$0x0], $0xffff  }
.Ltmp14:
0x2f6: {  	v8 =	vld.idx.msk [tilespmem:v14+s1+$0x0], $0xffff;
	(pc) =	sbr.rel @p0 .LBB2_30-.Ltmp14, $4  }
0x2f7: {  	v1 =	vld.idx.msk [tilespmem:v13+s1+$0x0], $0xffff  }
0x2f8: {  	v11 =	vld.idx.msk [tilespmem:v11+s1+$0x0], $0xffff  }
0x2f9: {  	v9 =	vld.idx.msk [tilespmem:v18+s1+$0x0], $0xffff  }
0x2fa: {  	v3 =	vld.idx.msk [tilespmem:v17+s1+$0x0], $0xffff  }
0x2fb: {  	_ =	sdelay $0x3  }
0x2fc: {  	v0 =	vld.idx.msk [tilespmem:v0+s1+$0x0], $0xffff;
	[tilespmem:s12+$0x1C7B0] =	vst v7  }
0x2fd: {  	[tilespmem:s12+$0x1C7D0] =	vst v8  }
0x2fe: {  	[tilespmem:s12+$0x1C7C0] =	vst v2  }
0x2ff: {  	[tilespmem:s12+$0x1C7E0] =	vst v1  }
0x300: {  	[tilespmem:s12+$0x1C790] =	vst v11  }
0x301: {  	[tilespmem:s12+$0x1C780] =	vst v9  }
0x302: {  	[tilespmem:s12+$0x1C7F0] =	vst v3  }
0x303: {  	[tilespmem:s12+$0x1C7A0] =	vst v0  }
0x304: {  	[hbm4b:s22+s4] =	stream.strided.scatter [tilespmem:s7], [sflag:$0x2], $0x1000, s5, s4, $0x38;
	[tilespmem:$0x1E780] =	vst v63  }
0x305: {  	_ =	swait.ge [sflag:s10], $0x1000  }
0x306: {  	[sflag:s10] =	ssyncset.done $0x0  }
0x307: {  	[sflag:s10] =	ssyncadd.s32 $0xFFFFF000  }
0x308: {  	v3 =	vld [tilespmem:$0x1B700]  }
0x309: {  	v9 =	vld [tilespmem:$0x1B710]  }
0x30a: {  	v0 =	vld [tilespmem:$0x1B720]  }
0x30b: {  	v1 =	vld [tilespmem:$0x1B730]  }
0x30c: {  	v2 =	vld [tilespmem:$0x1B740]  }
0x30d: {  	v8 =	vld [tilespmem:$0x1B750]  }
0x30e: {  	v11 =	vld [tilespmem:$0x1B760]  }
0x30f: {  	s12 =	simm.s32 $0x0;
	v12 =	vld [tilespmem:$0x1B770]  }
0x310: {  	v4 =	vld [tilespmem:s12+$0x1B7E0]  }
0x311: {  	v5 =	vld [tilespmem:s12+$0x1B7D0]  }
0x312: {  	v6 =	vld [tilespmem:s12+$0x1B7C0]  }
0x313: {  	v10 =	vld [tilespmem:s12+$0x1B7B0]  }
0x314: {  	v7 =	vld.idx.msk [tilespmem:v1+s1+$0x0], $0xffff  }
0x315: {  	v2 =	vld.idx.msk [tilespmem:v2+s1+$0x0], $0xffff  }
0x316: {  	v8 =	vld.idx.msk [tilespmem:v8+s1+$0x0], $0xffff  }
0x317: {  	v1 =	vld.idx.msk [tilespmem:v11+s1+$0x0], $0xffff  }
0x318: {  	v11 =	vld.idx.msk [tilespmem:v9+s1+$0x0], $0xffff  }
0x319: {  	v9 =	vld.idx.msk [tilespmem:v3+s1+$0x0], $0xffff  }
0x31a: {  	s13 =	simm.s32 $0x200;
	v3 =	vld.idx.msk [tilespmem:v12+s1+$0x0], $0xffff  }
.LBB2_32:
0x31b: {  	p0 =	sne.s32 s13, $0x3E00;
	v12 =	vld.idx.msk [tilespmem:v0+s1+$0x0], $0xffff;
	v13 =	vmovc v4;
	v14 =	vmov v5;
	v15 =	vmov v6;
	v16 =	vmov v10;
	s14 =	smov.u32 s13;
	s13 =	sadd.s32 $0x200, s13  }
0x31c: {  	v0 =	vld [tilespmem:s12+$0x1B7A0];
	[tilespmem:s12+$0x1D7B0] =	vst v7  }
0x31d: {  	v17 =	vld [tilespmem:s12+$0x1B7F0];
	[tilespmem:s12+$0x1D7D0] =	vst v8  }
0x31e: {  	v18 =	vld [tilespmem:s12+$0x1B780];
	[tilespmem:s12+$0x1D790] =	vst v11  }
0x31f: {  	s14 =	sshra.s32 s14, $0x2;
	v11 =	vld [tilespmem:s12+$0x1B790];
	[tilespmem:s12+$0x1D780] =	vst v9  }
0x320: {  	v4 =	vld [tilespmem:s14+$0x1B7E0];
	[tilespmem:s12+$0x1D7C0] =	vst v2  }
0x321: {  	v5 =	vld [tilespmem:s14+$0x1B7D0];
	[tilespmem:s12+$0x1D7A0] =	vst v12  }
0x322: {  	v6 =	vld [tilespmem:s14+$0x1B7C0];
	[tilespmem:s12+$0x1D7E0] =	vst v1  }
0x323: {  	v10 =	vld [tilespmem:s14+$0x1B7B0];
	[tilespmem:s12+$0x1D7F0] =	vst v3;
	s12 =	smov.u32 s14  }
0x324: {  	v7 =	vld.idx.msk [tilespmem:v16+s1+$0x0], $0xffff  }
0x325: {  	v2 =	vld.idx.msk [tilespmem:v15+s1+$0x0], $0xffff  }
.Ltmp15:
0x326: {  	v8 =	vld.idx.msk [tilespmem:v14+s1+$0x0], $0xffff;
	(pc) =	sbr.rel @p0 .LBB2_32-.Ltmp15, $4  }
0x327: {  	v1 =	vld.idx.msk [tilespmem:v13+s1+$0x0], $0xffff  }
0x328: {  	v11 =	vld.idx.msk [tilespmem:v11+s1+$0x0], $0xffff  }
0x329: {  	v9 =	vld.idx.msk [tilespmem:v18+s1+$0x0], $0xffff  }
0x32a: {  	v3 =	vld.idx.msk [tilespmem:v17+s1+$0x0], $0xffff  }
0x32b: {  	_ =	sdelay $0x3  }
0x32c: {  	v0 =	vld.idx.msk [tilespmem:v0+s1+$0x0], $0xffff;
	[tilespmem:s12+$0x1D7B0] =	vst v7  }
0x32d: {  	[tilespmem:s12+$0x1D7D0] =	vst v8  }
0x32e: {  	[tilespmem:s12+$0x1D7C0] =	vst v2  }
0x32f: {  	[tilespmem:s12+$0x1D7E0] =	vst v1  }
0x330: {  	[tilespmem:s12+$0x1D790] =	vst v11  }
0x331: {  	[tilespmem:s12+$0x1D780] =	vst v9  }
0x332: {  	[tilespmem:s12+$0x1D7F0] =	vst v3  }
0x333: {  	[tilespmem:s12+$0x1D7A0] =	vst v0  }
0x334: {  	[hbm4b:s23+s4] =	stream.strided.scatter [tilespmem:s8], [sflag:$0x3], $0x1000, s5, s4, $0x38;
	[tilespmem:$0x1E780] =	vst v63  }
0x335: {  	s14 =	simm.s32 $0x0  }
0x336: {  	[tilespmem:s14], [sflag:$0x1] =	stream.strided.gather [hbm4b:s18+s4], $0x18700, s5, s4, $0x38;
	[tilespmem:$0x1E780] =	vst v63  }
0x337: {  	_ =	swait.ge [sflag:s6], $0x18700  }
0x338: {  	[sflag:s6] =	ssyncset.done $0x0  }
0x339: {  	[sflag:s6] =	ssyncadd.s32 $0xFFFE7900  }
0x33a: {  	_ =	swait.ge [sflag:s9], $0x1000  }
0x33b: {  	[sflag:s9] =	ssyncset.done $0x0  }
0x33c: {  	[sflag:s9] =	ssyncadd.s32 $0xFFFFF000  }
0x33d: {  	v3 =	vld [tilespmem:$0x18700]  }
0x33e: {  	v9 =	vld [tilespmem:$0x18710]  }
0x33f: {  	v0 =	vld [tilespmem:$0x18720]  }
0x340: {  	v1 =	vld [tilespmem:$0x18730]  }
0x341: {  	v2 =	vld [tilespmem:$0x18740]  }
0x342: {  	v8 =	vld [tilespmem:$0x18750]  }
0x343: {  	v11 =	vld [tilespmem:$0x18760]  }
0x344: {  	s12 =	simm.s32 $0x0;
	v12 =	vld [tilespmem:$0x18770]  }
0x345: {  	v4 =	vld [tilespmem:s12+$0x187E0]  }
0x346: {  	v5 =	vld [tilespmem:s12+$0x187D0]  }
0x347: {  	v6 =	vld [tilespmem:s12+$0x187C0]  }
0x348: {  	v10 =	vld [tilespmem:s12+$0x187B0]  }
0x349: {  	v7 =	vld.idx.msk [tilespmem:v1+s1+$0x0], $0xffff  }
0x34a: {  	v2 =	vld.idx.msk [tilespmem:v2+s1+$0x0], $0xffff  }
0x34b: {  	v8 =	vld.idx.msk [tilespmem:v8+s1+$0x0], $0xffff  }
0x34c: {  	v1 =	vld.idx.msk [tilespmem:v11+s1+$0x0], $0xffff  }
0x34d: {  	v11 =	vld.idx.msk [tilespmem:v9+s1+$0x0], $0xffff  }
0x34e: {  	v9 =	vld.idx.msk [tilespmem:v3+s1+$0x0], $0xffff  }
0x34f: {  	s13 =	simm.s32 $0x200;
	v3 =	vld.idx.msk [tilespmem:v12+s1+$0x0], $0xffff  }
.LBB2_34:
0x350: {  	p0 =	sne.s32 s13, $0x3E00;
	v12 =	vld.idx.msk [tilespmem:v0+s1+$0x0], $0xffff;
	v13 =	vmovc v4;
	v14 =	vmov v5;
	v15 =	vmov v6;
	v16 =	vmov v10;
	s14 =	smov.u32 s13;
	s13 =	sadd.s32 $0x200, s13  }
0x351: {  	v0 =	vld [tilespmem:s12+$0x187A0];
	[tilespmem:s12+$0x1C7B0] =	vst v7  }
0x352: {  	v17 =	vld [tilespmem:s12+$0x187F0];
	[tilespmem:s12+$0x1C7D0] =	vst v8  }
0x353: {  	v18 =	vld [tilespmem:s12+$0x18780];
	[tilespmem:s12+$0x1C790] =	vst v11  }
0x354: {  	s14 =	sshra.s32 s14, $0x2;
	v11 =	vld [tilespmem:s12+$0x18790];
	[tilespmem:s12+$0x1C780] =	vst v9  }
0x355: {  	v4 =	vld [tilespmem:s14+$0x187E0];
	[tilespmem:s12+$0x1C7C0] =	vst v2  }
0x356: {  	v5 =	vld [tilespmem:s14+$0x187D0];
	[tilespmem:s12+$0x1C7A0] =	vst v12  }
0x357: {  	v6 =	vld [tilespmem:s14+$0x187C0];
	[tilespmem:s12+$0x1C7E0] =	vst v1  }
0x358: {  	v10 =	vld [tilespmem:s14+$0x187B0];
	[tilespmem:s12+$0x1C7F0] =	vst v3;
	s12 =	smov.u32 s14  }
0x359: {  	v7 =	vld.idx.msk [tilespmem:v16+s1+$0x0], $0xffff  }
0x35a: {  	v2 =	vld.idx.msk [tilespmem:v15+s1+$0x0], $0xffff  }
.Ltmp16:
0x35b: {  	v8 =	vld.idx.msk [tilespmem:v14+s1+$0x0], $0xffff;
	(pc) =	sbr.rel @p0 .LBB2_34-.Ltmp16, $4  }
0x35c: {  	v1 =	vld.idx.msk [tilespmem:v13+s1+$0x0], $0xffff  }
0x35d: {  	v11 =	vld.idx.msk [tilespmem:v11+s1+$0x0], $0xffff  }
0x35e: {  	v9 =	vld.idx.msk [tilespmem:v18+s1+$0x0], $0xffff  }
0x35f: {  	v3 =	vld.idx.msk [tilespmem:v17+s1+$0x0], $0xffff  }
0x360: {  	_ =	sdelay $0x3  }
0x361: {  	v0 =	vld.idx.msk [tilespmem:v0+s1+$0x0], $0xffff;
	[tilespmem:s12+$0x1C7B0] =	vst v7  }
0x362: {  	[tilespmem:s12+$0x1C7D0] =	vst v8  }
0x363: {  	[tilespmem:s12+$0x1C7C0] =	vst v2  }
0x364: {  	[tilespmem:s12+$0x1C7E0] =	vst v1  }
0x365: {  	[tilespmem:s12+$0x1C790] =	vst v11  }
0x366: {  	[tilespmem:s12+$0x1C780] =	vst v9  }
0x367: {  	[tilespmem:s12+$0x1C7F0] =	vst v3  }
0x368: {  	[tilespmem:s12+$0x1C7A0] =	vst v0  }
0x369: {  	[hbm4b:s24+s4] =	stream.strided.scatter [tilespmem:s7], [sflag:$0x2], $0x1000, s5, s4, $0x38;
	[tilespmem:$0x1E780] =	vst v63  }
0x36a: {  	_ =	swait.ge [sflag:s10], $0x1000  }
0x36b: {  	[sflag:s10] =	ssyncset.done $0x0  }
0x36c: {  	[sflag:s10] =	ssyncadd.s32 $0xFFFFF000  }
0x36d: {  	v3 =	vld [tilespmem:$0x19700]  }
0x36e: {  	v9 =	vld [tilespmem:$0x19710]  }
0x36f: {  	v0 =	vld [tilespmem:$0x19720]  }
0x370: {  	v1 =	vld [tilespmem:$0x19730]  }
0x371: {  	v2 =	vld [tilespmem:$0x19740]  }
0x372: {  	v8 =	vld [tilespmem:$0x19750]  }
0x373: {  	v11 =	vld [tilespmem:$0x19760]  }
0x374: {  	s12 =	simm.s32 $0x0;
	v12 =	vld [tilespmem:$0x19770]  }
0x375: {  	v4 =	vld [tilespmem:s12+$0x197E0]  }
0x376: {  	v5 =	vld [tilespmem:s12+$0x197D0]  }
0x377: {  	v6 =	vld [tilespmem:s12+$0x197C0]  }
0x378: {  	v10 =	vld [tilespmem:s12+$0x197B0]  }
0x379: {  	v7 =	vld.idx.msk [tilespmem:v1+s1+$0x0], $0xffff  }
0x37a: {  	v2 =	vld.idx.msk [tilespmem:v2+s1+$0x0], $0xffff  }
0x37b: {  	v8 =	vld.idx.msk [tilespmem:v8+s1+$0x0], $0xffff  }
0x37c: {  	v1 =	vld.idx.msk [tilespmem:v11+s1+$0x0], $0xffff  }
0x37d: {  	v11 =	vld.idx.msk [tilespmem:v9+s1+$0x0], $0xffff  }
0x37e: {  	v9 =	vld.idx.msk [tilespmem:v3+s1+$0x0], $0xffff  }
0x37f: {  	s13 =	simm.s32 $0x200;
	v3 =	vld.idx.msk [tilespmem:v12+s1+$0x0], $0xffff  }
.LBB2_36:
0x380: {  	p0 =	sne.s32 s13, $0x3E00;
	v12 =	vld.idx.msk [tilespmem:v0+s1+$0x0], $0xffff;
	v13 =	vmovc v4;
	v14 =	vmov v5;
	v15 =	vmov v6;
	v16 =	vmov v10;
	s14 =	smov.u32 s13;
	s13 =	sadd.s32 $0x200, s13  }
0x381: {  	v0 =	vld [tilespmem:s12+$0x197A0];
	[tilespmem:s12+$0x1D7B0] =	vst v7  }
0x382: {  	v17 =	vld [tilespmem:s12+$0x197F0];
	[tilespmem:s12+$0x1D7D0] =	vst v8  }
0x383: {  	v18 =	vld [tilespmem:s12+$0x19780];
	[tilespmem:s12+$0x1D790] =	vst v11  }
0x384: {  	s14 =	sshra.s32 s14, $0x2;
	v11 =	vld [tilespmem:s12+$0x19790];
	[tilespmem:s12+$0x1D780] =	vst v9  }
0x385: {  	v4 =	vld [tilespmem:s14+$0x197E0];
	[tilespmem:s12+$0x1D7C0] =	vst v2  }
0x386: {  	v5 =	vld [tilespmem:s14+$0x197D0];
	[tilespmem:s12+$0x1D7A0] =	vst v12  }
0x387: {  	v6 =	vld [tilespmem:s14+$0x197C0];
	[tilespmem:s12+$0x1D7E0] =	vst v1  }
0x388: {  	v10 =	vld [tilespmem:s14+$0x197B0];
	[tilespmem:s12+$0x1D7F0] =	vst v3;
	s12 =	smov.u32 s14  }
0x389: {  	v7 =	vld.idx.msk [tilespmem:v16+s1+$0x0], $0xffff  }
0x38a: {  	v2 =	vld.idx.msk [tilespmem:v15+s1+$0x0], $0xffff  }
.Ltmp17:
0x38b: {  	v8 =	vld.idx.msk [tilespmem:v14+s1+$0x0], $0xffff;
	(pc) =	sbr.rel @p0 .LBB2_36-.Ltmp17, $4  }
0x38c: {  	v1 =	vld.idx.msk [tilespmem:v13+s1+$0x0], $0xffff  }
0x38d: {  	v11 =	vld.idx.msk [tilespmem:v11+s1+$0x0], $0xffff  }
0x38e: {  	v9 =	vld.idx.msk [tilespmem:v18+s1+$0x0], $0xffff  }
0x38f: {  	v3 =	vld.idx.msk [tilespmem:v17+s1+$0x0], $0xffff  }
0x390: {  	_ =	sdelay $0x3  }
0x391: {  	v0 =	vld.idx.msk [tilespmem:v0+s1+$0x0], $0xffff;
	[tilespmem:s12+$0x1D7B0] =	vst v7  }
0x392: {  	[tilespmem:s12+$0x1D7D0] =	vst v8  }
0x393: {  	[tilespmem:s12+$0x1D7C0] =	vst v2  }
0x394: {  	[tilespmem:s12+$0x1D7E0] =	vst v1  }
0x395: {  	[tilespmem:s12+$0x1D790] =	vst v11  }
0x396: {  	[tilespmem:s12+$0x1D780] =	vst v9  }
0x397: {  	[tilespmem:s12+$0x1D7F0] =	vst v3  }
0x398: {  	[tilespmem:s12+$0x1D7A0] =	vst v0  }
0x399: {  	[hbm4b:s25+s4] =	stream.strided.scatter [tilespmem:s8], [sflag:$0x3], $0x1000, s5, s4, $0x38;
	[tilespmem:$0x1E780] =	vst v63  }
0x39a: {  	_ =	swait.ge [sflag:s9], $0x1000  }
0x39b: {  	[sflag:s9] =	ssyncset.done $0x0  }
0x39c: {  	[sflag:s9] =	ssyncadd.s32 $0xFFFFF000  }
0x39d: {  	v3 =	vld [tilespmem:$0x1A700]  }
0x39e: {  	v9 =	vld [tilespmem:$0x1A710]  }
0x39f: {  	v0 =	vld [tilespmem:$0x1A720]  }
0x3a0: {  	v1 =	vld [tilespmem:$0x1A730]  }
0x3a1: {  	v2 =	vld [tilespmem:$0x1A740]  }
0x3a2: {  	v8 =	vld [tilespmem:$0x1A750]  }
0x3a3: {  	v11 =	vld [tilespmem:$0x1A760]  }
0x3a4: {  	s12 =	simm.s32 $0x0;
	v12 =	vld [tilespmem:$0x1A770]  }
0x3a5: {  	v4 =	vld [tilespmem:s12+$0x1A7E0]  }
0x3a6: {  	v5 =	vld [tilespmem:s12+$0x1A7D0]  }
0x3a7: {  	v6 =	vld [tilespmem:s12+$0x1A7C0]  }
0x3a8: {  	v10 =	vld [tilespmem:s12+$0x1A7B0]  }
0x3a9: {  	v7 =	vld.idx.msk [tilespmem:v1+s1+$0x0], $0xffff  }
0x3aa: {  	v2 =	vld.idx.msk [tilespmem:v2+s1+$0x0], $0xffff  }
0x3ab: {  	v8 =	vld.idx.msk [tilespmem:v8+s1+$0x0], $0xffff  }
0x3ac: {  	v1 =	vld.idx.msk [tilespmem:v11+s1+$0x0], $0xffff  }
0x3ad: {  	v11 =	vld.idx.msk [tilespmem:v9+s1+$0x0], $0xffff  }
0x3ae: {  	v9 =	vld.idx.msk [tilespmem:v3+s1+$0x0], $0xffff  }
0x3af: {  	s13 =	simm.s32 $0x200;
	v3 =	vld.idx.msk [tilespmem:v12+s1+$0x0], $0xffff  }
.LBB2_38:
0x3b0: {  	p0 =	sne.s32 s13, $0x3E00;
	v12 =	vld.idx.msk [tilespmem:v0+s1+$0x0], $0xffff;
	v13 =	vmovc v4;
	v14 =	vmov v5;
	v15 =	vmov v6;
	v16 =	vmov v10;
	s14 =	smov.u32 s13;
	s13 =	sadd.s32 $0x200, s13  }
0x3b1: {  	v0 =	vld [tilespmem:s12+$0x1A7A0];
	[tilespmem:s12+$0x1C7B0] =	vst v7  }
0x3b2: {  	v17 =	vld [tilespmem:s12+$0x1A7F0];
	[tilespmem:s12+$0x1C7D0] =	vst v8  }
0x3b3: {  	v18 =	vld [tilespmem:s12+$0x1A780];
	[tilespmem:s12+$0x1C790] =	vst v11  }
0x3b4: {  	s14 =	sshra.s32 s14, $0x2;
	v11 =	vld [tilespmem:s12+$0x1A790];
	[tilespmem:s12+$0x1C780] =	vst v9  }
0x3b5: {  	v4 =	vld [tilespmem:s14+$0x1A7E0];
	[tilespmem:s12+$0x1C7C0] =	vst v2  }
0x3b6: {  	v5 =	vld [tilespmem:s14+$0x1A7D0];
	[tilespmem:s12+$0x1C7A0] =	vst v12  }
0x3b7: {  	v6 =	vld [tilespmem:s14+$0x1A7C0];
	[tilespmem:s12+$0x1C7E0] =	vst v1  }
0x3b8: {  	v10 =	vld [tilespmem:s14+$0x1A7B0];
	[tilespmem:s12+$0x1C7F0] =	vst v3;
	s12 =	smov.u32 s14  }
0x3b9: {  	v7 =	vld.idx.msk [tilespmem:v16+s1+$0x0], $0xffff  }
0x3ba: {  	v2 =	vld.idx.msk [tilespmem:v15+s1+$0x0], $0xffff  }
.Ltmp18:
0x3bb: {  	v8 =	vld.idx.msk [tilespmem:v14+s1+$0x0], $0xffff;
	(pc) =	sbr.rel @p0 .LBB2_38-.Ltmp18, $4  }
0x3bc: {  	v1 =	vld.idx.msk [tilespmem:v13+s1+$0x0], $0xffff  }
0x3bd: {  	v11 =	vld.idx.msk [tilespmem:v11+s1+$0x0], $0xffff  }
0x3be: {  	v9 =	vld.idx.msk [tilespmem:v18+s1+$0x0], $0xffff  }
0x3bf: {  	v3 =	vld.idx.msk [tilespmem:v17+s1+$0x0], $0xffff  }
0x3c0: {  	_ =	sdelay $0x3  }
0x3c1: {  	v0 =	vld.idx.msk [tilespmem:v0+s1+$0x0], $0xffff;
	[tilespmem:s12+$0x1C7B0] =	vst v7  }
0x3c2: {  	[tilespmem:s12+$0x1C7D0] =	vst v8  }
0x3c3: {  	[tilespmem:s12+$0x1C7C0] =	vst v2  }
0x3c4: {  	[tilespmem:s12+$0x1C7E0] =	vst v1  }
0x3c5: {  	[tilespmem:s12+$0x1C790] =	vst v11  }
0x3c6: {  	[tilespmem:s12+$0x1C780] =	vst v9  }
0x3c7: {  	[tilespmem:s12+$0x1C7F0] =	vst v3  }
0x3c8: {  	[tilespmem:s12+$0x1C7A0] =	vst v0  }
0x3c9: {  	[hbm4b:s26+s4] =	stream.strided.scatter [tilespmem:s7], [sflag:$0x2], $0x1000, s5, s4, $0x38;
	[tilespmem:$0x1E780] =	vst v63  }
0x3ca: {  	_ =	swait.ge [sflag:s10], $0x1000  }
0x3cb: {  	[sflag:s10] =	ssyncset.done $0x0  }
0x3cc: {  	[sflag:s10] =	ssyncadd.s32 $0xFFFFF000  }
0x3cd: {  	v3 =	vld [tilespmem:$0x1B700]  }
0x3ce: {  	v9 =	vld [tilespmem:$0x1B710]  }
0x3cf: {  	v0 =	vld [tilespmem:$0x1B720]  }
0x3d0: {  	v1 =	vld [tilespmem:$0x1B730]  }
0x3d1: {  	v2 =	vld [tilespmem:$0x1B740]  }
0x3d2: {  	v8 =	vld [tilespmem:$0x1B750]  }
0x3d3: {  	v11 =	vld [tilespmem:$0x1B760]  }
0x3d4: {  	s12 =	simm.s32 $0x0;
	v12 =	vld [tilespmem:$0x1B770]  }
0x3d5: {  	v4 =	vld [tilespmem:s12+$0x1B7E0]  }
0x3d6: {  	v5 =	vld [tilespmem:s12+$0x1B7D0]  }
0x3d7: {  	v6 =	vld [tilespmem:s12+$0x1B7C0]  }
0x3d8: {  	v10 =	vld [tilespmem:s12+$0x1B7B0]  }
0x3d9: {  	v7 =	vld.idx.msk [tilespmem:v1+s1+$0x0], $0xffff  }
0x3da: {  	v2 =	vld.idx.msk [tilespmem:v2+s1+$0x0], $0xffff  }
0x3db: {  	v8 =	vld.idx.msk [tilespmem:v8+s1+$0x0], $0xffff  }
0x3dc: {  	v1 =	vld.idx.msk [tilespmem:v11+s1+$0x0], $0xffff  }
0x3dd: {  	v11 =	vld.idx.msk [tilespmem:v9+s1+$0x0], $0xffff  }
0x3de: {  	v9 =	vld.idx.msk [tilespmem:v3+s1+$0x0], $0xffff  }
0x3df: {  	s13 =	simm.s32 $0x200;
	v3 =	vld.idx.msk [tilespmem:v12+s1+$0x0], $0xffff  }
.LBB2_40:
0x3e0: {  	p0 =	sne.s32 s13, $0x3E00;
	v12 =	vld.idx.msk [tilespmem:v0+s1+$0x0], $0xffff;
	v13 =	vmovc v4;
	v14 =	vmov v5;
	v15 =	vmov v6;
	v16 =	vmov v10;
	s14 =	smov.u32 s13;
	s13 =	sadd.s32 $0x200, s13  }
0x3e1: {  	v0 =	vld [tilespmem:s12+$0x1B7A0];
	[tilespmem:s12+$0x1D7B0] =	vst v7  }
0x3e2: {  	v17 =	vld [tilespmem:s12+$0x1B7F0];
	[tilespmem:s12+$0x1D7D0] =	vst v8  }
0x3e3: {  	v18 =	vld [tilespmem:s12+$0x1B780];
	[tilespmem:s12+$0x1D790] =	vst v11  }
0x3e4: {  	s14 =	sshra.s32 s14, $0x2;
	v11 =	vld [tilespmem:s12+$0x1B790];
	[tilespmem:s12+$0x1D780] =	vst v9  }
0x3e5: {  	v4 =	vld [tilespmem:s14+$0x1B7E0];
	[tilespmem:s12+$0x1D7C0] =	vst v2  }
0x3e6: {  	v5 =	vld [tilespmem:s14+$0x1B7D0];
	[tilespmem:s12+$0x1D7A0] =	vst v12  }
0x3e7: {  	v6 =	vld [tilespmem:s14+$0x1B7C0];
	[tilespmem:s12+$0x1D7E0] =	vst v1  }
0x3e8: {  	v10 =	vld [tilespmem:s14+$0x1B7B0];
	[tilespmem:s12+$0x1D7F0] =	vst v3;
	s12 =	smov.u32 s14  }
0x3e9: {  	v7 =	vld.idx.msk [tilespmem:v16+s1+$0x0], $0xffff  }
0x3ea: {  	v2 =	vld.idx.msk [tilespmem:v15+s1+$0x0], $0xffff  }
.Ltmp19:
0x3eb: {  	v8 =	vld.idx.msk [tilespmem:v14+s1+$0x0], $0xffff;
	(pc) =	sbr.rel @p0 .LBB2_40-.Ltmp19, $4  }
0x3ec: {  	v1 =	vld.idx.msk [tilespmem:v13+s1+$0x0], $0xffff  }
0x3ed: {  	v11 =	vld.idx.msk [tilespmem:v11+s1+$0x0], $0xffff  }
0x3ee: {  	v9 =	vld.idx.msk [tilespmem:v18+s1+$0x0], $0xffff  }
0x3ef: {  	v3 =	vld.idx.msk [tilespmem:v17+s1+$0x0], $0xffff  }
0x3f0: {  	_ =	sdelay $0x3  }
0x3f1: {  	v0 =	vld.idx.msk [tilespmem:v0+s1+$0x0], $0xffff;
	[tilespmem:s12+$0x1D7B0] =	vst v7  }
0x3f2: {  	[tilespmem:s12+$0x1D7D0] =	vst v8  }
0x3f3: {  	[tilespmem:s12+$0x1D7C0] =	vst v2  }
0x3f4: {  	[tilespmem:s12+$0x1D7E0] =	vst v1  }
0x3f5: {  	[tilespmem:s12+$0x1D790] =	vst v11  }
0x3f6: {  	[tilespmem:s12+$0x1D780] =	vst v9  }
0x3f7: {  	[tilespmem:s12+$0x1D7F0] =	vst v3  }
0x3f8: {  	[tilespmem:s12+$0x1D7A0] =	vst v0  }
0x3f9: {  	[hbm4b:s29+s4] =	stream.strided.scatter [tilespmem:s8], [sflag:$0x3], $0x1000, s5, s4, $0x38;
	[tilespmem:$0x1E780] =	vst v63  }
0x3fa: {  	s14 =	simm.s32 $0x0  }
0x3fb: {  	[tilespmem:s14], [sflag:$0x1] =	stream.strided.gather [hbm4b:s19+s4], $0x18700, s5, s4, $0x38;
	[tilespmem:$0x1E780] =	vst v63  }
0x3fc: {  	_ =	swait.ge [sflag:s6], $0x18700  }
0x3fd: {  	[sflag:s6] =	ssyncset.done $0x0  }
0x3fe: {  	[sflag:s6] =	ssyncadd.s32 $0xFFFE7900  }
0x3ff: {  	_ =	swait.ge [sflag:s9], $0x1000  }
0x400: {  	[sflag:s9] =	ssyncset.done $0x0  }
0x401: {  	[sflag:s9] =	ssyncadd.s32 $0xFFFFF000  }
0x402: {  	v3 =	vld [tilespmem:$0x18700]  }
0x403: {  	v9 =	vld [tilespmem:$0x18710]  }
0x404: {  	v0 =	vld [tilespmem:$0x18720]  }
0x405: {  	v1 =	vld [tilespmem:$0x18730]  }
0x406: {  	v2 =	vld [tilespmem:$0x18740]  }
0x407: {  	v8 =	vld [tilespmem:$0x18750]  }
0x408: {  	v11 =	vld [tilespmem:$0x18760]  }
0x409: {  	s12 =	simm.s32 $0x0;
	v12 =	vld [tilespmem:$0x18770]  }
0x40a: {  	v4 =	vld [tilespmem:s12+$0x187E0]  }
0x40b: {  	v5 =	vld [tilespmem:s12+$0x187D0]  }
0x40c: {  	v6 =	vld [tilespmem:s12+$0x187C0]  }
0x40d: {  	v10 =	vld [tilespmem:s12+$0x187B0]  }
0x40e: {  	v7 =	vld.idx.msk [tilespmem:v1+s1+$0x0], $0xffff  }
0x40f: {  	v2 =	vld.idx.msk [tilespmem:v2+s1+$0x0], $0xffff  }
0x410: {  	v8 =	vld.idx.msk [tilespmem:v8+s1+$0x0], $0xffff  }
0x411: {  	v1 =	vld.idx.msk [tilespmem:v11+s1+$0x0], $0xffff  }
0x412: {  	v11 =	vld.idx.msk [tilespmem:v9+s1+$0x0], $0xffff  }
0x413: {  	v9 =	vld.idx.msk [tilespmem:v3+s1+$0x0], $0xffff  }
0x414: {  	s13 =	simm.s32 $0x200;
	v3 =	vld.idx.msk [tilespmem:v12+s1+$0x0], $0xffff  }
.LBB2_42:
0x415: {  	p0 =	sne.s32 s13, $0x3E00;
	v12 =	vld.idx.msk [tilespmem:v0+s1+$0x0], $0xffff;
	v13 =	vmovc v4;
	v14 =	vmov v5;
	v15 =	vmov v6;
	v16 =	vmov v10;
	s14 =	smov.u32 s13;
	s13 =	sadd.s32 $0x200, s13  }
0x416: {  	v0 =	vld [tilespmem:s12+$0x187A0];
	[tilespmem:s12+$0x1C7B0] =	vst v7  }
0x417: {  	v17 =	vld [tilespmem:s12+$0x187F0];
	[tilespmem:s12+$0x1C7D0] =	vst v8  }
0x418: {  	v18 =	vld [tilespmem:s12+$0x18780];
	[tilespmem:s12+$0x1C790] =	vst v11  }
0x419: {  	s14 =	sshra.s32 s14, $0x2;
	v11 =	vld [tilespmem:s12+$0x18790];
	[tilespmem:s12+$0x1C780] =	vst v9  }
0x41a: {  	v4 =	vld [tilespmem:s14+$0x187E0];
	[tilespmem:s12+$0x1C7C0] =	vst v2  }
0x41b: {  	v5 =	vld [tilespmem:s14+$0x187D0];
	[tilespmem:s12+$0x1C7A0] =	vst v12  }
0x41c: {  	v6 =	vld [tilespmem:s14+$0x187C0];
	[tilespmem:s12+$0x1C7E0] =	vst v1  }
0x41d: {  	v10 =	vld [tilespmem:s14+$0x187B0];
	[tilespmem:s12+$0x1C7F0] =	vst v3;
	s12 =	smov.u32 s14  }
0x41e: {  	v7 =	vld.idx.msk [tilespmem:v16+s1+$0x0], $0xffff  }
0x41f: {  	v2 =	vld.idx.msk [tilespmem:v15+s1+$0x0], $0xffff  }
.Ltmp20:
0x420: {  	v8 =	vld.idx.msk [tilespmem:v14+s1+$0x0], $0xffff;
	(pc) =	sbr.rel @p0 .LBB2_42-.Ltmp20, $4  }
0x421: {  	v1 =	vld.idx.msk [tilespmem:v13+s1+$0x0], $0xffff  }
0x422: {  	v11 =	vld.idx.msk [tilespmem:v11+s1+$0x0], $0xffff  }
0x423: {  	v9 =	vld.idx.msk [tilespmem:v18+s1+$0x0], $0xffff  }
0x424: {  	v3 =	vld.idx.msk [tilespmem:v17+s1+$0x0], $0xffff  }
0x425: {  	_ =	sdelay $0x3  }
0x426: {  	v0 =	vld.idx.msk [tilespmem:v0+s1+$0x0], $0xffff;
	[tilespmem:s12+$0x1C7B0] =	vst v7  }
0x427: {  	[tilespmem:s12+$0x1C7D0] =	vst v8  }
0x428: {  	[tilespmem:s12+$0x1C7C0] =	vst v2  }
0x429: {  	[tilespmem:s12+$0x1C7E0] =	vst v1  }
0x42a: {  	[tilespmem:s12+$0x1C790] =	vst v11  }
0x42b: {  	[tilespmem:s12+$0x1C780] =	vst v9  }
0x42c: {  	[tilespmem:s12+$0x1C7F0] =	vst v3  }
0x42d: {  	[tilespmem:s12+$0x1C7A0] =	vst v0  }
0x42e: {  	[hbm4b:s30+s4] =	stream.strided.scatter [tilespmem:s7], [sflag:$0x2], $0x1000, s5, s4, $0x38;
	[tilespmem:$0x1E780] =	vst v63  }
0x42f: {  	_ =	swait.ge [sflag:s10], $0x1000  }
0x430: {  	[sflag:s10] =	ssyncset.done $0x0  }
0x431: {  	[sflag:s10] =	ssyncadd.s32 $0xFFFFF000  }
0x432: {  	v3 =	vld [tilespmem:$0x19700]  }
0x433: {  	v9 =	vld [tilespmem:$0x19710]  }
0x434: {  	v0 =	vld [tilespmem:$0x19720]  }
0x435: {  	v1 =	vld [tilespmem:$0x19730]  }
0x436: {  	v2 =	vld [tilespmem:$0x19740]  }
0x437: {  	v8 =	vld [tilespmem:$0x19750]  }
0x438: {  	v11 =	vld [tilespmem:$0x19760]  }
0x439: {  	s12 =	simm.s32 $0x0;
	v12 =	vld [tilespmem:$0x19770]  }
0x43a: {  	v4 =	vld [tilespmem:s12+$0x197E0]  }
0x43b: {  	v5 =	vld [tilespmem:s12+$0x197D0]  }
0x43c: {  	v6 =	vld [tilespmem:s12+$0x197C0]  }
0x43d: {  	v10 =	vld [tilespmem:s12+$0x197B0]  }
0x43e: {  	v7 =	vld.idx.msk [tilespmem:v1+s1+$0x0], $0xffff  }
0x43f: {  	v2 =	vld.idx.msk [tilespmem:v2+s1+$0x0], $0xffff  }
0x440: {  	v8 =	vld.idx.msk [tilespmem:v8+s1+$0x0], $0xffff  }
0x441: {  	v1 =	vld.idx.msk [tilespmem:v11+s1+$0x0], $0xffff  }
0x442: {  	v11 =	vld.idx.msk [tilespmem:v9+s1+$0x0], $0xffff  }
0x443: {  	v9 =	vld.idx.msk [tilespmem:v3+s1+$0x0], $0xffff  }
0x444: {  	s13 =	simm.s32 $0x200;
	v3 =	vld.idx.msk [tilespmem:v12+s1+$0x0], $0xffff  }
.LBB2_44:
0x445: {  	p0 =	sne.s32 s13, $0x3E00;
	v12 =	vld.idx.msk [tilespmem:v0+s1+$0x0], $0xffff;
	v13 =	vmovc v4;
	v14 =	vmov v5;
	v15 =	vmov v6;
	v16 =	vmov v10;
	s14 =	smov.u32 s13;
	s13 =	sadd.s32 $0x200, s13  }
0x446: {  	v0 =	vld [tilespmem:s12+$0x197A0];
	[tilespmem:s12+$0x1D7B0] =	vst v7  }
0x447: {  	v17 =	vld [tilespmem:s12+$0x197F0];
	[tilespmem:s12+$0x1D7D0] =	vst v8  }
0x448: {  	v18 =	vld [tilespmem:s12+$0x19780];
	[tilespmem:s12+$0x1D790] =	vst v11  }
0x449: {  	s14 =	sshra.s32 s14, $0x2;
	v11 =	vld [tilespmem:s12+$0x19790];
	[tilespmem:s12+$0x1D780] =	vst v9  }
0x44a: {  	v4 =	vld [tilespmem:s14+$0x197E0];
	[tilespmem:s12+$0x1D7C0] =	vst v2  }
0x44b: {  	v5 =	vld [tilespmem:s14+$0x197D0];
	[tilespmem:s12+$0x1D7A0] =	vst v12  }
0x44c: {  	v6 =	vld [tilespmem:s14+$0x197C0];
	[tilespmem:s12+$0x1D7E0] =	vst v1  }
0x44d: {  	v10 =	vld [tilespmem:s14+$0x197B0];
	[tilespmem:s12+$0x1D7F0] =	vst v3;
	s12 =	smov.u32 s14  }
0x44e: {  	v7 =	vld.idx.msk [tilespmem:v16+s1+$0x0], $0xffff  }
0x44f: {  	v2 =	vld.idx.msk [tilespmem:v15+s1+$0x0], $0xffff  }
.Ltmp21:
0x450: {  	v8 =	vld.idx.msk [tilespmem:v14+s1+$0x0], $0xffff;
	(pc) =	sbr.rel @p0 .LBB2_44-.Ltmp21, $4  }
0x451: {  	v1 =	vld.idx.msk [tilespmem:v13+s1+$0x0], $0xffff  }
0x452: {  	v11 =	vld.idx.msk [tilespmem:v11+s1+$0x0], $0xffff  }
0x453: {  	v9 =	vld.idx.msk [tilespmem:v18+s1+$0x0], $0xffff  }
0x454: {  	v3 =	vld.idx.msk [tilespmem:v17+s1+$0x0], $0xffff  }
0x455: {  	_ =	sdelay $0x3  }
0x456: {  	v0 =	vld.idx.msk [tilespmem:v0+s1+$0x0], $0xffff;
	[tilespmem:s12+$0x1D7B0] =	vst v7  }
0x457: {  	[tilespmem:s12+$0x1D7D0] =	vst v8  }
0x458: {  	[tilespmem:s12+$0x1D7C0] =	vst v2  }
0x459: {  	[tilespmem:s12+$0x1D7E0] =	vst v1  }
0x45a: {  	[tilespmem:s12+$0x1D790] =	vst v11  }
0x45b: {  	[tilespmem:s12+$0x1D780] =	vst v9  }
0x45c: {  	[tilespmem:s12+$0x1D7F0] =	vst v3  }
0x45d: {  	[tilespmem:s12+$0x1D7A0] =	vst v0  }
0x45e: {  	[hbm4b:s31+s4] =	stream.strided.scatter [tilespmem:s8], [sflag:$0x3], $0x1000, s5, s4, $0x38;
	[tilespmem:$0x1E780] =	vst v63  }
0x45f: {  	_ =	swait.ge [sflag:s9], $0x1000  }
0x460: {  	[sflag:s9] =	ssyncset.done $0x0  }
0x461: {  	[sflag:s9] =	ssyncadd.s32 $0xFFFFF000  }
0x462: {  	v3 =	vld [tilespmem:$0x1A700]  }
0x463: {  	v9 =	vld [tilespmem:$0x1A710]  }
0x464: {  	v0 =	vld [tilespmem:$0x1A720]  }
0x465: {  	v1 =	vld [tilespmem:$0x1A730]  }
0x466: {  	v2 =	vld [tilespmem:$0x1A740]  }
0x467: {  	v8 =	vld [tilespmem:$0x1A750]  }
0x468: {  	v11 =	vld [tilespmem:$0x1A760]  }
0x469: {  	s12 =	simm.s32 $0x0;
	v12 =	vld [tilespmem:$0x1A770]  }
0x46a: {  	v4 =	vld [tilespmem:s12+$0x1A7E0]  }
0x46b: {  	v5 =	vld [tilespmem:s12+$0x1A7D0]  }
0x46c: {  	v6 =	vld [tilespmem:s12+$0x1A7C0]  }
0x46d: {  	v10 =	vld [tilespmem:s12+$0x1A7B0]  }
0x46e: {  	v7 =	vld.idx.msk [tilespmem:v1+s1+$0x0], $0xffff  }
0x46f: {  	v2 =	vld.idx.msk [tilespmem:v2+s1+$0x0], $0xffff  }
0x470: {  	v8 =	vld.idx.msk [tilespmem:v8+s1+$0x0], $0xffff  }
0x471: {  	v1 =	vld.idx.msk [tilespmem:v11+s1+$0x0], $0xffff  }
0x472: {  	v11 =	vld.idx.msk [tilespmem:v9+s1+$0x0], $0xffff  }
0x473: {  	v9 =	vld.idx.msk [tilespmem:v3+s1+$0x0], $0xffff  }
0x474: {  	s13 =	simm.s32 $0x200;
	v3 =	vld.idx.msk [tilespmem:v12+s1+$0x0], $0xffff  }
.LBB2_46:
0x475: {  	p0 =	sne.s32 s13, $0x3E00;
	v12 =	vld.idx.msk [tilespmem:v0+s1+$0x0], $0xffff;
	v13 =	vmovc v4;
	v14 =	vmov v5;
	v15 =	vmov v6;
	v16 =	vmov v10;
	s14 =	smov.u32 s13;
	s13 =	sadd.s32 $0x200, s13  }
0x476: {  	v0 =	vld [tilespmem:s12+$0x1A7A0];
	[tilespmem:s12+$0x1C7B0] =	vst v7  }
0x477: {  	v17 =	vld [tilespmem:s12+$0x1A7F0];
	[tilespmem:s12+$0x1C7D0] =	vst v8  }
0x478: {  	v18 =	vld [tilespmem:s12+$0x1A780];
	[tilespmem:s12+$0x1C790] =	vst v11  }
0x479: {  	s14 =	sshra.s32 s14, $0x2;
	v11 =	vld [tilespmem:s12+$0x1A790];
	[tilespmem:s12+$0x1C780] =	vst v9  }
0x47a: {  	v4 =	vld [tilespmem:s14+$0x1A7E0];
	[tilespmem:s12+$0x1C7C0] =	vst v2  }
0x47b: {  	v5 =	vld [tilespmem:s14+$0x1A7D0];
	[tilespmem:s12+$0x1C7A0] =	vst v12  }
0x47c: {  	v6 =	vld [tilespmem:s14+$0x1A7C0];
	[tilespmem:s12+$0x1C7E0] =	vst v1  }
0x47d: {  	v10 =	vld [tilespmem:s14+$0x1A7B0];
	[tilespmem:s12+$0x1C7F0] =	vst v3;
	s12 =	smov.u32 s14  }
0x47e: {  	v7 =	vld.idx.msk [tilespmem:v16+s1+$0x0], $0xffff  }
0x47f: {  	v2 =	vld.idx.msk [tilespmem:v15+s1+$0x0], $0xffff  }
.Ltmp22:
0x480: {  	v8 =	vld.idx.msk [tilespmem:v14+s1+$0x0], $0xffff;
	(pc) =	sbr.rel @p0 .LBB2_46-.Ltmp22, $4  }
0x481: {  	v1 =	vld.idx.msk [tilespmem:v13+s1+$0x0], $0xffff  }
0x482: {  	v11 =	vld.idx.msk [tilespmem:v11+s1+$0x0], $0xffff  }
0x483: {  	v9 =	vld.idx.msk [tilespmem:v18+s1+$0x0], $0xffff  }
0x484: {  	v3 =	vld.idx.msk [tilespmem:v17+s1+$0x0], $0xffff  }
0x485: {  	_ =	sdelay $0x3  }
0x486: {  	v0 =	vld.idx.msk [tilespmem:v0+s1+$0x0], $0xffff;
	[tilespmem:s12+$0x1C7B0] =	vst v7  }
0x487: {  	[tilespmem:s12+$0x1C7D0] =	vst v8  }
0x488: {  	[tilespmem:s12+$0x1C7C0] =	vst v2  }
0x489: {  	[tilespmem:s12+$0x1C7E0] =	vst v1  }
0x48a: {  	[tilespmem:s12+$0x1C790] =	vst v11  }
0x48b: {  	[tilespmem:s12+$0x1C780] =	vst v9  }
0x48c: {  	[tilespmem:s12+$0x1C7F0] =	vst v3  }
0x48d: {  	[tilespmem:s12+$0x1C7A0] =	vst v0  }
0x48e: {  	[hbm4b:s0+s4] =	stream.strided.scatter [tilespmem:s7], [sflag:$0x2], $0x1000, s5, s4, $0x38;
	[tilespmem:$0x1E780] =	vst v63  }
0x48f: {  	_ =	swait.ge [sflag:s10], $0x1000  }
0x490: {  	[sflag:s10] =	ssyncset.done $0x0  }
0x491: {  	[sflag:s10] =	ssyncadd.s32 $0xFFFFF000  }
0x492: {  	v3 =	vld [tilespmem:$0x1B700]  }
0x493: {  	v9 =	vld [tilespmem:$0x1B710]  }
0x494: {  	v0 =	vld [tilespmem:$0x1B720]  }
0x495: {  	v1 =	vld [tilespmem:$0x1B730]  }
0x496: {  	v2 =	vld [tilespmem:$0x1B740]  }
0x497: {  	v8 =	vld [tilespmem:$0x1B750]  }
0x498: {  	v11 =	vld [tilespmem:$0x1B760]  }
0x499: {  	s12 =	simm.s32 $0x0;
	v12 =	vld [tilespmem:$0x1B770]  }
0x49a: {  	v4 =	vld [tilespmem:s12+$0x1B7E0]  }
0x49b: {  	v5 =	vld [tilespmem:s12+$0x1B7D0]  }
0x49c: {  	v6 =	vld [tilespmem:s12+$0x1B7C0]  }
0x49d: {  	v10 =	vld [tilespmem:s12+$0x1B7B0]  }
0x49e: {  	v7 =	vld.idx.msk [tilespmem:v1+s1+$0x0], $0xffff  }
0x49f: {  	v2 =	vld.idx.msk [tilespmem:v2+s1+$0x0], $0xffff  }
0x4a0: {  	v8 =	vld.idx.msk [tilespmem:v8+s1+$0x0], $0xffff  }
0x4a1: {  	v1 =	vld.idx.msk [tilespmem:v11+s1+$0x0], $0xffff  }
0x4a2: {  	v11 =	vld.idx.msk [tilespmem:v9+s1+$0x0], $0xffff  }
0x4a3: {  	v9 =	vld.idx.msk [tilespmem:v3+s1+$0x0], $0xffff  }
0x4a4: {  	s13 =	simm.s32 $0x200;
	v3 =	vld.idx.msk [tilespmem:v12+s1+$0x0], $0xffff  }
.LBB2_48:
0x4a5: {  	p0 =	sne.s32 s13, $0x3E00;
	v12 =	vld.idx.msk [tilespmem:v0+s1+$0x0], $0xffff;
	v13 =	vmovc v4;
	v14 =	vmov v5;
	v15 =	vmov v6;
	v16 =	vmov v10;
	s14 =	smov.u32 s13;
	s13 =	sadd.s32 $0x200, s13  }
0x4a6: {  	v0 =	vld [tilespmem:s12+$0x1B7A0];
	[tilespmem:s12+$0x1D7B0] =	vst v7  }
0x4a7: {  	v17 =	vld [tilespmem:s12+$0x1B7F0];
	[tilespmem:s12+$0x1D7D0] =	vst v8  }
0x4a8: {  	v18 =	vld [tilespmem:s12+$0x1B780];
	[tilespmem:s12+$0x1D790] =	vst v11  }
0x4a9: {  	s14 =	sshra.s32 s14, $0x2;
	v11 =	vld [tilespmem:s12+$0x1B790];
	[tilespmem:s12+$0x1D780] =	vst v9  }
0x4aa: {  	v4 =	vld [tilespmem:s14+$0x1B7E0];
	[tilespmem:s12+$0x1D7C0] =	vst v2  }
0x4ab: {  	v5 =	vld [tilespmem:s14+$0x1B7D0];
	[tilespmem:s12+$0x1D7A0] =	vst v12  }
0x4ac: {  	v6 =	vld [tilespmem:s14+$0x1B7C0];
	[tilespmem:s12+$0x1D7E0] =	vst v1  }
0x4ad: {  	v10 =	vld [tilespmem:s14+$0x1B7B0];
	[tilespmem:s12+$0x1D7F0] =	vst v3;
	s12 =	smov.u32 s14  }
0x4ae: {  	v7 =	vld.idx.msk [tilespmem:v16+s1+$0x0], $0xffff  }
0x4af: {  	v2 =	vld.idx.msk [tilespmem:v15+s1+$0x0], $0xffff  }
.Ltmp23:
0x4b0: {  	v8 =	vld.idx.msk [tilespmem:v14+s1+$0x0], $0xffff;
	(pc) =	sbr.rel @p0 .LBB2_48-.Ltmp23, $4  }
0x4b1: {  	v1 =	vld.idx.msk [tilespmem:v13+s1+$0x0], $0xffff  }
0x4b2: {  	v11 =	vld.idx.msk [tilespmem:v11+s1+$0x0], $0xffff  }
0x4b3: {  	v9 =	vld.idx.msk [tilespmem:v18+s1+$0x0], $0xffff  }
0x4b4: {  	v3 =	vld.idx.msk [tilespmem:v17+s1+$0x0], $0xffff  }
0x4b5: {  	_ =	sdelay $0x3  }
0x4b6: {  	v0 =	vld.idx.msk [tilespmem:v0+s1+$0x0], $0xffff;
	[tilespmem:s12+$0x1D7B0] =	vst v7  }
0x4b7: {  	[tilespmem:s12+$0x1D7D0] =	vst v8  }
0x4b8: {  	[tilespmem:s12+$0x1D7C0] =	vst v2  }
0x4b9: {  	[tilespmem:s12+$0x1D7E0] =	vst v1  }
0x4ba: {  	[tilespmem:s12+$0x1D790] =	vst v11  }
0x4bb: {  	[tilespmem:s12+$0x1D780] =	vst v9  }
0x4bc: {  	[tilespmem:s12+$0x1D7F0] =	vst v3  }
0x4bd: {  	s11 =	sadd.s32 $0x1, s11;
	[tilespmem:s12+$0x1D7A0] =	vst v0  }
0x4be: {  	[hbm4b:s28+s4] =	stream.strided.scatter [tilespmem:s8], [sflag:$0x3], $0x1000, s5, s4, $0x38;
	[tilespmem:$0x1E780] =	vst v63  }
0x4bf: {  	p0 =	sne.s32 s11, s2;
	_ =	swait.ge [sflag:s9], $0x1000  }
.Ltmp24:
0x4c0: {  	[sflag:s9] =	ssyncset.done $0x0;
	(pc) =	sbr.rel @p0 .LBB2_1-.Ltmp24, $4  }
0x4c1: {  	[sflag:s9] =	ssyncadd.s32 $0xFFFFF000  }
0x4c2: {  	_ =	swait.ge [sflag:s10], $0x1000  }
0x4c3: {  	[sflag:s10] =	ssyncset.done $0x0  }
0x4c4: {  	[sflag:s10] =	ssyncadd.s32 $0xFFFFF000  }
0x4c5: {  	_ =	sfence.sel $0x180000  }
0x4c6: {  	[bflag:$0x0] =	sbarrier.arrive $0xFFFF  }
0x4c7: {  	_ =	strace $0x90000047  }
0x4c8: {  	s0 =	stileid.u32;
	[bflag:$0x2] =	sbarrier.arrive $0xFFFF  }
0x4c9: {  	p0 =	sne.s32 s0, $0x0;
	s0 =	rddreg [dreg:$0x7]  }
0x4ca: {  	s0 =	sadd.s32 @!p0 $0x100000, s0  }
0x4cb: {  	[sflag:s0] =	ssyncadd.tile.s32 @!p0 $0x1;
	_ =	shalt  }
.Lfunc_end2:
_tile_overlayer_lowered:
.L_overlay_start_2:
0x4cc: {  	(tag) =	ssettag $0x2  }
0x4cd: {  	s0 =	rddreg [dreg:$0x0];
	s2 =	stileid.u32  }
0x4ce: {  	s1 =	rddreg [dreg:$0x1];
	p0 =	sne.s32 s2, $0x0  }
0x4cf: {  	s3 =	rddreg [dreg:$0x2];
	[bflag:$0x3] =	sbarrier.arrive $0xFFFF;
	s2 =	simm.s32 @!p0 $0x1C04  }
0x4d0: {  	[timem:s3], [sflag:s2] =	dma.local @!p0 [hbm:s0], s1  }
0x4d1: {  	s0 =	simm.s32 @!p0 $0x4  }
0x4d2: {  	_ =	swait.ge @!p0 [sflag:s0], s1  }
0x4d3: {  	s1 =	ssub.s32 @!p0 $0x0, s1;
	[sflag:s0] =	ssyncset.done @!p0 $0x0  }
0x4d4: {  	[sflag:s0] =	ssyncadd.s32 @!p0 s1  }
0x4d5: {  	[bflag:$0x3] =	sbarrier.arrive $0xFFFF  }
0x4d6: {  	_ =	shalt  }

</sc_bundles>
